<compile_context>
chip_gen: v7x
topology: tpu7x:2x2x1
jax: 0.10.2.dev20260603
libtpu: 0.0.44.dev20260713+nightly
codegen_flags: <defaults>
</compile_context>

<pallas_src>
import functools

import jax
import jax.numpy as jnp
from jax import lax
from jax.experimental import pallas as pl
from jax.experimental.pallas import tpu as pltpu
from jax.experimental.pallas import tpu_sc as plsc

_BATCH = 16384
_HIST = 20
_D = 32
_PW = _D // 2
_PACK = 8
_SCR_ROWS = 1000000 // _PACK
_SW = _PACK * _PW
_NBLK = 7813
_CHUNK = 128
_NC = 2
_NS = 16

_CP = pltpu.CompilerParams(use_tc_tiling_on_sc=True, needs_layout_passes=False)
_MESH = dict(core_axis_name="c", subcore_axis_name="s",
             num_cores=_NC, num_subcores=_NS)


@functools.cache
def _build_transpose():
    mesh = plsc.VectorSubcoreMesh(**_MESH)

    @functools.partial(
        pl.kernel,
        out_type=jax.ShapeDtypeStruct((_SCR_ROWS, _SW), jnp.int32),
        mesh=mesh,
        scratch_types=[
            pltpu.VMEM((2, _PW, 128), jnp.int32),
            pltpu.VMEM((_PW, 64), jnp.int32),
            pltpu.VMEM((2, _PW, 128), jnp.int32),
            pltpu.SemaphoreType.DMA,
            pltpu.SemaphoreType.DMA,
            pltpu.SemaphoreType.DMA,
            pltpu.SemaphoreType.DMA,
        ],
        compiler_params=_CP,
    )
    def transpose(table_hbm, tail_hbm, scr_hbm, blk_v, tblk_v, tp_v,
                  si0, si1, so0, so1):
        tblw = table_hbm.bitcast(jnp.int32)
        wid = lax.axis_index("s") * _NC + lax.axis_index("c")
        sin = (si0, si1)
        sout = (so0, so1)

        def blk_of(i):
            return wid + 32 * i

        def stage(blk, t):
            pltpu.async_copy(
                tblw.at[:, pl.ds(blk * 128, 128)], blk_v.at[t], sin[t]
            )

        def wait_in(t):
            pltpu.make_async_copy(
                tblw.at[:, pl.ds(0, 128)], blk_v.at[t], sin[t]
            ).wait()

        def flip(src_v, t, width):
            lanes = lax.iota(jnp.int32, _PW)

            @pl.loop(0, width, step=8)
            def _(r0):
                row = r0 >> 3
                for dr in range(8):
                    col = plsc.load_gather(
                        src_v, [lanes, jnp.zeros((_PW,), jnp.int32) + (r0 + dr)]
                    )
                    tp_v[t, row, pl.ds(dr * _PW, _PW)] = col

        def store(blk, t):
            pltpu.async_copy(
                tp_v.at[t], scr_hbm.at[pl.ds(blk * 16, _PW), :], sout[t]
            )

        def wait_out(t):
            pltpu.make_async_copy(
                tp_v.at[t], scr_hbm.at[pl.ds(0, _PW), :], sout[t]
            ).wait()

        stage(blk_of(0), 0)
        stage(blk_of(1), 1)

        @pl.loop(0, 244, step=2)
        def _(i0):
            for t in range(2):
                i = i0 + t
                wait_in(t)

                @pl.when(i >= 2)
                def _():
                    wait_out(t)

                flip(blk_v.at[t], t, 128)

                @pl.when(i + 2 < 244)
                def _():
                    stage(blk_of(i + 2), t)

                store(blk_of(i), t)

        wait_out(0)
        wait_out(1)

        @pl.when(wid < 4)
        def _():
            blk = wid + 7808
            pltpu.sync_copy(tblw.at[:, pl.ds(blk * 128, 128)], blk_v.at[0])
            flip(blk_v.at[0], 0, 128)
            pltpu.sync_copy(tp_v.at[0], scr_hbm.at[pl.ds(blk * 16, _PW), :])

        @pl.when(wid == 4)
        def _():
            pltpu.sync_copy(tail_hbm.bitcast(jnp.int32), tblk_v)
            flip(tblk_v, 0, 64)
            pltpu.sync_copy(
                tp_v.at[0, pl.ds(0, 8), :],
                scr_hbm.at[pl.ds((_NBLK - 1) * 16, 8), :],
            )

    return transpose


@functools.cache
def _build_gather():
    nw = _NC * _NS
    b_per_w = _BATCH // nw
    n_sub = b_per_w // _CHUNK
    mesh = plsc.VectorSubcoreMesh(**_MESH)

    @functools.partial(
        pl.kernel,
        out_type=jax.ShapeDtypeStruct((_HIST, _D, _BATCH), jnp.bfloat16),
        mesh=mesh,
        scratch_types=[
            pltpu.VMEM((b_per_w,), jnp.int32),
            pltpu.VMEM((2, _CHUNK), jnp.int32),
            pltpu.VMEM((2, _CHUNK), jnp.int32),
            pltpu.VMEM((2, _CHUNK, _SW), jnp.int32),
            pltpu.VMEM((_PW, b_per_w), jnp.int32),
            pltpu.SemaphoreType.DMA,
            pltpu.SemaphoreType.DMA,
        ],
        compiler_params=_CP,
    )
    def gather(idx_hbm, scr_hbm, out_hbm, sidx_v, rid_v, off_v, pair_v,
               ob_v, sem0, sem1):
        wid = lax.axis_index("s") * _NC + lax.axis_index("c")
        b0 = wid * b_per_w
        sems = (sem0, sem1)

        def prep(c, tc):
            @pl.loop(0, _CHUNK, step=16)
            def _(i):
                v = sidx_v[pl.ds(c * _CHUNK + i, 16)]
                rid_v[tc, pl.ds(i, 16)] = v >> 3
                off_v[tc, pl.ds(i, 16)] = (v & 7) * _PW

        def issue(tc):
            pltpu.async_copy(scr_hbm.at[rid_v.at[tc]], pair_v.at[tc],
                             sems[tc])

        def drain(tc):
            pltpu.make_async_copy(
                scr_hbm.at[pl.ds(0, _CHUNK)], pair_v.at[tc], sems[tc]
            ).wait()

        def extract(c, tc):
            for kg in range(_CHUNK // 16):
                ks = lax.iota(jnp.int32, 16) + (kg * 16)
                offs = off_v[tc, pl.ds(kg * 16, 16)]

                @pl.loop(0, _PW)
                def _(p):
                    col = plsc.load_gather(pair_v.at[tc], [ks, offs + p])
                    ob_v[p, pl.ds(c * _CHUNK + kg * 16, 16)] = col

        @pl.loop(0, _HIST)
        def _(h):
            pltpu.sync_copy(idx_hbm.at[h, pl.ds(b0, b_per_w)], sidx_v)
            prep(0, 0)
            issue(0)
            for c in range(n_sub):
                tc = c % 2
                if c + 1 < n_sub:
                    prep(c + 1, 1 - tc)
                    issue(1 - tc)
                drain(tc)
                extract(c, tc)

            outw = out_hbm.at[h].bitcast(jnp.int32)
            pltpu.sync_copy(ob_v, outw.at[:, pl.ds(b0, b_per_w)])

    return gather


def kernel(inputs, embedding):
    table_t = embedding.T
    tail_t = table_t[:, (_NBLK - 1) * 128:]
    scr = _build_transpose()(table_t, tail_t)
    out = _build_gather()(inputs.T, scr)
    return out.transpose(2, 0, 1)

# --- scband reference (transcript-rebuilt; emitter-appended) ---
"""Pipeline reference for scband-embed-31628139168456 (READ-ONLY COPY).

The authoritative reference and input builder live on the scoring server;
editing this copy changes nothing except your own understanding.
"""

import jax, jax.numpy as jnp
import numpy as np

NUM_EMBEDDINGS = 1000000
FEATURES = 32
BATCH = 16384
HIST_LEN = 20

def setup_inputs(seed: int = 0) -> dict:
    key = jax.random.key(seed)
    k_idx, k_emb = jax.random.split(key)
    inputs = jax.random.randint(k_idx, (BATCH, HIST_LEN), 0, NUM_EMBEDDINGS, dtype=jnp.int32)
    # default_embed_init = variance_scaling(1.0, 'fan_in', 'normal', out_axis=0); fan_in = features
    std = 1.0 / np.sqrt(FEATURES)
    embedding = (jax.random.normal(k_emb, (NUM_EMBEDDINGS, FEATURES), dtype=jnp.float32) * std).astype(jnp.bfloat16)
    return {"inputs": inputs, "embedding": embedding}

def reference(inputs, embedding):
    # Embed.__call__: promote_dtype is identity here (dtype == param_dtype == bfloat16)
    # num_embeddings > 1, so gather rows along axis 0.
    return jnp.take(embedding, inputs, axis=0)

if __name__ == "__main__":
    import jax
    _d = setup_inputs()
    print(jax.jit(kernel)(*tuple(_d.values())))

</pallas_src>

<mosaic_0001>
#map = affine_map<(d0, d1) -> (0, 0)>
module attributes {stable_mosaic.version = 14 : i64} {
  func.func @transpose(%arg0: i32, %arg1: i32, %arg2: memref<32x1000000xbf16, #tpu.memory_space<hbm>>, %arg3: memref<32x64xbf16, #tpu.memory_space<hbm>>, %arg4: memref<125000x128xi32, #tpu.memory_space<hbm>>, %arg5: memref<2x16x128xi32, #tpu.memory_space<vmem>>, %arg6: memref<16x64xi32, #tpu.memory_space<vmem>>, %arg7: memref<2x16x128xi32, #tpu.memory_space<vmem>>, %arg8: memref<!tpu.dma_semaphore, #tpu.memory_space<semaphore_mem>>, %arg9: memref<!tpu.dma_semaphore, #tpu.memory_space<semaphore_mem>>, %arg10: memref<!tpu.dma_semaphore, #tpu.memory_space<semaphore_mem>>, %arg11: memref<!tpu.dma_semaphore, #tpu.memory_space<semaphore_mem>>) attributes {dimension_semantics = [#tpu.dimension_semantics<core_parallel>, #tpu.dimension_semantics<subcore_parallel>], iteration_bounds = array<i64: 2, 16>, scalar_prefetch = 0 : i64, scratch_operands = 7 : i64, tpu.core_type = #tpu.core_type<sc_vector_subcore>, window_params = [{transform_indices = #map}, {transform_indices = #map}, {transform_indices = #map}]} {
    %mul3A = arith.constant 2 : i32
    %mul3A_0 = arith.muli %arg1, %mul3A : i32
    %add3A = arith.addi %mul3A_0, %arg0 : i32
    %add3A_1 = arith.constant 0 : i32
    %add3A_2 = arith.addi %add3A, %add3A_1 : i32
    %mul3A_3 = arith.constant 128 : i32
    %mul3A_4 = arith.muli %add3A_2, %mul3A_3 : i32
    %dma_start3A = arith.constant 0 : i32
    %dma_start3A_5 = arith.constant 0 : i32
    %dma_start3A_6 = arith.constant 0 : i32
    %dma_start3A_7 = tpu.memref_slice %arg5[%dma_start3A, %dma_start3A_5, %dma_start3A_6] : memref<2x16x128xi32, #tpu.memory_space<vmem>> -> memref<1x16x128xi32, #tpu.memory_space<vmem>>
    %dma_start3A_8 = tpu.memref_squeeze %dma_start3A_7 : memref<1x16x128xi32, #tpu.memory_space<vmem>> -> memref<16x128xi32, #tpu.memory_space<vmem>>
    %dma_start3A_9 = tpu.memref_bitcast %arg2 : memref<32x1000000xbf16, #tpu.memory_space<hbm>> -> memref<16x1000000xi32, #tpu.memory_space<hbm>>
    %dma_start3A_10 = arith.constant 0 : i32
    %dma_start3A_11 = tpu.memref_slice %dma_start3A_9[%dma_start3A_10, %mul3A_4] : memref<16x1000000xi32, #tpu.memory_space<hbm>> -> memref<16x128xi32, #tpu.memory_space<hbm>>
    %dma_start3A_12 = arith.constant 0 : i32
    %dma_start3A_13 = arith.constant 0 : i32
    %dma_start3A_14 = tpu.memref_slice %arg5[%dma_start3A, %dma_start3A_12, %dma_start3A_13] : memref<2x16x128xi32, #tpu.memory_space<vmem>> -> memref<1x16x128xi32, #tpu.memory_space<vmem>>
    %dma_start3A_15 = tpu.memref_squeeze %dma_start3A_14 : memref<1x16x128xi32, #tpu.memory_space<vmem>> -> memref<16x128xi32, #tpu.memory_space<vmem>>
    %dma_start3A_16 = tpu.memref_bitcast %arg2 : memref<32x1000000xbf16, #tpu.memory_space<hbm>> -> memref<16x1000000xi32, #tpu.memory_space<hbm>>
    %dma_start3A_17 = arith.constant 0 : i32
    %dma_start3A_18 = tpu.memref_slice %dma_start3A_16[%dma_start3A_17, %mul3A_4] : memref<16x1000000xi32, #tpu.memory_space<hbm>> -> memref<16x128xi32, #tpu.memory_space<hbm>>
    tpu.enqueue_dma source(%dma_start3A_18 : memref<16x128xi32, #tpu.memory_space<hbm>>) target(%dma_start3A_15 : memref<16x128xi32, #tpu.memory_space<vmem>>) target_semaphore(%arg8 : memref<!tpu.dma_semaphore, #tpu.memory_space<semaphore_mem>>)
    %add3A_19 = arith.constant 32 : i32
    %add3A_20 = arith.addi %add3A, %add3A_19 : i32
    %mul3A_21 = arith.constant 128 : i32
    %mul3A_22 = arith.muli %add3A_20, %mul3A_21 : i32
    %dma_start3A_23 = arith.constant 1 : i32
    %dma_start3A_24 = arith.constant 0 : i32
    %dma_start3A_25 = arith.constant 0 : i32
    %dma_start3A_26 = tpu.memref_slice %arg5[%dma_start3A_23, %dma_start3A_24, %dma_start3A_25] : memref<2x16x128xi32, #tpu.memory_space<vmem>> -> memref<1x16x128xi32, #tpu.memory_space<vmem>>
    %dma_start3A_27 = tpu.memref_squeeze %dma_start3A_26 : memref<1x16x128xi32, #tpu.memory_space<vmem>> -> memref<16x128xi32, #tpu.memory_space<vmem>>
    %dma_start3A_28 = tpu.memref_bitcast %arg2 : memref<32x1000000xbf16, #tpu.memory_space<hbm>> -> memref<16x1000000xi32, #tpu.memory_space<hbm>>
    %dma_start3A_29 = arith.constant 0 : i32
    %dma_start3A_30 = tpu.memref_slice %dma_start3A_28[%dma_start3A_29, %mul3A_22] : memref<16x1000000xi32, #tpu.memory_space<hbm>> -> memref<16x128xi32, #tpu.memory_space<hbm>>
    %dma_start3A_31 = arith.constant 0 : i32
    %dma_start3A_32 = arith.constant 0 : i32
    %dma_start3A_33 = tpu.memref_slice %arg5[%dma_start3A_23, %dma_start3A_31, %dma_start3A_32] : memref<2x16x128xi32, #tpu.memory_space<vmem>> -> memref<1x16x128xi32, #tpu.memory_space<vmem>>
    %dma_start3A_34 = tpu.memref_squeeze %dma_start3A_33 : memref<1x16x128xi32, #tpu.memory_space<vmem>> -> memref<16x128xi32, #tpu.memory_space<vmem>>
    %dma_start3A_35 = tpu.memref_bitcast %arg2 : memref<32x1000000xbf16, #tpu.memory_space<hbm>> -> memref<16x1000000xi32, #tpu.memory_space<hbm>>
    %dma_start3A_36 = arith.constant 0 : i32
    %dma_start3A_37 = tpu.memref_slice %dma_start3A_35[%dma_start3A_36, %mul3A_22] : memref<16x1000000xi32, #tpu.memory_space<hbm>> -> memref<16x128xi32, #tpu.memory_space<hbm>>
    tpu.enqueue_dma source(%dma_start3A_37 : memref<16x128xi32, #tpu.memory_space<hbm>>) target(%dma_start3A_34 : memref<16x128xi32, #tpu.memory_space<vmem>>) target_semaphore(%arg9 : memref<!tpu.dma_semaphore, #tpu.memory_space<semaphore_mem>>)
    %scan3A = arith.constant 0 : i32
    %scan3A_38 = arith.constant 122 : i32
    %scan3A_39 = arith.addi %scan3A, %scan3A_38 : i32
    %scan3A_40 = arith.constant 1 : i32
    scf.for %scan3A_77 = %scan3A to %scan3A_39 step %scan3A_40  : i32 {
      %mul3A_78 = arith.constant 2 : i32
      %mul3A_79 = arith.muli %scan3A_77, %mul3A_78 : i32
      %add3A_80 = arith.constant 0 : i32
      %add3A_81 = arith.addi %add3A_80, %mul3A_79 : i32
      %add3A_82 = arith.constant 0 : i32
      %add3A_83 = arith.addi %add3A_81, %add3A_82 : i32
      %dma_wait3A_84 = arith.constant 0 : i32
      %dma_wait3A_85 = arith.constant 0 : i32
      %dma_wait3A_86 = arith.constant 0 : i32
      %dma_wait3A_87 = tpu.memref_slice %arg5[%dma_wait3A_84, %dma_wait3A_85, %dma_wait3A_86] : memref<2x16x128xi32, #tpu.memory_space<vmem>> -> memref<1x16x128xi32, #tpu.memory_space<vmem>>
      %dma_wait3A_88 = tpu.memref_squeeze %dma_wait3A_87 : memref<1x16x128xi32, #tpu.memory_space<vmem>> -> memref<16x128xi32, #tpu.memory_space<vmem>>
      %dma_wait3A_89 = tpu.memref_bitcast %arg2 : memref<32x1000000xbf16, #tpu.memory_space<hbm>> -> memref<16x1000000xi32, #tpu.memory_space<hbm>>
      %dma_wait3A_90 = arith.constant 0 : i32
      %dma_wait3A_91 = arith.constant 0 : i32
      %dma_wait3A_92 = tpu.memref_slice %dma_wait3A_89[%dma_wait3A_90, %dma_wait3A_91] : memref<16x1000000xi32, #tpu.memory_space<hbm>> -> memref<16x128xi32, #tpu.memory_space<hbm>>
      %dma_wait3A_93 = arith.constant 0 : i32
      %dma_wait3A_94 = arith.constant 0 : i32
      %dma_wait3A_95 = tpu.memref_slice %arg5[%dma_wait3A_84, %dma_wait3A_93, %dma_wait3A_94] : memref<2x16x128xi32, #tpu.memory_space<vmem>> -> memref<1x16x128xi32, #tpu.memory_space<vmem>>
      %dma_wait3A_96 = tpu.memref_squeeze %dma_wait3A_95 : memref<1x16x128xi32, #tpu.memory_space<vmem>> -> memref<16x128xi32, #tpu.memory_space<vmem>>
      %dma_wait3A_97 = tpu.memref_bitcast %arg2 : memref<32x1000000xbf16, #tpu.memory_space<hbm>> -> memref<16x1000000xi32, #tpu.memory_space<hbm>>
      %dma_wait3A_98 = arith.constant 0 : i32
      %dma_wait3A_99 = arith.constant 0 : i32
      %dma_wait3A_100 = tpu.memref_slice %dma_wait3A_97[%dma_wait3A_98, %dma_wait3A_99] : memref<16x1000000xi32, #tpu.memory_space<hbm>> -> memref<16x128xi32, #tpu.memory_space<hbm>>
      tpu.wait_dma2 semaphore(%arg8 : memref<!tpu.dma_semaphore, #tpu.memory_space<semaphore_mem>>) src(%dma_wait3A_100 : memref<16x128xi32, #tpu.memory_space<hbm>>) dst(%dma_wait3A_96 : memref<16x128xi32, #tpu.memory_space<vmem>>)
      %ge3A = arith.constant 2 : i32
      %ge3A_101 = arith.cmpi sge, %add3A_83, %ge3A : i32
      %convert_element_type3A_102 = arith.extui %ge3A_101 : i1 to i32
      %cond3A_103 = arith.constant 0 : i32
      %cond3A_104 = arith.cmpi ne, %convert_element_type3A_102, %cond3A_103 : i32
      scf.if %cond3A_104 {
        %dma_wait3A_192 = arith.constant 0 : i32
        %dma_wait3A_193 = arith.constant 0 : i32
        %dma_wait3A_194 = arith.constant 0 : i32
        %dma_wait3A_195 = tpu.memref_slice %arg7[%dma_wait3A_192, %dma_wait3A_193, %dma_wait3A_194] : memref<2x16x128xi32, #tpu.memory_space<vmem>> -> memref<1x16x128xi32, #tpu.memory_space<vmem>>
        %dma_wait3A_196 = tpu.memref_squeeze %dma_wait3A_195 : memref<1x16x128xi32, #tpu.memory_space<vmem>> -> memref<16x128xi32, #tpu.memory_space<vmem>>
        %dma_wait3A_197 = arith.constant 0 : i32
        %dma_wait3A_198 = arith.constant 0 : i32
        %dma_wait3A_199 = tpu.memref_slice %arg4[%dma_wait3A_197, %dma_wait3A_198] : memref<125000x128xi32, #tpu.memory_space<hbm>> -> memref<16x128xi32, #tpu.memory_space<hbm>>
        %dma_wait3A_200 = arith.constant 0 : i32
        %dma_wait3A_201 = arith.constant 0 : i32
        %dma_wait3A_202 = tpu.memref_slice %arg4[%dma_wait3A_200, %dma_wait3A_201] : memref<125000x128xi32, #tpu.memory_space<hbm>> -> memref<16x128xi32, #tpu.memory_space<hbm>>
        %dma_wait3A_203 = arith.constant 0 : i32
        %dma_wait3A_204 = arith.constant 0 : i32
        %dma_wait3A_205 = tpu.memref_slice %arg7[%dma_wait3A_192, %dma_wait3A_203, %dma_wait3A_204] : memref<2x16x128xi32, #tpu.memory_space<vmem>> -> memref<1x16x128xi32, #tpu.memory_space<vmem>>
        %dma_wait3A_206 = tpu.memref_squeeze %dma_wait3A_205 : memref<1x16x128xi32, #tpu.memory_space<vmem>> -> memref<16x128xi32, #tpu.memory_space<vmem>>
        tpu.wait_dma2 semaphore(%arg10 : memref<!tpu.dma_semaphore, #tpu.memory_space<semaphore_mem>>) src(%dma_wait3A_206 : memref<16x128xi32, #tpu.memory_space<vmem>>) dst(%dma_wait3A_202 : memref<16x128xi32, #tpu.memory_space<hbm>>)
      } else {
      }
      %iota3A = tpu.iota {dimensions = array<i32: 0>} : vector<16xi32>
      %scan3A_105 = arith.constant 0 : i32
      %scan3A_106 = arith.constant 0 : i32
      %scan3A_107 = arith.constant 16 : i32
      %scan3A_108 = arith.addi %scan3A_106, %scan3A_107 : i32
      %scan3A_109 = arith.constant 1 : i32
      scf.for %scan3A_192 = %scan3A_106 to %scan3A_108 step %scan3A_109  : i32 {
        %mul3A_193 = arith.constant 8 : i32
        %mul3A_194 = arith.muli %scan3A_192, %mul3A_193 : i32
        %add3A_195 = arith.constant 0 : i32
        %add3A_196 = arith.addi %add3A_195, %mul3A_194 : i32
        %shift_right_arithmetic3A = arith.constant 3 : i32
        %shift_right_arithmetic3A_197 = arith.shrsi %add3A_196, %shift_right_arithmetic3A : i32
        %broadcast_in_dim3A = arith.constant 0 : i32
        %broadcast_in_dim3A_198 = vector.broadcast %broadcast_in_dim3A : i32 to vector<16xi32>
        %add3A_199 = arith.constant 0 : i32
        %add3A_200 = arith.addi %add3A_196, %add3A_199 : i32
        %add3A_201 = vector.broadcast %add3A_200 : i32 to vector<16xi32>
        %add3A_202 = arith.addi %broadcast_in_dim3A_198, %add3A_201 : vector<16xi32>
        %gather3A = arith.constant 0 : i32
        %gather3A_203 = arith.constant 0 : i32
        %gather3A_204 = tpu.memref_slice %arg5[%scan3A_105, %gather3A, %gather3A_203] : memref<2x16x128xi32, #tpu.memory_space<vmem>> -> memref<1x16x128xi32, #tpu.memory_space<vmem>>
        %gather3A_205 = tpu.memref_squeeze %gather3A_204 : memref<1x16x128xi32, #tpu.memory_space<vmem>> -> memref<16x128xi32, #tpu.memory_space<vmem>>
        %gather3A_206 = tpu.vector_load_idx %gather3A_205[%iota3A, %add3A_202] : memref<16x128xi32, #tpu.memory_space<vmem>>[vector<16xi32>, vector<16xi32>], vector<16xi32>,
        %swap3A = arith.constant 0 : i32
        %swap3A_207 = arith.index_cast %swap3A : i32 to index
        %swap3A_208 = arith.index_cast %shift_right_arithmetic3A_197 : i32 to index
        %swap3A_209 = arith.constant 0 : index
        %swap3A_210 = tpu.vector_load %arg7[%swap3A_207, %swap3A_208, %swap3A_209] {strides = array<i32>} : memref<2x16x128xi32, #tpu.memory_space<vmem>>, vector<16xi32>,
        tpu.vector_store %arg7[%swap3A_207, %swap3A_208, %swap3A_209], %gather3A_206 {strides = array<i32>} : memref<2x16x128xi32, #tpu.memory_space<vmem>>, vector<16xi32>,
        %broadcast_in_dim3A_211 = arith.constant 0 : i32
        %broadcast_in_dim3A_212 = vector.broadcast %broadcast_in_dim3A_211 : i32 to vector<16xi32>
        %add3A_213 = arith.constant 1 : i32
        %add3A_214 = arith.addi %add3A_196, %add3A_213 : i32
        %add3A_215 = vector.broadcast %add3A_214 : i32 to vector<16xi32>
        %add3A_216 = arith.addi %broadcast_in_dim3A_212, %add3A_215 : vector<16xi32>
        %gather3A_217 = arith.constant 0 : i32
        %gather3A_218 = arith.constant 0 : i32
        %gather3A_219 = tpu.memref_slice %arg5[%scan3A_105, %gather3A_217, %gather3A_218] : memref<2x16x128xi32, #tpu.memory_space<vmem>> -> memref<1x16x128xi32, #tpu.memory_space<vmem>>
        %gather3A_220 = tpu.memref_squeeze %gather3A_219 : memref<1x16x128xi32, #tpu.memory_space<vmem>> -> memref<16x128xi32, #tpu.memory_space<vmem>>
        %gather3A_221 = tpu.vector_load_idx %gather3A_220[%iota3A, %add3A_216] : memref<16x128xi32, #tpu.memory_space<vmem>>[vector<16xi32>, vector<16xi32>], vector<16xi32>,
        %swap3A_222 = arith.constant 0 : i32
        %swap3A_223 = arith.index_cast %swap3A_222 : i32 to index
        %swap3A_224 = arith.index_cast %shift_right_arithmetic3A_197 : i32 to index
        %swap3A_225 = arith.constant 16 : index
        %swap3A_226 = tpu.vector_load %arg7[%swap3A_223, %swap3A_224, %swap3A_225] {strides = array<i32>} : memref<2x16x128xi32, #tpu.memory_space<vmem>>, vector<16xi32>,
        tpu.vector_store %arg7[%swap3A_223, %swap3A_224, %swap3A_225], %gather3A_221 {strides = array<i32>} : memref<2x16x128xi32, #tpu.memory_space<vmem>>, vector<16xi32>,
        %broadcast_in_dim3A_227 = arith.constant 0 : i32
        %broadcast_in_dim3A_228 = vector.broadcast %broadcast_in_dim3A_227 : i32 to vector<16xi32>
        %add3A_229 = arith.constant 2 : i32
        %add3A_230 = arith.addi %add3A_196, %add3A_229 : i32
        %add3A_231 = vector.broadcast %add3A_230 : i32 to vector<16xi32>
        %add3A_232 = arith.addi %broadcast_in_dim3A_228, %add3A_231 : vector<16xi32>
        %gather3A_233 = arith.constant 0 : i32
        %gather3A_234 = arith.constant 0 : i32
        %gather3A_235 = tpu.memref_slice %arg5[%scan3A_105, %gather3A_233, %gather3A_234] : memref<2x16x128xi32, #tpu.memory_space<vmem>> -> memref<1x16x128xi32, #tpu.memory_space<vmem>>
        %gather3A_236 = tpu.memref_squeeze %gather3A_235 : memref<1x16x128xi32, #tpu.memory_space<vmem>> -> memref<16x128xi32, #tpu.memory_space<vmem>>
        %gather3A_237 = tpu.vector_load_idx %gather3A_236[%iota3A, %add3A_232] : memref<16x128xi32, #tpu.memory_space<vmem>>[vector<16xi32>, vector<16xi32>], vector<16xi32>,
        %swap3A_238 = arith.constant 0 : i32
        %swap3A_239 = arith.index_cast %swap3A_238 : i32 to index
        %swap3A_240 = arith.index_cast %shift_right_arithmetic3A_197 : i32 to index
        %swap3A_241 = arith.constant 32 : index
        %swap3A_242 = tpu.vector_load %arg7[%swap3A_239, %swap3A_240, %swap3A_241] {strides = array<i32>} : memref<2x16x128xi32, #tpu.memory_space<vmem>>, vector<16xi32>,
        tpu.vector_store %arg7[%swap3A_239, %swap3A_240, %swap3A_241], %gather3A_237 {strides = array<i32>} : memref<2x16x128xi32, #tpu.memory_space<vmem>>, vector<16xi32>,
        %broadcast_in_dim3A_243 = arith.constant 0 : i32
        %broadcast_in_dim3A_244 = vector.broadcast %broadcast_in_dim3A_243 : i32 to vector<16xi32>
        %add3A_245 = arith.constant 3 : i32
        %add3A_246 = arith.addi %add3A_196, %add3A_245 : i32
        %add3A_247 = vector.broadcast %add3A_246 : i32 to vector<16xi32>
        %add3A_248 = arith.addi %broadcast_in_dim3A_244, %add3A_247 : vector<16xi32>
        %gather3A_249 = arith.constant 0 : i32
        %gather3A_250 = arith.constant 0 : i32
        %gather3A_251 = tpu.memref_slice %arg5[%scan3A_105, %gather3A_249, %gather3A_250] : memref<2x16x128xi32, #tpu.memory_space<vmem>> -> memref<1x16x128xi32, #tpu.memory_space<vmem>>
        %gather3A_252 = tpu.memref_squeeze %gather3A_251 : memref<1x16x128xi32, #tpu.memory_space<vmem>> -> memref<16x128xi32, #tpu.memory_space<vmem>>
        %gather3A_253 = tpu.vector_load_idx %gather3A_252[%iota3A, %add3A_248] : memref<16x128xi32, #tpu.memory_space<vmem>>[vector<16xi32>, vector<16xi32>], vector<16xi32>,
        %swap3A_254 = arith.constant 0 : i32
        %swap3A_255 = arith.index_cast %swap3A_254 : i32 to index
        %swap3A_256 = arith.index_cast %shift_right_arithmetic3A_197 : i32 to index
        %swap3A_257 = arith.constant 48 : index
        %swap3A_258 = tpu.vector_load %arg7[%swap3A_255, %swap3A_256, %swap3A_257] {strides = array<i32>} : memref<2x16x128xi32, #tpu.memory_space<vmem>>, vector<16xi32>,
        tpu.vector_store %arg7[%swap3A_255, %swap3A_256, %swap3A_257], %gather3A_253 {strides = array<i32>} : memref<2x16x128xi32, #tpu.memory_space<vmem>>, vector<16xi32>,
        %broadcast_in_dim3A_259 = arith.constant 0 : i32
        %broadcast_in_dim3A_260 = vector.broadcast %broadcast_in_dim3A_259 : i32 to vector<16xi32>
        %add3A_261 = arith.constant 4 : i32
        %add3A_262 = arith.addi %add3A_196, %add3A_261 : i32
        %add3A_263 = vector.broadcast %add3A_262 : i32 to vector<16xi32>
        %add3A_264 = arith.addi %broadcast_in_dim3A_260, %add3A_263 : vector<16xi32>
        %gather3A_265 = arith.constant 0 : i32
        %gather3A_266 = arith.constant 0 : i32
        %gather3A_267 = tpu.memref_slice %arg5[%scan3A_105, %gather3A_265, %gather3A_266] : memref<2x16x128xi32, #tpu.memory_space<vmem>> -> memref<1x16x128xi32, #tpu.memory_space<vmem>>
        %gather3A_268 = tpu.memref_squeeze %gather3A_267 : memref<1x16x128xi32, #tpu.memory_space<vmem>> -> memref<16x128xi32, #tpu.memory_space<vmem>>
        %gather3A_269 = tpu.vector_load_idx %gather3A_268[%iota3A, %add3A_264] : memref<16x128xi32, #tpu.memory_space<vmem>>[vector<16xi32>, vector<16xi32>], vector<16xi32>,
        %swap3A_270 = arith.constant 0 : i32
        %swap3A_271 = arith.index_cast %swap3A_270 : i32 to index
        %swap3A_272 = arith.index_cast %shift_right_arithmetic3A_197 : i32 to index
        %swap3A_273 = arith.constant 64 : index
        %swap3A_274 = tpu.vector_load %arg7[%swap3A_271, %swap3A_272, %swap3A_273] {strides = array<i32>} : memref<2x16x128xi32, #tpu.memory_space<vmem>>, vector<16xi32>,
        tpu.vector_store %arg7[%swap3A_271, %swap3A_272, %swap3A_273], %gather3A_269 {strides = array<i32>} : memref<2x16x128xi32, #tpu.memory_space<vmem>>, vector<16xi32>,
        %broadcast_in_dim3A_275 = arith.constant 0 : i32
        %broadcast_in_dim3A_276 = vector.broadcast %broadcast_in_dim3A_275 : i32 to vector<16xi32>
        %add3A_277 = arith.constant 5 : i32
        %add3A_278 = arith.addi %add3A_196, %add3A_277 : i32
        %add3A_279 = vector.broadcast %add3A_278 : i32 to vector<16xi32>
        %add3A_280 = arith.addi %broadcast_in_dim3A_276, %add3A_279 : vector<16xi32>
        %gather3A_281 = arith.constant 0 : i32
        %gather3A_282 = arith.constant 0 : i32
        %gather3A_283 = tpu.memref_slice %arg5[%scan3A_105, %gather3A_281, %gather3A_282] : memref<2x16x128xi32, #tpu.memory_space<vmem>> -> memref<1x16x128xi32, #tpu.memory_space<vmem>>
        %gather3A_284 = tpu.memref_squeeze %gather3A_283 : memref<1x16x128xi32, #tpu.memory_space<vmem>> -> memref<16x128xi32, #tpu.memory_space<vmem>>
        %gather3A_285 = tpu.vector_load_idx %gather3A_284[%iota3A, %add3A_280] : memref<16x128xi32, #tpu.memory_space<vmem>>[vector<16xi32>, vector<16xi32>], vector<16xi32>,
        %swap3A_286 = arith.constant 0 : i32
        %swap3A_287 = arith.index_cast %swap3A_286 : i32 to index
        %swap3A_288 = arith.index_cast %shift_right_arithmetic3A_197 : i32 to index
        %swap3A_289 = arith.constant 80 : index
        %swap3A_290 = tpu.vector_load %arg7[%swap3A_287, %swap3A_288, %swap3A_289] {strides = array<i32>} : memref<2x16x128xi32, #tpu.memory_space<vmem>>, vector<16xi32>,
        tpu.vector_store %arg7[%swap3A_287, %swap3A_288, %swap3A_289], %gather3A_285 {strides = array<i32>} : memref<2x16x128xi32, #tpu.memory_space<vmem>>, vector<16xi32>,
        %broadcast_in_dim3A_291 = arith.constant 0 : i32
        %broadcast_in_dim3A_292 = vector.broadcast %broadcast_in_dim3A_291 : i32 to vector<16xi32>
        %add3A_293 = arith.constant 6 : i32
        %add3A_294 = arith.addi %add3A_196, %add3A_293 : i32
        %add3A_295 = vector.broadcast %add3A_294 : i32 to vector<16xi32>
        %add3A_296 = arith.addi %broadcast_in_dim3A_292, %add3A_295 : vector<16xi32>
        %gather3A_297 = arith.constant 0 : i32
        %gather3A_298 = arith.constant 0 : i32
        %gather3A_299 = tpu.memref_slice %arg5[%scan3A_105, %gather3A_297, %gather3A_298] : memref<2x16x128xi32, #tpu.memory_space<vmem>> -> memref<1x16x128xi32, #tpu.memory_space<vmem>>
        %gather3A_300 = tpu.memref_squeeze %gather3A_299 : memref<1x16x128xi32, #tpu.memory_space<vmem>> -> memref<16x128xi32, #tpu.memory_space<vmem>>
        %gather3A_301 = tpu.vector_load_idx %gather3A_300[%iota3A, %add3A_296] : memref<16x128xi32, #tpu.memory_space<vmem>>[vector<16xi32>, vector<16xi32>], vector<16xi32>,
        %swap3A_302 = arith.constant 0 : i32
        %swap3A_303 = arith.index_cast %swap3A_302 : i32 to index
        %swap3A_304 = arith.index_cast %shift_right_arithmetic3A_197 : i32 to index
        %swap3A_305 = arith.constant 96 : index
        %swap3A_306 = tpu.vector_load %arg7[%swap3A_303, %swap3A_304, %swap3A_305] {strides = array<i32>} : memref<2x16x128xi32, #tpu.memory_space<vmem>>, vector<16xi32>,
        tpu.vector_store %arg7[%swap3A_303, %swap3A_304, %swap3A_305], %gather3A_301 {strides = array<i32>} : memref<2x16x128xi32, #tpu.memory_space<vmem>>, vector<16xi32>,
        %broadcast_in_dim3A_307 = arith.constant 0 : i32
        %broadcast_in_dim3A_308 = vector.broadcast %broadcast_in_dim3A_307 : i32 to vector<16xi32>
        %add3A_309 = arith.constant 7 : i32
        %add3A_310 = arith.addi %add3A_196, %add3A_309 : i32
        %add3A_311 = vector.broadcast %add3A_310 : i32 to vector<16xi32>
        %add3A_312 = arith.addi %broadcast_in_dim3A_308, %add3A_311 : vector<16xi32>
        %gather3A_313 = arith.constant 0 : i32
        %gather3A_314 = arith.constant 0 : i32
        %gather3A_315 = tpu.memref_slice %arg5[%scan3A_105, %gather3A_313, %gather3A_314] : memref<2x16x128xi32, #tpu.memory_space<vmem>> -> memref<1x16x128xi32, #tpu.memory_space<vmem>>
        %gather3A_316 = tpu.memref_squeeze %gather3A_315 : memref<1x16x128xi32, #tpu.memory_space<vmem>> -> memref<16x128xi32, #tpu.memory_space<vmem>>
        %gather3A_317 = tpu.vector_load_idx %gather3A_316[%iota3A, %add3A_312] : memref<16x128xi32, #tpu.memory_space<vmem>>[vector<16xi32>, vector<16xi32>], vector<16xi32>,
        %swap3A_318 = arith.constant 0 : i32
        %swap3A_319 = arith.index_cast %swap3A_318 : i32 to index
        %swap3A_320 = arith.index_cast %shift_right_arithmetic3A_197 : i32 to index
        %swap3A_321 = arith.constant 112 : index
        %swap3A_322 = tpu.vector_load %arg7[%swap3A_319, %swap3A_320, %swap3A_321] {strides = array<i32>} : memref<2x16x128xi32, #tpu.memory_space<vmem>>, vector<16xi32>,
        tpu.vector_store %arg7[%swap3A_319, %swap3A_320, %swap3A_321], %gather3A_317 {strides = array<i32>} : memref<2x16x128xi32, #tpu.memory_space<vmem>>, vector<16xi32>,
      }
      %scan3A_110 = arith.constant 16 : i32
      %add3A_111 = arith.constant 2 : i32
      %add3A_112 = arith.addi %add3A_83, %add3A_111 : i32
      %lt3A_113 = arith.constant 244 : i32
      %lt3A_114 = arith.cmpi slt, %add3A_112, %lt3A_113 : i32
      %convert_element_type3A_115 = arith.extui %lt3A_114 : i1 to i32
      %cond3A_116 = arith.constant 0 : i32
      %cond3A_117 = arith.cmpi ne, %convert_element_type3A_115, %cond3A_116 : i32
      scf.if %cond3A_117 {
        %add3A_192 = arith.constant 2 : i32
        %add3A_193 = arith.addi %add3A_83, %add3A_192 : i32
        %mul3A_194 = arith.constant 32 : i32
        %mul3A_195 = arith.muli %mul3A_194, %add3A_193 : i32
        %add3A_196 = arith.addi %add3A, %mul3A_195 : i32
        %mul3A_197 = arith.constant 128 : i32
        %mul3A_198 = arith.muli %add3A_196, %mul3A_197 : i32
        %dma_start3A_199 = arith.constant 0 : i32
        %dma_start3A_200 = arith.constant 0 : i32
        %dma_start3A_201 = arith.constant 0 : i32
        %dma_start3A_202 = tpu.memref_slice %arg5[%dma_start3A_199, %dma_start3A_200, %dma_start3A_201] : memref<2x16x128xi32, #tpu.memory_space<vmem>> -> memref<1x16x128xi32, #tpu.memory_space<vmem>>
        %dma_start3A_203 = tpu.memref_squeeze %dma_start3A_202 : memref<1x16x128xi32, #tpu.memory_space<vmem>> -> memref<16x128xi32, #tpu.memory_space<vmem>>
        %dma_start3A_204 = tpu.memref_bitcast %arg2 : memref<32x1000000xbf16, #tpu.memory_space<hbm>> -> memref<16x1000000xi32, #tpu.memory_space<hbm>>
        %dma_start3A_205 = arith.constant 0 : i32
        %dma_start3A_206 = tpu.memref_slice %dma_start3A_204[%dma_start3A_205, %mul3A_198] : memref<16x1000000xi32, #tpu.memory_space<hbm>> -> memref<16x128xi32, #tpu.memory_space<hbm>>
        %dma_start3A_207 = arith.constant 0 : i32
        %dma_start3A_208 = arith.constant 0 : i32
        %dma_start3A_209 = tpu.memref_slice %arg5[%dma_start3A_199, %dma_start3A_207, %dma_start3A_208] : memref<2x16x128xi32, #tpu.memory_space<vmem>> -> memref<1x16x128xi32, #tpu.memory_space<vmem>>
        %dma_start3A_210 = tpu.memref_squeeze %dma_start3A_209 : memref<1x16x128xi32, #tpu.memory_space<vmem>> -> memref<16x128xi32, #tpu.memory_space<vmem>>
        %dma_start3A_211 = tpu.memref_bitcast %arg2 : memref<32x1000000xbf16, #tpu.memory_space<hbm>> -> memref<16x1000000xi32, #tpu.memory_space<hbm>>
        %dma_start3A_212 = arith.constant 0 : i32
        %dma_start3A_213 = tpu.memref_slice %dma_start3A_211[%dma_start3A_212, %mul3A_198] : memref<16x1000000xi32, #tpu.memory_space<hbm>> -> memref<16x128xi32, #tpu.memory_space<hbm>>
        tpu.enqueue_dma source(%dma_start3A_213 : memref<16x128xi32, #tpu.memory_space<hbm>>) target(%dma_start3A_210 : memref<16x128xi32, #tpu.memory_space<vmem>>) target_semaphore(%arg8 : memref<!tpu.dma_semaphore, #tpu.memory_space<semaphore_mem>>)
      } else {
      }
      %mul3A_118 = arith.constant 32 : i32
      %mul3A_119 = arith.muli %mul3A_118, %add3A_83 : i32
      %add3A_120 = arith.addi %add3A, %mul3A_119 : i32
      %mul3A_121 = arith.constant 16 : i32
      %mul3A_122 = arith.muli %add3A_120, %mul3A_121 : i32
      %dma_start3A_123 = arith.constant 0 : i32
      %dma_start3A_124 = arith.constant 0 : i32
      %dma_start3A_125 = arith.constant 0 : i32
      %dma_start3A_126 = tpu.memref_slice %arg7[%dma_start3A_123, %dma_start3A_124, %dma_start3A_125] : memref<2x16x128xi32, #tpu.memory_space<vmem>> -> memref<1x16x128xi32, #tpu.memory_space<vmem>>
      %dma_start3A_127 = tpu.memref_squeeze %dma_start3A_126 : memref<1x16x128xi32, #tpu.memory_space<vmem>> -> memref<16x128xi32, #tpu.memory_space<vmem>>
      %dma_start3A_128 = arith.constant 0 : i32
      %dma_start3A_129 = tpu.memref_slice %arg4[%mul3A_122, %dma_start3A_128] : memref<125000x128xi32, #tpu.memory_space<hbm>> -> memref<16x128xi32, #tpu.memory_space<hbm>>
      %dma_start3A_130 = arith.constant 0 : i32
      %dma_start3A_131 = tpu.memref_slice %arg4[%mul3A_122, %dma_start3A_130] : memref<125000x128xi32, #tpu.memory_space<hbm>> -> memref<16x128xi32, #tpu.memory_space<hbm>>
      %dma_start3A_132 = arith.constant 0 : i32
      %dma_start3A_133 = arith.constant 0 : i32
      %dma_start3A_134 = tpu.memref_slice %arg7[%dma_start3A_123, %dma_start3A_132, %dma_start3A_133] : memref<2x16x128xi32, #tpu.memory_space<vmem>> -> memref<1x16x128xi32, #tpu.memory_space<vmem>>
      %dma_start3A_135 = tpu.memref_squeeze %dma_start3A_134 : memref<1x16x128xi32, #tpu.memory_space<vmem>> -> memref<16x128xi32, #tpu.memory_space<vmem>>
      tpu.enqueue_dma source(%dma_start3A_135 : memref<16x128xi32, #tpu.memory_space<vmem>>) target(%dma_start3A_131 : memref<16x128xi32, #tpu.memory_space<hbm>>) target_semaphore(%arg10 : memref<!tpu.dma_semaphore, #tpu.memory_space<semaphore_mem>>)
      %add3A_136 = arith.constant 1 : i32
      %add3A_137 = arith.addi %add3A_81, %add3A_136 : i32
      %dma_wait3A_138 = arith.constant 1 : i32
      %dma_wait3A_139 = arith.constant 0 : i32
      %dma_wait3A_140 = arith.constant 0 : i32
      %dma_wait3A_141 = tpu.memref_slice %arg5[%dma_wait3A_138, %dma_wait3A_139, %dma_wait3A_140] : memref<2x16x128xi32, #tpu.memory_space<vmem>> -> memref<1x16x128xi32, #tpu.memory_space<vmem>>
      %dma_wait3A_142 = tpu.memref_squeeze %dma_wait3A_141 : memref<1x16x128xi32, #tpu.memory_space<vmem>> -> memref<16x128xi32, #tpu.memory_space<vmem>>
      %dma_wait3A_143 = tpu.memref_bitcast %arg2 : memref<32x1000000xbf16, #tpu.memory_space<hbm>> -> memref<16x1000000xi32, #tpu.memory_space<hbm>>
      %dma_wait3A_144 = arith.constant 0 : i32
      %dma_wait3A_145 = arith.constant 0 : i32
      %dma_wait3A_146 = tpu.memref_slice %dma_wait3A_143[%dma_wait3A_144, %dma_wait3A_145] : memref<16x1000000xi32, #tpu.memory_space<hbm>> -> memref<16x128xi32, #tpu.memory_space<hbm>>
      %dma_wait3A_147 = arith.constant 0 : i32
      %dma_wait3A_148 = arith.constant 0 : i32
      %dma_wait3A_149 = tpu.memref_slice %arg5[%dma_wait3A_138, %dma_wait3A_147, %dma_wait3A_148] : memref<2x16x128xi32, #tpu.memory_space<vmem>> -> memref<1x16x128xi32, #tpu.memory_space<vmem>>
      %dma_wait3A_150 = tpu.memref_squeeze %dma_wait3A_149 : memref<1x16x128xi32, #tpu.memory_space<vmem>> -> memref<16x128xi32, #tpu.memory_space<vmem>>
      %dma_wait3A_151 = tpu.memref_bitcast %arg2 : memref<32x1000000xbf16, #tpu.memory_space<hbm>> -> memref<16x1000000xi32, #tpu.memory_space<hbm>>
      %dma_wait3A_152 = arith.constant 0 : i32
      %dma_wait3A_153 = arith.constant 0 : i32
      %dma_wait3A_154 = tpu.memref_slice %dma_wait3A_151[%dma_wait3A_152, %dma_wait3A_153] : memref<16x1000000xi32, #tpu.memory_space<hbm>> -> memref<16x128xi32, #tpu.memory_space<hbm>>
      tpu.wait_dma2 semaphore(%arg9 : memref<!tpu.dma_semaphore, #tpu.memory_space<semaphore_mem>>) src(%dma_wait3A_154 : memref<16x128xi32, #tpu.memory_space<hbm>>) dst(%dma_wait3A_150 : memref<16x128xi32, #tpu.memory_space<vmem>>)
      %ge3A_155 = arith.constant 2 : i32
      %ge3A_156 = arith.cmpi sge, %add3A_137, %ge3A_155 : i32
      %convert_element_type3A_157 = arith.extui %ge3A_156 : i1 to i32
      %cond3A_158 = arith.constant 0 : i32
      %cond3A_159 = arith.cmpi ne, %convert_element_type3A_157, %cond3A_158 : i32
      scf.if %cond3A_159 {
        %dma_wait3A_192 = arith.constant 1 : i32
        %dma_wait3A_193 = arith.constant 0 : i32
        %dma_wait3A_194 = arith.constant 0 : i32
        %dma_wait3A_195 = tpu.memref_slice %arg7[%dma_wait3A_192, %dma_wait3A_193, %dma_wait3A_194] : memref<2x16x128xi32, #tpu.memory_space<vmem>> -> memref<1x16x128xi32, #tpu.memory_space<vmem>>
        %dma_wait3A_196 = tpu.memref_squeeze %dma_wait3A_195 : memref<1x16x128xi32, #tpu.memory_space<vmem>> -> memref<16x128xi32, #tpu.memory_space<vmem>>
        %dma_wait3A_197 = arith.constant 0 : i32
        %dma_wait3A_198 = arith.constant 0 : i32
        %dma_wait3A_199 = tpu.memref_slice %arg4[%dma_wait3A_197, %dma_wait3A_198] : memref<125000x128xi32, #tpu.memory_space<hbm>> -> memref<16x128xi32, #tpu.memory_space<hbm>>
        %dma_wait3A_200 = arith.constant 0 : i32
        %dma_wait3A_201 = arith.constant 0 : i32
        %dma_wait3A_202 = tpu.memref_slice %arg4[%dma_wait3A_200, %dma_wait3A_201] : memref<125000x128xi32, #tpu.memory_space<hbm>> -> memref<16x128xi32, #tpu.memory_space<hbm>>
        %dma_wait3A_203 = arith.constant 0 : i32
        %dma_wait3A_204 = arith.constant 0 : i32
        %dma_wait3A_205 = tpu.memref_slice %arg7[%dma_wait3A_192, %dma_wait3A_203, %dma_wait3A_204] : memref<2x16x128xi32, #tpu.memory_space<vmem>> -> memref<1x16x128xi32, #tpu.memory_space<vmem>>
        %dma_wait3A_206 = tpu.memref_squeeze %dma_wait3A_205 : memref<1x16x128xi32, #tpu.memory_space<vmem>> -> memref<16x128xi32, #tpu.memory_space<vmem>>
        tpu.wait_dma2 semaphore(%arg11 : memref<!tpu.dma_semaphore, #tpu.memory_space<semaphore_mem>>) src(%dma_wait3A_206 : memref<16x128xi32, #tpu.memory_space<vmem>>) dst(%dma_wait3A_202 : memref<16x128xi32, #tpu.memory_space<hbm>>)
      } else {
      }
      %iota3A_160 = tpu.iota {dimensions = array<i32: 0>} : vector<16xi32>
      %scan3A_161 = arith.constant 1 : i32
      %scan3A_162 = arith.constant 0 : i32
      %scan3A_163 = arith.constant 16 : i32
      %scan3A_164 = arith.addi %scan3A_162, %scan3A_163 : i32
      %scan3A_165 = arith.constant 1 : i32
      scf.for %scan3A_192 = %scan3A_162 to %scan3A_164 step %scan3A_165  : i32 {
        %mul3A_193 = arith.constant 8 : i32
        %mul3A_194 = arith.muli %scan3A_192, %mul3A_193 : i32
        %add3A_195 = arith.constant 0 : i32
        %add3A_196 = arith.addi %add3A_195, %mul3A_194 : i32
        %shift_right_arithmetic3A = arith.constant 3 : i32
        %shift_right_arithmetic3A_197 = arith.shrsi %add3A_196, %shift_right_arithmetic3A : i32
        %broadcast_in_dim3A = arith.constant 0 : i32
        %broadcast_in_dim3A_198 = vector.broadcast %broadcast_in_dim3A : i32 to vector<16xi32>
        %add3A_199 = arith.constant 0 : i32
        %add3A_200 = arith.addi %add3A_196, %add3A_199 : i32
        %add3A_201 = vector.broadcast %add3A_200 : i32 to vector<16xi32>
        %add3A_202 = arith.addi %broadcast_in_dim3A_198, %add3A_201 : vector<16xi32>
        %gather3A = arith.constant 0 : i32
        %gather3A_203 = arith.constant 0 : i32
        %gather3A_204 = tpu.memref_slice %arg5[%scan3A_161, %gather3A, %gather3A_203] : memref<2x16x128xi32, #tpu.memory_space<vmem>> -> memref<1x16x128xi32, #tpu.memory_space<vmem>>
        %gather3A_205 = tpu.memref_squeeze %gather3A_204 : memref<1x16x128xi32, #tpu.memory_space<vmem>> -> memref<16x128xi32, #tpu.memory_space<vmem>>
        %gather3A_206 = tpu.vector_load_idx %gather3A_205[%iota3A_160, %add3A_202] : memref<16x128xi32, #tpu.memory_space<vmem>>[vector<16xi32>, vector<16xi32>], vector<16xi32>,
        %swap3A = arith.constant 1 : i32
        %swap3A_207 = arith.index_cast %swap3A : i32 to index
        %swap3A_208 = arith.index_cast %shift_right_arithmetic3A_197 : i32 to index
        %swap3A_209 = arith.constant 0 : index
        %swap3A_210 = tpu.vector_load %arg7[%swap3A_207, %swap3A_208, %swap3A_209] {strides = array<i32>} : memref<2x16x128xi32, #tpu.memory_space<vmem>>, vector<16xi32>,
        tpu.vector_store %arg7[%swap3A_207, %swap3A_208, %swap3A_209], %gather3A_206 {strides = array<i32>} : memref<2x16x128xi32, #tpu.memory_space<vmem>>, vector<16xi32>,
        %broadcast_in_dim3A_211 = arith.constant 0 : i32
        %broadcast_in_dim3A_212 = vector.broadcast %broadcast_in_dim3A_211 : i32 to vector<16xi32>
        %add3A_213 = arith.constant 1 : i32
        %add3A_214 = arith.addi %add3A_196, %add3A_213 : i32
        %add3A_215 = vector.broadcast %add3A_214 : i32 to vector<16xi32>
        %add3A_216 = arith.addi %broadcast_in_dim3A_212, %add3A_215 : vector<16xi32>
        %gather3A_217 = arith.constant 0 : i32
        %gather3A_218 = arith.constant 0 : i32
        %gather3A_219 = tpu.memref_slice %arg5[%scan3A_161, %gather3A_217, %gather3A_218] : memref<2x16x128xi32, #tpu.memory_space<vmem>> -> memref<1x16x128xi32, #tpu.memory_space<vmem>>
        %gather3A_220 = tpu.memref_squeeze %gather3A_219 : memref<1x16x128xi32, #tpu.memory_space<vmem>> -> memref<16x128xi32, #tpu.memory_space<vmem>>
        %gather3A_221 = tpu.vector_load_idx %gather3A_220[%iota3A_160, %add3A_216] : memref<16x128xi32, #tpu.memory_space<vmem>>[vector<16xi32>, vector<16xi32>], vector<16xi32>,
        %swap3A_222 = arith.constant 1 : i32
        %swap3A_223 = arith.index_cast %swap3A_222 : i32 to index
        %swap3A_224 = arith.index_cast %shift_right_arithmetic3A_197 : i32 to index
        %swap3A_225 = arith.constant 16 : index
        %swap3A_226 = tpu.vector_load %arg7[%swap3A_223, %swap3A_224, %swap3A_225] {strides = array<i32>} : memref<2x16x128xi32, #tpu.memory_space<vmem>>, vector<16xi32>,
        tpu.vector_store %arg7[%swap3A_223, %swap3A_224, %swap3A_225], %gather3A_221 {strides = array<i32>} : memref<2x16x128xi32, #tpu.memory_space<vmem>>, vector<16xi32>,
        %broadcast_in_dim3A_227 = arith.constant 0 : i32
        %broadcast_in_dim3A_228 = vector.broadcast %broadcast_in_dim3A_227 : i32 to vector<16xi32>
        %add3A_229 = arith.constant 2 : i32
        %add3A_230 = arith.addi %add3A_196, %add3A_229 : i32
        %add3A_231 = vector.broadcast %add3A_230 : i32 to vector<16xi32>
        %add3A_232 = arith.addi %broadcast_in_dim3A_228, %add3A_231 : vector<16xi32>
        %gather3A_233 = arith.constant 0 : i32
        %gather3A_234 = arith.constant 0 : i32
        %gather3A_235 = tpu.memref_slice %arg5[%scan3A_161, %gather3A_233, %gather3A_234] : memref<2x16x128xi32, #tpu.memory_space<vmem>> -> memref<1x16x128xi32, #tpu.memory_space<vmem>>
        %gather3A_236 = tpu.memref_squeeze %gather3A_235 : memref<1x16x128xi32, #tpu.memory_space<vmem>> -> memref<16x128xi32, #tpu.memory_space<vmem>>
        %gather3A_237 = tpu.vector_load_idx %gather3A_236[%iota3A_160, %add3A_232] : memref<16x128xi32, #tpu.memory_space<vmem>>[vector<16xi32>, vector<16xi32>], vector<16xi32>,
        %swap3A_238 = arith.constant 1 : i32
        %swap3A_239 = arith.index_cast %swap3A_238 : i32 to index
        %swap3A_240 = arith.index_cast %shift_right_arithmetic3A_197 : i32 to index
        %swap3A_241 = arith.constant 32 : index
        %swap3A_242 = tpu.vector_load %arg7[%swap3A_239, %swap3A_240, %swap3A_241] {strides = array<i32>} : memref<2x16x128xi32, #tpu.memory_space<vmem>>, vector<16xi32>,
        tpu.vector_store %arg7[%swap3A_239, %swap3A_240, %swap3A_241], %gather3A_237 {strides = array<i32>} : memref<2x16x128xi32, #tpu.memory_space<vmem>>, vector<16xi32>,
        %broadcast_in_dim3A_243 = arith.constant 0 : i32
        %broadcast_in_dim3A_244 = vector.broadcast %broadcast_in_dim3A_243 : i32 to vector<16xi32>
        %add3A_245 = arith.constant 3 : i32
        %add3A_246 = arith.addi %add3A_196, %add3A_245 : i32
        %add3A_247 = vector.broadcast %add3A_246 : i32 to vector<16xi32>
        %add3A_248 = arith.addi %broadcast_in_dim3A_244, %add3A_247 : vector<16xi32>
        %gather3A_249 = arith.constant 0 : i32
        %gather3A_250 = arith.constant 0 : i32
        %gather3A_251 = tpu.memref_slice %arg5[%scan3A_161, %gather3A_249, %gather3A_250] : memref<2x16x128xi32, #tpu.memory_space<vmem>> -> memref<1x16x128xi32, #tpu.memory_space<vmem>>
        %gather3A_252 = tpu.memref_squeeze %gather3A_251 : memref<1x16x128xi32, #tpu.memory_space<vmem>> -> memref<16x128xi32, #tpu.memory_space<vmem>>
        %gather3A_253 = tpu.vector_load_idx %gather3A_252[%iota3A_160, %add3A_248] : memref<16x128xi32, #tpu.memory_space<vmem>>[vector<16xi32>, vector<16xi32>], vector<16xi32>,
        %swap3A_254 = arith.constant 1 : i32
        %swap3A_255 = arith.index_cast %swap3A_254 : i32 to index
        %swap3A_256 = arith.index_cast %shift_right_arithmetic3A_197 : i32 to index
        %swap3A_257 = arith.constant 48 : index
        %swap3A_258 = tpu.vector_load %arg7[%swap3A_255, %swap3A_256, %swap3A_257] {strides = array<i32>} : memref<2x16x128xi32, #tpu.memory_space<vmem>>, vector<16xi32>,
        tpu.vector_store %arg7[%swap3A_255, %swap3A_256, %swap3A_257], %gather3A_253 {strides = array<i32>} : memref<2x16x128xi32, #tpu.memory_space<vmem>>, vector<16xi32>,
        %broadcast_in_dim3A_259 = arith.constant 0 : i32
        %broadcast_in_dim3A_260 = vector.broadcast %broadcast_in_dim3A_259 : i32 to vector<16xi32>
        %add3A_261 = arith.constant 4 : i32
        %add3A_262 = arith.addi %add3A_196, %add3A_261 : i32
        %add3A_263 = vector.broadcast %add3A_262 : i32 to vector<16xi32>
        %add3A_264 = arith.addi %broadcast_in_dim3A_260, %add3A_263 : vector<16xi32>
        %gather3A_265 = arith.constant 0 : i32
        %gather3A_266 = arith.constant 0 : i32
        %gather3A_267 = tpu.memref_slice %arg5[%scan3A_161, %gather3A_265, %gather3A_266] : memref<2x16x128xi32, #tpu.memory_space<vmem>> -> memref<1x16x128xi32, #tpu.memory_space<vmem>>
        %gather3A_268 = tpu.memref_squeeze %gather3A_267 : memref<1x16x128xi32, #tpu.memory_space<vmem>> -> memref<16x128xi32, #tpu.memory_space<vmem>>
        %gather3A_269 = tpu.vector_load_idx %gather3A_268[%iota3A_160, %add3A_264] : memref<16x128xi32, #tpu.memory_space<vmem>>[vector<16xi32>, vector<16xi32>], vector<16xi32>,
        %swap3A_270 = arith.constant 1 : i32
        %swap3A_271 = arith.index_cast %swap3A_270 : i32 to index
        %swap3A_272 = arith.index_cast %shift_right_arithmetic3A_197 : i32 to index
        %swap3A_273 = arith.constant 64 : index
        %swap3A_274 = tpu.vector_load %arg7[%swap3A_271, %swap3A_272, %swap3A_273] {strides = array<i32>} : memref<2x16x128xi32, #tpu.memory_space<vmem>>, vector<16xi32>,
        tpu.vector_store %arg7[%swap3A_271, %swap3A_272, %swap3A_273], %gather3A_269 {strides = array<i32>} : memref<2x16x128xi32, #tpu.memory_space<vmem>>, vector<16xi32>,
        %broadcast_in_dim3A_275 = arith.constant 0 : i32
        %broadcast_in_dim3A_276 = vector.broadcast %broadcast_in_dim3A_275 : i32 to vector<16xi32>
        %add3A_277 = arith.constant 5 : i32
        %add3A_278 = arith.addi %add3A_196, %add3A_277 : i32
        %add3A_279 = vector.broadcast %add3A_278 : i32 to vector<16xi32>
        %add3A_280 = arith.addi %broadcast_in_dim3A_276, %add3A_279 : vector<16xi32>
        %gather3A_281 = arith.constant 0 : i32
        %gather3A_282 = arith.constant 0 : i32
        %gather3A_283 = tpu.memref_slice %arg5[%scan3A_161, %gather3A_281, %gather3A_282] : memref<2x16x128xi32, #tpu.memory_space<vmem>> -> memref<1x16x128xi32, #tpu.memory_space<vmem>>
        %gather3A_284 = tpu.memref_squeeze %gather3A_283 : memref<1x16x128xi32, #tpu.memory_space<vmem>> -> memref<16x128xi32, #tpu.memory_space<vmem>>
        %gather3A_285 = tpu.vector_load_idx %gather3A_284[%iota3A_160, %add3A_280] : memref<16x128xi32, #tpu.memory_space<vmem>>[vector<16xi32>, vector<16xi32>], vector<16xi32>,
        %swap3A_286 = arith.constant 1 : i32
        %swap3A_287 = arith.index_cast %swap3A_286 : i32 to index
        %swap3A_288 = arith.index_cast %shift_right_arithmetic3A_197 : i32 to index
        %swap3A_289 = arith.constant 80 : index
        %swap3A_290 = tpu.vector_load %arg7[%swap3A_287, %swap3A_288, %swap3A_289] {strides = array<i32>} : memref<2x16x128xi32, #tpu.memory_space<vmem>>, vector<16xi32>,
        tpu.vector_store %arg7[%swap3A_287, %swap3A_288, %swap3A_289], %gather3A_285 {strides = array<i32>} : memref<2x16x128xi32, #tpu.memory_space<vmem>>, vector<16xi32>,
        %broadcast_in_dim3A_291 = arith.constant 0 : i32
        %broadcast_in_dim3A_292 = vector.broadcast %broadcast_in_dim3A_291 : i32 to vector<16xi32>
        %add3A_293 = arith.constant 6 : i32
        %add3A_294 = arith.addi %add3A_196, %add3A_293 : i32
        %add3A_295 = vector.broadcast %add3A_294 : i32 to vector<16xi32>
        %add3A_296 = arith.addi %broadcast_in_dim3A_292, %add3A_295 : vector<16xi32>
        %gather3A_297 = arith.constant 0 : i32
        %gather3A_298 = arith.constant 0 : i32
        %gather3A_299 = tpu.memref_slice %arg5[%scan3A_161, %gather3A_297, %gather3A_298] : memref<2x16x128xi32, #tpu.memory_space<vmem>> -> memref<1x16x128xi32, #tpu.memory_space<vmem>>
        %gather3A_300 = tpu.memref_squeeze %gather3A_299 : memref<1x16x128xi32, #tpu.memory_space<vmem>> -> memref<16x128xi32, #tpu.memory_space<vmem>>
        %gather3A_301 = tpu.vector_load_idx %gather3A_300[%iota3A_160, %add3A_296] : memref<16x128xi32, #tpu.memory_space<vmem>>[vector<16xi32>, vector<16xi32>], vector<16xi32>,
        %swap3A_302 = arith.constant 1 : i32
        %swap3A_303 = arith.index_cast %swap3A_302 : i32 to index
        %swap3A_304 = arith.index_cast %shift_right_arithmetic3A_197 : i32 to index
        %swap3A_305 = arith.constant 96 : index
        %swap3A_306 = tpu.vector_load %arg7[%swap3A_303, %swap3A_304, %swap3A_305] {strides = array<i32>} : memref<2x16x128xi32, #tpu.memory_space<vmem>>, vector<16xi32>,
        tpu.vector_store %arg7[%swap3A_303, %swap3A_304, %swap3A_305], %gather3A_301 {strides = array<i32>} : memref<2x16x128xi32, #tpu.memory_space<vmem>>, vector<16xi32>,
        %broadcast_in_dim3A_307 = arith.constant 0 : i32
        %broadcast_in_dim3A_308 = vector.broadcast %broadcast_in_dim3A_307 : i32 to vector<16xi32>
        %add3A_309 = arith.constant 7 : i32
        %add3A_310 = arith.addi %add3A_196, %add3A_309 : i32
        %add3A_311 = vector.broadcast %add3A_310 : i32 to vector<16xi32>
        %add3A_312 = arith.addi %broadcast_in_dim3A_308, %add3A_311 : vector<16xi32>
        %gather3A_313 = arith.constant 0 : i32
        %gather3A_314 = arith.constant 0 : i32
        %gather3A_315 = tpu.memref_slice %arg5[%scan3A_161, %gather3A_313, %gather3A_314] : memref<2x16x128xi32, #tpu.memory_space<vmem>> -> memref<1x16x128xi32, #tpu.memory_space<vmem>>
        %gather3A_316 = tpu.memref_squeeze %gather3A_315 : memref<1x16x128xi32, #tpu.memory_space<vmem>> -> memref<16x128xi32, #tpu.memory_space<vmem>>
        %gather3A_317 = tpu.vector_load_idx %gather3A_316[%iota3A_160, %add3A_312] : memref<16x128xi32, #tpu.memory_space<vmem>>[vector<16xi32>, vector<16xi32>], vector<16xi32>,
        %swap3A_318 = arith.constant 1 : i32
        %swap3A_319 = arith.index_cast %swap3A_318 : i32 to index
        %swap3A_320 = arith.index_cast %shift_right_arithmetic3A_197 : i32 to index
        %swap3A_321 = arith.constant 112 : index
        %swap3A_322 = tpu.vector_load %arg7[%swap3A_319, %swap3A_320, %swap3A_321] {strides = array<i32>} : memref<2x16x128xi32, #tpu.memory_space<vmem>>, vector<16xi32>,
        tpu.vector_store %arg7[%swap3A_319, %swap3A_320, %swap3A_321], %gather3A_317 {strides = array<i32>} : memref<2x16x128xi32, #tpu.memory_space<vmem>>, vector<16xi32>,
      }
      %scan3A_166 = arith.constant 16 : i32
      %add3A_167 = arith.constant 2 : i32
      %add3A_168 = arith.addi %add3A_137, %add3A_167 : i32
      %lt3A_169 = arith.constant 244 : i32
      %lt3A_170 = arith.cmpi slt, %add3A_168, %lt3A_169 : i32
      %convert_element_type3A_171 = arith.extui %lt3A_170 : i1 to i32
      %cond3A_172 = arith.constant 0 : i32
      %cond3A_173 = arith.cmpi ne, %convert_element_type3A_171, %cond3A_172 : i32
      scf.if %cond3A_173 {
        %add3A_192 = arith.constant 2 : i32
        %add3A_193 = arith.addi %add3A_137, %add3A_192 : i32
        %mul3A_194 = arith.constant 32 : i32
        %mul3A_195 = arith.muli %mul3A_194, %add3A_193 : i32
        %add3A_196 = arith.addi %add3A, %mul3A_195 : i32
        %mul3A_197 = arith.constant 128 : i32
        %mul3A_198 = arith.muli %add3A_196, %mul3A_197 : i32
        %dma_start3A_199 = arith.constant 1 : i32
        %dma_start3A_200 = arith.constant 0 : i32
        %dma_start3A_201 = arith.constant 0 : i32
        %dma_start3A_202 = tpu.memref_slice %arg5[%dma_start3A_199, %dma_start3A_200, %dma_start3A_201] : memref<2x16x128xi32, #tpu.memory_space<vmem>> -> memref<1x16x128xi32, #tpu.memory_space<vmem>>
        %dma_start3A_203 = tpu.memref_squeeze %dma_start3A_202 : memref<1x16x128xi32, #tpu.memory_space<vmem>> -> memref<16x128xi32, #tpu.memory_space<vmem>>
        %dma_start3A_204 = tpu.memref_bitcast %arg2 : memref<32x1000000xbf16, #tpu.memory_space<hbm>> -> memref<16x1000000xi32, #tpu.memory_space<hbm>>
        %dma_start3A_205 = arith.constant 0 : i32
        %dma_start3A_206 = tpu.memref_slice %dma_start3A_204[%dma_start3A_205, %mul3A_198] : memref<16x1000000xi32, #tpu.memory_space<hbm>> -> memref<16x128xi32, #tpu.memory_space<hbm>>
        %dma_start3A_207 = arith.constant 0 : i32
        %dma_start3A_208 = arith.constant 0 : i32
        %dma_start3A_209 = tpu.memref_slice %arg5[%dma_start3A_199, %dma_start3A_207, %dma_start3A_208] : memref<2x16x128xi32, #tpu.memory_space<vmem>> -> memref<1x16x128xi32, #tpu.memory_space<vmem>>
        %dma_start3A_210 = tpu.memref_squeeze %dma_start3A_209 : memref<1x16x128xi32, #tpu.memory_space<vmem>> -> memref<16x128xi32, #tpu.memory_space<vmem>>
        %dma_start3A_211 = tpu.memref_bitcast %arg2 : memref<32x1000000xbf16, #tpu.memory_space<hbm>> -> memref<16x1000000xi32, #tpu.memory_space<hbm>>
        %dma_start3A_212 = arith.constant 0 : i32
        %dma_start3A_213 = tpu.memref_slice %dma_start3A_211[%dma_start3A_212, %mul3A_198] : memref<16x1000000xi32, #tpu.memory_space<hbm>> -> memref<16x128xi32, #tpu.memory_space<hbm>>
        tpu.enqueue_dma source(%dma_start3A_213 : memref<16x128xi32, #tpu.memory_space<hbm>>) target(%dma_start3A_210 : memref<16x128xi32, #tpu.memory_space<vmem>>) target_semaphore(%arg9 : memref<!tpu.dma_semaphore, #tpu.memory_space<semaphore_mem>>)
      } else {
      }
      %mul3A_174 = arith.constant 32 : i32
      %mul3A_175 = arith.muli %mul3A_174, %add3A_137 : i32
      %add3A_176 = arith.addi %add3A, %mul3A_175 : i32
      %mul3A_177 = arith.constant 16 : i32
      %mul3A_178 = arith.muli %add3A_176, %mul3A_177 : i32
      %dma_start3A_179 = arith.constant 1 : i32
      %dma_start3A_180 = arith.constant 0 : i32
      %dma_start3A_181 = arith.constant 0 : i32
      %dma_start3A_182 = tpu.memref_slice %arg7[%dma_start3A_179, %dma_start3A_180, %dma_start3A_181] : memref<2x16x128xi32, #tpu.memory_space<vmem>> -> memref<1x16x128xi32, #tpu.memory_space<vmem>>
      %dma_start3A_183 = tpu.memref_squeeze %dma_start3A_182 : memref<1x16x128xi32, #tpu.memory_space<vmem>> -> memref<16x128xi32, #tpu.memory_space<vmem>>
      %dma_start3A_184 = arith.constant 0 : i32
      %dma_start3A_185 = tpu.memref_slice %arg4[%mul3A_178, %dma_start3A_184] : memref<125000x128xi32, #tpu.memory_space<hbm>> -> memref<16x128xi32, #tpu.memory_space<hbm>>
      %dma_start3A_186 = arith.constant 0 : i32
      %dma_start3A_187 = tpu.memref_slice %arg4[%mul3A_178, %dma_start3A_186] : memref<125000x128xi32, #tpu.memory_space<hbm>> -> memref<16x128xi32, #tpu.memory_space<hbm>>
      %dma_start3A_188 = arith.constant 0 : i32
      %dma_start3A_189 = arith.constant 0 : i32
      %dma_start3A_190 = tpu.memref_slice %arg7[%dma_start3A_179, %dma_start3A_188, %dma_start3A_189] : memref<2x16x128xi32, #tpu.memory_space<vmem>> -> memref<1x16x128xi32, #tpu.memory_space<vmem>>
      %dma_start3A_191 = tpu.memref_squeeze %dma_start3A_190 : memref<1x16x128xi32, #tpu.memory_space<vmem>> -> memref<16x128xi32, #tpu.memory_space<vmem>>
      tpu.enqueue_dma source(%dma_start3A_191 : memref<16x128xi32, #tpu.memory_space<vmem>>) target(%dma_start3A_187 : memref<16x128xi32, #tpu.memory_space<hbm>>) target_semaphore(%arg11 : memref<!tpu.dma_semaphore, #tpu.memory_space<semaphore_mem>>)
    }
    %scan3A_41 = arith.constant 122 : i32
    %dma_wait3A = arith.constant 0 : i32
    %dma_wait3A_42 = arith.constant 0 : i32
    %dma_wait3A_43 = arith.constant 0 : i32
    %dma_wait3A_44 = tpu.memref_slice %arg7[%dma_wait3A, %dma_wait3A_42, %dma_wait3A_43] : memref<2x16x128xi32, #tpu.memory_space<vmem>> -> memref<1x16x128xi32, #tpu.memory_space<vmem>>
    %dma_wait3A_45 = tpu.memref_squeeze %dma_wait3A_44 : memref<1x16x128xi32, #tpu.memory_space<vmem>> -> memref<16x128xi32, #tpu.memory_space<vmem>>
    %dma_wait3A_46 = arith.constant 0 : i32
    %dma_wait3A_47 = arith.constant 0 : i32
    %dma_wait3A_48 = tpu.memref_slice %arg4[%dma_wait3A_46, %dma_wait3A_47] : memref<125000x128xi32, #tpu.memory_space<hbm>> -> memref<16x128xi32, #tpu.memory_space<hbm>>
    %dma_wait3A_49 = arith.constant 0 : i32
    %dma_wait3A_50 = arith.constant 0 : i32
    %dma_wait3A_51 = tpu.memref_slice %arg4[%dma_wait3A_49, %dma_wait3A_50] : memref<125000x128xi32, #tpu.memory_space<hbm>> -> memref<16x128xi32, #tpu.memory_space<hbm>>
    %dma_wait3A_52 = arith.constant 0 : i32
    %dma_wait3A_53 = arith.constant 0 : i32
    %dma_wait3A_54 = tpu.memref_slice %arg7[%dma_wait3A, %dma_wait3A_52, %dma_wait3A_53] : memref<2x16x128xi32, #tpu.memory_space<vmem>> -> memref<1x16x128xi32, #tpu.memory_space<vmem>>
    %dma_wait3A_55 = tpu.memref_squeeze %dma_wait3A_54 : memref<1x16x128xi32, #tpu.memory_space<vmem>> -> memref<16x128xi32, #tpu.memory_space<vmem>>
    tpu.wait_dma2 semaphore(%arg10 : memref<!tpu.dma_semaphore, #tpu.memory_space<semaphore_mem>>) src(%dma_wait3A_55 : memref<16x128xi32, #tpu.memory_space<vmem>>) dst(%dma_wait3A_51 : memref<16x128xi32, #tpu.memory_space<hbm>>)
    %dma_wait3A_56 = arith.constant 1 : i32
    %dma_wait3A_57 = arith.constant 0 : i32
    %dma_wait3A_58 = arith.constant 0 : i32
    %dma_wait3A_59 = tpu.memref_slice %arg7[%dma_wait3A_56, %dma_wait3A_57, %dma_wait3A_58] : memref<2x16x128xi32, #tpu.memory_space<vmem>> -> memref<1x16x128xi32, #tpu.memory_space<vmem>>
    %dma_wait3A_60 = tpu.memref_squeeze %dma_wait3A_59 : memref<1x16x128xi32, #tpu.memory_space<vmem>> -> memref<16x128xi32, #tpu.memory_space<vmem>>
    %dma_wait3A_61 = arith.constant 0 : i32
    %dma_wait3A_62 = arith.constant 0 : i32
    %dma_wait3A_63 = tpu.memref_slice %arg4[%dma_wait3A_61, %dma_wait3A_62] : memref<125000x128xi32, #tpu.memory_space<hbm>> -> memref<16x128xi32, #tpu.memory_space<hbm>>
    %dma_wait3A_64 = arith.constant 0 : i32
    %dma_wait3A_65 = arith.constant 0 : i32
    %dma_wait3A_66 = tpu.memref_slice %arg4[%dma_wait3A_64, %dma_wait3A_65] : memref<125000x128xi32, #tpu.memory_space<hbm>> -> memref<16x128xi32, #tpu.memory_space<hbm>>
    %dma_wait3A_67 = arith.constant 0 : i32
    %dma_wait3A_68 = arith.constant 0 : i32
    %dma_wait3A_69 = tpu.memref_slice %arg7[%dma_wait3A_56, %dma_wait3A_67, %dma_wait3A_68] : memref<2x16x128xi32, #tpu.memory_space<vmem>> -> memref<1x16x128xi32, #tpu.memory_space<vmem>>
    %dma_wait3A_70 = tpu.memref_squeeze %dma_wait3A_69 : memref<1x16x128xi32, #tpu.memory_space<vmem>> -> memref<16x128xi32, #tpu.memory_space<vmem>>
    tpu.wait_dma2 semaphore(%arg11 : memref<!tpu.dma_semaphore, #tpu.memory_space<semaphore_mem>>) src(%dma_wait3A_70 : memref<16x128xi32, #tpu.memory_space<vmem>>) dst(%dma_wait3A_66 : memref<16x128xi32, #tpu.memory_space<hbm>>)
    %lt3A = arith.constant 4 : i32
    %lt3A_71 = arith.cmpi slt, %add3A, %lt3A : i32
    %convert_element_type3A = arith.extui %lt3A_71 : i1 to i32
    %cond3A = arith.constant 0 : i32
    %cond3A_72 = arith.cmpi ne, %convert_element_type3A, %cond3A : i32
    scf.if %cond3A_72 {
      %add3A_77 = arith.constant 7808 : i32
      %add3A_78 = arith.addi %add3A, %add3A_77 : i32
      %mul3A_79 = arith.constant 128 : i32
      %mul3A_80 = arith.muli %add3A_78, %mul3A_79 : i32
      %run_scoped3A = arith.constant 0 : i32
      "tpu.region"() ({
        %run_scoped3A_90 = tpu.sem_alloc : memref<!tpu.dma_semaphore, #tpu.memory_space<semaphore_mem>>
        %dma_start3A_91 = arith.constant 0 : i32
        %dma_start3A_92 = arith.constant 0 : i32
        %dma_start3A_93 = tpu.memref_slice %arg5[%run_scoped3A, %dma_start3A_91, %dma_start3A_92] : memref<2x16x128xi32, #tpu.memory_space<vmem>> -> memref<1x16x128xi32, #tpu.memory_space<vmem>>
        %dma_start3A_94 = tpu.memref_squeeze %dma_start3A_93 : memref<1x16x128xi32, #tpu.memory_space<vmem>> -> memref<16x128xi32, #tpu.memory_space<vmem>>
        %dma_start3A_95 = tpu.memref_bitcast %arg2 : memref<32x1000000xbf16, #tpu.memory_space<hbm>> -> memref<16x1000000xi32, #tpu.memory_space<hbm>>
        %dma_start3A_96 = arith.constant 0 : i32
        %dma_start3A_97 = tpu.memref_slice %dma_start3A_95[%dma_start3A_96, %mul3A_80] : memref<16x1000000xi32, #tpu.memory_space<hbm>> -> memref<16x128xi32, #tpu.memory_space<hbm>>
        %dma_start3A_98 = arith.constant 0 : i32
        %dma_start3A_99 = arith.constant 0 : i32
        %dma_start3A_100 = tpu.memref_slice %arg5[%run_scoped3A, %dma_start3A_98, %dma_start3A_99] : memref<2x16x128xi32, #tpu.memory_space<vmem>> -> memref<1x16x128xi32, #tpu.memory_space<vmem>>
        %dma_start3A_101 = tpu.memref_squeeze %dma_start3A_100 : memref<1x16x128xi32, #tpu.memory_space<vmem>> -> memref<16x128xi32, #tpu.memory_space<vmem>>
        %dma_start3A_102 = tpu.memref_bitcast %arg2 : memref<32x1000000xbf16, #tpu.memory_space<hbm>> -> memref<16x1000000xi32, #tpu.memory_space<hbm>>
        %dma_start3A_103 = arith.constant 0 : i32
        %dma_start3A_104 = tpu.memref_slice %dma_start3A_102[%dma_start3A_103, %mul3A_80] : memref<16x1000000xi32, #tpu.memory_space<hbm>> -> memref<16x128xi32, #tpu.memory_space<hbm>>
        tpu.enqueue_dma source(%dma_start3A_104 : memref<16x128xi32, #tpu.memory_space<hbm>>) target(%dma_start3A_101 : memref<16x128xi32, #tpu.memory_space<vmem>>) target_semaphore(%run_scoped3A_90 : memref<!tpu.dma_semaphore, #tpu.memory_space<semaphore_mem>>)
        %dma_wait3A_105 = arith.constant 0 : i32
        %dma_wait3A_106 = arith.constant 0 : i32
        %dma_wait3A_107 = tpu.memref_slice %arg5[%run_scoped3A, %dma_wait3A_105, %dma_wait3A_106] : memref<2x16x128xi32, #tpu.memory_space<vmem>> -> memref<1x16x128xi32, #tpu.memory_space<vmem>>
        %dma_wait3A_108 = tpu.memref_squeeze %dma_wait3A_107 : memref<1x16x128xi32, #tpu.memory_space<vmem>> -> memref<16x128xi32, #tpu.memory_space<vmem>>
        %dma_wait3A_109 = tpu.memref_bitcast %arg2 : memref<32x1000000xbf16, #tpu.memory_space<hbm>> -> memref<16x1000000xi32, #tpu.memory_space<hbm>>
        %dma_wait3A_110 = arith.constant 0 : i32
        %dma_wait3A_111 = tpu.memref_slice %dma_wait3A_109[%dma_wait3A_110, %mul3A_80] : memref<16x1000000xi32, #tpu.memory_space<hbm>> -> memref<16x128xi32, #tpu.memory_space<hbm>>
        %dma_wait3A_112 = arith.constant 0 : i32
        %dma_wait3A_113 = arith.constant 0 : i32
        %dma_wait3A_114 = tpu.memref_slice %arg5[%run_scoped3A, %dma_wait3A_112, %dma_wait3A_113] : memref<2x16x128xi32, #tpu.memory_space<vmem>> -> memref<1x16x128xi32, #tpu.memory_space<vmem>>
        %dma_wait3A_115 = tpu.memref_squeeze %dma_wait3A_114 : memref<1x16x128xi32, #tpu.memory_space<vmem>> -> memref<16x128xi32, #tpu.memory_space<vmem>>
        %dma_wait3A_116 = tpu.memref_bitcast %arg2 : memref<32x1000000xbf16, #tpu.memory_space<hbm>> -> memref<16x1000000xi32, #tpu.memory_space<hbm>>
        %dma_wait3A_117 = arith.constant 0 : i32
        %dma_wait3A_118 = tpu.memref_slice %dma_wait3A_116[%dma_wait3A_117, %mul3A_80] : memref<16x1000000xi32, #tpu.memory_space<hbm>> -> memref<16x128xi32, #tpu.memory_space<hbm>>
        tpu.wait_dma2 semaphore(%run_scoped3A_90 : memref<!tpu.dma_semaphore, #tpu.memory_space<semaphore_mem>>) src(%dma_wait3A_118 : memref<16x128xi32, #tpu.memory_space<hbm>>) dst(%dma_wait3A_115 : memref<16x128xi32, #tpu.memory_space<vmem>>)
        tpu.yield
      }) : () -> ()
      %iota3A = tpu.iota {dimensions = array<i32: 0>} : vector<16xi32>
      %scan3A_81 = arith.constant 0 : i32
      %scan3A_82 = arith.constant 0 : i32
      %scan3A_83 = arith.constant 16 : i32
      %scan3A_84 = arith.addi %scan3A_82, %scan3A_83 : i32
      %scan3A_85 = arith.constant 1 : i32
      scf.for %scan3A_90 = %scan3A_82 to %scan3A_84 step %scan3A_85  : i32 {
        %mul3A_91 = arith.constant 8 : i32
        %mul3A_92 = arith.muli %scan3A_90, %mul3A_91 : i32
        %add3A_93 = arith.constant 0 : i32
        %add3A_94 = arith.addi %add3A_93, %mul3A_92 : i32
        %shift_right_arithmetic3A = arith.constant 3 : i32
        %shift_right_arithmetic3A_95 = arith.shrsi %add3A_94, %shift_right_arithmetic3A : i32
        %broadcast_in_dim3A = arith.constant 0 : i32
        %broadcast_in_dim3A_96 = vector.broadcast %broadcast_in_dim3A : i32 to vector<16xi32>
        %add3A_97 = arith.constant 0 : i32
        %add3A_98 = arith.addi %add3A_94, %add3A_97 : i32
        %add3A_99 = vector.broadcast %add3A_98 : i32 to vector<16xi32>
        %add3A_100 = arith.addi %broadcast_in_dim3A_96, %add3A_99 : vector<16xi32>
        %gather3A = arith.constant 0 : i32
        %gather3A_101 = arith.constant 0 : i32
        %gather3A_102 = tpu.memref_slice %arg5[%scan3A_81, %gather3A, %gather3A_101] : memref<2x16x128xi32, #tpu.memory_space<vmem>> -> memref<1x16x128xi32, #tpu.memory_space<vmem>>
        %gather3A_103 = tpu.memref_squeeze %gather3A_102 : memref<1x16x128xi32, #tpu.memory_space<vmem>> -> memref<16x128xi32, #tpu.memory_space<vmem>>
        %gather3A_104 = tpu.vector_load_idx %gather3A_103[%iota3A, %add3A_100] : memref<16x128xi32, #tpu.memory_space<vmem>>[vector<16xi32>, vector<16xi32>], vector<16xi32>,
        %swap3A = arith.constant 0 : i32
        %swap3A_105 = arith.index_cast %swap3A : i32 to index
        %swap3A_106 = arith.index_cast %shift_right_arithmetic3A_95 : i32 to index
        %swap3A_107 = arith.constant 0 : index
        %swap3A_108 = tpu.vector_load %arg7[%swap3A_105, %swap3A_106, %swap3A_107] {strides = array<i32>} : memref<2x16x128xi32, #tpu.memory_space<vmem>>, vector<16xi32>,
        tpu.vector_store %arg7[%swap3A_105, %swap3A_106, %swap3A_107], %gather3A_104 {strides = array<i32>} : memref<2x16x128xi32, #tpu.memory_space<vmem>>, vector<16xi32>,
        %broadcast_in_dim3A_109 = arith.constant 0 : i32
        %broadcast_in_dim3A_110 = vector.broadcast %broadcast_in_dim3A_109 : i32 to vector<16xi32>
        %add3A_111 = arith.constant 1 : i32
        %add3A_112 = arith.addi %add3A_94, %add3A_111 : i32
        %add3A_113 = vector.broadcast %add3A_112 : i32 to vector<16xi32>
        %add3A_114 = arith.addi %broadcast_in_dim3A_110, %add3A_113 : vector<16xi32>
        %gather3A_115 = arith.constant 0 : i32
        %gather3A_116 = arith.constant 0 : i32
        %gather3A_117 = tpu.memref_slice %arg5[%scan3A_81, %gather3A_115, %gather3A_116] : memref<2x16x128xi32, #tpu.memory_space<vmem>> -> memref<1x16x128xi32, #tpu.memory_space<vmem>>
        %gather3A_118 = tpu.memref_squeeze %gather3A_117 : memref<1x16x128xi32, #tpu.memory_space<vmem>> -> memref<16x128xi32, #tpu.memory_space<vmem>>
        %gather3A_119 = tpu.vector_load_idx %gather3A_118[%iota3A, %add3A_114] : memref<16x128xi32, #tpu.memory_space<vmem>>[vector<16xi32>, vector<16xi32>], vector<16xi32>,
        %swap3A_120 = arith.constant 0 : i32
        %swap3A_121 = arith.index_cast %swap3A_120 : i32 to index
        %swap3A_122 = arith.index_cast %shift_right_arithmetic3A_95 : i32 to index
        %swap3A_123 = arith.constant 16 : index
        %swap3A_124 = tpu.vector_load %arg7[%swap3A_121, %swap3A_122, %swap3A_123] {strides = array<i32>} : memref<2x16x128xi32, #tpu.memory_space<vmem>>, vector<16xi32>,
        tpu.vector_store %arg7[%swap3A_121, %swap3A_122, %swap3A_123], %gather3A_119 {strides = array<i32>} : memref<2x16x128xi32, #tpu.memory_space<vmem>>, vector<16xi32>,
        %broadcast_in_dim3A_125 = arith.constant 0 : i32
        %broadcast_in_dim3A_126 = vector.broadcast %broadcast_in_dim3A_125 : i32 to vector<16xi32>
        %add3A_127 = arith.constant 2 : i32
        %add3A_128 = arith.addi %add3A_94, %add3A_127 : i32
        %add3A_129 = vector.broadcast %add3A_128 : i32 to vector<16xi32>
        %add3A_130 = arith.addi %broadcast_in_dim3A_126, %add3A_129 : vector<16xi32>
        %gather3A_131 = arith.constant 0 : i32
        %gather3A_132 = arith.constant 0 : i32
        %gather3A_133 = tpu.memref_slice %arg5[%scan3A_81, %gather3A_131, %gather3A_132] : memref<2x16x128xi32, #tpu.memory_space<vmem>> -> memref<1x16x128xi32, #tpu.memory_space<vmem>>
        %gather3A_134 = tpu.memref_squeeze %gather3A_133 : memref<1x16x128xi32, #tpu.memory_space<vmem>> -> memref<16x128xi32, #tpu.memory_space<vmem>>
        %gather3A_135 = tpu.vector_load_idx %gather3A_134[%iota3A, %add3A_130] : memref<16x128xi32, #tpu.memory_space<vmem>>[vector<16xi32>, vector<16xi32>], vector<16xi32>,
        %swap3A_136 = arith.constant 0 : i32
        %swap3A_137 = arith.index_cast %swap3A_136 : i32 to index
        %swap3A_138 = arith.index_cast %shift_right_arithmetic3A_95 : i32 to index
        %swap3A_139 = arith.constant 32 : index
        %swap3A_140 = tpu.vector_load %arg7[%swap3A_137, %swap3A_138, %swap3A_139] {strides = array<i32>} : memref<2x16x128xi32, #tpu.memory_space<vmem>>, vector<16xi32>,
        tpu.vector_store %arg7[%swap3A_137, %swap3A_138, %swap3A_139], %gather3A_135 {strides = array<i32>} : memref<2x16x128xi32, #tpu.memory_space<vmem>>, vector<16xi32>,
        %broadcast_in_dim3A_141 = arith.constant 0 : i32
        %broadcast_in_dim3A_142 = vector.broadcast %broadcast_in_dim3A_141 : i32 to vector<16xi32>
        %add3A_143 = arith.constant 3 : i32
        %add3A_144 = arith.addi %add3A_94, %add3A_143 : i32
        %add3A_145 = vector.broadcast %add3A_144 : i32 to vector<16xi32>
        %add3A_146 = arith.addi %broadcast_in_dim3A_142, %add3A_145 : vector<16xi32>
        %gather3A_147 = arith.constant 0 : i32
        %gather3A_148 = arith.constant 0 : i32
        %gather3A_149 = tpu.memref_slice %arg5[%scan3A_81, %gather3A_147, %gather3A_148] : memref<2x16x128xi32, #tpu.memory_space<vmem>> -> memref<1x16x128xi32, #tpu.memory_space<vmem>>
        %gather3A_150 = tpu.memref_squeeze %gather3A_149 : memref<1x16x128xi32, #tpu.memory_space<vmem>> -> memref<16x128xi32, #tpu.memory_space<vmem>>
        %gather3A_151 = tpu.vector_load_idx %gather3A_150[%iota3A, %add3A_146] : memref<16x128xi32, #tpu.memory_space<vmem>>[vector<16xi32>, vector<16xi32>], vector<16xi32>,
        %swap3A_152 = arith.constant 0 : i32
        %swap3A_153 = arith.index_cast %swap3A_152 : i32 to index
        %swap3A_154 = arith.index_cast %shift_right_arithmetic3A_95 : i32 to index
        %swap3A_155 = arith.constant 48 : index
        %swap3A_156 = tpu.vector_load %arg7[%swap3A_153, %swap3A_154, %swap3A_155] {strides = array<i32>} : memref<2x16x128xi32, #tpu.memory_space<vmem>>, vector<16xi32>,
        tpu.vector_store %arg7[%swap3A_153, %swap3A_154, %swap3A_155], %gather3A_151 {strides = array<i32>} : memref<2x16x128xi32, #tpu.memory_space<vmem>>, vector<16xi32>,
        %broadcast_in_dim3A_157 = arith.constant 0 : i32
        %broadcast_in_dim3A_158 = vector.broadcast %broadcast_in_dim3A_157 : i32 to vector<16xi32>
        %add3A_159 = arith.constant 4 : i32
        %add3A_160 = arith.addi %add3A_94, %add3A_159 : i32
        %add3A_161 = vector.broadcast %add3A_160 : i32 to vector<16xi32>
        %add3A_162 = arith.addi %broadcast_in_dim3A_158, %add3A_161 : vector<16xi32>
        %gather3A_163 = arith.constant 0 : i32
        %gather3A_164 = arith.constant 0 : i32
        %gather3A_165 = tpu.memref_slice %arg5[%scan3A_81, %gather3A_163, %gather3A_164] : memref<2x16x128xi32, #tpu.memory_space<vmem>> -> memref<1x16x128xi32, #tpu.memory_space<vmem>>
        %gather3A_166 = tpu.memref_squeeze %gather3A_165 : memref<1x16x128xi32, #tpu.memory_space<vmem>> -> memref<16x128xi32, #tpu.memory_space<vmem>>
        %gather3A_167 = tpu.vector_load_idx %gather3A_166[%iota3A, %add3A_162] : memref<16x128xi32, #tpu.memory_space<vmem>>[vector<16xi32>, vector<16xi32>], vector<16xi32>,
        %swap3A_168 = arith.constant 0 : i32
        %swap3A_169 = arith.index_cast %swap3A_168 : i32 to index
        %swap3A_170 = arith.index_cast %shift_right_arithmetic3A_95 : i32 to index
        %swap3A_171 = arith.constant 64 : index
        %swap3A_172 = tpu.vector_load %arg7[%swap3A_169, %swap3A_170, %swap3A_171] {strides = array<i32>} : memref<2x16x128xi32, #tpu.memory_space<vmem>>, vector<16xi32>,
        tpu.vector_store %arg7[%swap3A_169, %swap3A_170, %swap3A_171], %gather3A_167 {strides = array<i32>} : memref<2x16x128xi32, #tpu.memory_space<vmem>>, vector<16xi32>,
        %broadcast_in_dim3A_173 = arith.constant 0 : i32
        %broadcast_in_dim3A_174 = vector.broadcast %broadcast_in_dim3A_173 : i32 to vector<16xi32>
        %add3A_175 = arith.constant 5 : i32
        %add3A_176 = arith.addi %add3A_94, %add3A_175 : i32
        %add3A_177 = vector.broadcast %add3A_176 : i32 to vector<16xi32>
        %add3A_178 = arith.addi %broadcast_in_dim3A_174, %add3A_177 : vector<16xi32>
        %gather3A_179 = arith.constant 0 : i32
        %gather3A_180 = arith.constant 0 : i32
        %gather3A_181 = tpu.memref_slice %arg5[%scan3A_81, %gather3A_179, %gather3A_180] : memref<2x16x128xi32, #tpu.memory_space<vmem>> -> memref<1x16x128xi32, #tpu.memory_space<vmem>>
        %gather3A_182 = tpu.memref_squeeze %gather3A_181 : memref<1x16x128xi32, #tpu.memory_space<vmem>> -> memref<16x128xi32, #tpu.memory_space<vmem>>
        %gather3A_183 = tpu.vector_load_idx %gather3A_182[%iota3A, %add3A_178] : memref<16x128xi32, #tpu.memory_space<vmem>>[vector<16xi32>, vector<16xi32>], vector<16xi32>,
        %swap3A_184 = arith.constant 0 : i32
        %swap3A_185 = arith.index_cast %swap3A_184 : i32 to index
        %swap3A_186 = arith.index_cast %shift_right_arithmetic3A_95 : i32 to index
        %swap3A_187 = arith.constant 80 : index
        %swap3A_188 = tpu.vector_load %arg7[%swap3A_185, %swap3A_186, %swap3A_187] {strides = array<i32>} : memref<2x16x128xi32, #tpu.memory_space<vmem>>, vector<16xi32>,
        tpu.vector_store %arg7[%swap3A_185, %swap3A_186, %swap3A_187], %gather3A_183 {strides = array<i32>} : memref<2x16x128xi32, #tpu.memory_space<vmem>>, vector<16xi32>,
        %broadcast_in_dim3A_189 = arith.constant 0 : i32
        %broadcast_in_dim3A_190 = vector.broadcast %broadcast_in_dim3A_189 : i32 to vector<16xi32>
        %add3A_191 = arith.constant 6 : i32
        %add3A_192 = arith.addi %add3A_94, %add3A_191 : i32
        %add3A_193 = vector.broadcast %add3A_192 : i32 to vector<16xi32>
        %add3A_194 = arith.addi %broadcast_in_dim3A_190, %add3A_193 : vector<16xi32>
        %gather3A_195 = arith.constant 0 : i32
        %gather3A_196 = arith.constant 0 : i32
        %gather3A_197 = tpu.memref_slice %arg5[%scan3A_81, %gather3A_195, %gather3A_196] : memref<2x16x128xi32, #tpu.memory_space<vmem>> -> memref<1x16x128xi32, #tpu.memory_space<vmem>>
        %gather3A_198 = tpu.memref_squeeze %gather3A_197 : memref<1x16x128xi32, #tpu.memory_space<vmem>> -> memref<16x128xi32, #tpu.memory_space<vmem>>
        %gather3A_199 = tpu.vector_load_idx %gather3A_198[%iota3A, %add3A_194] : memref<16x128xi32, #tpu.memory_space<vmem>>[vector<16xi32>, vector<16xi32>], vector<16xi32>,
        %swap3A_200 = arith.constant 0 : i32
        %swap3A_201 = arith.index_cast %swap3A_200 : i32 to index
        %swap3A_202 = arith.index_cast %shift_right_arithmetic3A_95 : i32 to index
        %swap3A_203 = arith.constant 96 : index
        %swap3A_204 = tpu.vector_load %arg7[%swap3A_201, %swap3A_202, %swap3A_203] {strides = array<i32>} : memref<2x16x128xi32, #tpu.memory_space<vmem>>, vector<16xi32>,
        tpu.vector_store %arg7[%swap3A_201, %swap3A_202, %swap3A_203], %gather3A_199 {strides = array<i32>} : memref<2x16x128xi32, #tpu.memory_space<vmem>>, vector<16xi32>,
        %broadcast_in_dim3A_205 = arith.constant 0 : i32
        %broadcast_in_dim3A_206 = vector.broadcast %broadcast_in_dim3A_205 : i32 to vector<16xi32>
        %add3A_207 = arith.constant 7 : i32
        %add3A_208 = arith.addi %add3A_94, %add3A_207 : i32
        %add3A_209 = vector.broadcast %add3A_208 : i32 to vector<16xi32>
        %add3A_210 = arith.addi %broadcast_in_dim3A_206, %add3A_209 : vector<16xi32>
        %gather3A_211 = arith.constant 0 : i32
        %gather3A_212 = arith.constant 0 : i32
        %gather3A_213 = tpu.memref_slice %arg5[%scan3A_81, %gather3A_211, %gather3A_212] : memref<2x16x128xi32, #tpu.memory_space<vmem>> -> memref<1x16x128xi32, #tpu.memory_space<vmem>>
        %gather3A_214 = tpu.memref_squeeze %gather3A_213 : memref<1x16x128xi32, #tpu.memory_space<vmem>> -> memref<16x128xi32, #tpu.memory_space<vmem>>
        %gather3A_215 = tpu.vector_load_idx %gather3A_214[%iota3A, %add3A_210] : memref<16x128xi32, #tpu.memory_space<vmem>>[vector<16xi32>, vector<16xi32>], vector<16xi32>,
        %swap3A_216 = arith.constant 0 : i32
        %swap3A_217 = arith.index_cast %swap3A_216 : i32 to index
        %swap3A_218 = arith.index_cast %shift_right_arithmetic3A_95 : i32 to index
        %swap3A_219 = arith.constant 112 : index
        %swap3A_220 = tpu.vector_load %arg7[%swap3A_217, %swap3A_218, %swap3A_219] {strides = array<i32>} : memref<2x16x128xi32, #tpu.memory_space<vmem>>, vector<16xi32>,
        tpu.vector_store %arg7[%swap3A_217, %swap3A_218, %swap3A_219], %gather3A_215 {strides = array<i32>} : memref<2x16x128xi32, #tpu.memory_space<vmem>>, vector<16xi32>,
      }
      %scan3A_86 = arith.constant 16 : i32
      %mul3A_87 = arith.constant 16 : i32
      %mul3A_88 = arith.muli %add3A_78, %mul3A_87 : i32
      %run_scoped3A_89 = arith.constant 0 : i32
      "tpu.region"() ({
        %run_scoped3A_90 = tpu.sem_alloc : memref<!tpu.dma_semaphore, #tpu.memory_space<semaphore_mem>>
        %dma_start3A_91 = arith.constant 0 : i32
        %dma_start3A_92 = arith.constant 0 : i32
        %dma_start3A_93 = tpu.memref_slice %arg7[%run_scoped3A_89, %dma_start3A_91, %dma_start3A_92] : memref<2x16x128xi32, #tpu.memory_space<vmem>> -> memref<1x16x128xi32, #tpu.memory_space<vmem>>
        %dma_start3A_94 = tpu.memref_squeeze %dma_start3A_93 : memref<1x16x128xi32, #tpu.memory_space<vmem>> -> memref<16x128xi32, #tpu.memory_space<vmem>>
        %dma_start3A_95 = arith.constant 0 : i32
        %dma_start3A_96 = tpu.memref_slice %arg4[%mul3A_88, %dma_start3A_95] : memref<125000x128xi32, #tpu.memory_space<hbm>> -> memref<16x128xi32, #tpu.memory_space<hbm>>
        %dma_start3A_97 = arith.constant 0 : i32
        %dma_start3A_98 = tpu.memref_slice %arg4[%mul3A_88, %dma_start3A_97] : memref<125000x128xi32, #tpu.memory_space<hbm>> -> memref<16x128xi32, #tpu.memory_space<hbm>>
        %dma_start3A_99 = arith.constant 0 : i32
        %dma_start3A_100 = arith.constant 0 : i32
        %dma_start3A_101 = tpu.memref_slice %arg7[%run_scoped3A_89, %dma_start3A_99, %dma_start3A_100] : memref<2x16x128xi32, #tpu.memory_space<vmem>> -> memref<1x16x128xi32, #tpu.memory_space<vmem>>
        %dma_start3A_102 = tpu.memref_squeeze %dma_start3A_101 : memref<1x16x128xi32, #tpu.memory_space<vmem>> -> memref<16x128xi32, #tpu.memory_space<vmem>>
        tpu.enqueue_dma source(%dma_start3A_102 : memref<16x128xi32, #tpu.memory_space<vmem>>) target(%dma_start3A_98 : memref<16x128xi32, #tpu.memory_space<hbm>>) target_semaphore(%run_scoped3A_90 : memref<!tpu.dma_semaphore, #tpu.memory_space<semaphore_mem>>)
        %dma_wait3A_103 = arith.constant 0 : i32
        %dma_wait3A_104 = arith.constant 0 : i32
        %dma_wait3A_105 = tpu.memref_slice %arg7[%run_scoped3A_89, %dma_wait3A_103, %dma_wait3A_104] : memref<2x16x128xi32, #tpu.memory_space<vmem>> -> memref<1x16x128xi32, #tpu.memory_space<vmem>>
        %dma_wait3A_106 = tpu.memref_squeeze %dma_wait3A_105 : memref<1x16x128xi32, #tpu.memory_space<vmem>> -> memref<16x128xi32, #tpu.memory_space<vmem>>
        %dma_wait3A_107 = arith.constant 0 : i32
        %dma_wait3A_108 = tpu.memref_slice %arg4[%mul3A_88, %dma_wait3A_107] : memref<125000x128xi32, #tpu.memory_space<hbm>> -> memref<16x128xi32, #tpu.memory_space<hbm>>
        %dma_wait3A_109 = arith.constant 0 : i32
        %dma_wait3A_110 = tpu.memref_slice %arg4[%mul3A_88, %dma_wait3A_109] : memref<125000x128xi32, #tpu.memory_space<hbm>> -> memref<16x128xi32, #tpu.memory_space<hbm>>
        %dma_wait3A_111 = arith.constant 0 : i32
        %dma_wait3A_112 = arith.constant 0 : i32
        %dma_wait3A_113 = tpu.memref_slice %arg7[%run_scoped3A_89, %dma_wait3A_111, %dma_wait3A_112] : memref<2x16x128xi32, #tpu.memory_space<vmem>> -> memref<1x16x128xi32, #tpu.memory_space<vmem>>
        %dma_wait3A_114 = tpu.memref_squeeze %dma_wait3A_113 : memref<1x16x128xi32, #tpu.memory_space<vmem>> -> memref<16x128xi32, #tpu.memory_space<vmem>>
        tpu.wait_dma2 semaphore(%run_scoped3A_90 : memref<!tpu.dma_semaphore, #tpu.memory_space<semaphore_mem>>) src(%dma_wait3A_114 : memref<16x128xi32, #tpu.memory_space<vmem>>) dst(%dma_wait3A_110 : memref<16x128xi32, #tpu.memory_space<hbm>>)
        tpu.yield
      }) : () -> ()
    } else {
    }
    %eq3A = arith.constant 4 : i32
    %eq3A_73 = arith.cmpi eq, %add3A, %eq3A : i32
    %convert_element_type3A_74 = arith.extui %eq3A_73 : i1 to i32
    %cond3A_75 = arith.constant 0 : i32
    %cond3A_76 = arith.cmpi ne, %convert_element_type3A_74, %cond3A_75 : i32
    scf.if %cond3A_76 {
      "tpu.region"() ({
        %run_scoped3A_82 = tpu.sem_alloc : memref<!tpu.dma_semaphore, #tpu.memory_space<semaphore_mem>>
        %dma_start3A_83 = tpu.memref_bitcast %arg3 : memref<32x64xbf16, #tpu.memory_space<hbm>> -> memref<16x64xi32, #tpu.memory_space<hbm>>
        %dma_start3A_84 = tpu.memref_bitcast %arg3 : memref<32x64xbf16, #tpu.memory_space<hbm>> -> memref<16x64xi32, #tpu.memory_space<hbm>>
        tpu.enqueue_dma source(%dma_start3A_84 : memref<16x64xi32, #tpu.memory_space<hbm>>) target(%arg6 : memref<16x64xi32, #tpu.memory_space<vmem>>) target_semaphore(%run_scoped3A_82 : memref<!tpu.dma_semaphore, #tpu.memory_space<semaphore_mem>>)
        %dma_wait3A_85 = tpu.memref_bitcast %arg3 : memref<32x64xbf16, #tpu.memory_space<hbm>> -> memref<16x64xi32, #tpu.memory_space<hbm>>
        %dma_wait3A_86 = tpu.memref_bitcast %arg3 : memref<32x64xbf16, #tpu.memory_space<hbm>> -> memref<16x64xi32, #tpu.memory_space<hbm>>
        tpu.wait_dma2 semaphore(%run_scoped3A_82 : memref<!tpu.dma_semaphore, #tpu.memory_space<semaphore_mem>>) src(%dma_wait3A_86 : memref<16x64xi32, #tpu.memory_space<hbm>>) dst(%arg6 : memref<16x64xi32, #tpu.memory_space<vmem>>)
        tpu.yield
      }) : () -> ()
      %iota3A = tpu.iota {dimensions = array<i32: 0>} : vector<16xi32>
      %scan3A_77 = arith.constant 0 : i32
      %scan3A_78 = arith.constant 8 : i32
      %scan3A_79 = arith.addi %scan3A_77, %scan3A_78 : i32
      %scan3A_80 = arith.constant 1 : i32
      scf.for %scan3A_82 = %scan3A_77 to %scan3A_79 step %scan3A_80  : i32 {
        %mul3A_83 = arith.constant 8 : i32
        %mul3A_84 = arith.muli %scan3A_82, %mul3A_83 : i32
        %add3A_85 = arith.constant 0 : i32
        %add3A_86 = arith.addi %add3A_85, %mul3A_84 : i32
        %shift_right_arithmetic3A = arith.constant 3 : i32
        %shift_right_arithmetic3A_87 = arith.shrsi %add3A_86, %shift_right_arithmetic3A : i32
        %broadcast_in_dim3A = arith.constant 0 : i32
        %broadcast_in_dim3A_88 = vector.broadcast %broadcast_in_dim3A : i32 to vector<16xi32>
        %add3A_89 = arith.constant 0 : i32
        %add3A_90 = arith.addi %add3A_86, %add3A_89 : i32
        %add3A_91 = vector.broadcast %add3A_90 : i32 to vector<16xi32>
        %add3A_92 = arith.addi %broadcast_in_dim3A_88, %add3A_91 : vector<16xi32>
        %gather3A = tpu.vector_load_idx %arg6[%iota3A, %add3A_92] : memref<16x64xi32, #tpu.memory_space<vmem>>[vector<16xi32>, vector<16xi32>], vector<16xi32>,
        %swap3A = arith.constant 0 : i32
        %swap3A_93 = arith.index_cast %swap3A : i32 to index
        %swap3A_94 = arith.index_cast %shift_right_arithmetic3A_87 : i32 to index
        %swap3A_95 = arith.constant 0 : index
        %swap3A_96 = tpu.vector_load %arg7[%swap3A_93, %swap3A_94, %swap3A_95] {strides = array<i32>} : memref<2x16x128xi32, #tpu.memory_space<vmem>>, vector<16xi32>,
        tpu.vector_store %arg7[%swap3A_93, %swap3A_94, %swap3A_95], %gather3A {strides = array<i32>} : memref<2x16x128xi32, #tpu.memory_space<vmem>>, vector<16xi32>,
        %broadcast_in_dim3A_97 = arith.constant 0 : i32
        %broadcast_in_dim3A_98 = vector.broadcast %broadcast_in_dim3A_97 : i32 to vector<16xi32>
        %add3A_99 = arith.constant 1 : i32
        %add3A_100 = arith.addi %add3A_86, %add3A_99 : i32
        %add3A_101 = vector.broadcast %add3A_100 : i32 to vector<16xi32>
        %add3A_102 = arith.addi %broadcast_in_dim3A_98, %add3A_101 : vector<16xi32>
        %gather3A_103 = tpu.vector_load_idx %arg6[%iota3A, %add3A_102] : memref<16x64xi32, #tpu.memory_space<vmem>>[vector<16xi32>, vector<16xi32>], vector<16xi32>,
        %swap3A_104 = arith.constant 0 : i32
        %swap3A_105 = arith.index_cast %swap3A_104 : i32 to index
        %swap3A_106 = arith.index_cast %shift_right_arithmetic3A_87 : i32 to index
        %swap3A_107 = arith.constant 16 : index
        %swap3A_108 = tpu.vector_load %arg7[%swap3A_105, %swap3A_106, %swap3A_107] {strides = array<i32>} : memref<2x16x128xi32, #tpu.memory_space<vmem>>, vector<16xi32>,
        tpu.vector_store %arg7[%swap3A_105, %swap3A_106, %swap3A_107], %gather3A_103 {strides = array<i32>} : memref<2x16x128xi32, #tpu.memory_space<vmem>>, vector<16xi32>,
        %broadcast_in_dim3A_109 = arith.constant 0 : i32
        %broadcast_in_dim3A_110 = vector.broadcast %broadcast_in_dim3A_109 : i32 to vector<16xi32>
        %add3A_111 = arith.constant 2 : i32
        %add3A_112 = arith.addi %add3A_86, %add3A_111 : i32
        %add3A_113 = vector.broadcast %add3A_112 : i32 to vector<16xi32>
        %add3A_114 = arith.addi %broadcast_in_dim3A_110, %add3A_113 : vector<16xi32>
        %gather3A_115 = tpu.vector_load_idx %arg6[%iota3A, %add3A_114] : memref<16x64xi32, #tpu.memory_space<vmem>>[vector<16xi32>, vector<16xi32>], vector<16xi32>,
        %swap3A_116 = arith.constant 0 : i32
        %swap3A_117 = arith.index_cast %swap3A_116 : i32 to index
        %swap3A_118 = arith.index_cast %shift_right_arithmetic3A_87 : i32 to index
        %swap3A_119 = arith.constant 32 : index
        %swap3A_120 = tpu.vector_load %arg7[%swap3A_117, %swap3A_118, %swap3A_119] {strides = array<i32>} : memref<2x16x128xi32, #tpu.memory_space<vmem>>, vector<16xi32>,
        tpu.vector_store %arg7[%swap3A_117, %swap3A_118, %swap3A_119], %gather3A_115 {strides = array<i32>} : memref<2x16x128xi32, #tpu.memory_space<vmem>>, vector<16xi32>,
        %broadcast_in_dim3A_121 = arith.constant 0 : i32
        %broadcast_in_dim3A_122 = vector.broadcast %broadcast_in_dim3A_121 : i32 to vector<16xi32>
        %add3A_123 = arith.constant 3 : i32
        %add3A_124 = arith.addi %add3A_86, %add3A_123 : i32
        %add3A_125 = vector.broadcast %add3A_124 : i32 to vector<16xi32>
        %add3A_126 = arith.addi %broadcast_in_dim3A_122, %add3A_125 : vector<16xi32>
        %gather3A_127 = tpu.vector_load_idx %arg6[%iota3A, %add3A_126] : memref<16x64xi32, #tpu.memory_space<vmem>>[vector<16xi32>, vector<16xi32>], vector<16xi32>,
        %swap3A_128 = arith.constant 0 : i32
        %swap3A_129 = arith.index_cast %swap3A_128 : i32 to index
        %swap3A_130 = arith.index_cast %shift_right_arithmetic3A_87 : i32 to index
        %swap3A_131 = arith.constant 48 : index
        %swap3A_132 = tpu.vector_load %arg7[%swap3A_129, %swap3A_130, %swap3A_131] {strides = array<i32>} : memref<2x16x128xi32, #tpu.memory_space<vmem>>, vector<16xi32>,
        tpu.vector_store %arg7[%swap3A_129, %swap3A_130, %swap3A_131], %gather3A_127 {strides = array<i32>} : memref<2x16x128xi32, #tpu.memory_space<vmem>>, vector<16xi32>,
        %broadcast_in_dim3A_133 = arith.constant 0 : i32
        %broadcast_in_dim3A_134 = vector.broadcast %broadcast_in_dim3A_133 : i32 to vector<16xi32>
        %add3A_135 = arith.constant 4 : i32
        %add3A_136 = arith.addi %add3A_86, %add3A_135 : i32
        %add3A_137 = vector.broadcast %add3A_136 : i32 to vector<16xi32>
        %add3A_138 = arith.addi %broadcast_in_dim3A_134, %add3A_137 : vector<16xi32>
        %gather3A_139 = tpu.vector_load_idx %arg6[%iota3A, %add3A_138] : memref<16x64xi32, #tpu.memory_space<vmem>>[vector<16xi32>, vector<16xi32>], vector<16xi32>,
        %swap3A_140 = arith.constant 0 : i32
        %swap3A_141 = arith.index_cast %swap3A_140 : i32 to index
        %swap3A_142 = arith.index_cast %shift_right_arithmetic3A_87 : i32 to index
        %swap3A_143 = arith.constant 64 : index
        %swap3A_144 = tpu.vector_load %arg7[%swap3A_141, %swap3A_142, %swap3A_143] {strides = array<i32>} : memref<2x16x128xi32, #tpu.memory_space<vmem>>, vector<16xi32>,
        tpu.vector_store %arg7[%swap3A_141, %swap3A_142, %swap3A_143], %gather3A_139 {strides = array<i32>} : memref<2x16x128xi32, #tpu.memory_space<vmem>>, vector<16xi32>,
        %broadcast_in_dim3A_145 = arith.constant 0 : i32
        %broadcast_in_dim3A_146 = vector.broadcast %broadcast_in_dim3A_145 : i32 to vector<16xi32>
        %add3A_147 = arith.constant 5 : i32
        %add3A_148 = arith.addi %add3A_86, %add3A_147 : i32
        %add3A_149 = vector.broadcast %add3A_148 : i32 to vector<16xi32>
        %add3A_150 = arith.addi %broadcast_in_dim3A_146, %add3A_149 : vector<16xi32>
        %gather3A_151 = tpu.vector_load_idx %arg6[%iota3A, %add3A_150] : memref<16x64xi32, #tpu.memory_space<vmem>>[vector<16xi32>, vector<16xi32>], vector<16xi32>,
        %swap3A_152 = arith.constant 0 : i32
        %swap3A_153 = arith.index_cast %swap3A_152 : i32 to index
        %swap3A_154 = arith.index_cast %shift_right_arithmetic3A_87 : i32 to index
        %swap3A_155 = arith.constant 80 : index
        %swap3A_156 = tpu.vector_load %arg7[%swap3A_153, %swap3A_154, %swap3A_155] {strides = array<i32>} : memref<2x16x128xi32, #tpu.memory_space<vmem>>, vector<16xi32>,
        tpu.vector_store %arg7[%swap3A_153, %swap3A_154, %swap3A_155], %gather3A_151 {strides = array<i32>} : memref<2x16x128xi32, #tpu.memory_space<vmem>>, vector<16xi32>,
        %broadcast_in_dim3A_157 = arith.constant 0 : i32
        %broadcast_in_dim3A_158 = vector.broadcast %broadcast_in_dim3A_157 : i32 to vector<16xi32>
        %add3A_159 = arith.constant 6 : i32
        %add3A_160 = arith.addi %add3A_86, %add3A_159 : i32
        %add3A_161 = vector.broadcast %add3A_160 : i32 to vector<16xi32>
        %add3A_162 = arith.addi %broadcast_in_dim3A_158, %add3A_161 : vector<16xi32>
        %gather3A_163 = tpu.vector_load_idx %arg6[%iota3A, %add3A_162] : memref<16x64xi32, #tpu.memory_space<vmem>>[vector<16xi32>, vector<16xi32>], vector<16xi32>,
        %swap3A_164 = arith.constant 0 : i32
        %swap3A_165 = arith.index_cast %swap3A_164 : i32 to index
        %swap3A_166 = arith.index_cast %shift_right_arithmetic3A_87 : i32 to index
        %swap3A_167 = arith.constant 96 : index
        %swap3A_168 = tpu.vector_load %arg7[%swap3A_165, %swap3A_166, %swap3A_167] {strides = array<i32>} : memref<2x16x128xi32, #tpu.memory_space<vmem>>, vector<16xi32>,
        tpu.vector_store %arg7[%swap3A_165, %swap3A_166, %swap3A_167], %gather3A_163 {strides = array<i32>} : memref<2x16x128xi32, #tpu.memory_space<vmem>>, vector<16xi32>,
        %broadcast_in_dim3A_169 = arith.constant 0 : i32
        %broadcast_in_dim3A_170 = vector.broadcast %broadcast_in_dim3A_169 : i32 to vector<16xi32>
        %add3A_171 = arith.constant 7 : i32
        %add3A_172 = arith.addi %add3A_86, %add3A_171 : i32
        %add3A_173 = vector.broadcast %add3A_172 : i32 to vector<16xi32>
        %add3A_174 = arith.addi %broadcast_in_dim3A_170, %add3A_173 : vector<16xi32>
        %gather3A_175 = tpu.vector_load_idx %arg6[%iota3A, %add3A_174] : memref<16x64xi32, #tpu.memory_space<vmem>>[vector<16xi32>, vector<16xi32>], vector<16xi32>,
        %swap3A_176 = arith.constant 0 : i32
        %swap3A_177 = arith.index_cast %swap3A_176 : i32 to index
        %swap3A_178 = arith.index_cast %shift_right_arithmetic3A_87 : i32 to index
        %swap3A_179 = arith.constant 112 : index
        %swap3A_180 = tpu.vector_load %arg7[%swap3A_177, %swap3A_178, %swap3A_179] {strides = array<i32>} : memref<2x16x128xi32, #tpu.memory_space<vmem>>, vector<16xi32>,
        tpu.vector_store %arg7[%swap3A_177, %swap3A_178, %swap3A_179], %gather3A_175 {strides = array<i32>} : memref<2x16x128xi32, #tpu.memory_space<vmem>>, vector<16xi32>,
      }
      %scan3A_81 = arith.constant 8 : i32
      %run_scoped3A = arith.constant 0 : i32
      "tpu.region"() ({
        %run_scoped3A_82 = tpu.sem_alloc : memref<!tpu.dma_semaphore, #tpu.memory_space<semaphore_mem>>
        %dma_start3A_83 = arith.constant 0 : i32
        %dma_start3A_84 = arith.constant 0 : i32
        %dma_start3A_85 = tpu.memref_slice %arg7[%run_scoped3A, %dma_start3A_83, %dma_start3A_84] : memref<2x16x128xi32, #tpu.memory_space<vmem>> -> memref<1x8x128xi32, #tpu.memory_space<vmem>>
        %dma_start3A_86 = tpu.memref_squeeze %dma_start3A_85 : memref<1x8x128xi32, #tpu.memory_space<vmem>> -> memref<8x128xi32, #tpu.memory_space<vmem>>
        %dma_start3A_87 = arith.constant 124992 : i32
        %dma_start3A_88 = arith.constant 0 : i32
        %dma_start3A_89 = tpu.memref_slice %arg4[%dma_start3A_87, %dma_start3A_88] : memref<125000x128xi32, #tpu.memory_space<hbm>> -> memref<8x128xi32, #tpu.memory_space<hbm>>
        %dma_start3A_90 = arith.constant 124992 : i32
        %dma_start3A_91 = arith.constant 0 : i32
        %dma_start3A_92 = tpu.memref_slice %arg4[%dma_start3A_90, %dma_start3A_91] : memref<125000x128xi32, #tpu.memory_space<hbm>> -> memref<8x128xi32, #tpu.memory_space<hbm>>
        %dma_start3A_93 = arith.constant 0 : i32
        %dma_start3A_94 = arith.constant 0 : i32
        %dma_start3A_95 = tpu.memref_slice %arg7[%run_scoped3A, %dma_start3A_93, %dma_start3A_94] : memref<2x16x128xi32, #tpu.memory_space<vmem>> -> memref<1x8x128xi32, #tpu.memory_space<vmem>>
        %dma_start3A_96 = tpu.memref_squeeze %dma_start3A_95 : memref<1x8x128xi32, #tpu.memory_space<vmem>> -> memref<8x128xi32, #tpu.memory_space<vmem>>
        tpu.enqueue_dma source(%dma_start3A_96 : memref<8x128xi32, #tpu.memory_space<vmem>>) target(%dma_start3A_92 : memref<8x128xi32, #tpu.memory_space<hbm>>) target_semaphore(%run_scoped3A_82 : memref<!tpu.dma_semaphore, #tpu.memory_space<semaphore_mem>>)
        %dma_wait3A_97 = arith.constant 0 : i32
        %dma_wait3A_98 = arith.constant 0 : i32
        %dma_wait3A_99 = tpu.memref_slice %arg7[%run_scoped3A, %dma_wait3A_97, %dma_wait3A_98] : memref<2x16x128xi32, #tpu.memory_space<vmem>> -> memref<1x8x128xi32, #tpu.memory_space<vmem>>
        %dma_wait3A_100 = tpu.memref_squeeze %dma_wait3A_99 : memref<1x8x128xi32, #tpu.memory_space<vmem>> -> memref<8x128xi32, #tpu.memory_space<vmem>>
        %dma_wait3A_101 = arith.constant 124992 : i32
        %dma_wait3A_102 = arith.constant 0 : i32
        %dma_wait3A_103 = tpu.memref_slice %arg4[%dma_wait3A_101, %dma_wait3A_102] : memref<125000x128xi32, #tpu.memory_space<hbm>> -> memref<8x128xi32, #tpu.memory_space<hbm>>
        %dma_wait3A_104 = arith.constant 124992 : i32
        %dma_wait3A_105 = arith.constant 0 : i32
        %dma_wait3A_106 = tpu.memref_slice %arg4[%dma_wait3A_104, %dma_wait3A_105] : memref<125000x128xi32, #tpu.memory_space<hbm>> -> memref<8x128xi32, #tpu.memory_space<hbm>>
        %dma_wait3A_107 = arith.constant 0 : i32
        %dma_wait3A_108 = arith.constant 0 : i32
        %dma_wait3A_109 = tpu.memref_slice %arg7[%run_scoped3A, %dma_wait3A_107, %dma_wait3A_108] : memref<2x16x128xi32, #tpu.memory_space<vmem>> -> memref<1x8x128xi32, #tpu.memory_space<vmem>>
        %dma_wait3A_110 = tpu.memref_squeeze %dma_wait3A_109 : memref<1x8x128xi32, #tpu.memory_space<vmem>> -> memref<8x128xi32, #tpu.memory_space<vmem>>
        tpu.wait_dma2 semaphore(%run_scoped3A_82 : memref<!tpu.dma_semaphore, #tpu.memory_space<semaphore_mem>>) src(%dma_wait3A_110 : memref<8x128xi32, #tpu.memory_space<vmem>>) dst(%dma_wait3A_106 : memref<8x128xi32, #tpu.memory_space<hbm>>)
        tpu.yield
      }) : () -> ()
    } else {
    }
    return
  }
}

#map = affine_map<(d0, d1) -> (0, 0)>
#map1 = affine_map<(d0, d1) -> (0, 0, 0)>
module attributes {stable_mosaic.version = 14 : i64} {
  func.func @gather(%arg0: i32, %arg1: i32, %arg2: memref<20x16384xi32, #tpu.memory_space<hbm>>, %arg3: memref<125000x128xi32, #tpu.memory_space<hbm>>, %arg4: memref<20x32x16384xbf16, #tpu.memory_space<hbm>>, %arg5: memref<512xi32, #tpu.memory_space<vmem>>, %arg6: memref<2x128xi32, #tpu.memory_space<vmem>>, %arg7: memref<2x128xi32, #tpu.memory_space<vmem>>, %arg8: memref<2x128x128xi32, #tpu.memory_space<vmem>>, %arg9: memref<16x512xi32, #tpu.memory_space<vmem>>, %arg10: memref<!tpu.dma_semaphore, #tpu.memory_space<semaphore_mem>>, %arg11: memref<!tpu.dma_semaphore, #tpu.memory_space<semaphore_mem>>) attributes {dimension_semantics = [#tpu.dimension_semantics<core_parallel>, #tpu.dimension_semantics<subcore_parallel>], iteration_bounds = array<i64: 2, 16>, scalar_prefetch = 0 : i64, scratch_operands = 7 : i64, tpu.core_type = #tpu.core_type<sc_vector_subcore>, window_params = [{transform_indices = #map}, {transform_indices = #map}, {transform_indices = #map1}]} {
    %mul3A = arith.constant 2 : i32
    %mul3A_0 = arith.muli %arg1, %mul3A : i32
    %add3A = arith.addi %mul3A_0, %arg0 : i32
    %mul3A_1 = arith.constant 512 : i32
    %mul3A_2 = arith.muli %add3A, %mul3A_1 : i32
    %scan3A = arith.constant 0 : i32
    %scan3A_3 = arith.constant 20 : i32
    %scan3A_4 = arith.addi %scan3A, %scan3A_3 : i32
    %scan3A_5 = arith.constant 1 : i32
    scf.for %scan3A_7 = %scan3A to %scan3A_4 step %scan3A_5  : i32 {
      %mul3A_8 = arith.constant 1 : i32
      %mul3A_9 = arith.muli %scan3A_7, %mul3A_8 : i32
      %add3A_10 = arith.constant 0 : i32
      %add3A_11 = arith.addi %add3A_10, %mul3A_9 : i32
      "tpu.region"() ({
        %run_scoped3A = tpu.sem_alloc : memref<!tpu.dma_semaphore, #tpu.memory_space<semaphore_mem>>
        %dma_start3A_552 = tpu.memref_slice %arg2[%add3A_11, %mul3A_2] : memref<20x16384xi32, #tpu.memory_space<hbm>> -> memref<1x512xi32, #tpu.memory_space<hbm>>
        %dma_start3A_553 = tpu.memref_squeeze %dma_start3A_552 : memref<1x512xi32, #tpu.memory_space<hbm>> -> memref<512xi32, #tpu.memory_space<hbm>>
        %dma_start3A_554 = tpu.memref_slice %arg2[%add3A_11, %mul3A_2] : memref<20x16384xi32, #tpu.memory_space<hbm>> -> memref<1x512xi32, #tpu.memory_space<hbm>>
        %dma_start3A_555 = tpu.memref_squeeze %dma_start3A_554 : memref<1x512xi32, #tpu.memory_space<hbm>> -> memref<512xi32, #tpu.memory_space<hbm>>
        tpu.enqueue_dma source(%dma_start3A_555 : memref<512xi32, #tpu.memory_space<hbm>>) target(%arg5 : memref<512xi32, #tpu.memory_space<vmem>>) target_semaphore(%run_scoped3A : memref<!tpu.dma_semaphore, #tpu.memory_space<semaphore_mem>>)
        %dma_wait3A_556 = tpu.memref_slice %arg2[%add3A_11, %mul3A_2] : memref<20x16384xi32, #tpu.memory_space<hbm>> -> memref<1x512xi32, #tpu.memory_space<hbm>>
        %dma_wait3A_557 = tpu.memref_squeeze %dma_wait3A_556 : memref<1x512xi32, #tpu.memory_space<hbm>> -> memref<512xi32, #tpu.memory_space<hbm>>
        %dma_wait3A_558 = tpu.memref_slice %arg2[%add3A_11, %mul3A_2] : memref<20x16384xi32, #tpu.memory_space<hbm>> -> memref<1x512xi32, #tpu.memory_space<hbm>>
        %dma_wait3A_559 = tpu.memref_squeeze %dma_wait3A_558 : memref<1x512xi32, #tpu.memory_space<hbm>> -> memref<512xi32, #tpu.memory_space<hbm>>
        tpu.wait_dma2 semaphore(%run_scoped3A : memref<!tpu.dma_semaphore, #tpu.memory_space<semaphore_mem>>) src(%dma_wait3A_559 : memref<512xi32, #tpu.memory_space<hbm>>) dst(%arg5 : memref<512xi32, #tpu.memory_space<vmem>>)
        tpu.yield
      }) : () -> ()
      %scan3A_12 = arith.constant 0 : i32
      %scan3A_13 = arith.constant 8 : i32
      %scan3A_14 = arith.addi %scan3A_12, %scan3A_13 : i32
      %scan3A_15 = arith.constant 1 : i32
      scf.for %scan3A_552 = %scan3A_12 to %scan3A_14 step %scan3A_15  : i32 {
        %mul3A_553 = arith.constant 16 : i32
        %mul3A_554 = arith.muli %scan3A_552, %mul3A_553 : i32
        %add3A_555 = arith.constant 0 : i32
        %add3A_556 = arith.addi %add3A_555, %mul3A_554 : i32
        %add3A_557 = arith.constant 0 : i32
        %add3A_558 = arith.addi %add3A_557, %add3A_556 : i32
        %get3A_559 = arith.index_cast %add3A_558 : i32 to index
        %get3A_560 = tpu.vector_load %arg5[%get3A_559] {strides = array<i32>} : memref<512xi32, #tpu.memory_space<vmem>>, vector<16xi32>,
        %shift_right_arithmetic3A = arith.constant 3 : i32
        %shift_right_arithmetic3A_561 = vector.broadcast %shift_right_arithmetic3A : i32 to vector<16xi32>
        %shift_right_arithmetic3A_562 = arith.shrsi %get3A_560, %shift_right_arithmetic3A_561 : vector<16xi32>
        %swap3A = arith.constant 0 : i32
        %swap3A_563 = arith.index_cast %swap3A : i32 to index
        %swap3A_564 = arith.index_cast %add3A_556 : i32 to index
        %swap3A_565 = tpu.vector_load %arg6[%swap3A_563, %swap3A_564] {strides = array<i32>} : memref<2x128xi32, #tpu.memory_space<vmem>>, vector<16xi32>,
        tpu.vector_store %arg6[%swap3A_563, %swap3A_564], %shift_right_arithmetic3A_562 {strides = array<i32>} : memref<2x128xi32, #tpu.memory_space<vmem>>, vector<16xi32>,
        %and3A = arith.constant 7 : i32
        %and3A_566 = vector.broadcast %and3A : i32 to vector<16xi32>
        %and3A_567 = arith.andi %get3A_560, %and3A_566 : vector<16xi32>
        %mul3A_568 = arith.constant 16 : i32
        %mul3A_569 = vector.broadcast %mul3A_568 : i32 to vector<16xi32>
        %mul3A_570 = arith.muli %and3A_567, %mul3A_569 : vector<16xi32>
        %swap3A_571 = arith.constant 0 : i32
        %swap3A_572 = arith.index_cast %swap3A_571 : i32 to index
        %swap3A_573 = arith.index_cast %add3A_556 : i32 to index
        %swap3A_574 = tpu.vector_load %arg7[%swap3A_572, %swap3A_573] {strides = array<i32>} : memref<2x128xi32, #tpu.memory_space<vmem>>, vector<16xi32>,
        tpu.vector_store %arg7[%swap3A_572, %swap3A_573], %mul3A_570 {strides = array<i32>} : memref<2x128xi32, #tpu.memory_space<vmem>>, vector<16xi32>,
      }
      %scan3A_16 = arith.constant 8 : i32
      %dma_start3A = arith.constant 0 : i32
      %dma_start3A_17 = arith.constant 0 : i32
      %dma_start3A_18 = arith.constant 0 : i32
      %dma_start3A_19 = arith.constant 0 : i32
      %dma_start3A_20 = tpu.memref_slice %arg8[%dma_start3A_17, %dma_start3A_18, %dma_start3A_19] : memref<2x128x128xi32, #tpu.memory_space<vmem>> -> memref<1x128x128xi32, #tpu.memory_space<vmem>>
      %dma_start3A_21 = tpu.memref_squeeze %dma_start3A_20 : memref<1x128x128xi32, #tpu.memory_space<vmem>> -> memref<128x128xi32, #tpu.memory_space<vmem>>
      %dma_start3A_22 = arith.constant 0 : i32
      %dma_start3A_23 = tpu.memref_slice %arg6[%dma_start3A, %dma_start3A_22] : memref<2x128xi32, #tpu.memory_space<vmem>> -> memref<1x128xi32, #tpu.memory_space<vmem>>
      %dma_start3A_24 = tpu.memref_squeeze %dma_start3A_23 : memref<1x128xi32, #tpu.memory_space<vmem>> -> memref<128xi32, #tpu.memory_space<vmem>>
      %dma_start3A_25 = arith.constant 0 : i32
      %dma_start3A_26 = arith.constant 0 : i32
      %dma_start3A_27 = tpu.memref_slice %arg3[%dma_start3A_25, %dma_start3A_26] : memref<125000x128xi32, #tpu.memory_space<hbm>> -> memref<125000x128xi32, #tpu.memory_space<hbm>>
      tpu.enqueue_indirect_dma source(%dma_start3A_27 : memref<125000x128xi32, #tpu.memory_space<hbm>>) target(%dma_start3A_21 : memref<128x128xi32, #tpu.memory_space<vmem>>) offsets(%dma_start3A_24 : memref<128xi32, #tpu.memory_space<vmem>>) semaphore(%arg10 : memref<!tpu.dma_semaphore, #tpu.memory_space<semaphore_mem>>)
      %scan3A_28 = arith.constant 0 : i32
      %scan3A_29 = arith.constant 8 : i32
      %scan3A_30 = arith.addi %scan3A_28, %scan3A_29 : i32
      %scan3A_31 = arith.constant 1 : i32
      scf.for %scan3A_552 = %scan3A_28 to %scan3A_30 step %scan3A_31  : i32 {
        %mul3A_553 = arith.constant 16 : i32
        %mul3A_554 = arith.muli %scan3A_552, %mul3A_553 : i32
        %add3A_555 = arith.constant 0 : i32
        %add3A_556 = arith.addi %add3A_555, %mul3A_554 : i32
        %add3A_557 = arith.constant 128 : i32
        %add3A_558 = arith.addi %add3A_557, %add3A_556 : i32
        %get3A_559 = arith.index_cast %add3A_558 : i32 to index
        %get3A_560 = tpu.vector_load %arg5[%get3A_559] {strides = array<i32>} : memref<512xi32, #tpu.memory_space<vmem>>, vector<16xi32>,
        %shift_right_arithmetic3A = arith.constant 3 : i32
        %shift_right_arithmetic3A_561 = vector.broadcast %shift_right_arithmetic3A : i32 to vector<16xi32>
        %shift_right_arithmetic3A_562 = arith.shrsi %get3A_560, %shift_right_arithmetic3A_561 : vector<16xi32>
        %swap3A = arith.constant 1 : i32
        %swap3A_563 = arith.index_cast %swap3A : i32 to index
        %swap3A_564 = arith.index_cast %add3A_556 : i32 to index
        %swap3A_565 = tpu.vector_load %arg6[%swap3A_563, %swap3A_564] {strides = array<i32>} : memref<2x128xi32, #tpu.memory_space<vmem>>, vector<16xi32>,
        tpu.vector_store %arg6[%swap3A_563, %swap3A_564], %shift_right_arithmetic3A_562 {strides = array<i32>} : memref<2x128xi32, #tpu.memory_space<vmem>>, vector<16xi32>,
        %and3A = arith.constant 7 : i32
        %and3A_566 = vector.broadcast %and3A : i32 to vector<16xi32>
        %and3A_567 = arith.andi %get3A_560, %and3A_566 : vector<16xi32>
        %mul3A_568 = arith.constant 16 : i32
        %mul3A_569 = vector.broadcast %mul3A_568 : i32 to vector<16xi32>
        %mul3A_570 = arith.muli %and3A_567, %mul3A_569 : vector<16xi32>
        %swap3A_571 = arith.constant 1 : i32
        %swap3A_572 = arith.index_cast %swap3A_571 : i32 to index
        %swap3A_573 = arith.index_cast %add3A_556 : i32 to index
        %swap3A_574 = tpu.vector_load %arg7[%swap3A_572, %swap3A_573] {strides = array<i32>} : memref<2x128xi32, #tpu.memory_space<vmem>>, vector<16xi32>,
        tpu.vector_store %arg7[%swap3A_572, %swap3A_573], %mul3A_570 {strides = array<i32>} : memref<2x128xi32, #tpu.memory_space<vmem>>, vector<16xi32>,
      }
      %scan3A_32 = arith.constant 8 : i32
      %dma_start3A_33 = arith.constant 1 : i32
      %dma_start3A_34 = arith.constant 1 : i32
      %dma_start3A_35 = arith.constant 0 : i32
      %dma_start3A_36 = arith.constant 0 : i32
      %dma_start3A_37 = tpu.memref_slice %arg8[%dma_start3A_34, %dma_start3A_35, %dma_start3A_36] : memref<2x128x128xi32, #tpu.memory_space<vmem>> -> memref<1x128x128xi32, #tpu.memory_space<vmem>>
      %dma_start3A_38 = tpu.memref_squeeze %dma_start3A_37 : memref<1x128x128xi32, #tpu.memory_space<vmem>> -> memref<128x128xi32, #tpu.memory_space<vmem>>
      %dma_start3A_39 = arith.constant 0 : i32
      %dma_start3A_40 = tpu.memref_slice %arg6[%dma_start3A_33, %dma_start3A_39] : memref<2x128xi32, #tpu.memory_space<vmem>> -> memref<1x128xi32, #tpu.memory_space<vmem>>
      %dma_start3A_41 = tpu.memref_squeeze %dma_start3A_40 : memref<1x128xi32, #tpu.memory_space<vmem>> -> memref<128xi32, #tpu.memory_space<vmem>>
      %dma_start3A_42 = arith.constant 0 : i32
      %dma_start3A_43 = arith.constant 0 : i32
      %dma_start3A_44 = tpu.memref_slice %arg3[%dma_start3A_42, %dma_start3A_43] : memref<125000x128xi32, #tpu.memory_space<hbm>> -> memref<125000x128xi32, #tpu.memory_space<hbm>>
      tpu.enqueue_indirect_dma source(%dma_start3A_44 : memref<125000x128xi32, #tpu.memory_space<hbm>>) target(%dma_start3A_38 : memref<128x128xi32, #tpu.memory_space<vmem>>) offsets(%dma_start3A_41 : memref<128xi32, #tpu.memory_space<vmem>>) semaphore(%arg11 : memref<!tpu.dma_semaphore, #tpu.memory_space<semaphore_mem>>)
      %dma_wait3A = arith.constant 0 : i32
      %dma_wait3A_45 = arith.constant 0 : i32
      %dma_wait3A_46 = arith.constant 0 : i32
      %dma_wait3A_47 = tpu.memref_slice %arg8[%dma_wait3A, %dma_wait3A_45, %dma_wait3A_46] : memref<2x128x128xi32, #tpu.memory_space<vmem>> -> memref<1x128x128xi32, #tpu.memory_space<vmem>>
      %dma_wait3A_48 = tpu.memref_squeeze %dma_wait3A_47 : memref<1x128x128xi32, #tpu.memory_space<vmem>> -> memref<128x128xi32, #tpu.memory_space<vmem>>
      %dma_wait3A_49 = arith.constant 0 : i32
      %dma_wait3A_50 = arith.constant 0 : i32
      %dma_wait3A_51 = tpu.memref_slice %arg3[%dma_wait3A_49, %dma_wait3A_50] : memref<125000x128xi32, #tpu.memory_space<hbm>> -> memref<128x128xi32, #tpu.memory_space<hbm>>
      %dma_wait3A_52 = arith.constant 0 : i32
      %dma_wait3A_53 = arith.constant 0 : i32
      %dma_wait3A_54 = tpu.memref_slice %arg8[%dma_wait3A, %dma_wait3A_52, %dma_wait3A_53] : memref<2x128x128xi32, #tpu.memory_space<vmem>> -> memref<1x128x128xi32, #tpu.memory_space<vmem>>
      %dma_wait3A_55 = tpu.memref_squeeze %dma_wait3A_54 : memref<1x128x128xi32, #tpu.memory_space<vmem>> -> memref<128x128xi32, #tpu.memory_space<vmem>>
      %dma_wait3A_56 = arith.constant 0 : i32
      %dma_wait3A_57 = arith.constant 0 : i32
      %dma_wait3A_58 = tpu.memref_slice %arg3[%dma_wait3A_56, %dma_wait3A_57] : memref<125000x128xi32, #tpu.memory_space<hbm>> -> memref<128x128xi32, #tpu.memory_space<hbm>>
      tpu.wait_dma2 semaphore(%arg10 : memref<!tpu.dma_semaphore, #tpu.memory_space<semaphore_mem>>) src(%dma_wait3A_58 : memref<128x128xi32, #tpu.memory_space<hbm>>) dst(%dma_wait3A_55 : memref<128x128xi32, #tpu.memory_space<vmem>>)
      %iota3A = tpu.iota {dimensions = array<i32: 0>} : vector<16xi32>
      %add3A_59 = arith.constant 0 : i32
      %add3A_60 = vector.broadcast %add3A_59 : i32 to vector<16xi32>
      %add3A_61 = arith.addi %iota3A, %add3A_60 : vector<16xi32>
      %get3A = arith.constant 0 : i32
      %get3A_62 = arith.index_cast %get3A : i32 to index
      %get3A_63 = arith.constant 0 : index
      %get3A_64 = tpu.vector_load %arg7[%get3A_62, %get3A_63] {strides = array<i32>} : memref<2x128xi32, #tpu.memory_space<vmem>>, vector<16xi32>,
      %scan3A_65 = arith.constant 0 : i32
      %scan3A_66 = arith.constant 16 : i32
      %scan3A_67 = arith.addi %scan3A_65, %scan3A_66 : i32
      %scan3A_68 = arith.constant 1 : i32
      scf.for %scan3A_552 = %scan3A_65 to %scan3A_67 step %scan3A_68  : i32 {
        %mul3A_553 = arith.constant 1 : i32
        %mul3A_554 = arith.muli %scan3A_552, %mul3A_553 : i32
        %add3A_555 = arith.constant 0 : i32
        %add3A_556 = arith.addi %add3A_555, %mul3A_554 : i32
        %add3A_557 = vector.broadcast %add3A_556 : i32 to vector<16xi32>
        %add3A_558 = arith.addi %get3A_64, %add3A_557 : vector<16xi32>
        %gather3A = arith.constant 0 : i32
        %gather3A_559 = arith.constant 0 : i32
        %gather3A_560 = arith.constant 0 : i32
        %gather3A_561 = tpu.memref_slice %arg8[%gather3A, %gather3A_559, %gather3A_560] : memref<2x128x128xi32, #tpu.memory_space<vmem>> -> memref<1x128x128xi32, #tpu.memory_space<vmem>>
        %gather3A_562 = tpu.memref_squeeze %gather3A_561 : memref<1x128x128xi32, #tpu.memory_space<vmem>> -> memref<128x128xi32, #tpu.memory_space<vmem>>
        %gather3A_563 = tpu.vector_load_idx %gather3A_562[%add3A_61, %add3A_558] : memref<128x128xi32, #tpu.memory_space<vmem>>[vector<16xi32>, vector<16xi32>], vector<16xi32>,
        %swap3A = arith.index_cast %add3A_556 : i32 to index
        %swap3A_564 = arith.constant 0 : index
        %swap3A_565 = tpu.vector_load %arg9[%swap3A, %swap3A_564] {strides = array<i32>} : memref<16x512xi32, #tpu.memory_space<vmem>>, vector<16xi32>,
        tpu.vector_store %arg9[%swap3A, %swap3A_564], %gather3A_563 {strides = array<i32>} : memref<16x512xi32, #tpu.memory_space<vmem>>, vector<16xi32>,
      }
      %scan3A_69 = arith.constant 16 : i32
      %iota3A_70 = tpu.iota {dimensions = array<i32: 0>} : vector<16xi32>
      %add3A_71 = arith.constant 16 : i32
      %add3A_72 = vector.broadcast %add3A_71 : i32 to vector<16xi32>
      %add3A_73 = arith.addi %iota3A_70, %add3A_72 : vector<16xi32>
      %get3A_74 = arith.constant 0 : i32
      %get3A_75 = arith.index_cast %get3A_74 : i32 to index
      %get3A_76 = arith.constant 16 : index
      %get3A_77 = tpu.vector_load %arg7[%get3A_75, %get3A_76] {strides = array<i32>} : memref<2x128xi32, #tpu.memory_space<vmem>>, vector<16xi32>,
      %scan3A_78 = arith.constant 0 : i32
      %scan3A_79 = arith.constant 16 : i32
      %scan3A_80 = arith.addi %scan3A_78, %scan3A_79 : i32
      %scan3A_81 = arith.constant 1 : i32
      scf.for %scan3A_552 = %scan3A_78 to %scan3A_80 step %scan3A_81  : i32 {
        %mul3A_553 = arith.constant 1 : i32
        %mul3A_554 = arith.muli %scan3A_552, %mul3A_553 : i32
        %add3A_555 = arith.constant 0 : i32
        %add3A_556 = arith.addi %add3A_555, %mul3A_554 : i32
        %add3A_557 = vector.broadcast %add3A_556 : i32 to vector<16xi32>
        %add3A_558 = arith.addi %get3A_77, %add3A_557 : vector<16xi32>
        %gather3A = arith.constant 0 : i32
        %gather3A_559 = arith.constant 0 : i32
        %gather3A_560 = arith.constant 0 : i32
        %gather3A_561 = tpu.memref_slice %arg8[%gather3A, %gather3A_559, %gather3A_560] : memref<2x128x128xi32, #tpu.memory_space<vmem>> -> memref<1x128x128xi32, #tpu.memory_space<vmem>>
        %gather3A_562 = tpu.memref_squeeze %gather3A_561 : memref<1x128x128xi32, #tpu.memory_space<vmem>> -> memref<128x128xi32, #tpu.memory_space<vmem>>
        %gather3A_563 = tpu.vector_load_idx %gather3A_562[%add3A_73, %add3A_558] : memref<128x128xi32, #tpu.memory_space<vmem>>[vector<16xi32>, vector<16xi32>], vector<16xi32>,
        %swap3A = arith.index_cast %add3A_556 : i32 to index
        %swap3A_564 = arith.constant 16 : index
        %swap3A_565 = tpu.vector_load %arg9[%swap3A, %swap3A_564] {strides = array<i32>} : memref<16x512xi32, #tpu.memory_space<vmem>>, vector<16xi32>,
        tpu.vector_store %arg9[%swap3A, %swap3A_564], %gather3A_563 {strides = array<i32>} : memref<16x512xi32, #tpu.memory_space<vmem>>, vector<16xi32>,
      }
      %scan3A_82 = arith.constant 16 : i32
      %iota3A_83 = tpu.iota {dimensions = array<i32: 0>} : vector<16xi32>
      %add3A_84 = arith.constant 32 : i32
      %add3A_85 = vector.broadcast %add3A_84 : i32 to vector<16xi32>
      %add3A_86 = arith.addi %iota3A_83, %add3A_85 : vector<16xi32>
      %get3A_87 = arith.constant 0 : i32
      %get3A_88 = arith.index_cast %get3A_87 : i32 to index
      %get3A_89 = arith.constant 32 : index
      %get3A_90 = tpu.vector_load %arg7[%get3A_88, %get3A_89] {strides = array<i32>} : memref<2x128xi32, #tpu.memory_space<vmem>>, vector<16xi32>,
      %scan3A_91 = arith.constant 0 : i32
      %scan3A_92 = arith.constant 16 : i32
      %scan3A_93 = arith.addi %scan3A_91, %scan3A_92 : i32
      %scan3A_94 = arith.constant 1 : i32
      scf.for %scan3A_552 = %scan3A_91 to %scan3A_93 step %scan3A_94  : i32 {
        %mul3A_553 = arith.constant 1 : i32
        %mul3A_554 = arith.muli %scan3A_552, %mul3A_553 : i32
        %add3A_555 = arith.constant 0 : i32
        %add3A_556 = arith.addi %add3A_555, %mul3A_554 : i32
        %add3A_557 = vector.broadcast %add3A_556 : i32 to vector<16xi32>
        %add3A_558 = arith.addi %get3A_90, %add3A_557 : vector<16xi32>
        %gather3A = arith.constant 0 : i32
        %gather3A_559 = arith.constant 0 : i32
        %gather3A_560 = arith.constant 0 : i32
        %gather3A_561 = tpu.memref_slice %arg8[%gather3A, %gather3A_559, %gather3A_560] : memref<2x128x128xi32, #tpu.memory_space<vmem>> -> memref<1x128x128xi32, #tpu.memory_space<vmem>>
        %gather3A_562 = tpu.memref_squeeze %gather3A_561 : memref<1x128x128xi32, #tpu.memory_space<vmem>> -> memref<128x128xi32, #tpu.memory_space<vmem>>
        %gather3A_563 = tpu.vector_load_idx %gather3A_562[%add3A_86, %add3A_558] : memref<128x128xi32, #tpu.memory_space<vmem>>[vector<16xi32>, vector<16xi32>], vector<16xi32>,
        %swap3A = arith.index_cast %add3A_556 : i32 to index
        %swap3A_564 = arith.constant 32 : index
        %swap3A_565 = tpu.vector_load %arg9[%swap3A, %swap3A_564] {strides = array<i32>} : memref<16x512xi32, #tpu.memory_space<vmem>>, vector<16xi32>,
        tpu.vector_store %arg9[%swap3A, %swap3A_564], %gather3A_563 {strides = array<i32>} : memref<16x512xi32, #tpu.memory_space<vmem>>, vector<16xi32>,
      }
      %scan3A_95 = arith.constant 16 : i32
      %iota3A_96 = tpu.iota {dimensions = array<i32: 0>} : vector<16xi32>
      %add3A_97 = arith.constant 48 : i32
      %add3A_98 = vector.broadcast %add3A_97 : i32 to vector<16xi32>
      %add3A_99 = arith.addi %iota3A_96, %add3A_98 : vector<16xi32>
      %get3A_100 = arith.constant 0 : i32
      %get3A_101 = arith.index_cast %get3A_100 : i32 to index
      %get3A_102 = arith.constant 48 : index
      %get3A_103 = tpu.vector_load %arg7[%get3A_101, %get3A_102] {strides = array<i32>} : memref<2x128xi32, #tpu.memory_space<vmem>>, vector<16xi32>,
      %scan3A_104 = arith.constant 0 : i32
      %scan3A_105 = arith.constant 16 : i32
      %scan3A_106 = arith.addi %scan3A_104, %scan3A_105 : i32
      %scan3A_107 = arith.constant 1 : i32
      scf.for %scan3A_552 = %scan3A_104 to %scan3A_106 step %scan3A_107  : i32 {
        %mul3A_553 = arith.constant 1 : i32
        %mul3A_554 = arith.muli %scan3A_552, %mul3A_553 : i32
        %add3A_555 = arith.constant 0 : i32
        %add3A_556 = arith.addi %add3A_555, %mul3A_554 : i32
        %add3A_557 = vector.broadcast %add3A_556 : i32 to vector<16xi32>
        %add3A_558 = arith.addi %get3A_103, %add3A_557 : vector<16xi32>
        %gather3A = arith.constant 0 : i32
        %gather3A_559 = arith.constant 0 : i32
        %gather3A_560 = arith.constant 0 : i32
        %gather3A_561 = tpu.memref_slice %arg8[%gather3A, %gather3A_559, %gather3A_560] : memref<2x128x128xi32, #tpu.memory_space<vmem>> -> memref<1x128x128xi32, #tpu.memory_space<vmem>>
        %gather3A_562 = tpu.memref_squeeze %gather3A_561 : memref<1x128x128xi32, #tpu.memory_space<vmem>> -> memref<128x128xi32, #tpu.memory_space<vmem>>
        %gather3A_563 = tpu.vector_load_idx %gather3A_562[%add3A_99, %add3A_558] : memref<128x128xi32, #tpu.memory_space<vmem>>[vector<16xi32>, vector<16xi32>], vector<16xi32>,
        %swap3A = arith.index_cast %add3A_556 : i32 to index
        %swap3A_564 = arith.constant 48 : index
        %swap3A_565 = tpu.vector_load %arg9[%swap3A, %swap3A_564] {strides = array<i32>} : memref<16x512xi32, #tpu.memory_space<vmem>>, vector<16xi32>,
        tpu.vector_store %arg9[%swap3A, %swap3A_564], %gather3A_563 {strides = array<i32>} : memref<16x512xi32, #tpu.memory_space<vmem>>, vector<16xi32>,
      }
      %scan3A_108 = arith.constant 16 : i32
      %iota3A_109 = tpu.iota {dimensions = array<i32: 0>} : vector<16xi32>
      %add3A_110 = arith.constant 64 : i32
      %add3A_111 = vector.broadcast %add3A_110 : i32 to vector<16xi32>
      %add3A_112 = arith.addi %iota3A_109, %add3A_111 : vector<16xi32>
      %get3A_113 = arith.constant 0 : i32
      %get3A_114 = arith.index_cast %get3A_113 : i32 to index
      %get3A_115 = arith.constant 64 : index
      %get3A_116 = tpu.vector_load %arg7[%get3A_114, %get3A_115] {strides = array<i32>} : memref<2x128xi32, #tpu.memory_space<vmem>>, vector<16xi32>,
      %scan3A_117 = arith.constant 0 : i32
      %scan3A_118 = arith.constant 16 : i32
      %scan3A_119 = arith.addi %scan3A_117, %scan3A_118 : i32
      %scan3A_120 = arith.constant 1 : i32
      scf.for %scan3A_552 = %scan3A_117 to %scan3A_119 step %scan3A_120  : i32 {
        %mul3A_553 = arith.constant 1 : i32
        %mul3A_554 = arith.muli %scan3A_552, %mul3A_553 : i32
        %add3A_555 = arith.constant 0 : i32
        %add3A_556 = arith.addi %add3A_555, %mul3A_554 : i32
        %add3A_557 = vector.broadcast %add3A_556 : i32 to vector<16xi32>
        %add3A_558 = arith.addi %get3A_116, %add3A_557 : vector<16xi32>
        %gather3A = arith.constant 0 : i32
        %gather3A_559 = arith.constant 0 : i32
        %gather3A_560 = arith.constant 0 : i32
        %gather3A_561 = tpu.memref_slice %arg8[%gather3A, %gather3A_559, %gather3A_560] : memref<2x128x128xi32, #tpu.memory_space<vmem>> -> memref<1x128x128xi32, #tpu.memory_space<vmem>>
        %gather3A_562 = tpu.memref_squeeze %gather3A_561 : memref<1x128x128xi32, #tpu.memory_space<vmem>> -> memref<128x128xi32, #tpu.memory_space<vmem>>
        %gather3A_563 = tpu.vector_load_idx %gather3A_562[%add3A_112, %add3A_558] : memref<128x128xi32, #tpu.memory_space<vmem>>[vector<16xi32>, vector<16xi32>], vector<16xi32>,
        %swap3A = arith.index_cast %add3A_556 : i32 to index
        %swap3A_564 = arith.constant 64 : index
        %swap3A_565 = tpu.vector_load %arg9[%swap3A, %swap3A_564] {strides = array<i32>} : memref<16x512xi32, #tpu.memory_space<vmem>>, vector<16xi32>,
        tpu.vector_store %arg9[%swap3A, %swap3A_564], %gather3A_563 {strides = array<i32>} : memref<16x512xi32, #tpu.memory_space<vmem>>, vector<16xi32>,
      }
      %scan3A_121 = arith.constant 16 : i32
      %iota3A_122 = tpu.iota {dimensions = array<i32: 0>} : vector<16xi32>
      %add3A_123 = arith.constant 80 : i32
      %add3A_124 = vector.broadcast %add3A_123 : i32 to vector<16xi32>
      %add3A_125 = arith.addi %iota3A_122, %add3A_124 : vector<16xi32>
      %get3A_126 = arith.constant 0 : i32
      %get3A_127 = arith.index_cast %get3A_126 : i32 to index
      %get3A_128 = arith.constant 80 : index
      %get3A_129 = tpu.vector_load %arg7[%get3A_127, %get3A_128] {strides = array<i32>} : memref<2x128xi32, #tpu.memory_space<vmem>>, vector<16xi32>,
      %scan3A_130 = arith.constant 0 : i32
      %scan3A_131 = arith.constant 16 : i32
      %scan3A_132 = arith.addi %scan3A_130, %scan3A_131 : i32
      %scan3A_133 = arith.constant 1 : i32
      scf.for %scan3A_552 = %scan3A_130 to %scan3A_132 step %scan3A_133  : i32 {
        %mul3A_553 = arith.constant 1 : i32
        %mul3A_554 = arith.muli %scan3A_552, %mul3A_553 : i32
        %add3A_555 = arith.constant 0 : i32
        %add3A_556 = arith.addi %add3A_555, %mul3A_554 : i32
        %add3A_557 = vector.broadcast %add3A_556 : i32 to vector<16xi32>
        %add3A_558 = arith.addi %get3A_129, %add3A_557 : vector<16xi32>
        %gather3A = arith.constant 0 : i32
        %gather3A_559 = arith.constant 0 : i32
        %gather3A_560 = arith.constant 0 : i32
        %gather3A_561 = tpu.memref_slice %arg8[%gather3A, %gather3A_559, %gather3A_560] : memref<2x128x128xi32, #tpu.memory_space<vmem>> -> memref<1x128x128xi32, #tpu.memory_space<vmem>>
        %gather3A_562 = tpu.memref_squeeze %gather3A_561 : memref<1x128x128xi32, #tpu.memory_space<vmem>> -> memref<128x128xi32, #tpu.memory_space<vmem>>
        %gather3A_563 = tpu.vector_load_idx %gather3A_562[%add3A_125, %add3A_558] : memref<128x128xi32, #tpu.memory_space<vmem>>[vector<16xi32>, vector<16xi32>], vector<16xi32>,
        %swap3A = arith.index_cast %add3A_556 : i32 to index
        %swap3A_564 = arith.constant 80 : index
        %swap3A_565 = tpu.vector_load %arg9[%swap3A, %swap3A_564] {strides = array<i32>} : memref<16x512xi32, #tpu.memory_space<vmem>>, vector<16xi32>,
        tpu.vector_store %arg9[%swap3A, %swap3A_564], %gather3A_563 {strides = array<i32>} : memref<16x512xi32, #tpu.memory_space<vmem>>, vector<16xi32>,
      }
      %scan3A_134 = arith.constant 16 : i32
      %iota3A_135 = tpu.iota {dimensions = array<i32: 0>} : vector<16xi32>
      %add3A_136 = arith.constant 96 : i32
      %add3A_137 = vector.broadcast %add3A_136 : i32 to vector<16xi32>
      %add3A_138 = arith.addi %iota3A_135, %add3A_137 : vector<16xi32>
      %get3A_139 = arith.constant 0 : i32
      %get3A_140 = arith.index_cast %get3A_139 : i32 to index
      %get3A_141 = arith.constant 96 : index
      %get3A_142 = tpu.vector_load %arg7[%get3A_140, %get3A_141] {strides = array<i32>} : memref<2x128xi32, #tpu.memory_space<vmem>>, vector<16xi32>,
      %scan3A_143 = arith.constant 0 : i32
      %scan3A_144 = arith.constant 16 : i32
      %scan3A_145 = arith.addi %scan3A_143, %scan3A_144 : i32
      %scan3A_146 = arith.constant 1 : i32
      scf.for %scan3A_552 = %scan3A_143 to %scan3A_145 step %scan3A_146  : i32 {
        %mul3A_553 = arith.constant 1 : i32
        %mul3A_554 = arith.muli %scan3A_552, %mul3A_553 : i32
        %add3A_555 = arith.constant 0 : i32
        %add3A_556 = arith.addi %add3A_555, %mul3A_554 : i32
        %add3A_557 = vector.broadcast %add3A_556 : i32 to vector<16xi32>
        %add3A_558 = arith.addi %get3A_142, %add3A_557 : vector<16xi32>
        %gather3A = arith.constant 0 : i32
        %gather3A_559 = arith.constant 0 : i32
        %gather3A_560 = arith.constant 0 : i32
        %gather3A_561 = tpu.memref_slice %arg8[%gather3A, %gather3A_559, %gather3A_560] : memref<2x128x128xi32, #tpu.memory_space<vmem>> -> memref<1x128x128xi32, #tpu.memory_space<vmem>>
        %gather3A_562 = tpu.memref_squeeze %gather3A_561 : memref<1x128x128xi32, #tpu.memory_space<vmem>> -> memref<128x128xi32, #tpu.memory_space<vmem>>
        %gather3A_563 = tpu.vector_load_idx %gather3A_562[%add3A_138, %add3A_558] : memref<128x128xi32, #tpu.memory_space<vmem>>[vector<16xi32>, vector<16xi32>], vector<16xi32>,
        %swap3A = arith.index_cast %add3A_556 : i32 to index
        %swap3A_564 = arith.constant 96 : index
        %swap3A_565 = tpu.vector_load %arg9[%swap3A, %swap3A_564] {strides = array<i32>} : memref<16x512xi32, #tpu.memory_space<vmem>>, vector<16xi32>,
        tpu.vector_store %arg9[%swap3A, %swap3A_564], %gather3A_563 {strides = array<i32>} : memref<16x512xi32, #tpu.memory_space<vmem>>, vector<16xi32>,
      }
      %scan3A_147 = arith.constant 16 : i32
      %iota3A_148 = tpu.iota {dimensions = array<i32: 0>} : vector<16xi32>
      %add3A_149 = arith.constant 112 : i32
      %add3A_150 = vector.broadcast %add3A_149 : i32 to vector<16xi32>
      %add3A_151 = arith.addi %iota3A_148, %add3A_150 : vector<16xi32>
      %get3A_152 = arith.constant 0 : i32
      %get3A_153 = arith.index_cast %get3A_152 : i32 to index
      %get3A_154 = arith.constant 112 : index
      %get3A_155 = tpu.vector_load %arg7[%get3A_153, %get3A_154] {strides = array<i32>} : memref<2x128xi32, #tpu.memory_space<vmem>>, vector<16xi32>,
      %scan3A_156 = arith.constant 0 : i32
      %scan3A_157 = arith.constant 16 : i32
      %scan3A_158 = arith.addi %scan3A_156, %scan3A_157 : i32
      %scan3A_159 = arith.constant 1 : i32
      scf.for %scan3A_552 = %scan3A_156 to %scan3A_158 step %scan3A_159  : i32 {
        %mul3A_553 = arith.constant 1 : i32
        %mul3A_554 = arith.muli %scan3A_552, %mul3A_553 : i32
        %add3A_555 = arith.constant 0 : i32
        %add3A_556 = arith.addi %add3A_555, %mul3A_554 : i32
        %add3A_557 = vector.broadcast %add3A_556 : i32 to vector<16xi32>
        %add3A_558 = arith.addi %get3A_155, %add3A_557 : vector<16xi32>
        %gather3A = arith.constant 0 : i32
        %gather3A_559 = arith.constant 0 : i32
        %gather3A_560 = arith.constant 0 : i32
        %gather3A_561 = tpu.memref_slice %arg8[%gather3A, %gather3A_559, %gather3A_560] : memref<2x128x128xi32, #tpu.memory_space<vmem>> -> memref<1x128x128xi32, #tpu.memory_space<vmem>>
        %gather3A_562 = tpu.memref_squeeze %gather3A_561 : memref<1x128x128xi32, #tpu.memory_space<vmem>> -> memref<128x128xi32, #tpu.memory_space<vmem>>
        %gather3A_563 = tpu.vector_load_idx %gather3A_562[%add3A_151, %add3A_558] : memref<128x128xi32, #tpu.memory_space<vmem>>[vector<16xi32>, vector<16xi32>], vector<16xi32>,
        %swap3A = arith.index_cast %add3A_556 : i32 to index
        %swap3A_564 = arith.constant 112 : index
        %swap3A_565 = tpu.vector_load %arg9[%swap3A, %swap3A_564] {strides = array<i32>} : memref<16x512xi32, #tpu.memory_space<vmem>>, vector<16xi32>,
        tpu.vector_store %arg9[%swap3A, %swap3A_564], %gather3A_563 {strides = array<i32>} : memref<16x512xi32, #tpu.memory_space<vmem>>, vector<16xi32>,
      }
      %scan3A_160 = arith.constant 16 : i32
      %scan3A_161 = arith.constant 0 : i32
      %scan3A_162 = arith.constant 8 : i32
      %scan3A_163 = arith.addi %scan3A_161, %scan3A_162 : i32
      %scan3A_164 = arith.constant 1 : i32
      scf.for %scan3A_552 = %scan3A_161 to %scan3A_163 step %scan3A_164  : i32 {
        %mul3A_553 = arith.constant 16 : i32
        %mul3A_554 = arith.muli %scan3A_552, %mul3A_553 : i32
        %add3A_555 = arith.constant 0 : i32
        %add3A_556 = arith.addi %add3A_555, %mul3A_554 : i32
        %add3A_557 = arith.constant 256 : i32
        %add3A_558 = arith.addi %add3A_557, %add3A_556 : i32
        %get3A_559 = arith.index_cast %add3A_558 : i32 to index
        %get3A_560 = tpu.vector_load %arg5[%get3A_559] {strides = array<i32>} : memref<512xi32, #tpu.memory_space<vmem>>, vector<16xi32>,
        %shift_right_arithmetic3A = arith.constant 3 : i32
        %shift_right_arithmetic3A_561 = vector.broadcast %shift_right_arithmetic3A : i32 to vector<16xi32>
        %shift_right_arithmetic3A_562 = arith.shrsi %get3A_560, %shift_right_arithmetic3A_561 : vector<16xi32>
        %swap3A = arith.constant 0 : i32
        %swap3A_563 = arith.index_cast %swap3A : i32 to index
        %swap3A_564 = arith.index_cast %add3A_556 : i32 to index
        %swap3A_565 = tpu.vector_load %arg6[%swap3A_563, %swap3A_564] {strides = array<i32>} : memref<2x128xi32, #tpu.memory_space<vmem>>, vector<16xi32>,
        tpu.vector_store %arg6[%swap3A_563, %swap3A_564], %shift_right_arithmetic3A_562 {strides = array<i32>} : memref<2x128xi32, #tpu.memory_space<vmem>>, vector<16xi32>,
        %and3A = arith.constant 7 : i32
        %and3A_566 = vector.broadcast %and3A : i32 to vector<16xi32>
        %and3A_567 = arith.andi %get3A_560, %and3A_566 : vector<16xi32>
        %mul3A_568 = arith.constant 16 : i32
        %mul3A_569 = vector.broadcast %mul3A_568 : i32 to vector<16xi32>
        %mul3A_570 = arith.muli %and3A_567, %mul3A_569 : vector<16xi32>
        %swap3A_571 = arith.constant 0 : i32
        %swap3A_572 = arith.index_cast %swap3A_571 : i32 to index
        %swap3A_573 = arith.index_cast %add3A_556 : i32 to index
        %swap3A_574 = tpu.vector_load %arg7[%swap3A_572, %swap3A_573] {strides = array<i32>} : memref<2x128xi32, #tpu.memory_space<vmem>>, vector<16xi32>,
        tpu.vector_store %arg7[%swap3A_572, %swap3A_573], %mul3A_570 {strides = array<i32>} : memref<2x128xi32, #tpu.memory_space<vmem>>, vector<16xi32>,
      }
      %scan3A_165 = arith.constant 8 : i32
      %dma_start3A_166 = arith.constant 0 : i32
      %dma_start3A_167 = arith.constant 0 : i32
      %dma_start3A_168 = arith.constant 0 : i32
      %dma_start3A_169 = arith.constant 0 : i32
      %dma_start3A_170 = tpu.memref_slice %arg8[%dma_start3A_167, %dma_start3A_168, %dma_start3A_169] : memref<2x128x128xi32, #tpu.memory_space<vmem>> -> memref<1x128x128xi32, #tpu.memory_space<vmem>>
      %dma_start3A_171 = tpu.memref_squeeze %dma_start3A_170 : memref<1x128x128xi32, #tpu.memory_space<vmem>> -> memref<128x128xi32, #tpu.memory_space<vmem>>
      %dma_start3A_172 = arith.constant 0 : i32
      %dma_start3A_173 = tpu.memref_slice %arg6[%dma_start3A_166, %dma_start3A_172] : memref<2x128xi32, #tpu.memory_space<vmem>> -> memref<1x128xi32, #tpu.memory_space<vmem>>
      %dma_start3A_174 = tpu.memref_squeeze %dma_start3A_173 : memref<1x128xi32, #tpu.memory_space<vmem>> -> memref<128xi32, #tpu.memory_space<vmem>>
      %dma_start3A_175 = arith.constant 0 : i32
      %dma_start3A_176 = arith.constant 0 : i32
      %dma_start3A_177 = tpu.memref_slice %arg3[%dma_start3A_175, %dma_start3A_176] : memref<125000x128xi32, #tpu.memory_space<hbm>> -> memref<125000x128xi32, #tpu.memory_space<hbm>>
      tpu.enqueue_indirect_dma source(%dma_start3A_177 : memref<125000x128xi32, #tpu.memory_space<hbm>>) target(%dma_start3A_171 : memref<128x128xi32, #tpu.memory_space<vmem>>) offsets(%dma_start3A_174 : memref<128xi32, #tpu.memory_space<vmem>>) semaphore(%arg10 : memref<!tpu.dma_semaphore, #tpu.memory_space<semaphore_mem>>)
      %dma_wait3A_178 = arith.constant 1 : i32
      %dma_wait3A_179 = arith.constant 0 : i32
      %dma_wait3A_180 = arith.constant 0 : i32
      %dma_wait3A_181 = tpu.memref_slice %arg8[%dma_wait3A_178, %dma_wait3A_179, %dma_wait3A_180] : memref<2x128x128xi32, #tpu.memory_space<vmem>> -> memref<1x128x128xi32, #tpu.memory_space<vmem>>
      %dma_wait3A_182 = tpu.memref_squeeze %dma_wait3A_181 : memref<1x128x128xi32, #tpu.memory_space<vmem>> -> memref<128x128xi32, #tpu.memory_space<vmem>>
      %dma_wait3A_183 = arith.constant 0 : i32
      %dma_wait3A_184 = arith.constant 0 : i32
      %dma_wait3A_185 = tpu.memref_slice %arg3[%dma_wait3A_183, %dma_wait3A_184] : memref<125000x128xi32, #tpu.memory_space<hbm>> -> memref<128x128xi32, #tpu.memory_space<hbm>>
      %dma_wait3A_186 = arith.constant 0 : i32
      %dma_wait3A_187 = arith.constant 0 : i32
      %dma_wait3A_188 = tpu.memref_slice %arg8[%dma_wait3A_178, %dma_wait3A_186, %dma_wait3A_187] : memref<2x128x128xi32, #tpu.memory_space<vmem>> -> memref<1x128x128xi32, #tpu.memory_space<vmem>>
      %dma_wait3A_189 = tpu.memref_squeeze %dma_wait3A_188 : memref<1x128x128xi32, #tpu.memory_space<vmem>> -> memref<128x128xi32, #tpu.memory_space<vmem>>
      %dma_wait3A_190 = arith.constant 0 : i32
      %dma_wait3A_191 = arith.constant 0 : i32
      %dma_wait3A_192 = tpu.memref_slice %arg3[%dma_wait3A_190, %dma_wait3A_191] : memref<125000x128xi32, #tpu.memory_space<hbm>> -> memref<128x128xi32, #tpu.memory_space<hbm>>
      tpu.wait_dma2 semaphore(%arg11 : memref<!tpu.dma_semaphore, #tpu.memory_space<semaphore_mem>>) src(%dma_wait3A_192 : memref<128x128xi32, #tpu.memory_space<hbm>>) dst(%dma_wait3A_189 : memref<128x128xi32, #tpu.memory_space<vmem>>)
      %iota3A_193 = tpu.iota {dimensions = array<i32: 0>} : vector<16xi32>
      %add3A_194 = arith.constant 0 : i32
      %add3A_195 = vector.broadcast %add3A_194 : i32 to vector<16xi32>
      %add3A_196 = arith.addi %iota3A_193, %add3A_195 : vector<16xi32>
      %get3A_197 = arith.constant 1 : i32
      %get3A_198 = arith.index_cast %get3A_197 : i32 to index
      %get3A_199 = arith.constant 0 : index
      %get3A_200 = tpu.vector_load %arg7[%get3A_198, %get3A_199] {strides = array<i32>} : memref<2x128xi32, #tpu.memory_space<vmem>>, vector<16xi32>,
      %scan3A_201 = arith.constant 0 : i32
      %scan3A_202 = arith.constant 16 : i32
      %scan3A_203 = arith.addi %scan3A_201, %scan3A_202 : i32
      %scan3A_204 = arith.constant 1 : i32
      scf.for %scan3A_552 = %scan3A_201 to %scan3A_203 step %scan3A_204  : i32 {
        %mul3A_553 = arith.constant 1 : i32
        %mul3A_554 = arith.muli %scan3A_552, %mul3A_553 : i32
        %add3A_555 = arith.constant 0 : i32
        %add3A_556 = arith.addi %add3A_555, %mul3A_554 : i32
        %add3A_557 = vector.broadcast %add3A_556 : i32 to vector<16xi32>
        %add3A_558 = arith.addi %get3A_200, %add3A_557 : vector<16xi32>
        %gather3A = arith.constant 1 : i32
        %gather3A_559 = arith.constant 0 : i32
        %gather3A_560 = arith.constant 0 : i32
        %gather3A_561 = tpu.memref_slice %arg8[%gather3A, %gather3A_559, %gather3A_560] : memref<2x128x128xi32, #tpu.memory_space<vmem>> -> memref<1x128x128xi32, #tpu.memory_space<vmem>>
        %gather3A_562 = tpu.memref_squeeze %gather3A_561 : memref<1x128x128xi32, #tpu.memory_space<vmem>> -> memref<128x128xi32, #tpu.memory_space<vmem>>
        %gather3A_563 = tpu.vector_load_idx %gather3A_562[%add3A_196, %add3A_558] : memref<128x128xi32, #tpu.memory_space<vmem>>[vector<16xi32>, vector<16xi32>], vector<16xi32>,
        %swap3A = arith.index_cast %add3A_556 : i32 to index
        %swap3A_564 = arith.constant 128 : index
        %swap3A_565 = tpu.vector_load %arg9[%swap3A, %swap3A_564] {strides = array<i32>} : memref<16x512xi32, #tpu.memory_space<vmem>>, vector<16xi32>,
        tpu.vector_store %arg9[%swap3A, %swap3A_564], %gather3A_563 {strides = array<i32>} : memref<16x512xi32, #tpu.memory_space<vmem>>, vector<16xi32>,
      }
      %scan3A_205 = arith.constant 16 : i32
      %iota3A_206 = tpu.iota {dimensions = array<i32: 0>} : vector<16xi32>
      %add3A_207 = arith.constant 16 : i32
      %add3A_208 = vector.broadcast %add3A_207 : i32 to vector<16xi32>
      %add3A_209 = arith.addi %iota3A_206, %add3A_208 : vector<16xi32>
      %get3A_210 = arith.constant 1 : i32
      %get3A_211 = arith.index_cast %get3A_210 : i32 to index
      %get3A_212 = arith.constant 16 : index
      %get3A_213 = tpu.vector_load %arg7[%get3A_211, %get3A_212] {strides = array<i32>} : memref<2x128xi32, #tpu.memory_space<vmem>>, vector<16xi32>,
      %scan3A_214 = arith.constant 0 : i32
      %scan3A_215 = arith.constant 16 : i32
      %scan3A_216 = arith.addi %scan3A_214, %scan3A_215 : i32
      %scan3A_217 = arith.constant 1 : i32
      scf.for %scan3A_552 = %scan3A_214 to %scan3A_216 step %scan3A_217  : i32 {
        %mul3A_553 = arith.constant 1 : i32
        %mul3A_554 = arith.muli %scan3A_552, %mul3A_553 : i32
        %add3A_555 = arith.constant 0 : i32
        %add3A_556 = arith.addi %add3A_555, %mul3A_554 : i32
        %add3A_557 = vector.broadcast %add3A_556 : i32 to vector<16xi32>
        %add3A_558 = arith.addi %get3A_213, %add3A_557 : vector<16xi32>
        %gather3A = arith.constant 1 : i32
        %gather3A_559 = arith.constant 0 : i32
        %gather3A_560 = arith.constant 0 : i32
        %gather3A_561 = tpu.memref_slice %arg8[%gather3A, %gather3A_559, %gather3A_560] : memref<2x128x128xi32, #tpu.memory_space<vmem>> -> memref<1x128x128xi32, #tpu.memory_space<vmem>>
        %gather3A_562 = tpu.memref_squeeze %gather3A_561 : memref<1x128x128xi32, #tpu.memory_space<vmem>> -> memref<128x128xi32, #tpu.memory_space<vmem>>
        %gather3A_563 = tpu.vector_load_idx %gather3A_562[%add3A_209, %add3A_558] : memref<128x128xi32, #tpu.memory_space<vmem>>[vector<16xi32>, vector<16xi32>], vector<16xi32>,
        %swap3A = arith.index_cast %add3A_556 : i32 to index
        %swap3A_564 = arith.constant 144 : index
        %swap3A_565 = tpu.vector_load %arg9[%swap3A, %swap3A_564] {strides = array<i32>} : memref<16x512xi32, #tpu.memory_space<vmem>>, vector<16xi32>,
        tpu.vector_store %arg9[%swap3A, %swap3A_564], %gather3A_563 {strides = array<i32>} : memref<16x512xi32, #tpu.memory_space<vmem>>, vector<16xi32>,
      }
      %scan3A_218 = arith.constant 16 : i32
      %iota3A_219 = tpu.iota {dimensions = array<i32: 0>} : vector<16xi32>
      %add3A_220 = arith.constant 32 : i32
      %add3A_221 = vector.broadcast %add3A_220 : i32 to vector<16xi32>
      %add3A_222 = arith.addi %iota3A_219, %add3A_221 : vector<16xi32>
      %get3A_223 = arith.constant 1 : i32
      %get3A_224 = arith.index_cast %get3A_223 : i32 to index
      %get3A_225 = arith.constant 32 : index
      %get3A_226 = tpu.vector_load %arg7[%get3A_224, %get3A_225] {strides = array<i32>} : memref<2x128xi32, #tpu.memory_space<vmem>>, vector<16xi32>,
      %scan3A_227 = arith.constant 0 : i32
      %scan3A_228 = arith.constant 16 : i32
      %scan3A_229 = arith.addi %scan3A_227, %scan3A_228 : i32
      %scan3A_230 = arith.constant 1 : i32
      scf.for %scan3A_552 = %scan3A_227 to %scan3A_229 step %scan3A_230  : i32 {
        %mul3A_553 = arith.constant 1 : i32
        %mul3A_554 = arith.muli %scan3A_552, %mul3A_553 : i32
        %add3A_555 = arith.constant 0 : i32
        %add3A_556 = arith.addi %add3A_555, %mul3A_554 : i32
        %add3A_557 = vector.broadcast %add3A_556 : i32 to vector<16xi32>
        %add3A_558 = arith.addi %get3A_226, %add3A_557 : vector<16xi32>
        %gather3A = arith.constant 1 : i32
        %gather3A_559 = arith.constant 0 : i32
        %gather3A_560 = arith.constant 0 : i32
        %gather3A_561 = tpu.memref_slice %arg8[%gather3A, %gather3A_559, %gather3A_560] : memref<2x128x128xi32, #tpu.memory_space<vmem>> -> memref<1x128x128xi32, #tpu.memory_space<vmem>>
        %gather3A_562 = tpu.memref_squeeze %gather3A_561 : memref<1x128x128xi32, #tpu.memory_space<vmem>> -> memref<128x128xi32, #tpu.memory_space<vmem>>
        %gather3A_563 = tpu.vector_load_idx %gather3A_562[%add3A_222, %add3A_558] : memref<128x128xi32, #tpu.memory_space<vmem>>[vector<16xi32>, vector<16xi32>], vector<16xi32>,
        %swap3A = arith.index_cast %add3A_556 : i32 to index
        %swap3A_564 = arith.constant 160 : index
        %swap3A_565 = tpu.vector_load %arg9[%swap3A, %swap3A_564] {strides = array<i32>} : memref<16x512xi32, #tpu.memory_space<vmem>>, vector<16xi32>,
        tpu.vector_store %arg9[%swap3A, %swap3A_564], %gather3A_563 {strides = array<i32>} : memref<16x512xi32, #tpu.memory_space<vmem>>, vector<16xi32>,
      }
      %scan3A_231 = arith.constant 16 : i32
      %iota3A_232 = tpu.iota {dimensions = array<i32: 0>} : vector<16xi32>
      %add3A_233 = arith.constant 48 : i32
      %add3A_234 = vector.broadcast %add3A_233 : i32 to vector<16xi32>
      %add3A_235 = arith.addi %iota3A_232, %add3A_234 : vector<16xi32>
      %get3A_236 = arith.constant 1 : i32
      %get3A_237 = arith.index_cast %get3A_236 : i32 to index
      %get3A_238 = arith.constant 48 : index
      %get3A_239 = tpu.vector_load %arg7[%get3A_237, %get3A_238] {strides = array<i32>} : memref<2x128xi32, #tpu.memory_space<vmem>>, vector<16xi32>,
      %scan3A_240 = arith.constant 0 : i32
      %scan3A_241 = arith.constant 16 : i32
      %scan3A_242 = arith.addi %scan3A_240, %scan3A_241 : i32
      %scan3A_243 = arith.constant 1 : i32
      scf.for %scan3A_552 = %scan3A_240 to %scan3A_242 step %scan3A_243  : i32 {
        %mul3A_553 = arith.constant 1 : i32
        %mul3A_554 = arith.muli %scan3A_552, %mul3A_553 : i32
        %add3A_555 = arith.constant 0 : i32
        %add3A_556 = arith.addi %add3A_555, %mul3A_554 : i32
        %add3A_557 = vector.broadcast %add3A_556 : i32 to vector<16xi32>
        %add3A_558 = arith.addi %get3A_239, %add3A_557 : vector<16xi32>
        %gather3A = arith.constant 1 : i32
        %gather3A_559 = arith.constant 0 : i32
        %gather3A_560 = arith.constant 0 : i32
        %gather3A_561 = tpu.memref_slice %arg8[%gather3A, %gather3A_559, %gather3A_560] : memref<2x128x128xi32, #tpu.memory_space<vmem>> -> memref<1x128x128xi32, #tpu.memory_space<vmem>>
        %gather3A_562 = tpu.memref_squeeze %gather3A_561 : memref<1x128x128xi32, #tpu.memory_space<vmem>> -> memref<128x128xi32, #tpu.memory_space<vmem>>
        %gather3A_563 = tpu.vector_load_idx %gather3A_562[%add3A_235, %add3A_558] : memref<128x128xi32, #tpu.memory_space<vmem>>[vector<16xi32>, vector<16xi32>], vector<16xi32>,
        %swap3A = arith.index_cast %add3A_556 : i32 to index
        %swap3A_564 = arith.constant 176 : index
        %swap3A_565 = tpu.vector_load %arg9[%swap3A, %swap3A_564] {strides = array<i32>} : memref<16x512xi32, #tpu.memory_space<vmem>>, vector<16xi32>,
        tpu.vector_store %arg9[%swap3A, %swap3A_564], %gather3A_563 {strides = array<i32>} : memref<16x512xi32, #tpu.memory_space<vmem>>, vector<16xi32>,
      }
      %scan3A_244 = arith.constant 16 : i32
      %iota3A_245 = tpu.iota {dimensions = array<i32: 0>} : vector<16xi32>
      %add3A_246 = arith.constant 64 : i32
      %add3A_247 = vector.broadcast %add3A_246 : i32 to vector<16xi32>
      %add3A_248 = arith.addi %iota3A_245, %add3A_247 : vector<16xi32>
      %get3A_249 = arith.constant 1 : i32
      %get3A_250 = arith.index_cast %get3A_249 : i32 to index
      %get3A_251 = arith.constant 64 : index
      %get3A_252 = tpu.vector_load %arg7[%get3A_250, %get3A_251] {strides = array<i32>} : memref<2x128xi32, #tpu.memory_space<vmem>>, vector<16xi32>,
      %scan3A_253 = arith.constant 0 : i32
      %scan3A_254 = arith.constant 16 : i32
      %scan3A_255 = arith.addi %scan3A_253, %scan3A_254 : i32
      %scan3A_256 = arith.constant 1 : i32
      scf.for %scan3A_552 = %scan3A_253 to %scan3A_255 step %scan3A_256  : i32 {
        %mul3A_553 = arith.constant 1 : i32
        %mul3A_554 = arith.muli %scan3A_552, %mul3A_553 : i32
        %add3A_555 = arith.constant 0 : i32
        %add3A_556 = arith.addi %add3A_555, %mul3A_554 : i32
        %add3A_557 = vector.broadcast %add3A_556 : i32 to vector<16xi32>
        %add3A_558 = arith.addi %get3A_252, %add3A_557 : vector<16xi32>
        %gather3A = arith.constant 1 : i32
        %gather3A_559 = arith.constant 0 : i32
        %gather3A_560 = arith.constant 0 : i32
        %gather3A_561 = tpu.memref_slice %arg8[%gather3A, %gather3A_559, %gather3A_560] : memref<2x128x128xi32, #tpu.memory_space<vmem>> -> memref<1x128x128xi32, #tpu.memory_space<vmem>>
        %gather3A_562 = tpu.memref_squeeze %gather3A_561 : memref<1x128x128xi32, #tpu.memory_space<vmem>> -> memref<128x128xi32, #tpu.memory_space<vmem>>
        %gather3A_563 = tpu.vector_load_idx %gather3A_562[%add3A_248, %add3A_558] : memref<128x128xi32, #tpu.memory_space<vmem>>[vector<16xi32>, vector<16xi32>], vector<16xi32>,
        %swap3A = arith.index_cast %add3A_556 : i32 to index
        %swap3A_564 = arith.constant 192 : index
        %swap3A_565 = tpu.vector_load %arg9[%swap3A, %swap3A_564] {strides = array<i32>} : memref<16x512xi32, #tpu.memory_space<vmem>>, vector<16xi32>,
        tpu.vector_store %arg9[%swap3A, %swap3A_564], %gather3A_563 {strides = array<i32>} : memref<16x512xi32, #tpu.memory_space<vmem>>, vector<16xi32>,
      }
      %scan3A_257 = arith.constant 16 : i32
      %iota3A_258 = tpu.iota {dimensions = array<i32: 0>} : vector<16xi32>
      %add3A_259 = arith.constant 80 : i32
      %add3A_260 = vector.broadcast %add3A_259 : i32 to vector<16xi32>
      %add3A_261 = arith.addi %iota3A_258, %add3A_260 : vector<16xi32>
      %get3A_262 = arith.constant 1 : i32
      %get3A_263 = arith.index_cast %get3A_262 : i32 to index
      %get3A_264 = arith.constant 80 : index
      %get3A_265 = tpu.vector_load %arg7[%get3A_263, %get3A_264] {strides = array<i32>} : memref<2x128xi32, #tpu.memory_space<vmem>>, vector<16xi32>,
      %scan3A_266 = arith.constant 0 : i32
      %scan3A_267 = arith.constant 16 : i32
      %scan3A_268 = arith.addi %scan3A_266, %scan3A_267 : i32
      %scan3A_269 = arith.constant 1 : i32
      scf.for %scan3A_552 = %scan3A_266 to %scan3A_268 step %scan3A_269  : i32 {
        %mul3A_553 = arith.constant 1 : i32
        %mul3A_554 = arith.muli %scan3A_552, %mul3A_553 : i32
        %add3A_555 = arith.constant 0 : i32
        %add3A_556 = arith.addi %add3A_555, %mul3A_554 : i32
        %add3A_557 = vector.broadcast %add3A_556 : i32 to vector<16xi32>
        %add3A_558 = arith.addi %get3A_265, %add3A_557 : vector<16xi32>
        %gather3A = arith.constant 1 : i32
        %gather3A_559 = arith.constant 0 : i32
        %gather3A_560 = arith.constant 0 : i32
        %gather3A_561 = tpu.memref_slice %arg8[%gather3A, %gather3A_559, %gather3A_560] : memref<2x128x128xi32, #tpu.memory_space<vmem>> -> memref<1x128x128xi32, #tpu.memory_space<vmem>>
        %gather3A_562 = tpu.memref_squeeze %gather3A_561 : memref<1x128x128xi32, #tpu.memory_space<vmem>> -> memref<128x128xi32, #tpu.memory_space<vmem>>
        %gather3A_563 = tpu.vector_load_idx %gather3A_562[%add3A_261, %add3A_558] : memref<128x128xi32, #tpu.memory_space<vmem>>[vector<16xi32>, vector<16xi32>], vector<16xi32>,
        %swap3A = arith.index_cast %add3A_556 : i32 to index
        %swap3A_564 = arith.constant 208 : index
        %swap3A_565 = tpu.vector_load %arg9[%swap3A, %swap3A_564] {strides = array<i32>} : memref<16x512xi32, #tpu.memory_space<vmem>>, vector<16xi32>,
        tpu.vector_store %arg9[%swap3A, %swap3A_564], %gather3A_563 {strides = array<i32>} : memref<16x512xi32, #tpu.memory_space<vmem>>, vector<16xi32>,
      }
      %scan3A_270 = arith.constant 16 : i32
      %iota3A_271 = tpu.iota {dimensions = array<i32: 0>} : vector<16xi32>
      %add3A_272 = arith.constant 96 : i32
      %add3A_273 = vector.broadcast %add3A_272 : i32 to vector<16xi32>
      %add3A_274 = arith.addi %iota3A_271, %add3A_273 : vector<16xi32>
      %get3A_275 = arith.constant 1 : i32
      %get3A_276 = arith.index_cast %get3A_275 : i32 to index
      %get3A_277 = arith.constant 96 : index
      %get3A_278 = tpu.vector_load %arg7[%get3A_276, %get3A_277] {strides = array<i32>} : memref<2x128xi32, #tpu.memory_space<vmem>>, vector<16xi32>,
      %scan3A_279 = arith.constant 0 : i32
      %scan3A_280 = arith.constant 16 : i32
      %scan3A_281 = arith.addi %scan3A_279, %scan3A_280 : i32
      %scan3A_282 = arith.constant 1 : i32
      scf.for %scan3A_552 = %scan3A_279 to %scan3A_281 step %scan3A_282  : i32 {
        %mul3A_553 = arith.constant 1 : i32
        %mul3A_554 = arith.muli %scan3A_552, %mul3A_553 : i32
        %add3A_555 = arith.constant 0 : i32
        %add3A_556 = arith.addi %add3A_555, %mul3A_554 : i32
        %add3A_557 = vector.broadcast %add3A_556 : i32 to vector<16xi32>
        %add3A_558 = arith.addi %get3A_278, %add3A_557 : vector<16xi32>
        %gather3A = arith.constant 1 : i32
        %gather3A_559 = arith.constant 0 : i32
        %gather3A_560 = arith.constant 0 : i32
        %gather3A_561 = tpu.memref_slice %arg8[%gather3A, %gather3A_559, %gather3A_560] : memref<2x128x128xi32, #tpu.memory_space<vmem>> -> memref<1x128x128xi32, #tpu.memory_space<vmem>>
        %gather3A_562 = tpu.memref_squeeze %gather3A_561 : memref<1x128x128xi32, #tpu.memory_space<vmem>> -> memref<128x128xi32, #tpu.memory_space<vmem>>
        %gather3A_563 = tpu.vector_load_idx %gather3A_562[%add3A_274, %add3A_558] : memref<128x128xi32, #tpu.memory_space<vmem>>[vector<16xi32>, vector<16xi32>], vector<16xi32>,
        %swap3A = arith.index_cast %add3A_556 : i32 to index
        %swap3A_564 = arith.constant 224 : index
        %swap3A_565 = tpu.vector_load %arg9[%swap3A, %swap3A_564] {strides = array<i32>} : memref<16x512xi32, #tpu.memory_space<vmem>>, vector<16xi32>,
        tpu.vector_store %arg9[%swap3A, %swap3A_564], %gather3A_563 {strides = array<i32>} : memref<16x512xi32, #tpu.memory_space<vmem>>, vector<16xi32>,
      }
      %scan3A_283 = arith.constant 16 : i32
      %iota3A_284 = tpu.iota {dimensions = array<i32: 0>} : vector<16xi32>
      %add3A_285 = arith.constant 112 : i32
      %add3A_286 = vector.broadcast %add3A_285 : i32 to vector<16xi32>
      %add3A_287 = arith.addi %iota3A_284, %add3A_286 : vector<16xi32>
      %get3A_288 = arith.constant 1 : i32
      %get3A_289 = arith.index_cast %get3A_288 : i32 to index
      %get3A_290 = arith.constant 112 : index
      %get3A_291 = tpu.vector_load %arg7[%get3A_289, %get3A_290] {strides = array<i32>} : memref<2x128xi32, #tpu.memory_space<vmem>>, vector<16xi32>,
      %scan3A_292 = arith.constant 0 : i32
      %scan3A_293 = arith.constant 16 : i32
      %scan3A_294 = arith.addi %scan3A_292, %scan3A_293 : i32
      %scan3A_295 = arith.constant 1 : i32
      scf.for %scan3A_552 = %scan3A_292 to %scan3A_294 step %scan3A_295  : i32 {
        %mul3A_553 = arith.constant 1 : i32
        %mul3A_554 = arith.muli %scan3A_552, %mul3A_553 : i32
        %add3A_555 = arith.constant 0 : i32
        %add3A_556 = arith.addi %add3A_555, %mul3A_554 : i32
        %add3A_557 = vector.broadcast %add3A_556 : i32 to vector<16xi32>
        %add3A_558 = arith.addi %get3A_291, %add3A_557 : vector<16xi32>
        %gather3A = arith.constant 1 : i32
        %gather3A_559 = arith.constant 0 : i32
        %gather3A_560 = arith.constant 0 : i32
        %gather3A_561 = tpu.memref_slice %arg8[%gather3A, %gather3A_559, %gather3A_560] : memref<2x128x128xi32, #tpu.memory_space<vmem>> -> memref<1x128x128xi32, #tpu.memory_space<vmem>>
        %gather3A_562 = tpu.memref_squeeze %gather3A_561 : memref<1x128x128xi32, #tpu.memory_space<vmem>> -> memref<128x128xi32, #tpu.memory_space<vmem>>
        %gather3A_563 = tpu.vector_load_idx %gather3A_562[%add3A_287, %add3A_558] : memref<128x128xi32, #tpu.memory_space<vmem>>[vector<16xi32>, vector<16xi32>], vector<16xi32>,
        %swap3A = arith.index_cast %add3A_556 : i32 to index
        %swap3A_564 = arith.constant 240 : index
        %swap3A_565 = tpu.vector_load %arg9[%swap3A, %swap3A_564] {strides = array<i32>} : memref<16x512xi32, #tpu.memory_space<vmem>>, vector<16xi32>,
        tpu.vector_store %arg9[%swap3A, %swap3A_564], %gather3A_563 {strides = array<i32>} : memref<16x512xi32, #tpu.memory_space<vmem>>, vector<16xi32>,
      }
      %scan3A_296 = arith.constant 16 : i32
      %scan3A_297 = arith.constant 0 : i32
      %scan3A_298 = arith.constant 8 : i32
      %scan3A_299 = arith.addi %scan3A_297, %scan3A_298 : i32
      %scan3A_300 = arith.constant 1 : i32
      scf.for %scan3A_552 = %scan3A_297 to %scan3A_299 step %scan3A_300  : i32 {
        %mul3A_553 = arith.constant 16 : i32
        %mul3A_554 = arith.muli %scan3A_552, %mul3A_553 : i32
        %add3A_555 = arith.constant 0 : i32
        %add3A_556 = arith.addi %add3A_555, %mul3A_554 : i32
        %add3A_557 = arith.constant 384 : i32
        %add3A_558 = arith.addi %add3A_557, %add3A_556 : i32
        %get3A_559 = arith.index_cast %add3A_558 : i32 to index
        %get3A_560 = tpu.vector_load %arg5[%get3A_559] {strides = array<i32>} : memref<512xi32, #tpu.memory_space<vmem>>, vector<16xi32>,
        %shift_right_arithmetic3A = arith.constant 3 : i32
        %shift_right_arithmetic3A_561 = vector.broadcast %shift_right_arithmetic3A : i32 to vector<16xi32>
        %shift_right_arithmetic3A_562 = arith.shrsi %get3A_560, %shift_right_arithmetic3A_561 : vector<16xi32>
        %swap3A = arith.constant 1 : i32
        %swap3A_563 = arith.index_cast %swap3A : i32 to index
        %swap3A_564 = arith.index_cast %add3A_556 : i32 to index
        %swap3A_565 = tpu.vector_load %arg6[%swap3A_563, %swap3A_564] {strides = array<i32>} : memref<2x128xi32, #tpu.memory_space<vmem>>, vector<16xi32>,
        tpu.vector_store %arg6[%swap3A_563, %swap3A_564], %shift_right_arithmetic3A_562 {strides = array<i32>} : memref<2x128xi32, #tpu.memory_space<vmem>>, vector<16xi32>,
        %and3A = arith.constant 7 : i32
        %and3A_566 = vector.broadcast %and3A : i32 to vector<16xi32>
        %and3A_567 = arith.andi %get3A_560, %and3A_566 : vector<16xi32>
        %mul3A_568 = arith.constant 16 : i32
        %mul3A_569 = vector.broadcast %mul3A_568 : i32 to vector<16xi32>
        %mul3A_570 = arith.muli %and3A_567, %mul3A_569 : vector<16xi32>
        %swap3A_571 = arith.constant 1 : i32
        %swap3A_572 = arith.index_cast %swap3A_571 : i32 to index
        %swap3A_573 = arith.index_cast %add3A_556 : i32 to index
        %swap3A_574 = tpu.vector_load %arg7[%swap3A_572, %swap3A_573] {strides = array<i32>} : memref<2x128xi32, #tpu.memory_space<vmem>>, vector<16xi32>,
        tpu.vector_store %arg7[%swap3A_572, %swap3A_573], %mul3A_570 {strides = array<i32>} : memref<2x128xi32, #tpu.memory_space<vmem>>, vector<16xi32>,
      }
      %scan3A_301 = arith.constant 8 : i32
      %dma_start3A_302 = arith.constant 1 : i32
      %dma_start3A_303 = arith.constant 1 : i32
      %dma_start3A_304 = arith.constant 0 : i32
      %dma_start3A_305 = arith.constant 0 : i32
      %dma_start3A_306 = tpu.memref_slice %arg8[%dma_start3A_303, %dma_start3A_304, %dma_start3A_305] : memref<2x128x128xi32, #tpu.memory_space<vmem>> -> memref<1x128x128xi32, #tpu.memory_space<vmem>>
      %dma_start3A_307 = tpu.memref_squeeze %dma_start3A_306 : memref<1x128x128xi32, #tpu.memory_space<vmem>> -> memref<128x128xi32, #tpu.memory_space<vmem>>
      %dma_start3A_308 = arith.constant 0 : i32
      %dma_start3A_309 = tpu.memref_slice %arg6[%dma_start3A_302, %dma_start3A_308] : memref<2x128xi32, #tpu.memory_space<vmem>> -> memref<1x128xi32, #tpu.memory_space<vmem>>
      %dma_start3A_310 = tpu.memref_squeeze %dma_start3A_309 : memref<1x128xi32, #tpu.memory_space<vmem>> -> memref<128xi32, #tpu.memory_space<vmem>>
      %dma_start3A_311 = arith.constant 0 : i32
      %dma_start3A_312 = arith.constant 0 : i32
      %dma_start3A_313 = tpu.memref_slice %arg3[%dma_start3A_311, %dma_start3A_312] : memref<125000x128xi32, #tpu.memory_space<hbm>> -> memref<125000x128xi32, #tpu.memory_space<hbm>>
      tpu.enqueue_indirect_dma source(%dma_start3A_313 : memref<125000x128xi32, #tpu.memory_space<hbm>>) target(%dma_start3A_307 : memref<128x128xi32, #tpu.memory_space<vmem>>) offsets(%dma_start3A_310 : memref<128xi32, #tpu.memory_space<vmem>>) semaphore(%arg11 : memref<!tpu.dma_semaphore, #tpu.memory_space<semaphore_mem>>)
      %dma_wait3A_314 = arith.constant 0 : i32
      %dma_wait3A_315 = arith.constant 0 : i32
      %dma_wait3A_316 = arith.constant 0 : i32
      %dma_wait3A_317 = tpu.memref_slice %arg8[%dma_wait3A_314, %dma_wait3A_315, %dma_wait3A_316] : memref<2x128x128xi32, #tpu.memory_space<vmem>> -> memref<1x128x128xi32, #tpu.memory_space<vmem>>
      %dma_wait3A_318 = tpu.memref_squeeze %dma_wait3A_317 : memref<1x128x128xi32, #tpu.memory_space<vmem>> -> memref<128x128xi32, #tpu.memory_space<vmem>>
      %dma_wait3A_319 = arith.constant 0 : i32
      %dma_wait3A_320 = arith.constant 0 : i32
      %dma_wait3A_321 = tpu.memref_slice %arg3[%dma_wait3A_319, %dma_wait3A_320] : memref<125000x128xi32, #tpu.memory_space<hbm>> -> memref<128x128xi32, #tpu.memory_space<hbm>>
      %dma_wait3A_322 = arith.constant 0 : i32
      %dma_wait3A_323 = arith.constant 0 : i32
      %dma_wait3A_324 = tpu.memref_slice %arg8[%dma_wait3A_314, %dma_wait3A_322, %dma_wait3A_323] : memref<2x128x128xi32, #tpu.memory_space<vmem>> -> memref<1x128x128xi32, #tpu.memory_space<vmem>>
      %dma_wait3A_325 = tpu.memref_squeeze %dma_wait3A_324 : memref<1x128x128xi32, #tpu.memory_space<vmem>> -> memref<128x128xi32, #tpu.memory_space<vmem>>
      %dma_wait3A_326 = arith.constant 0 : i32
      %dma_wait3A_327 = arith.constant 0 : i32
      %dma_wait3A_328 = tpu.memref_slice %arg3[%dma_wait3A_326, %dma_wait3A_327] : memref<125000x128xi32, #tpu.memory_space<hbm>> -> memref<128x128xi32, #tpu.memory_space<hbm>>
      tpu.wait_dma2 semaphore(%arg10 : memref<!tpu.dma_semaphore, #tpu.memory_space<semaphore_mem>>) src(%dma_wait3A_328 : memref<128x128xi32, #tpu.memory_space<hbm>>) dst(%dma_wait3A_325 : memref<128x128xi32, #tpu.memory_space<vmem>>)
      %iota3A_329 = tpu.iota {dimensions = array<i32: 0>} : vector<16xi32>
      %add3A_330 = arith.constant 0 : i32
      %add3A_331 = vector.broadcast %add3A_330 : i32 to vector<16xi32>
      %add3A_332 = arith.addi %iota3A_329, %add3A_331 : vector<16xi32>
      %get3A_333 = arith.constant 0 : i32
      %get3A_334 = arith.index_cast %get3A_333 : i32 to index
      %get3A_335 = arith.constant 0 : index
      %get3A_336 = tpu.vector_load %arg7[%get3A_334, %get3A_335] {strides = array<i32>} : memref<2x128xi32, #tpu.memory_space<vmem>>, vector<16xi32>,
      %scan3A_337 = arith.constant 0 : i32
      %scan3A_338 = arith.constant 16 : i32
      %scan3A_339 = arith.addi %scan3A_337, %scan3A_338 : i32
      %scan3A_340 = arith.constant 1 : i32
      scf.for %scan3A_552 = %scan3A_337 to %scan3A_339 step %scan3A_340  : i32 {
        %mul3A_553 = arith.constant 1 : i32
        %mul3A_554 = arith.muli %scan3A_552, %mul3A_553 : i32
        %add3A_555 = arith.constant 0 : i32
        %add3A_556 = arith.addi %add3A_555, %mul3A_554 : i32
        %add3A_557 = vector.broadcast %add3A_556 : i32 to vector<16xi32>
        %add3A_558 = arith.addi %get3A_336, %add3A_557 : vector<16xi32>
        %gather3A = arith.constant 0 : i32
        %gather3A_559 = arith.constant 0 : i32
        %gather3A_560 = arith.constant 0 : i32
        %gather3A_561 = tpu.memref_slice %arg8[%gather3A, %gather3A_559, %gather3A_560] : memref<2x128x128xi32, #tpu.memory_space<vmem>> -> memref<1x128x128xi32, #tpu.memory_space<vmem>>
        %gather3A_562 = tpu.memref_squeeze %gather3A_561 : memref<1x128x128xi32, #tpu.memory_space<vmem>> -> memref<128x128xi32, #tpu.memory_space<vmem>>
        %gather3A_563 = tpu.vector_load_idx %gather3A_562[%add3A_332, %add3A_558] : memref<128x128xi32, #tpu.memory_space<vmem>>[vector<16xi32>, vector<16xi32>], vector<16xi32>,
        %swap3A = arith.index_cast %add3A_556 : i32 to index
        %swap3A_564 = arith.constant 256 : index
        %swap3A_565 = tpu.vector_load %arg9[%swap3A, %swap3A_564] {strides = array<i32>} : memref<16x512xi32, #tpu.memory_space<vmem>>, vector<16xi32>,
        tpu.vector_store %arg9[%swap3A, %swap3A_564], %gather3A_563 {strides = array<i32>} : memref<16x512xi32, #tpu.memory_space<vmem>>, vector<16xi32>,
      }
      %scan3A_341 = arith.constant 16 : i32
      %iota3A_342 = tpu.iota {dimensions = array<i32: 0>} : vector<16xi32>
      %add3A_343 = arith.constant 16 : i32
      %add3A_344 = vector.broadcast %add3A_343 : i32 to vector<16xi32>
      %add3A_345 = arith.addi %iota3A_342, %add3A_344 : vector<16xi32>
      %get3A_346 = arith.constant 0 : i32
      %get3A_347 = arith.index_cast %get3A_346 : i32 to index
      %get3A_348 = arith.constant 16 : index
      %get3A_349 = tpu.vector_load %arg7[%get3A_347, %get3A_348] {strides = array<i32>} : memref<2x128xi32, #tpu.memory_space<vmem>>, vector<16xi32>,
      %scan3A_350 = arith.constant 0 : i32
      %scan3A_351 = arith.constant 16 : i32
      %scan3A_352 = arith.addi %scan3A_350, %scan3A_351 : i32
      %scan3A_353 = arith.constant 1 : i32
      scf.for %scan3A_552 = %scan3A_350 to %scan3A_352 step %scan3A_353  : i32 {
        %mul3A_553 = arith.constant 1 : i32
        %mul3A_554 = arith.muli %scan3A_552, %mul3A_553 : i32
        %add3A_555 = arith.constant 0 : i32
        %add3A_556 = arith.addi %add3A_555, %mul3A_554 : i32
        %add3A_557 = vector.broadcast %add3A_556 : i32 to vector<16xi32>
        %add3A_558 = arith.addi %get3A_349, %add3A_557 : vector<16xi32>
        %gather3A = arith.constant 0 : i32
        %gather3A_559 = arith.constant 0 : i32
        %gather3A_560 = arith.constant 0 : i32
        %gather3A_561 = tpu.memref_slice %arg8[%gather3A, %gather3A_559, %gather3A_560] : memref<2x128x128xi32, #tpu.memory_space<vmem>> -> memref<1x128x128xi32, #tpu.memory_space<vmem>>
        %gather3A_562 = tpu.memref_squeeze %gather3A_561 : memref<1x128x128xi32, #tpu.memory_space<vmem>> -> memref<128x128xi32, #tpu.memory_space<vmem>>
        %gather3A_563 = tpu.vector_load_idx %gather3A_562[%add3A_345, %add3A_558] : memref<128x128xi32, #tpu.memory_space<vmem>>[vector<16xi32>, vector<16xi32>], vector<16xi32>,
        %swap3A = arith.index_cast %add3A_556 : i32 to index
        %swap3A_564 = arith.constant 272 : index
        %swap3A_565 = tpu.vector_load %arg9[%swap3A, %swap3A_564] {strides = array<i32>} : memref<16x512xi32, #tpu.memory_space<vmem>>, vector<16xi32>,
        tpu.vector_store %arg9[%swap3A, %swap3A_564], %gather3A_563 {strides = array<i32>} : memref<16x512xi32, #tpu.memory_space<vmem>>, vector<16xi32>,
      }
      %scan3A_354 = arith.constant 16 : i32
      %iota3A_355 = tpu.iota {dimensions = array<i32: 0>} : vector<16xi32>
      %add3A_356 = arith.constant 32 : i32
      %add3A_357 = vector.broadcast %add3A_356 : i32 to vector<16xi32>
      %add3A_358 = arith.addi %iota3A_355, %add3A_357 : vector<16xi32>
      %get3A_359 = arith.constant 0 : i32
      %get3A_360 = arith.index_cast %get3A_359 : i32 to index
      %get3A_361 = arith.constant 32 : index
      %get3A_362 = tpu.vector_load %arg7[%get3A_360, %get3A_361] {strides = array<i32>} : memref<2x128xi32, #tpu.memory_space<vmem>>, vector<16xi32>,
      %scan3A_363 = arith.constant 0 : i32
      %scan3A_364 = arith.constant 16 : i32
      %scan3A_365 = arith.addi %scan3A_363, %scan3A_364 : i32
      %scan3A_366 = arith.constant 1 : i32
      scf.for %scan3A_552 = %scan3A_363 to %scan3A_365 step %scan3A_366  : i32 {
        %mul3A_553 = arith.constant 1 : i32
        %mul3A_554 = arith.muli %scan3A_552, %mul3A_553 : i32
        %add3A_555 = arith.constant 0 : i32
        %add3A_556 = arith.addi %add3A_555, %mul3A_554 : i32
        %add3A_557 = vector.broadcast %add3A_556 : i32 to vector<16xi32>
        %add3A_558 = arith.addi %get3A_362, %add3A_557 : vector<16xi32>
        %gather3A = arith.constant 0 : i32
        %gather3A_559 = arith.constant 0 : i32
        %gather3A_560 = arith.constant 0 : i32
        %gather3A_561 = tpu.memref_slice %arg8[%gather3A, %gather3A_559, %gather3A_560] : memref<2x128x128xi32, #tpu.memory_space<vmem>> -> memref<1x128x128xi32, #tpu.memory_space<vmem>>
        %gather3A_562 = tpu.memref_squeeze %gather3A_561 : memref<1x128x128xi32, #tpu.memory_space<vmem>> -> memref<128x128xi32, #tpu.memory_space<vmem>>
        %gather3A_563 = tpu.vector_load_idx %gather3A_562[%add3A_358, %add3A_558] : memref<128x128xi32, #tpu.memory_space<vmem>>[vector<16xi32>, vector<16xi32>], vector<16xi32>,
        %swap3A = arith.index_cast %add3A_556 : i32 to index
        %swap3A_564 = arith.constant 288 : index
        %swap3A_565 = tpu.vector_load %arg9[%swap3A, %swap3A_564] {strides = array<i32>} : memref<16x512xi32, #tpu.memory_space<vmem>>, vector<16xi32>,
        tpu.vector_store %arg9[%swap3A, %swap3A_564], %gather3A_563 {strides = array<i32>} : memref<16x512xi32, #tpu.memory_space<vmem>>, vector<16xi32>,
      }
      %scan3A_367 = arith.constant 16 : i32
      %iota3A_368 = tpu.iota {dimensions = array<i32: 0>} : vector<16xi32>
      %add3A_369 = arith.constant 48 : i32
      %add3A_370 = vector.broadcast %add3A_369 : i32 to vector<16xi32>
      %add3A_371 = arith.addi %iota3A_368, %add3A_370 : vector<16xi32>
      %get3A_372 = arith.constant 0 : i32
      %get3A_373 = arith.index_cast %get3A_372 : i32 to index
      %get3A_374 = arith.constant 48 : index
      %get3A_375 = tpu.vector_load %arg7[%get3A_373, %get3A_374] {strides = array<i32>} : memref<2x128xi32, #tpu.memory_space<vmem>>, vector<16xi32>,
      %scan3A_376 = arith.constant 0 : i32
      %scan3A_377 = arith.constant 16 : i32
      %scan3A_378 = arith.addi %scan3A_376, %scan3A_377 : i32
      %scan3A_379 = arith.constant 1 : i32
      scf.for %scan3A_552 = %scan3A_376 to %scan3A_378 step %scan3A_379  : i32 {
        %mul3A_553 = arith.constant 1 : i32
        %mul3A_554 = arith.muli %scan3A_552, %mul3A_553 : i32
        %add3A_555 = arith.constant 0 : i32
        %add3A_556 = arith.addi %add3A_555, %mul3A_554 : i32
        %add3A_557 = vector.broadcast %add3A_556 : i32 to vector<16xi32>
        %add3A_558 = arith.addi %get3A_375, %add3A_557 : vector<16xi32>
        %gather3A = arith.constant 0 : i32
        %gather3A_559 = arith.constant 0 : i32
        %gather3A_560 = arith.constant 0 : i32
        %gather3A_561 = tpu.memref_slice %arg8[%gather3A, %gather3A_559, %gather3A_560] : memref<2x128x128xi32, #tpu.memory_space<vmem>> -> memref<1x128x128xi32, #tpu.memory_space<vmem>>
        %gather3A_562 = tpu.memref_squeeze %gather3A_561 : memref<1x128x128xi32, #tpu.memory_space<vmem>> -> memref<128x128xi32, #tpu.memory_space<vmem>>
        %gather3A_563 = tpu.vector_load_idx %gather3A_562[%add3A_371, %add3A_558] : memref<128x128xi32, #tpu.memory_space<vmem>>[vector<16xi32>, vector<16xi32>], vector<16xi32>,
        %swap3A = arith.index_cast %add3A_556 : i32 to index
        %swap3A_564 = arith.constant 304 : index
        %swap3A_565 = tpu.vector_load %arg9[%swap3A, %swap3A_564] {strides = array<i32>} : memref<16x512xi32, #tpu.memory_space<vmem>>, vector<16xi32>,
        tpu.vector_store %arg9[%swap3A, %swap3A_564], %gather3A_563 {strides = array<i32>} : memref<16x512xi32, #tpu.memory_space<vmem>>, vector<16xi32>,
      }
      %scan3A_380 = arith.constant 16 : i32
      %iota3A_381 = tpu.iota {dimensions = array<i32: 0>} : vector<16xi32>
      %add3A_382 = arith.constant 64 : i32
      %add3A_383 = vector.broadcast %add3A_382 : i32 to vector<16xi32>
      %add3A_384 = arith.addi %iota3A_381, %add3A_383 : vector<16xi32>
      %get3A_385 = arith.constant 0 : i32
      %get3A_386 = arith.index_cast %get3A_385 : i32 to index
      %get3A_387 = arith.constant 64 : index
      %get3A_388 = tpu.vector_load %arg7[%get3A_386, %get3A_387] {strides = array<i32>} : memref<2x128xi32, #tpu.memory_space<vmem>>, vector<16xi32>,
      %scan3A_389 = arith.constant 0 : i32
      %scan3A_390 = arith.constant 16 : i32
      %scan3A_391 = arith.addi %scan3A_389, %scan3A_390 : i32
      %scan3A_392 = arith.constant 1 : i32
      scf.for %scan3A_552 = %scan3A_389 to %scan3A_391 step %scan3A_392  : i32 {
        %mul3A_553 = arith.constant 1 : i32
        %mul3A_554 = arith.muli %scan3A_552, %mul3A_553 : i32
        %add3A_555 = arith.constant 0 : i32
        %add3A_556 = arith.addi %add3A_555, %mul3A_554 : i32
        %add3A_557 = vector.broadcast %add3A_556 : i32 to vector<16xi32>
        %add3A_558 = arith.addi %get3A_388, %add3A_557 : vector<16xi32>
        %gather3A = arith.constant 0 : i32
        %gather3A_559 = arith.constant 0 : i32
        %gather3A_560 = arith.constant 0 : i32
        %gather3A_561 = tpu.memref_slice %arg8[%gather3A, %gather3A_559, %gather3A_560] : memref<2x128x128xi32, #tpu.memory_space<vmem>> -> memref<1x128x128xi32, #tpu.memory_space<vmem>>
        %gather3A_562 = tpu.memref_squeeze %gather3A_561 : memref<1x128x128xi32, #tpu.memory_space<vmem>> -> memref<128x128xi32, #tpu.memory_space<vmem>>
        %gather3A_563 = tpu.vector_load_idx %gather3A_562[%add3A_384, %add3A_558] : memref<128x128xi32, #tpu.memory_space<vmem>>[vector<16xi32>, vector<16xi32>], vector<16xi32>,
        %swap3A = arith.index_cast %add3A_556 : i32 to index
        %swap3A_564 = arith.constant 320 : index
        %swap3A_565 = tpu.vector_load %arg9[%swap3A, %swap3A_564] {strides = array<i32>} : memref<16x512xi32, #tpu.memory_space<vmem>>, vector<16xi32>,
        tpu.vector_store %arg9[%swap3A, %swap3A_564], %gather3A_563 {strides = array<i32>} : memref<16x512xi32, #tpu.memory_space<vmem>>, vector<16xi32>,
      }
      %scan3A_393 = arith.constant 16 : i32
      %iota3A_394 = tpu.iota {dimensions = array<i32: 0>} : vector<16xi32>
      %add3A_395 = arith.constant 80 : i32
      %add3A_396 = vector.broadcast %add3A_395 : i32 to vector<16xi32>
      %add3A_397 = arith.addi %iota3A_394, %add3A_396 : vector<16xi32>
      %get3A_398 = arith.constant 0 : i32
      %get3A_399 = arith.index_cast %get3A_398 : i32 to index
      %get3A_400 = arith.constant 80 : index
      %get3A_401 = tpu.vector_load %arg7[%get3A_399, %get3A_400] {strides = array<i32>} : memref<2x128xi32, #tpu.memory_space<vmem>>, vector<16xi32>,
      %scan3A_402 = arith.constant 0 : i32
      %scan3A_403 = arith.constant 16 : i32
      %scan3A_404 = arith.addi %scan3A_402, %scan3A_403 : i32
      %scan3A_405 = arith.constant 1 : i32
      scf.for %scan3A_552 = %scan3A_402 to %scan3A_404 step %scan3A_405  : i32 {
        %mul3A_553 = arith.constant 1 : i32
        %mul3A_554 = arith.muli %scan3A_552, %mul3A_553 : i32
        %add3A_555 = arith.constant 0 : i32
        %add3A_556 = arith.addi %add3A_555, %mul3A_554 : i32
        %add3A_557 = vector.broadcast %add3A_556 : i32 to vector<16xi32>
        %add3A_558 = arith.addi %get3A_401, %add3A_557 : vector<16xi32>
        %gather3A = arith.constant 0 : i32
        %gather3A_559 = arith.constant 0 : i32
        %gather3A_560 = arith.constant 0 : i32
        %gather3A_561 = tpu.memref_slice %arg8[%gather3A, %gather3A_559, %gather3A_560] : memref<2x128x128xi32, #tpu.memory_space<vmem>> -> memref<1x128x128xi32, #tpu.memory_space<vmem>>
        %gather3A_562 = tpu.memref_squeeze %gather3A_561 : memref<1x128x128xi32, #tpu.memory_space<vmem>> -> memref<128x128xi32, #tpu.memory_space<vmem>>
        %gather3A_563 = tpu.vector_load_idx %gather3A_562[%add3A_397, %add3A_558] : memref<128x128xi32, #tpu.memory_space<vmem>>[vector<16xi32>, vector<16xi32>], vector<16xi32>,
        %swap3A = arith.index_cast %add3A_556 : i32 to index
        %swap3A_564 = arith.constant 336 : index
        %swap3A_565 = tpu.vector_load %arg9[%swap3A, %swap3A_564] {strides = array<i32>} : memref<16x512xi32, #tpu.memory_space<vmem>>, vector<16xi32>,
        tpu.vector_store %arg9[%swap3A, %swap3A_564], %gather3A_563 {strides = array<i32>} : memref<16x512xi32, #tpu.memory_space<vmem>>, vector<16xi32>,
      }
      %scan3A_406 = arith.constant 16 : i32
      %iota3A_407 = tpu.iota {dimensions = array<i32: 0>} : vector<16xi32>
      %add3A_408 = arith.constant 96 : i32
      %add3A_409 = vector.broadcast %add3A_408 : i32 to vector<16xi32>
      %add3A_410 = arith.addi %iota3A_407, %add3A_409 : vector<16xi32>
      %get3A_411 = arith.constant 0 : i32
      %get3A_412 = arith.index_cast %get3A_411 : i32 to index
      %get3A_413 = arith.constant 96 : index
      %get3A_414 = tpu.vector_load %arg7[%get3A_412, %get3A_413] {strides = array<i32>} : memref<2x128xi32, #tpu.memory_space<vmem>>, vector<16xi32>,
      %scan3A_415 = arith.constant 0 : i32
      %scan3A_416 = arith.constant 16 : i32
      %scan3A_417 = arith.addi %scan3A_415, %scan3A_416 : i32
      %scan3A_418 = arith.constant 1 : i32
      scf.for %scan3A_552 = %scan3A_415 to %scan3A_417 step %scan3A_418  : i32 {
        %mul3A_553 = arith.constant 1 : i32
        %mul3A_554 = arith.muli %scan3A_552, %mul3A_553 : i32
        %add3A_555 = arith.constant 0 : i32
        %add3A_556 = arith.addi %add3A_555, %mul3A_554 : i32
        %add3A_557 = vector.broadcast %add3A_556 : i32 to vector<16xi32>
        %add3A_558 = arith.addi %get3A_414, %add3A_557 : vector<16xi32>
        %gather3A = arith.constant 0 : i32
        %gather3A_559 = arith.constant 0 : i32
        %gather3A_560 = arith.constant 0 : i32
        %gather3A_561 = tpu.memref_slice %arg8[%gather3A, %gather3A_559, %gather3A_560] : memref<2x128x128xi32, #tpu.memory_space<vmem>> -> memref<1x128x128xi32, #tpu.memory_space<vmem>>
        %gather3A_562 = tpu.memref_squeeze %gather3A_561 : memref<1x128x128xi32, #tpu.memory_space<vmem>> -> memref<128x128xi32, #tpu.memory_space<vmem>>
        %gather3A_563 = tpu.vector_load_idx %gather3A_562[%add3A_410, %add3A_558] : memref<128x128xi32, #tpu.memory_space<vmem>>[vector<16xi32>, vector<16xi32>], vector<16xi32>,
        %swap3A = arith.index_cast %add3A_556 : i32 to index
        %swap3A_564 = arith.constant 352 : index
        %swap3A_565 = tpu.vector_load %arg9[%swap3A, %swap3A_564] {strides = array<i32>} : memref<16x512xi32, #tpu.memory_space<vmem>>, vector<16xi32>,
        tpu.vector_store %arg9[%swap3A, %swap3A_564], %gather3A_563 {strides = array<i32>} : memref<16x512xi32, #tpu.memory_space<vmem>>, vector<16xi32>,
      }
      %scan3A_419 = arith.constant 16 : i32
      %iota3A_420 = tpu.iota {dimensions = array<i32: 0>} : vector<16xi32>
      %add3A_421 = arith.constant 112 : i32
      %add3A_422 = vector.broadcast %add3A_421 : i32 to vector<16xi32>
      %add3A_423 = arith.addi %iota3A_420, %add3A_422 : vector<16xi32>
      %get3A_424 = arith.constant 0 : i32
      %get3A_425 = arith.index_cast %get3A_424 : i32 to index
      %get3A_426 = arith.constant 112 : index
      %get3A_427 = tpu.vector_load %arg7[%get3A_425, %get3A_426] {strides = array<i32>} : memref<2x128xi32, #tpu.memory_space<vmem>>, vector<16xi32>,
      %scan3A_428 = arith.constant 0 : i32
      %scan3A_429 = arith.constant 16 : i32
      %scan3A_430 = arith.addi %scan3A_428, %scan3A_429 : i32
      %scan3A_431 = arith.constant 1 : i32
      scf.for %scan3A_552 = %scan3A_428 to %scan3A_430 step %scan3A_431  : i32 {
        %mul3A_553 = arith.constant 1 : i32
        %mul3A_554 = arith.muli %scan3A_552, %mul3A_553 : i32
        %add3A_555 = arith.constant 0 : i32
        %add3A_556 = arith.addi %add3A_555, %mul3A_554 : i32
        %add3A_557 = vector.broadcast %add3A_556 : i32 to vector<16xi32>
        %add3A_558 = arith.addi %get3A_427, %add3A_557 : vector<16xi32>
        %gather3A = arith.constant 0 : i32
        %gather3A_559 = arith.constant 0 : i32
        %gather3A_560 = arith.constant 0 : i32
        %gather3A_561 = tpu.memref_slice %arg8[%gather3A, %gather3A_559, %gather3A_560] : memref<2x128x128xi32, #tpu.memory_space<vmem>> -> memref<1x128x128xi32, #tpu.memory_space<vmem>>
        %gather3A_562 = tpu.memref_squeeze %gather3A_561 : memref<1x128x128xi32, #tpu.memory_space<vmem>> -> memref<128x128xi32, #tpu.memory_space<vmem>>
        %gather3A_563 = tpu.vector_load_idx %gather3A_562[%add3A_423, %add3A_558] : memref<128x128xi32, #tpu.memory_space<vmem>>[vector<16xi32>, vector<16xi32>], vector<16xi32>,
        %swap3A = arith.index_cast %add3A_556 : i32 to index
        %swap3A_564 = arith.constant 368 : index
        %swap3A_565 = tpu.vector_load %arg9[%swap3A, %swap3A_564] {strides = array<i32>} : memref<16x512xi32, #tpu.memory_space<vmem>>, vector<16xi32>,
        tpu.vector_store %arg9[%swap3A, %swap3A_564], %gather3A_563 {strides = array<i32>} : memref<16x512xi32, #tpu.memory_space<vmem>>, vector<16xi32>,
      }
      %scan3A_432 = arith.constant 16 : i32
      %dma_wait3A_433 = arith.constant 1 : i32
      %dma_wait3A_434 = arith.constant 0 : i32
      %dma_wait3A_435 = arith.constant 0 : i32
      %dma_wait3A_436 = tpu.memref_slice %arg8[%dma_wait3A_433, %dma_wait3A_434, %dma_wait3A_435] : memref<2x128x128xi32, #tpu.memory_space<vmem>> -> memref<1x128x128xi32, #tpu.memory_space<vmem>>
      %dma_wait3A_437 = tpu.memref_squeeze %dma_wait3A_436 : memref<1x128x128xi32, #tpu.memory_space<vmem>> -> memref<128x128xi32, #tpu.memory_space<vmem>>
      %dma_wait3A_438 = arith.constant 0 : i32
      %dma_wait3A_439 = arith.constant 0 : i32
      %dma_wait3A_440 = tpu.memref_slice %arg3[%dma_wait3A_438, %dma_wait3A_439] : memref<125000x128xi32, #tpu.memory_space<hbm>> -> memref<128x128xi32, #tpu.memory_space<hbm>>
      %dma_wait3A_441 = arith.constant 0 : i32
      %dma_wait3A_442 = arith.constant 0 : i32
      %dma_wait3A_443 = tpu.memref_slice %arg8[%dma_wait3A_433, %dma_wait3A_441, %dma_wait3A_442] : memref<2x128x128xi32, #tpu.memory_space<vmem>> -> memref<1x128x128xi32, #tpu.memory_space<vmem>>
      %dma_wait3A_444 = tpu.memref_squeeze %dma_wait3A_443 : memref<1x128x128xi32, #tpu.memory_space<vmem>> -> memref<128x128xi32, #tpu.memory_space<vmem>>
      %dma_wait3A_445 = arith.constant 0 : i32
      %dma_wait3A_446 = arith.constant 0 : i32
      %dma_wait3A_447 = tpu.memref_slice %arg3[%dma_wait3A_445, %dma_wait3A_446] : memref<125000x128xi32, #tpu.memory_space<hbm>> -> memref<128x128xi32, #tpu.memory_space<hbm>>
      tpu.wait_dma2 semaphore(%arg11 : memref<!tpu.dma_semaphore, #tpu.memory_space<semaphore_mem>>) src(%dma_wait3A_447 : memref<128x128xi32, #tpu.memory_space<hbm>>) dst(%dma_wait3A_444 : memref<128x128xi32, #tpu.memory_space<vmem>>)
      %iota3A_448 = tpu.iota {dimensions = array<i32: 0>} : vector<16xi32>
      %add3A_449 = arith.constant 0 : i32
      %add3A_450 = vector.broadcast %add3A_449 : i32 to vector<16xi32>
      %add3A_451 = arith.addi %iota3A_448, %add3A_450 : vector<16xi32>
      %get3A_452 = arith.constant 1 : i32
      %get3A_453 = arith.index_cast %get3A_452 : i32 to index
      %get3A_454 = arith.constant 0 : index
      %get3A_455 = tpu.vector_load %arg7[%get3A_453, %get3A_454] {strides = array<i32>} : memref<2x128xi32, #tpu.memory_space<vmem>>, vector<16xi32>,
      %scan3A_456 = arith.constant 0 : i32
      %scan3A_457 = arith.constant 16 : i32
      %scan3A_458 = arith.addi %scan3A_456, %scan3A_457 : i32
      %scan3A_459 = arith.constant 1 : i32
      scf.for %scan3A_552 = %scan3A_456 to %scan3A_458 step %scan3A_459  : i32 {
        %mul3A_553 = arith.constant 1 : i32
        %mul3A_554 = arith.muli %scan3A_552, %mul3A_553 : i32
        %add3A_555 = arith.constant 0 : i32
        %add3A_556 = arith.addi %add3A_555, %mul3A_554 : i32
        %add3A_557 = vector.broadcast %add3A_556 : i32 to vector<16xi32>
        %add3A_558 = arith.addi %get3A_455, %add3A_557 : vector<16xi32>
        %gather3A = arith.constant 1 : i32
        %gather3A_559 = arith.constant 0 : i32
        %gather3A_560 = arith.constant 0 : i32
        %gather3A_561 = tpu.memref_slice %arg8[%gather3A, %gather3A_559, %gather3A_560] : memref<2x128x128xi32, #tpu.memory_space<vmem>> -> memref<1x128x128xi32, #tpu.memory_space<vmem>>
        %gather3A_562 = tpu.memref_squeeze %gather3A_561 : memref<1x128x128xi32, #tpu.memory_space<vmem>> -> memref<128x128xi32, #tpu.memory_space<vmem>>
        %gather3A_563 = tpu.vector_load_idx %gather3A_562[%add3A_451, %add3A_558] : memref<128x128xi32, #tpu.memory_space<vmem>>[vector<16xi32>, vector<16xi32>], vector<16xi32>,
        %swap3A = arith.index_cast %add3A_556 : i32 to index
        %swap3A_564 = arith.constant 384 : index
        %swap3A_565 = tpu.vector_load %arg9[%swap3A, %swap3A_564] {strides = array<i32>} : memref<16x512xi32, #tpu.memory_space<vmem>>, vector<16xi32>,
        tpu.vector_store %arg9[%swap3A, %swap3A_564], %gather3A_563 {strides = array<i32>} : memref<16x512xi32, #tpu.memory_space<vmem>>, vector<16xi32>,
      }
      %scan3A_460 = arith.constant 16 : i32
      %iota3A_461 = tpu.iota {dimensions = array<i32: 0>} : vector<16xi32>
      %add3A_462 = arith.constant 16 : i32
      %add3A_463 = vector.broadcast %add3A_462 : i32 to vector<16xi32>
      %add3A_464 = arith.addi %iota3A_461, %add3A_463 : vector<16xi32>
      %get3A_465 = arith.constant 1 : i32
      %get3A_466 = arith.index_cast %get3A_465 : i32 to index
      %get3A_467 = arith.constant 16 : index
      %get3A_468 = tpu.vector_load %arg7[%get3A_466, %get3A_467] {strides = array<i32>} : memref<2x128xi32, #tpu.memory_space<vmem>>, vector<16xi32>,
      %scan3A_469 = arith.constant 0 : i32
      %scan3A_470 = arith.constant 16 : i32
      %scan3A_471 = arith.addi %scan3A_469, %scan3A_470 : i32
      %scan3A_472 = arith.constant 1 : i32
      scf.for %scan3A_552 = %scan3A_469 to %scan3A_471 step %scan3A_472  : i32 {
        %mul3A_553 = arith.constant 1 : i32
        %mul3A_554 = arith.muli %scan3A_552, %mul3A_553 : i32
        %add3A_555 = arith.constant 0 : i32
        %add3A_556 = arith.addi %add3A_555, %mul3A_554 : i32
        %add3A_557 = vector.broadcast %add3A_556 : i32 to vector<16xi32>
        %add3A_558 = arith.addi %get3A_468, %add3A_557 : vector<16xi32>
        %gather3A = arith.constant 1 : i32
        %gather3A_559 = arith.constant 0 : i32
        %gather3A_560 = arith.constant 0 : i32
        %gather3A_561 = tpu.memref_slice %arg8[%gather3A, %gather3A_559, %gather3A_560] : memref<2x128x128xi32, #tpu.memory_space<vmem>> -> memref<1x128x128xi32, #tpu.memory_space<vmem>>
        %gather3A_562 = tpu.memref_squeeze %gather3A_561 : memref<1x128x128xi32, #tpu.memory_space<vmem>> -> memref<128x128xi32, #tpu.memory_space<vmem>>
        %gather3A_563 = tpu.vector_load_idx %gather3A_562[%add3A_464, %add3A_558] : memref<128x128xi32, #tpu.memory_space<vmem>>[vector<16xi32>, vector<16xi32>], vector<16xi32>,
        %swap3A = arith.index_cast %add3A_556 : i32 to index
        %swap3A_564 = arith.constant 400 : index
        %swap3A_565 = tpu.vector_load %arg9[%swap3A, %swap3A_564] {strides = array<i32>} : memref<16x512xi32, #tpu.memory_space<vmem>>, vector<16xi32>,
        tpu.vector_store %arg9[%swap3A, %swap3A_564], %gather3A_563 {strides = array<i32>} : memref<16x512xi32, #tpu.memory_space<vmem>>, vector<16xi32>,
      }
      %scan3A_473 = arith.constant 16 : i32
      %iota3A_474 = tpu.iota {dimensions = array<i32: 0>} : vector<16xi32>
      %add3A_475 = arith.constant 32 : i32
      %add3A_476 = vector.broadcast %add3A_475 : i32 to vector<16xi32>
      %add3A_477 = arith.addi %iota3A_474, %add3A_476 : vector<16xi32>
      %get3A_478 = arith.constant 1 : i32
      %get3A_479 = arith.index_cast %get3A_478 : i32 to index
      %get3A_480 = arith.constant 32 : index
      %get3A_481 = tpu.vector_load %arg7[%get3A_479, %get3A_480] {strides = array<i32>} : memref<2x128xi32, #tpu.memory_space<vmem>>, vector<16xi32>,
      %scan3A_482 = arith.constant 0 : i32
      %scan3A_483 = arith.constant 16 : i32
      %scan3A_484 = arith.addi %scan3A_482, %scan3A_483 : i32
      %scan3A_485 = arith.constant 1 : i32
      scf.for %scan3A_552 = %scan3A_482 to %scan3A_484 step %scan3A_485  : i32 {
        %mul3A_553 = arith.constant 1 : i32
        %mul3A_554 = arith.muli %scan3A_552, %mul3A_553 : i32
        %add3A_555 = arith.constant 0 : i32
        %add3A_556 = arith.addi %add3A_555, %mul3A_554 : i32
        %add3A_557 = vector.broadcast %add3A_556 : i32 to vector<16xi32>
        %add3A_558 = arith.addi %get3A_481, %add3A_557 : vector<16xi32>
        %gather3A = arith.constant 1 : i32
        %gather3A_559 = arith.constant 0 : i32
        %gather3A_560 = arith.constant 0 : i32
        %gather3A_561 = tpu.memref_slice %arg8[%gather3A, %gather3A_559, %gather3A_560] : memref<2x128x128xi32, #tpu.memory_space<vmem>> -> memref<1x128x128xi32, #tpu.memory_space<vmem>>
        %gather3A_562 = tpu.memref_squeeze %gather3A_561 : memref<1x128x128xi32, #tpu.memory_space<vmem>> -> memref<128x128xi32, #tpu.memory_space<vmem>>
        %gather3A_563 = tpu.vector_load_idx %gather3A_562[%add3A_477, %add3A_558] : memref<128x128xi32, #tpu.memory_space<vmem>>[vector<16xi32>, vector<16xi32>], vector<16xi32>,
        %swap3A = arith.index_cast %add3A_556 : i32 to index
        %swap3A_564 = arith.constant 416 : index
        %swap3A_565 = tpu.vector_load %arg9[%swap3A, %swap3A_564] {strides = array<i32>} : memref<16x512xi32, #tpu.memory_space<vmem>>, vector<16xi32>,
        tpu.vector_store %arg9[%swap3A, %swap3A_564], %gather3A_563 {strides = array<i32>} : memref<16x512xi32, #tpu.memory_space<vmem>>, vector<16xi32>,
      }
      %scan3A_486 = arith.constant 16 : i32
      %iota3A_487 = tpu.iota {dimensions = array<i32: 0>} : vector<16xi32>
      %add3A_488 = arith.constant 48 : i32
      %add3A_489 = vector.broadcast %add3A_488 : i32 to vector<16xi32>
      %add3A_490 = arith.addi %iota3A_487, %add3A_489 : vector<16xi32>
      %get3A_491 = arith.constant 1 : i32
      %get3A_492 = arith.index_cast %get3A_491 : i32 to index
      %get3A_493 = arith.constant 48 : index
      %get3A_494 = tpu.vector_load %arg7[%get3A_492, %get3A_493] {strides = array<i32>} : memref<2x128xi32, #tpu.memory_space<vmem>>, vector<16xi32>,
      %scan3A_495 = arith.constant 0 : i32
      %scan3A_496 = arith.constant 16 : i32
      %scan3A_497 = arith.addi %scan3A_495, %scan3A_496 : i32
      %scan3A_498 = arith.constant 1 : i32
      scf.for %scan3A_552 = %scan3A_495 to %scan3A_497 step %scan3A_498  : i32 {
        %mul3A_553 = arith.constant 1 : i32
        %mul3A_554 = arith.muli %scan3A_552, %mul3A_553 : i32
        %add3A_555 = arith.constant 0 : i32
        %add3A_556 = arith.addi %add3A_555, %mul3A_554 : i32
        %add3A_557 = vector.broadcast %add3A_556 : i32 to vector<16xi32>
        %add3A_558 = arith.addi %get3A_494, %add3A_557 : vector<16xi32>
        %gather3A = arith.constant 1 : i32
        %gather3A_559 = arith.constant 0 : i32
        %gather3A_560 = arith.constant 0 : i32
        %gather3A_561 = tpu.memref_slice %arg8[%gather3A, %gather3A_559, %gather3A_560] : memref<2x128x128xi32, #tpu.memory_space<vmem>> -> memref<1x128x128xi32, #tpu.memory_space<vmem>>
        %gather3A_562 = tpu.memref_squeeze %gather3A_561 : memref<1x128x128xi32, #tpu.memory_space<vmem>> -> memref<128x128xi32, #tpu.memory_space<vmem>>
        %gather3A_563 = tpu.vector_load_idx %gather3A_562[%add3A_490, %add3A_558] : memref<128x128xi32, #tpu.memory_space<vmem>>[vector<16xi32>, vector<16xi32>], vector<16xi32>,
        %swap3A = arith.index_cast %add3A_556 : i32 to index
        %swap3A_564 = arith.constant 432 : index
        %swap3A_565 = tpu.vector_load %arg9[%swap3A, %swap3A_564] {strides = array<i32>} : memref<16x512xi32, #tpu.memory_space<vmem>>, vector<16xi32>,
        tpu.vector_store %arg9[%swap3A, %swap3A_564], %gather3A_563 {strides = array<i32>} : memref<16x512xi32, #tpu.memory_space<vmem>>, vector<16xi32>,
      }
      %scan3A_499 = arith.constant 16 : i32
      %iota3A_500 = tpu.iota {dimensions = array<i32: 0>} : vector<16xi32>
      %add3A_501 = arith.constant 64 : i32
      %add3A_502 = vector.broadcast %add3A_501 : i32 to vector<16xi32>
      %add3A_503 = arith.addi %iota3A_500, %add3A_502 : vector<16xi32>
      %get3A_504 = arith.constant 1 : i32
      %get3A_505 = arith.index_cast %get3A_504 : i32 to index
      %get3A_506 = arith.constant 64 : index
      %get3A_507 = tpu.vector_load %arg7[%get3A_505, %get3A_506] {strides = array<i32>} : memref<2x128xi32, #tpu.memory_space<vmem>>, vector<16xi32>,
      %scan3A_508 = arith.constant 0 : i32
      %scan3A_509 = arith.constant 16 : i32
      %scan3A_510 = arith.addi %scan3A_508, %scan3A_509 : i32
      %scan3A_511 = arith.constant 1 : i32
      scf.for %scan3A_552 = %scan3A_508 to %scan3A_510 step %scan3A_511  : i32 {
        %mul3A_553 = arith.constant 1 : i32
        %mul3A_554 = arith.muli %scan3A_552, %mul3A_553 : i32
        %add3A_555 = arith.constant 0 : i32
        %add3A_556 = arith.addi %add3A_555, %mul3A_554 : i32
        %add3A_557 = vector.broadcast %add3A_556 : i32 to vector<16xi32>
        %add3A_558 = arith.addi %get3A_507, %add3A_557 : vector<16xi32>
        %gather3A = arith.constant 1 : i32
        %gather3A_559 = arith.constant 0 : i32
        %gather3A_560 = arith.constant 0 : i32
        %gather3A_561 = tpu.memref_slice %arg8[%gather3A, %gather3A_559, %gather3A_560] : memref<2x128x128xi32, #tpu.memory_space<vmem>> -> memref<1x128x128xi32, #tpu.memory_space<vmem>>
        %gather3A_562 = tpu.memref_squeeze %gather3A_561 : memref<1x128x128xi32, #tpu.memory_space<vmem>> -> memref<128x128xi32, #tpu.memory_space<vmem>>
        %gather3A_563 = tpu.vector_load_idx %gather3A_562[%add3A_503, %add3A_558] : memref<128x128xi32, #tpu.memory_space<vmem>>[vector<16xi32>, vector<16xi32>], vector<16xi32>,
        %swap3A = arith.index_cast %add3A_556 : i32 to index
        %swap3A_564 = arith.constant 448 : index
        %swap3A_565 = tpu.vector_load %arg9[%swap3A, %swap3A_564] {strides = array<i32>} : memref<16x512xi32, #tpu.memory_space<vmem>>, vector<16xi32>,
        tpu.vector_store %arg9[%swap3A, %swap3A_564], %gather3A_563 {strides = array<i32>} : memref<16x512xi32, #tpu.memory_space<vmem>>, vector<16xi32>,
      }
      %scan3A_512 = arith.constant 16 : i32
      %iota3A_513 = tpu.iota {dimensions = array<i32: 0>} : vector<16xi32>
      %add3A_514 = arith.constant 80 : i32
      %add3A_515 = vector.broadcast %add3A_514 : i32 to vector<16xi32>
      %add3A_516 = arith.addi %iota3A_513, %add3A_515 : vector<16xi32>
      %get3A_517 = arith.constant 1 : i32
      %get3A_518 = arith.index_cast %get3A_517 : i32 to index
      %get3A_519 = arith.constant 80 : index
      %get3A_520 = tpu.vector_load %arg7[%get3A_518, %get3A_519] {strides = array<i32>} : memref<2x128xi32, #tpu.memory_space<vmem>>, vector<16xi32>,
      %scan3A_521 = arith.constant 0 : i32
      %scan3A_522 = arith.constant 16 : i32
      %scan3A_523 = arith.addi %scan3A_521, %scan3A_522 : i32
      %scan3A_524 = arith.constant 1 : i32
      scf.for %scan3A_552 = %scan3A_521 to %scan3A_523 step %scan3A_524  : i32 {
        %mul3A_553 = arith.constant 1 : i32
        %mul3A_554 = arith.muli %scan3A_552, %mul3A_553 : i32
        %add3A_555 = arith.constant 0 : i32
        %add3A_556 = arith.addi %add3A_555, %mul3A_554 : i32
        %add3A_557 = vector.broadcast %add3A_556 : i32 to vector<16xi32>
        %add3A_558 = arith.addi %get3A_520, %add3A_557 : vector<16xi32>
        %gather3A = arith.constant 1 : i32
        %gather3A_559 = arith.constant 0 : i32
        %gather3A_560 = arith.constant 0 : i32
        %gather3A_561 = tpu.memref_slice %arg8[%gather3A, %gather3A_559, %gather3A_560] : memref<2x128x128xi32, #tpu.memory_space<vmem>> -> memref<1x128x128xi32, #tpu.memory_space<vmem>>
        %gather3A_562 = tpu.memref_squeeze %gather3A_561 : memref<1x128x128xi32, #tpu.memory_space<vmem>> -> memref<128x128xi32, #tpu.memory_space<vmem>>
        %gather3A_563 = tpu.vector_load_idx %gather3A_562[%add3A_516, %add3A_558] : memref<128x128xi32, #tpu.memory_space<vmem>>[vector<16xi32>, vector<16xi32>], vector<16xi32>,
        %swap3A = arith.index_cast %add3A_556 : i32 to index
        %swap3A_564 = arith.constant 464 : index
        %swap3A_565 = tpu.vector_load %arg9[%swap3A, %swap3A_564] {strides = array<i32>} : memref<16x512xi32, #tpu.memory_space<vmem>>, vector<16xi32>,
        tpu.vector_store %arg9[%swap3A, %swap3A_564], %gather3A_563 {strides = array<i32>} : memref<16x512xi32, #tpu.memory_space<vmem>>, vector<16xi32>,
      }
      %scan3A_525 = arith.constant 16 : i32
      %iota3A_526 = tpu.iota {dimensions = array<i32: 0>} : vector<16xi32>
      %add3A_527 = arith.constant 96 : i32
      %add3A_528 = vector.broadcast %add3A_527 : i32 to vector<16xi32>
      %add3A_529 = arith.addi %iota3A_526, %add3A_528 : vector<16xi32>
      %get3A_530 = arith.constant 1 : i32
      %get3A_531 = arith.index_cast %get3A_530 : i32 to index
      %get3A_532 = arith.constant 96 : index
      %get3A_533 = tpu.vector_load %arg7[%get3A_531, %get3A_532] {strides = array<i32>} : memref<2x128xi32, #tpu.memory_space<vmem>>, vector<16xi32>,
      %scan3A_534 = arith.constant 0 : i32
      %scan3A_535 = arith.constant 16 : i32
      %scan3A_536 = arith.addi %scan3A_534, %scan3A_535 : i32
      %scan3A_537 = arith.constant 1 : i32
      scf.for %scan3A_552 = %scan3A_534 to %scan3A_536 step %scan3A_537  : i32 {
        %mul3A_553 = arith.constant 1 : i32
        %mul3A_554 = arith.muli %scan3A_552, %mul3A_553 : i32
        %add3A_555 = arith.constant 0 : i32
        %add3A_556 = arith.addi %add3A_555, %mul3A_554 : i32
        %add3A_557 = vector.broadcast %add3A_556 : i32 to vector<16xi32>
        %add3A_558 = arith.addi %get3A_533, %add3A_557 : vector<16xi32>
        %gather3A = arith.constant 1 : i32
        %gather3A_559 = arith.constant 0 : i32
        %gather3A_560 = arith.constant 0 : i32
        %gather3A_561 = tpu.memref_slice %arg8[%gather3A, %gather3A_559, %gather3A_560] : memref<2x128x128xi32, #tpu.memory_space<vmem>> -> memref<1x128x128xi32, #tpu.memory_space<vmem>>
        %gather3A_562 = tpu.memref_squeeze %gather3A_561 : memref<1x128x128xi32, #tpu.memory_space<vmem>> -> memref<128x128xi32, #tpu.memory_space<vmem>>
        %gather3A_563 = tpu.vector_load_idx %gather3A_562[%add3A_529, %add3A_558] : memref<128x128xi32, #tpu.memory_space<vmem>>[vector<16xi32>, vector<16xi32>], vector<16xi32>,
        %swap3A = arith.index_cast %add3A_556 : i32 to index
        %swap3A_564 = arith.constant 480 : index
        %swap3A_565 = tpu.vector_load %arg9[%swap3A, %swap3A_564] {strides = array<i32>} : memref<16x512xi32, #tpu.memory_space<vmem>>, vector<16xi32>,
        tpu.vector_store %arg9[%swap3A, %swap3A_564], %gather3A_563 {strides = array<i32>} : memref<16x512xi32, #tpu.memory_space<vmem>>, vector<16xi32>,
      }
      %scan3A_538 = arith.constant 16 : i32
      %iota3A_539 = tpu.iota {dimensions = array<i32: 0>} : vector<16xi32>
      %add3A_540 = arith.constant 112 : i32
      %add3A_541 = vector.broadcast %add3A_540 : i32 to vector<16xi32>
      %add3A_542 = arith.addi %iota3A_539, %add3A_541 : vector<16xi32>
      %get3A_543 = arith.constant 1 : i32
      %get3A_544 = arith.index_cast %get3A_543 : i32 to index
      %get3A_545 = arith.constant 112 : index
      %get3A_546 = tpu.vector_load %arg7[%get3A_544, %get3A_545] {strides = array<i32>} : memref<2x128xi32, #tpu.memory_space<vmem>>, vector<16xi32>,
      %scan3A_547 = arith.constant 0 : i32
      %scan3A_548 = arith.constant 16 : i32
      %scan3A_549 = arith.addi %scan3A_547, %scan3A_548 : i32
      %scan3A_550 = arith.constant 1 : i32
      scf.for %scan3A_552 = %scan3A_547 to %scan3A_549 step %scan3A_550  : i32 {
        %mul3A_553 = arith.constant 1 : i32
        %mul3A_554 = arith.muli %scan3A_552, %mul3A_553 : i32
        %add3A_555 = arith.constant 0 : i32
        %add3A_556 = arith.addi %add3A_555, %mul3A_554 : i32
        %add3A_557 = vector.broadcast %add3A_556 : i32 to vector<16xi32>
        %add3A_558 = arith.addi %get3A_546, %add3A_557 : vector<16xi32>
        %gather3A = arith.constant 1 : i32
        %gather3A_559 = arith.constant 0 : i32
        %gather3A_560 = arith.constant 0 : i32
        %gather3A_561 = tpu.memref_slice %arg8[%gather3A, %gather3A_559, %gather3A_560] : memref<2x128x128xi32, #tpu.memory_space<vmem>> -> memref<1x128x128xi32, #tpu.memory_space<vmem>>
        %gather3A_562 = tpu.memref_squeeze %gather3A_561 : memref<1x128x128xi32, #tpu.memory_space<vmem>> -> memref<128x128xi32, #tpu.memory_space<vmem>>
        %gather3A_563 = tpu.vector_load_idx %gather3A_562[%add3A_542, %add3A_558] : memref<128x128xi32, #tpu.memory_space<vmem>>[vector<16xi32>, vector<16xi32>], vector<16xi32>,
        %swap3A = arith.index_cast %add3A_556 : i32 to index
        %swap3A_564 = arith.constant 496 : index
        %swap3A_565 = tpu.vector_load %arg9[%swap3A, %swap3A_564] {strides = array<i32>} : memref<16x512xi32, #tpu.memory_space<vmem>>, vector<16xi32>,
        tpu.vector_store %arg9[%swap3A, %swap3A_564], %gather3A_563 {strides = array<i32>} : memref<16x512xi32, #tpu.memory_space<vmem>>, vector<16xi32>,
      }
      %scan3A_551 = arith.constant 16 : i32
      "tpu.region"() ({
        %run_scoped3A = tpu.sem_alloc : memref<!tpu.dma_semaphore, #tpu.memory_space<semaphore_mem>>
        %dma_start3A_552 = arith.constant 0 : i32
        %dma_start3A_553 = arith.constant 0 : i32
        %dma_start3A_554 = tpu.memref_slice %arg4[%add3A_11, %dma_start3A_552, %dma_start3A_553] : memref<20x32x16384xbf16, #tpu.memory_space<hbm>> -> memref<1x32x16384xbf16, #tpu.memory_space<hbm>>
        %dma_start3A_555 = tpu.memref_squeeze %dma_start3A_554 : memref<1x32x16384xbf16, #tpu.memory_space<hbm>> -> memref<32x16384xbf16, #tpu.memory_space<hbm>>
        %dma_start3A_556 = tpu.memref_bitcast %dma_start3A_555 : memref<32x16384xbf16, #tpu.memory_space<hbm>> -> memref<16x16384xi32, #tpu.memory_space<hbm>>
        %dma_start3A_557 = arith.constant 0 : i32
        %dma_start3A_558 = tpu.memref_slice %dma_start3A_556[%dma_start3A_557, %mul3A_2] : memref<16x16384xi32, #tpu.memory_space<hbm>> -> memref<16x512xi32, #tpu.memory_space<hbm>>
        %dma_start3A_559 = arith.constant 0 : i32
        %dma_start3A_560 = arith.constant 0 : i32
        %dma_start3A_561 = tpu.memref_slice %arg4[%add3A_11, %dma_start3A_559, %dma_start3A_560] : memref<20x32x16384xbf16, #tpu.memory_space<hbm>> -> memref<1x32x16384xbf16, #tpu.memory_space<hbm>>
        %dma_start3A_562 = tpu.memref_squeeze %dma_start3A_561 : memref<1x32x16384xbf16, #tpu.memory_space<hbm>> -> memref<32x16384xbf16, #tpu.memory_space<hbm>>
        %dma_start3A_563 = tpu.memref_bitcast %dma_start3A_562 : memref<32x16384xbf16, #tpu.memory_space<hbm>> -> memref<16x16384xi32, #tpu.memory_space<hbm>>
        %dma_start3A_564 = arith.constant 0 : i32
        %dma_start3A_565 = tpu.memref_slice %dma_start3A_563[%dma_start3A_564, %mul3A_2] : memref<16x16384xi32, #tpu.memory_space<hbm>> -> memref<16x512xi32, #tpu.memory_space<hbm>>
        tpu.enqueue_dma source(%arg9 : memref<16x512xi32, #tpu.memory_space<vmem>>) target(%dma_start3A_565 : memref<16x512xi32, #tpu.memory_space<hbm>>) target_semaphore(%run_scoped3A : memref<!tpu.dma_semaphore, #tpu.memory_space<semaphore_mem>>)
        %dma_wait3A_566 = arith.constant 0 : i32
        %dma_wait3A_567 = arith.constant 0 : i32
        %dma_wait3A_568 = tpu.memref_slice %arg4[%add3A_11, %dma_wait3A_566, %dma_wait3A_567] : memref<20x32x16384xbf16, #tpu.memory_space<hbm>> -> memref<1x32x16384xbf16, #tpu.memory_space<hbm>>
        %dma_wait3A_569 = tpu.memref_squeeze %dma_wait3A_568 : memref<1x32x16384xbf16, #tpu.memory_space<hbm>> -> memref<32x16384xbf16, #tpu.memory_space<hbm>>
        %dma_wait3A_570 = tpu.memref_bitcast %dma_wait3A_569 : memref<32x16384xbf16, #tpu.memory_space<hbm>> -> memref<16x16384xi32, #tpu.memory_space<hbm>>
        %dma_wait3A_571 = arith.constant 0 : i32
        %dma_wait3A_572 = tpu.memref_slice %dma_wait3A_570[%dma_wait3A_571, %mul3A_2] : memref<16x16384xi32, #tpu.memory_space<hbm>> -> memref<16x512xi32, #tpu.memory_space<hbm>>
        %dma_wait3A_573 = arith.constant 0 : i32
        %dma_wait3A_574 = arith.constant 0 : i32
        %dma_wait3A_575 = tpu.memref_slice %arg4[%add3A_11, %dma_wait3A_573, %dma_wait3A_574] : memref<20x32x16384xbf16, #tpu.memory_space<hbm>> -> memref<1x32x16384xbf16, #tpu.memory_space<hbm>>
        %dma_wait3A_576 = tpu.memref_squeeze %dma_wait3A_575 : memref<1x32x16384xbf16, #tpu.memory_space<hbm>> -> memref<32x16384xbf16, #tpu.memory_space<hbm>>
        %dma_wait3A_577 = tpu.memref_bitcast %dma_wait3A_576 : memref<32x16384xbf16, #tpu.memory_space<hbm>> -> memref<16x16384xi32, #tpu.memory_space<hbm>>
        %dma_wait3A_578 = arith.constant 0 : i32
        %dma_wait3A_579 = tpu.memref_slice %dma_wait3A_577[%dma_wait3A_578, %mul3A_2] : memref<16x16384xi32, #tpu.memory_space<hbm>> -> memref<16x512xi32, #tpu.memory_space<hbm>>
        tpu.wait_dma2 semaphore(%run_scoped3A : memref<!tpu.dma_semaphore, #tpu.memory_space<semaphore_mem>>) src(%arg9 : memref<16x512xi32, #tpu.memory_space<vmem>>) dst(%dma_wait3A_579 : memref<16x512xi32, #tpu.memory_space<hbm>>)
        tpu.yield
      }) : () -> ()
    }
    %scan3A_6 = arith.constant 20 : i32
    return
  }
}

</mosaic_0001>

<sc_bundles>
// kernel: kernel.4.cloned.1.call-start
scs
__scs_entry_jumppad:
0x0: {  	(pc) =	sbr.rel $0x88, $3  }
0x1: {  	(tag) =	ssettag $0x0;
	lr =	simm.s32 $0x1  }
0x2: {  	[smem:$0x3F9F] =	sst lr;
	_ =	strace $0xD0000000  }
0x3: {  	_ = 	snop  }
0x4: {  	_ = 	snop  }
0x5: {  	_ = 	snop  }
0x6: {  	_ = 	snop  }
0x7: {  	_ = 	snop  }
__scs_overlays_trampoline_lowered:
0x8: {  	[smem:$0x3FAE] =	sst s0  }
0x9: {  	[smem:$0x3FAF] =	sst s1  }
0xa: {  	[smem:$0x3FB0] =	sst s2  }
0xb: {  	[smem:$0x3FB1] =	sst s3  }
0xc: {  	[smem:$0x3FB2] =	sst s4  }
0xd: {  	[smem:$0x3FB3] =	sst s5  }
0xe: {  	[smem:$0x3FB4] =	sst s6  }
0xf: {  	[smem:$0x3FB5] =	sst s7  }
0x10: {  	[smem:$0x3FB6] =	sst s8  }
0x11: {  	[smem:$0x3FB7] =	sst s9;
	s0 =	simm.s32 @!p0 $0x0  }
0x12: {  	s1 =	sld [smem:$0x3F9D];
	s0 =	simm.s32 @p0 $0x1  }
0x13: {  	[smem:$0x3FB8] =	sst s0;
	s0 =	simm.s32 @!p1 $0x0  }
0x14: {  	s2 =	sld [smem:$0x3F9C];
	s0 =	simm.s32 @p1 $0x1  }
0x15: {  	[smem:$0x3FB9] =	sst s0;
	s0 =	simm.s32 @!p2 $0x0  }
0x16: {  	s3 =	sld [smem:$0x3FDB];
	s0 =	simm.s32 @p2 $0x1  }
0x17: {  	s4 =	simm.s32 $0x1BF5;
	[smem:$0x3FBB] =	sst s0  }
0x18: {  	s0 =	sld [smem:$0x3F9E];
	_ =	swait.ge [sflag:s4], $0x0  }
0x19: {  	s7 =	sld [smem:$0x3F9F]  }
0x1a: {  	s8 =	sadd.s32 $0xFFFFE003, lr  }
0x1b: {  	s9 =	sadd.s32 $0xFFFFFEF7, lr;
	s5 =	simm.s32 $0xFFFFFFFF;
	p2 =	slt.u32 s8, $0xFFFFF086  }
0x1c: {  	p1 =	slt.u32 s9, $0xF7A;
	s5 =	simm.s32 @!p2 $0x0  }
0x1d: {  	s5 =	simm.s32 @p1 $0x1;
	p0 =	seq.s32 s7, s2  }
0x1e: {  	s7 =	smul.u32 @!p0 $0xF7A, s2;
	p2 =	seq.s32 @!p0 s5, $0x0  }
0x1f: {  	s9 =	smul.u32 $0xF7A, s1;
	s8 =	simm.s32 @!p0 $0x1BF5;
	p2 =	por !p2, p0  }
0x20: {  	[sflag:s8] =	ssyncset.s32 @!p0 $0xFFFFF086;
	s6 =	sadd.s32 @!p0 s3, s7;
	s7 =	simm.s32 @!p0 $0x108  }
0x21: {  	s3 =	sadd.s32 s3, s9;
	s6 =	sadd.s32 @!p0 $0x88, s6;
	s7 =	simm.s32 @p2 $0x1082  }
0x22: {  	[simem:s7], [sflag:s8] =	dma.local @!p0 [hbm:s6], $0xF7A  }
0x23: {  	s9 =	sor.u32 $0xD0000000, s2;
	s6 =	simm.s32 $0x108;
	_ =	swait.ge @!p0 [sflag:s8], $0x0  }
0x24: {  	s3 =	sadd.s32 $0x88, s3;
	s6 =	simm.s32 @!p1 $0x1082;
	[sflag:s4] =	ssyncset.s32 $0xFFFFF086  }
0x25: {  	[simem:s6], [sflag:s4] =	dma.local [hbm:s3], $0xF7A  }
0x26: {  	[smem:$0x3F9F] =	sst s1;
	(tag) =	ssettag s2;
	_ =	strace s9  }
0x27: {  	s1 =	sld [smem:$0x3FAF]  }
0x28: {  	s2 =	sld [smem:$0x3FB0]  }
0x29: {  	s4 =	sld [smem:$0x3FB2]  }
0x2a: {  	p0 =	seq.s32 s5, $0x0;
	s5 =	sld [smem:$0x3FB3]  }
0x2b: {  	s6 =	sld [smem:$0x3FB4]  }
0x2c: {  	s7 =	sld [smem:$0x3FB5]  }
0x2d: {  	s3 =	simm.s32 $0x108;
	s8 =	sld [smem:$0x3FB6]  }
0x2e: {  	s3 =	simm.s32 @!p0 $0x1082;
	s9 =	sld [smem:$0x3FB7]  }
0x2f: {  	lr =	sadd.s32 s0, s3;
	s0 =	sld [smem:$0x3FAE]  }
0x30: {  	s3 =	sld [smem:$0x3FB1]  }
0x31: {  	[smem:$0x3FBA] =	sst s10  }
0x32: {  	s10 =	sld [smem:$0x3FB8];
	_ =	sdelay $0x3  }
0x33: {  	p0 =	seq.s32 s10, $0x1;
	s10 =	sld [smem:$0x3FBA];
	_ =	sdelay $0x3  }
0x34: {  	[smem:$0x3FBA] =	sst s10  }
0x35: {  	s10 =	sld [smem:$0x3FB9];
	_ =	sdelay $0x3  }
0x36: {  	p1 =	seq.s32 s10, $0x1;
	s10 =	sld [smem:$0x3FBA];
	_ =	sdelay $0x3  }
0x37: {  	[smem:$0x3FBA] =	sst s10  }
0x38: {  	s10 =	sld [smem:$0x3FBB]  }
0x39: {  	_ = 	snop;
	(pc) =	sbr.ind lr, $3  }
0x3a: {  	_ = 	snop  }
0x3b: {  	_ = 	snop  }
0x3c: {  	p2 =	seq.s32 s10, $0x1;
	s10 =	sld [smem:$0x3FBA]  }
0x3d: {  	_ =	shalt  }
0x3e: {  	_ =	shalt  }
0x3f: {  	_ =	shalt  }
0x40: {  	_ =	shalt  }
0x41: {  	_ =	shalt  }
0x42: {  	_ =	shalt  }
0x43: {  	_ =	shalt  }
0x44: {  	_ =	shalt  }
0x45: {  	_ =	shalt  }
0x46: {  	_ =	shalt  }
0x47: {  	_ =	shalt  }
0x48: {  	_ =	shalt  }
0x49: {  	_ =	shalt  }
0x4a: {  	_ =	shalt  }
0x4b: {  	_ =	shalt  }
0x4c: {  	_ =	shalt  }
0x4d: {  	_ =	shalt  }
0x4e: {  	_ =	shalt  }
0x4f: {  	_ =	shalt  }
0x50: {  	_ =	shalt  }
0x51: {  	_ =	shalt  }
0x52: {  	_ =	shalt  }
0x53: {  	_ =	shalt  }
0x54: {  	_ =	shalt  }
0x55: {  	_ =	shalt  }
0x56: {  	_ =	shalt  }
0x57: {  	_ =	shalt  }
0x58: {  	_ =	shalt  }
0x59: {  	_ =	shalt  }
0x5a: {  	_ =	shalt  }
0x5b: {  	_ =	shalt  }
0x5c: {  	_ =	shalt  }
0x5d: {  	_ =	shalt  }
0x5e: {  	_ =	shalt  }
0x5f: {  	_ =	shalt  }
0x60: {  	_ =	shalt  }
0x61: {  	_ =	shalt  }
0x62: {  	_ =	shalt  }
0x63: {  	_ =	shalt  }
0x64: {  	_ =	shalt  }
0x65: {  	_ =	shalt  }
0x66: {  	_ =	shalt  }
0x67: {  	_ =	shalt  }
0x68: {  	_ =	shalt  }
0x69: {  	_ =	shalt  }
0x6a: {  	_ =	shalt  }
0x6b: {  	_ =	shalt  }
0x6c: {  	_ =	shalt  }
0x6d: {  	_ =	shalt  }
0x6e: {  	_ =	shalt  }
0x6f: {  	_ =	shalt  }
0x70: {  	_ =	shalt  }
0x71: {  	_ =	shalt  }
0x72: {  	_ =	shalt  }
0x73: {  	_ =	shalt  }
0x74: {  	_ =	shalt  }
0x75: {  	_ =	shalt  }
0x76: {  	_ =	shalt  }
0x77: {  	_ =	shalt  }
0x78: {  	_ =	shalt  }
0x79: {  	_ =	shalt  }
0x7a: {  	_ =	shalt  }
0x7b: {  	_ =	shalt  }
0x7c: {  	_ =	shalt  }
0x7d: {  	_ =	shalt  }
0x7e: {  	_ =	shalt  }
0x7f: {  	_ =	shalt  }
0x80: {  	_ =	shalt  }
0x81: {  	_ =	shalt  }
0x82: {  	_ =	shalt  }
0x83: {  	_ =	shalt  }
0x84: {  	_ =	shalt  }
0x85: {  	_ =	shalt  }
0x86: {  	_ =	shalt  }
0x87: {  	_ =	shalt  }
.Lfunc_end0:
.L_simem_size_0:
called_computation_lowered:
.L_overlay_start_0:
0x88: {  	s2 =	sld [smem:$0x3FD9]  }
0x89: {  	s3 =	sld [smem:$0x3FFE];
	_ =	sdelay $0x1  }
0x8a: {  	s1 =	srdreg.scid  }
0x8b: {  	s0 =	sand.u32 $0x1, s1  }
0x8c: {  	s17 =	sshll.u32 s0, $0xA;
	s2 =	sadd.s32 s3, s2  }
0x8d: {  	s2 =	sadd.s32 s2, s17  }
0x8e: {  	[smem:$0x3FC6] =	sst s2  }
0x8f: {  	_ = 	snop  }
0x90: {  	s2 =	sld [smem:$0x3FC8]  }
0x91: {  	s18 =	sld [smem:$0x3FD0];
	(tm) =	ssettm $0x1  }
0x92: {  	s4 =	sld [smem:$0x3FFB];
	_ =	sdelay $0x3  }
0x93: {  	_ =	strace s4  }
0x94: {  	s4 =	sld [smem:$0x3FFC];
	_ =	sdelay $0x3  }
0x95: {  	_ =	strace s4  }
0x96: {  	s4 =	sld [smem:$0x3FFD];
	_ =	sdelay $0x3  }
0x97: {  	_ =	strace s4  }
0x98: {  	_ =	strace $0x8FFFFFFF  }
0x99: {  	s19 =	sld [smem:$0x3FDB];
	_ =	sdelay $0x1  }
0x9a: {  	s5 =	simm.s32 $_scs_section_size  }
0x9b: {  	s6 =	simm.s32 $_size__tile_overlayer_lowered;
	s7 =	simm.s32 $_tile_overlayer_lowered  }
0x9c: {  	s22 =	simm.s32 $0x1BFF;
	s21 =	sshll.u32 s7, $0x1;
	s4 =	sadd.s32 s5, s19  }
0x9d: {  	s8 =	simm.s32 $0x0;
	s20 =	sshll.u32 s6, $0x1;
	s6 =	sadd.s32 s21, s4  }
0x9e: {  	[timem:s8], [sflag:s22] =	dma.local [hbm:s6], s20  }
0x9f: {  	_ =	swait.ge [sflag:s22], s20  }
0xa0: {  	s5 =	ssub.s32 $0x0, s20;
	[sflag:s22] =	ssyncset.done $0x0  }
0xa1: {  	[sflag:s22] =	ssyncadd.s32 s5;
	_ =	sdelay $0x1  }
0xa2: {  	s23 =	simm.s32 $0x1B8B  }
0xa3: {  	_ =	swait.ge [sflag:s23], $0x1  }
0xa4: {  	[sflag:s23] =	ssyncset.done $0x0  }
0xa5: {  	s25 =	simm.s32 $0x1B8E;
	s24 =	sld [smem:$0x3FFE];
	[sflag:s23] =	ssyncadd.s32 $0xFFFFFFFF  }
0xa6: {  	s26 =	simm.s32 $execute0_lowered;
	[smem:$0x3FD2] =	sst s25  }
0xa7: {  	s6 =	sshll.u32 s26, $0x1;
	_ =	strace $0x80000046;
	[dreg:$0x1] =	wrdreg $0xFFFFFFFF  }
0xa8: {  	s28 =	simm.s32 $_size_execute0_lowered;
	s4 =	sadd.s32 s4, s6;
	[dreg:$0x0] =	wrdreg $0x0  }
0xa9: {  	s6 =	sshll.u32 s28, $0x1;
	[dreg:$0x2] =	wrdreg s4  }
0xaa: {  	[dreg:$0x3] =	wrdreg s6  }
0xab: {  	[dreg:$0x4] =	wrdreg $0xC0  }
0xac: {  	_ =	task [dreg:s8], $0x5FFFF  }
0xad: {  	[dreg:$0x1] =	wrdreg $0xFFFFFFFF  }
0xae: {  	[dreg:$0x0] =	wrdreg $0x60  }
0xaf: {  	[dreg:$0x2] =	wrdreg s2  }
0xb0: {  	[dreg:$0x3] =	wrdreg s18  }
0xb1: {  	[dreg:$0x4] =	wrdreg s24  }
0xb2: {  	[dreg:$0x5] =	wrdreg $0x9  }
0xb3: {  	_ =	task.clear_ibuf [dreg:s8], $0x6FFFF;
	_ =	strace $0x90000046  }
0xb4: {  	s29 =	simm.s32 $0x9;
	_ =	strace $0x80000048  }
0xb5: {  	_ =	swait.ge [sflag:s29], $0x1  }
0xb6: {  	[sflag:s29] =	ssyncadd.s32 $0xFFFFFFFF  }
0xb7: {  	_ =	strace $0x90000048  }
0xb8: {  	_ =	sfence  }
0xb9: {  	s30 =	sld [smem:$0x0];
	_ =	sdelay $0x2  }
0xba: {  	s31 =	sshll.u32 s1, $0xD;
	s1 =	sshrl.u32 s1, $0x2  }
0xbb: {  	s3 =	sand.u32 $0x4000, s31;
	s1 =	sadd.s32 s1, s30  }
0xbc: {  	s0 =	sor.u32 s3, s0;
	s1 =	sshll.u32 s1, $0x11  }
0xbd: {  	s0 =	sor.u32 s1, s0  }
0xbe: {  	s0 =	sadd.s32 $0x8F2B, s0  }
0xbf: {  	[sflag:s0] =	ssyncadd.remote.s32 $0x1  }
0xc0: {  	_ =	sfence.sel $0xFFFF  }
0xc1: {  	[dreg:$0x0] =	wrdreg $0xFFFFFFFF;
	(pc) =	sbr.abs _section_cstart, $3  }
0xc2: {  	[dreg:$0x1] =	wrdreg $0xFFFFFFFF  }
0xc3: {  	_ =	task.clear_ibuf [dreg:s8], $0x2FFFF;
	_ =	strace $0x9FFFFFFF  }
0xc4: {  	(tm) =	ssettm $0x7FFFFFFF  }
0xc5: {  	_ =	shalt  }
tec
execute0_lowered:
.L_overlay_start_1:
0x0: {  	(tag) =	ssettag $0x1  }
0x1: {  	s0 =	rddreg [dreg:$0x0]  }
0x2: {  	s1 =	rddreg [dreg:$0x2]  }
0x3: {  	s2 =	srdreg.scid;
	s22 =	stileid.u32;
	s3 =	simm.s32 $0x0  }
0x4: {  	s15 =	simm.s32 $0x200;
	s16 =	simm.s32 $0x3D0A00;
	s17 =	simm.s32 $0x800  }
0x5: {  	s18 =	simm.s32 $0x1;
	s19 =	simm.s32 $0x1800;
	s20 =	simm.s32 $0x2  }
0x6: {  	s21 =	simm.s32 $0x2000;
	s23 =	simm.s32 $0x4;
	s24 =	simm.s32 $0x5  }
0x7: {  	s25 =	simm.s32 $0x1000;
	s26 =	simm.s32 $0x0;
	s2 =	sand.u32 $0x1, s2  }
0x8: {  	s4 =	sshll.u32 s22, $0x1;
	[smem:$0x7FF] =	sst s3;
	s12 =	sadd.s32 $0x1E8C00, s1  }
0x9: {  	p0 =	sgt.u32 s22, $0x1;
	s22 =	simm.s32 $0x3;
	s5 =	ssub.s32 $0x2, s2  }
0xa: {  	s2 =	sor.u32 s2, s4;
	_ =	strace $0x80000047;
	s4 =	sadd.s32 $0x800, s1  }
0xb: {  	s6 =	sshrl.u32 s5, $0x1;
	s7 =	sshll.u32 s2, $0x6;
	s14 =	sshll.u32 s2, $0x8  }
.Ltmp0:
0xc: {  	s11 =	sor.u32 $0x1E80, s2;
	p1 =	sne.s32 s2, $0x4;
	(pc) =	sbr.rel .LBB2_1-.Ltmp0, $4  }
0xd: {  	s13 =	ssub.s32 s5, s6;
	s5 =	sadd.s32 s0, s7;
	s8 =	sadd.s32 s4, s14  }
0xe: {  	s10 =	sshll.u32 s11, $0x6;
	s31 =	sshll.u32 s11, $0x8;
	s14 =	sor.u32 $0x2000, s14  }
0xf: {  	v0 =	vlaneseq.u32;
	s6 =	sadd.s32 $0x800, s5;
	s7 =	sadd.s32 $0x1000, s5;
	s9 =	sadd.s32 $0x1800, s5  }
0x10: {  	v0 =	vmul.u32 $0x80, v0;
	s10 =	sadd.s32 s0, s10;
	s11 =	sadd.s32 s4, s31;
	s13 =	smax.u32 s13, $0x1  }
.LBB2_15:
0x11: {  	s26 =	sadd.s32 $0x1, s26  }
0x12: {  	p2 =	sne.s32 s26, s13  }
.Ltmp1:
0x13: {  	_ = 	snop;
	(pc) =	sbr.rel @!p2 .LBB2_16-.Ltmp1, $1  }
0x14: {  	_ =	sdelay $0x3  }
.LBB2_1:
0x15: {  	[tilespmem:s3], [sflag:$0x1] =	stream.strided.gather [hbm4b:s5+s15], $0x800, s16, s15, $0x38;
	[tilespmem:$0x2800] =	vst v63  }
0x16: {  	s28 =	simm.s32 $0x0  }
0x17: {  	[tilespmem:s17], [sflag:$0x2] =	stream.strided.gather [hbm4b:s6+s15], $0x800, s16, s15, $0x38;
	[tilespmem:$0x2800] =	vst v63  }
.LBB2_2:
0x18: {  	s0 =	simm.s32 $0x0  }
0x19: {  	v1 =	vmov s0  }
0x1a: {  	v1 =	vand.u32 $0x78, v1  }
0x1b: {  	v1 =	vbroadcast v1, $0x0  }
0x1c: {  	_ =	swait.ge [sflag:s18], $0x800  }
0x1d: {  	p2 =	seq.s32 s28, $0x0;
	[sflag:s18] =	ssyncset.done $0x0;
	v1 =	vor.u32 v0, v1  }
0x1e: {  	s1 =	simm.s32 $0x1;
	s0 =	simm.s32 @!p2 $0x3;
	[sflag:s18] =	ssyncadd.s32 $0xFFFFF800  }
0x1f: {  	v2 =	vmov s1;
	_ =	swait.ge @!p2 [sflag:s0], $0x800  }
0x20: {  	v2 =	vand.u32 $0x79, v2;
	[sflag:s0] =	ssyncset.done @!p2 $0x0  }
0x21: {  	v2 =	vbroadcast v2, $0x0;
	[sflag:s0] =	ssyncadd.s32 @!p2 $0xFFFFF800  }
0x22: {  	v1 =	vld.idx.msk [tilespmem:v1+s3+$0x0], $0xffff  }
0x23: {  	v2 =	vor.u32 v0, v2  }
0x24: {  	s1 =	simm.s32 $0x2  }
0x25: {  	v3 =	vmov s1  }
0x26: {  	s30 =	simm.s32 $0x1840;
	v3 =	vand.u32 $0x7A, v3  }
0x27: {  	[tilespmem:s30+$0xFFFFFFC0] =	vst v1;
	v1 =	vbroadcast v3, $0x0  }
0x28: {  	v2 =	vld.idx.msk [tilespmem:v2+s3+$0x0], $0xffff  }
0x29: {  	v1 =	vor.u32 v0, v1  }
0x2a: {  	s2 =	simm.s32 $0x3  }
0x2b: {  	v3 =	vmov s2  }
0x2c: {  	v3 =	vand.u32 $0x7B, v3  }
0x2d: {  	[tilespmem:s30+$0xFFFFFFD0] =	vst v2;
	v2 =	vbroadcast v3, $0x0  }
0x2e: {  	v1 =	vld.idx.msk [tilespmem:v1+s3+$0x0], $0xffff  }
0x2f: {  	v2 =	vor.u32 v0, v2  }
0x30: {  	s1 =	simm.s32 $0x4  }
0x31: {  	v3 =	vmov s1  }
0x32: {  	v3 =	vand.u32 $0x7C, v3  }
0x33: {  	[tilespmem:s30+$0xFFFFFFE0] =	vst v1;
	v1 =	vbroadcast v3, $0x0  }
0x34: {  	v2 =	vld.idx.msk [tilespmem:v2+s3+$0x0], $0xffff  }
0x35: {  	v1 =	vor.u32 v0, v1  }
0x36: {  	s2 =	simm.s32 $0x5  }
0x37: {  	v3 =	vmov s2  }
0x38: {  	v3 =	vand.u32 $0x7D, v3  }
0x39: {  	[tilespmem:s30+$0xFFFFFFF0] =	vst v2;
	v2 =	vbroadcast v3, $0x0  }
0x3a: {  	v1 =	vld.idx.msk [tilespmem:v1+s3+$0x0], $0xffff  }
0x3b: {  	v2 =	vor.u32 v0, v2  }
0x3c: {  	s1 =	simm.s32 $0x6  }
0x3d: {  	v3 =	vmov s1  }
0x3e: {  	v3 =	vand.u32 $0x7E, v3  }
0x3f: {  	[tilespmem:s30+$0x0] =	vst v1;
	v1 =	vbroadcast v3, $0x0  }
0x40: {  	v2 =	vld.idx.msk [tilespmem:v2+s3+$0x0], $0xffff  }
0x41: {  	v1 =	vor.u32 v0, v1  }
0x42: {  	s2 =	simm.s32 $0x7  }
0x43: {  	v3 =	vmov s2  }
0x44: {  	v3 =	vand.u32 $0x7F, v3  }
0x45: {  	v3 =	vbroadcast v3, $0x0;
	[tilespmem:s30+$0x10] =	vst v2  }
0x46: {  	v1 =	vld.idx.msk [tilespmem:v1+s3+$0x0], $0xffff  }
0x47: {  	v2 =	vor.u32 v0, v3  }
0x48: {  	s29 =	sshll.u32 s28, $0xC  }
0x49: {  	s31 =	simm.s32 $0xF;
	s0 =	simm.s32 $0x17;
	s1 =	simm.s32 $0x8  }
.LBB2_3:
0x4a: {  	p3 =	sne.s32 s0, $0x7F;
	v3 =	vmov s1  }
0x4b: {  	v3 =	vand.u32 $0x78, v3;
	[tilespmem:s30+$0x20] =	vst v1  }
0x4c: {  	v1 =	vbroadcast v3, $0x0;
	v2 =	vld.idx.msk [tilespmem:v2+s3+$0x0], $0xffff;
	_ =	sdelay $0x1  }
0x4d: {  	v1 =	vor.u32 v0, v1;
	_ =	sdelay $0x1  }
0x4e: {  	s1 =	sadd.s32 $0xFFFFFFFA, s31  }
0x4f: {  	v3 =	vmov s1  }
0x50: {  	v3 =	vand.u32 $0x79, v3;
	[tilespmem:s30+$0x30] =	vst v2  }
0x51: {  	v2 =	vbroadcast v3, $0x0;
	v1 =	vld.idx.msk [tilespmem:v1+s3+$0x0], $0xffff;
	_ =	sdelay $0x1  }
0x52: {  	v2 =	vor.u32 v0, v2;
	_ =	sdelay $0x1  }
0x53: {  	s1 =	sadd.s32 $0xFFFFFFFB, s31  }
0x54: {  	v3 =	vmov s1;
	s30 =	sadd.s32 $0x80, s30  }
0x55: {  	[tilespmem:s30+$0xFFFFFFC0] =	vst v1;
	v1 =	vand.u32 $0x7A, v3  }
0x56: {  	v2 =	vld.idx.msk [tilespmem:v2+s3+$0x0], $0xffff;
	v1 =	vbroadcast v1, $0x0;
	_ =	sdelay $0x1  }
0x57: {  	v1 =	vor.u32 v0, v1;
	_ =	sdelay $0x1  }
0x58: {  	s1 =	sadd.s32 $0xFFFFFFFC, s31  }
0x59: {  	v3 =	vmov s1  }
0x5a: {  	[tilespmem:s30+$0xFFFFFFD0] =	vst v2;
	v2 =	vand.u32 $0x7B, v3  }
0x5b: {  	v1 =	vld.idx.msk [tilespmem:v1+s3+$0x0], $0xffff;
	v2 =	vbroadcast v2, $0x0;
	_ =	sdelay $0x1  }
0x5c: {  	v2 =	vor.u32 v0, v2;
	_ =	sdelay $0x1  }
0x5d: {  	s1 =	sadd.s32 $0xFFFFFFFD, s31  }
0x5e: {  	v3 =	vmov s1  }
0x5f: {  	[tilespmem:s30+$0xFFFFFFE0] =	vst v1;
	v1 =	vand.u32 $0x7C, v3  }
0x60: {  	v2 =	vld.idx.msk [tilespmem:v2+s3+$0x0], $0xffff;
	v1 =	vbroadcast v1, $0x0;
	_ =	sdelay $0x1  }
0x61: {  	v1 =	vor.u32 v0, v1;
	_ =	sdelay $0x1  }
0x62: {  	s1 =	sadd.s32 $0xFFFFFFFE, s31  }
0x63: {  	v3 =	vmov s1  }
0x64: {  	[tilespmem:s30+$0xFFFFFFF0] =	vst v2;
	v2 =	vand.u32 $0x7D, v3  }
0x65: {  	v1 =	vld.idx.msk [tilespmem:v1+s3+$0x0], $0xffff;
	v2 =	vbroadcast v2, $0x0;
	_ =	sdelay $0x1  }
0x66: {  	v2 =	vor.u32 v0, v2;
	_ =	sdelay $0x1  }
0x67: {  	s1 =	sadd.s32 $0xFFFFFFFF, s31  }
0x68: {  	v3 =	vmov s1  }
0x69: {  	[tilespmem:s30+$0x0] =	vst v1;
	v1 =	vand.u32 $0x7E, v3  }
0x6a: {  	v2 =	vld.idx.msk [tilespmem:v2+s3+$0x0], $0xffff;
	v1 =	vbroadcast v1, $0x0;
	_ =	sdelay $0x1  }
0x6b: {  	v1 =	vor.u32 v0, v1;
	_ =	sdelay $0x2  }
0x6c: {  	v3 =	vmov s31;
	s31 =	smov.u32 s0  }
0x6d: {  	[tilespmem:s30+$0x10] =	vst v2;
	v2 =	vand.u32 $0x7F, v3  }
.Ltmp2:
0x6e: {  	v1 =	vld.idx.msk [tilespmem:v1+s3+$0x0], $0xffff;
	v2 =	vbroadcast v2, $0x0;
	(pc) =	sbr.rel @p3 .LBB2_3-.Ltmp2, $3  }
0x6f: {  	_ = 	snop  }
0x70: {  	v2 =	vor.u32 v0, v2;
	_ =	sdelay $0x1  }
0x71: {  	s0 =	sadd.s32 $0x8, s0;
	s1 =	sadd.s32 $0xFFFFFFF9, s31  }
0x72: {  	_ = 	snop  }
0x73: {  	v3 =	vmov s1  }
0x74: {  	v3 =	vand.u32 $0x78, v3  }
0x75: {  	[tilespmem:s30+$0x20] =	vst v1;
	v1 =	vbroadcast v3, $0x0  }
0x76: {  	v2 =	vld.idx.msk [tilespmem:v2+s3+$0x0], $0xffff  }
0x77: {  	v1 =	vor.u32 v0, v1  }
0x78: {  	s0 =	sadd.s32 $0xFFFFFFFA, s31  }
0x79: {  	v3 =	vmov s0  }
0x7a: {  	v3 =	vand.u32 $0x79, v3  }
0x7b: {  	[tilespmem:s30+$0x30] =	vst v2;
	v2 =	vbroadcast v3, $0x0  }
0x7c: {  	v1 =	vld.idx.msk [tilespmem:v1+s3+$0x0], $0xffff  }
0x7d: {  	v2 =	vor.u32 v0, v2  }
0x7e: {  	s1 =	sadd.s32 $0xFFFFFFFB, s31  }
0x7f: {  	v3 =	vmov s1  }
0x80: {  	s0 =	sadd.s32 $0x80, s30;
	v3 =	vand.u32 $0x7A, v3  }
0x81: {  	[tilespmem:s0+$0xFFFFFFC0] =	vst v1;
	v1 =	vbroadcast v3, $0x0  }
0x82: {  	v2 =	vld.idx.msk [tilespmem:v2+s3+$0x0], $0xffff  }
0x83: {  	v1 =	vor.u32 v0, v1  }
0x84: {  	s2 =	sadd.s32 $0xFFFFFFFC, s31  }
0x85: {  	v3 =	vmov s2  }
0x86: {  	v3 =	vand.u32 $0x7B, v3  }
0x87: {  	[tilespmem:s0+$0xFFFFFFD0] =	vst v2;
	v2 =	vbroadcast v3, $0x0  }
0x88: {  	v1 =	vld.idx.msk [tilespmem:v1+s3+$0x0], $0xffff  }
0x89: {  	v2 =	vor.u32 v0, v2  }
0x8a: {  	s2 =	sadd.s32 $0xFFFFFFFD, s31  }
0x8b: {  	v3 =	vmov s2  }
0x8c: {  	v3 =	vand.u32 $0x7C, v3  }
0x8d: {  	[tilespmem:s0+$0xFFFFFFE0] =	vst v1;
	v1 =	vbroadcast v3, $0x0  }
0x8e: {  	v2 =	vld.idx.msk [tilespmem:v2+s3+$0x0], $0xffff  }
0x8f: {  	v1 =	vor.u32 v0, v1  }
0x90: {  	s2 =	sadd.s32 $0xFFFFFFFE, s31  }
0x91: {  	v3 =	vmov s2  }
0x92: {  	v3 =	vand.u32 $0x7D, v3  }
0x93: {  	[tilespmem:s0+$0xFFFFFFF0] =	vst v2;
	v2 =	vbroadcast v3, $0x0  }
0x94: {  	v1 =	vld.idx.msk [tilespmem:v1+s3+$0x0], $0xffff  }
0x95: {  	v2 =	vor.u32 v0, v2  }
0x96: {  	s2 =	sadd.s32 $0xFFFFFFFF, s31  }
0x97: {  	v3 =	vmov s2  }
0x98: {  	v3 =	vand.u32 $0x7E, v3  }
0x99: {  	[tilespmem:s0+$0x0] =	vst v1;
	v1 =	vbroadcast v3, $0x0  }
0x9a: {  	v2 =	vld.idx.msk [tilespmem:v2+s3+$0x0], $0xffff  }
0x9b: {  	v1 =	vor.u32 v0, v1;
	_ =	sdelay $0x1  }
0x9c: {  	v3 =	vmov s31  }
0x9d: {  	v3 =	vand.u32 $0x7F, v3  }
0x9e: {  	[tilespmem:s0+$0x10] =	vst v2;
	v2 =	vbroadcast v3, $0x0  }
0x9f: {  	v1 =	vld.idx.msk [tilespmem:v1+s3+$0x0], $0xffff  }
0xa0: {  	v2 =	vor.u32 v0, v2;
	_ =	sdelay $0x3  }
0xa1: {  	[tilespmem:s0+$0x20] =	vst v1  }
0xa2: {  	v1 =	vld.idx.msk [tilespmem:v2+s3+$0x0], $0xffff;
	_ =	sdelay $0x2  }
0xa3: {  	p3 =	seq.s32 s28, $0x79  }
0xa4: {  	s1 =	sadd.s32 @!p3 s29, s7  }
0xa5: {  	s30 =	simm.s32 @!p3 $0x0;
	s2 =	simm.s32 @!p3 $0x3D0A00;
	[tilespmem:s0+$0x30] =	vst v1;
	s0 =	simm.s32 @!p3 $0x200  }
0xa6: {  	[tilespmem:s30], [sflag:$0x1] =	stream.strided.gather @!p3 [hbm4b:s1+s0], $0x800, s2, s0, $0x38;
	[tilespmem:$0x2800] =	vst v63  }
0xa7: {  	s2 =	simm.s32 $0x0  }
0xa8: {  	s30 =	sshll.u32 s28, $0xE;
	v1 =	vmov s2  }
0xa9: {  	s1 =	sadd.s32 s30, s8;
	v1 =	vand.u32 $0x78, v1  }
0xaa: {  	[hbm4b:s1+s3] =	stream.linear.scatter [tilespmem:s19], [sflag:$0x3], $0x800, $0x38;
	v1 =	vbroadcast v1, $0x0;
	[tilespmem:$0x2800] =	vst v63  }
0xab: {  	_ =	swait.ge [sflag:s20], $0x800  }
0xac: {  	[sflag:s20] =	ssyncset.done $0x0;
	v1 =	vor.u32 v0, v1  }
0xad: {  	s0 =	simm.s32 @!p2 $0x4;
	s2 =	simm.s32 $0x1;
	[sflag:s20] =	ssyncadd.s32 $0xFFFFF800  }
0xae: {  	v2 =	vmov s2;
	_ =	swait.ge @!p2 [sflag:s0], $0x800  }
0xaf: {  	v2 =	vand.u32 $0x79, v2;
	[sflag:s0] =	ssyncset.done @!p2 $0x0  }
0xb0: {  	v2 =	vbroadcast v2, $0x0;
	[sflag:s0] =	ssyncadd.s32 @!p2 $0xFFFFF800  }
0xb1: {  	v1 =	vld.idx.msk [tilespmem:v1+s17+$0x0], $0xffff  }
0xb2: {  	v2 =	vor.u32 v0, v2  }
0xb3: {  	s1 =	simm.s32 $0x2  }
0xb4: {  	v3 =	vmov s1  }
0xb5: {  	s31 =	simm.s32 $0x2070;
	v3 =	vand.u32 $0x7A, v3  }
0xb6: {  	[tilespmem:s31+$0xFFFFFF90] =	vst v1;
	v1 =	vbroadcast v3, $0x0  }
0xb7: {  	v2 =	vld.idx.msk [tilespmem:v2+s17+$0x0], $0xffff  }
0xb8: {  	v1 =	vor.u32 v0, v1  }
0xb9: {  	s2 =	simm.s32 $0x3  }
0xba: {  	v3 =	vmov s2  }
0xbb: {  	v3 =	vand.u32 $0x7B, v3  }
0xbc: {  	[tilespmem:s31+$0xFFFFFFA0] =	vst v2;
	v2 =	vbroadcast v3, $0x0  }
0xbd: {  	v1 =	vld.idx.msk [tilespmem:v1+s17+$0x0], $0xffff  }
0xbe: {  	v2 =	vor.u32 v0, v2  }
0xbf: {  	s1 =	simm.s32 $0x4  }
0xc0: {  	v3 =	vmov s1  }
0xc1: {  	v3 =	vand.u32 $0x7C, v3  }
0xc2: {  	[tilespmem:s31+$0xFFFFFFB0] =	vst v1;
	v1 =	vbroadcast v3, $0x0  }
0xc3: {  	v2 =	vld.idx.msk [tilespmem:v2+s17+$0x0], $0xffff  }
0xc4: {  	v1 =	vor.u32 v0, v1  }
0xc5: {  	s2 =	simm.s32 $0x5  }
0xc6: {  	v3 =	vmov s2  }
0xc7: {  	v3 =	vand.u32 $0x7D, v3  }
0xc8: {  	[tilespmem:s31+$0xFFFFFFC0] =	vst v2;
	v2 =	vbroadcast v3, $0x0  }
0xc9: {  	v1 =	vld.idx.msk [tilespmem:v1+s17+$0x0], $0xffff  }
0xca: {  	v2 =	vor.u32 v0, v2  }
0xcb: {  	s1 =	simm.s32 $0x6  }
0xcc: {  	v3 =	vmov s1  }
0xcd: {  	v3 =	vand.u32 $0x7E, v3  }
0xce: {  	[tilespmem:s31+$0xFFFFFFD0] =	vst v1;
	v1 =	vbroadcast v3, $0x0  }
0xcf: {  	v2 =	vld.idx.msk [tilespmem:v2+s17+$0x0], $0xffff  }
0xd0: {  	v1 =	vor.u32 v0, v1  }
0xd1: {  	s2 =	simm.s32 $0x7  }
0xd2: {  	v3 =	vmov s2  }
0xd3: {  	v3 =	vand.u32 $0x7F, v3  }
0xd4: {  	v3 =	vbroadcast v3, $0x0;
	[tilespmem:s31+$0xFFFFFFE0] =	vst v2  }
0xd5: {  	v1 =	vld.idx.msk [tilespmem:v1+s17+$0x0], $0xffff  }
0xd6: {  	v2 =	vor.u32 v0, v3;
	_ =	sdelay $0x1  }
0xd7: {  	s0 =	simm.s32 $0xF;
	s1 =	simm.s32 $0x17;
	s2 =	simm.s32 $0x8  }
.LBB2_5:
0xd8: {  	p2 =	sne.s32 s1, $0x7F;
	v3 =	vmov s2  }
0xd9: {  	v3 =	vand.u32 $0x78, v3;
	[tilespmem:s31+$0xFFFFFFF0] =	vst v1  }
0xda: {  	v1 =	vbroadcast v3, $0x0;
	v2 =	vld.idx.msk [tilespmem:v2+s17+$0x0], $0xffff;
	_ =	sdelay $0x1  }
0xdb: {  	v1 =	vor.u32 v0, v1;
	_ =	sdelay $0x1  }
0xdc: {  	s2 =	sadd.s32 $0xFFFFFFFA, s0  }
0xdd: {  	v3 =	vmov s2  }
0xde: {  	v3 =	vand.u32 $0x79, v3;
	[tilespmem:s31+$0x0] =	vst v2  }
0xdf: {  	v2 =	vbroadcast v3, $0x0;
	v1 =	vld.idx.msk [tilespmem:v1+s17+$0x0], $0xffff;
	_ =	sdelay $0x1  }
0xe0: {  	v2 =	vor.u32 v0, v2;
	_ =	sdelay $0x1  }
0xe1: {  	s2 =	sadd.s32 $0xFFFFFFFB, s0  }
0xe2: {  	v3 =	vmov s2;
	s31 =	sadd.s32 $0x80, s31  }
0xe3: {  	[tilespmem:s31+$0xFFFFFF90] =	vst v1;
	v1 =	vand.u32 $0x7A, v3  }
0xe4: {  	v2 =	vld.idx.msk [tilespmem:v2+s17+$0x0], $0xffff;
	v1 =	vbroadcast v1, $0x0;
	_ =	sdelay $0x1  }
0xe5: {  	v1 =	vor.u32 v0, v1;
	_ =	sdelay $0x1  }
0xe6: {  	s2 =	sadd.s32 $0xFFFFFFFC, s0  }
0xe7: {  	v3 =	vmov s2  }
0xe8: {  	[tilespmem:s31+$0xFFFFFFA0] =	vst v2;
	v2 =	vand.u32 $0x7B, v3  }
0xe9: {  	v1 =	vld.idx.msk [tilespmem:v1+s17+$0x0], $0xffff;
	v2 =	vbroadcast v2, $0x0;
	_ =	sdelay $0x1  }
0xea: {  	v2 =	vor.u32 v0, v2;
	_ =	sdelay $0x1  }
0xeb: {  	s2 =	sadd.s32 $0xFFFFFFFD, s0  }
0xec: {  	v3 =	vmov s2  }
0xed: {  	[tilespmem:s31+$0xFFFFFFB0] =	vst v1;
	v1 =	vand.u32 $0x7C, v3  }
0xee: {  	v2 =	vld.idx.msk [tilespmem:v2+s17+$0x0], $0xffff;
	v1 =	vbroadcast v1, $0x0;
	_ =	sdelay $0x1  }
0xef: {  	v1 =	vor.u32 v0, v1;
	_ =	sdelay $0x1  }
0xf0: {  	s2 =	sadd.s32 $0xFFFFFFFE, s0  }
0xf1: {  	v3 =	vmov s2  }
0xf2: {  	[tilespmem:s31+$0xFFFFFFC0] =	vst v2;
	v2 =	vand.u32 $0x7D, v3  }
0xf3: {  	v1 =	vld.idx.msk [tilespmem:v1+s17+$0x0], $0xffff;
	v2 =	vbroadcast v2, $0x0;
	_ =	sdelay $0x1  }
0xf4: {  	v2 =	vor.u32 v0, v2;
	_ =	sdelay $0x1  }
0xf5: {  	s2 =	sadd.s32 $0xFFFFFFFF, s0  }
0xf6: {  	v3 =	vmov s2  }
0xf7: {  	[tilespmem:s31+$0xFFFFFFD0] =	vst v1;
	v1 =	vand.u32 $0x7E, v3  }
0xf8: {  	v2 =	vld.idx.msk [tilespmem:v2+s17+$0x0], $0xffff;
	v1 =	vbroadcast v1, $0x0;
	_ =	sdelay $0x1  }
0xf9: {  	v1 =	vor.u32 v0, v1;
	_ =	sdelay $0x2  }
0xfa: {  	v3 =	vmov s0;
	s0 =	smov.u32 s1  }
0xfb: {  	[tilespmem:s31+$0xFFFFFFE0] =	vst v2;
	v2 =	vand.u32 $0x7F, v3  }
.Ltmp3:
0xfc: {  	v1 =	vld.idx.msk [tilespmem:v1+s17+$0x0], $0xffff;
	v2 =	vbroadcast v2, $0x0;
	(pc) =	sbr.rel @p2 .LBB2_5-.Ltmp3, $3  }
0xfd: {  	_ = 	snop  }
0xfe: {  	v2 =	vor.u32 v0, v2;
	_ =	sdelay $0x1  }
0xff: {  	s1 =	sadd.s32 $0x8, s1;
	s2 =	sadd.s32 $0xFFFFFFF9, s0  }
0x100: {  	_ = 	snop  }
0x101: {  	v3 =	vmov s2  }
0x102: {  	v3 =	vand.u32 $0x78, v3  }
0x103: {  	[tilespmem:s31+$0xFFFFFFF0] =	vst v1;
	v1 =	vbroadcast v3, $0x0  }
0x104: {  	v2 =	vld.idx.msk [tilespmem:v2+s17+$0x0], $0xffff  }
0x105: {  	v1 =	vor.u32 v0, v1  }
0x106: {  	s1 =	sadd.s32 $0xFFFFFFFA, s0  }
0x107: {  	v3 =	vmov s1  }
0x108: {  	v3 =	vand.u32 $0x79, v3  }
0x109: {  	[tilespmem:s31+$0x0] =	vst v2;
	v2 =	vbroadcast v3, $0x0  }
0x10a: {  	v1 =	vld.idx.msk [tilespmem:v1+s17+$0x0], $0xffff  }
0x10b: {  	v2 =	vor.u32 v0, v2  }
0x10c: {  	s2 =	sadd.s32 $0xFFFFFFFB, s0  }
0x10d: {  	v3 =	vmov s2  }
0x10e: {  	s1 =	sadd.s32 $0x80, s31;
	v3 =	vand.u32 $0x7A, v3  }
0x10f: {  	[tilespmem:s1+$0xFFFFFF90] =	vst v1;
	v1 =	vbroadcast v3, $0x0  }
0x110: {  	v2 =	vld.idx.msk [tilespmem:v2+s17+$0x0], $0xffff  }
0x111: {  	v1 =	vor.u32 v0, v1  }
0x112: {  	s31 =	sadd.s32 $0xFFFFFFFC, s0  }
0x113: {  	v3 =	vmov s31  }
0x114: {  	v3 =	vand.u32 $0x7B, v3  }
0x115: {  	[tilespmem:s1+$0xFFFFFFA0] =	vst v2;
	v2 =	vbroadcast v3, $0x0  }
0x116: {  	v1 =	vld.idx.msk [tilespmem:v1+s17+$0x0], $0xffff  }
0x117: {  	v2 =	vor.u32 v0, v2  }
0x118: {  	s31 =	sadd.s32 $0xFFFFFFFD, s0  }
0x119: {  	v3 =	vmov s31  }
0x11a: {  	v3 =	vand.u32 $0x7C, v3  }
0x11b: {  	[tilespmem:s1+$0xFFFFFFB0] =	vst v1;
	v1 =	vbroadcast v3, $0x0  }
0x11c: {  	v2 =	vld.idx.msk [tilespmem:v2+s17+$0x0], $0xffff  }
0x11d: {  	v1 =	vor.u32 v0, v1  }
0x11e: {  	s31 =	sadd.s32 $0xFFFFFFFE, s0  }
0x11f: {  	v3 =	vmov s31  }
0x120: {  	v3 =	vand.u32 $0x7D, v3  }
0x121: {  	[tilespmem:s1+$0xFFFFFFC0] =	vst v2;
	v2 =	vbroadcast v3, $0x0  }
0x122: {  	v1 =	vld.idx.msk [tilespmem:v1+s17+$0x0], $0xffff  }
0x123: {  	v2 =	vor.u32 v0, v2  }
0x124: {  	s31 =	sadd.s32 $0xFFFFFFFF, s0  }
0x125: {  	v3 =	vmov s31  }
0x126: {  	v3 =	vand.u32 $0x7E, v3  }
0x127: {  	[tilespmem:s1+$0xFFFFFFD0] =	vst v1;
	v1 =	vbroadcast v3, $0x0  }
0x128: {  	v2 =	vld.idx.msk [tilespmem:v2+s17+$0x0], $0xffff  }
0x129: {  	v1 =	vor.u32 v0, v1;
	_ =	sdelay $0x1  }
0x12a: {  	v3 =	vmov s0  }
0x12b: {  	v3 =	vand.u32 $0x7F, v3  }
0x12c: {  	[tilespmem:s1+$0xFFFFFFE0] =	vst v2;
	v2 =	vbroadcast v3, $0x0  }
0x12d: {  	v1 =	vld.idx.msk [tilespmem:v1+s17+$0x0], $0xffff  }
0x12e: {  	v2 =	vor.u32 v0, v2;
	_ =	sdelay $0x3  }
0x12f: {  	[tilespmem:s1+$0xFFFFFFF0] =	vst v1  }
0x130: {  	v1 =	vld.idx.msk [tilespmem:v2+s17+$0x0], $0xffff;
	_ =	sdelay $0x1  }
0x131: {  	s28 =	sadd.s32 $0x1, s28  }
0x132: {  	p2 =	sne.s32 s28, $0x7A  }
.Ltmp4:
0x133: {  	s2 =	simm.s32 @!p3 $0x3D0A00;
	s31 =	sor.u32 s14, s30;
	(pc) =	sbr.rel @p2 .LBB2_2-.Ltmp4, $4  }
0x134: {  	s0 =	sadd.s32 @!p3 s29, s9;
	s29 =	simm.s32 @!p3 $0x800;
	[tilespmem:s1+$0x0] =	vst v1;
	s1 =	simm.s32 @!p3 $0x200  }
0x135: {  	[tilespmem:s29], [sflag:$0x2] =	stream.strided.gather @!p3 [hbm4b:s0+s1], $0x800, s2, s1, $0x38;
	[tilespmem:$0x2800] =	vst v63  }
0x136: {  	s0 =	sadd.s32 s4, s31  }
0x137: {  	[hbm4b:s0+s3] =	stream.linear.scatter [tilespmem:s21], [sflag:$0x4], $0x800, $0x38;
	[tilespmem:$0x2800] =	vst v63  }
0x138: {  	_ =	swait.ge [sflag:s22], $0x800  }
.Ltmp5:
0x139: {  	[sflag:s22] =	ssyncset.done $0x0;
	(pc) =	sbr.rel @p0 .LBB2_11-.Ltmp5, $4  }
0x13a: {  	[sflag:s22] =	ssyncadd.s32 $0xFFFFF800  }
0x13b: {  	_ =	swait.ge [sflag:s23], $0x800  }
0x13c: {  	[sflag:s23] =	ssyncset.done $0x0  }
0x13d: {  	[sflag:s23] =	ssyncadd.s32 $0xFFFFF800  }
0x13e: {  	s0 =	simm.s32 $0x0  }
0x13f: {  	v1 =	vmov s0  }
0x140: {  	v1 =	vand.u32 $0x78, v1  }
0x141: {  	v1 =	vbroadcast v1, $0x0;
	_ =	sdelay $0x1  }
0x142: {  	[tilespmem:s3], [sflag:$0x5] =	stream.strided.gather [hbm4b:s10+s15], $0x800, s16, s15, $0x38;
	v1 =	vor.u32 v0, v1;
	[tilespmem:$0x2800] =	vst v63  }
0x143: {  	s30 =	simm.s32 $0x1  }
0x144: {  	_ =	swait.ge [sflag:s24], $0x800;
	v2 =	vmov s30  }
0x145: {  	[sflag:s24] =	ssyncset.done $0x0;
	v2 =	vand.u32 $0x79, v2  }
0x146: {  	[sflag:s24] =	ssyncadd.s32 $0xFFFFF800;
	v2 =	vbroadcast v2, $0x0  }
0x147: {  	v1 =	vld.idx.msk [tilespmem:v1+s3+$0x0], $0xffff  }
0x148: {  	v2 =	vor.u32 v0, v2  }
0x149: {  	s31 =	simm.s32 $0x2  }
0x14a: {  	v3 =	vmov s31  }
0x14b: {  	s28 =	simm.s32 $0x1840;
	v3 =	vand.u32 $0x7A, v3  }
0x14c: {  	[tilespmem:s28+$0xFFFFFFC0] =	vst v1;
	v1 =	vbroadcast v3, $0x0  }
0x14d: {  	v2 =	vld.idx.msk [tilespmem:v2+s3+$0x0], $0xffff  }
0x14e: {  	v1 =	vor.u32 v0, v1  }
0x14f: {  	s1 =	simm.s32 $0x3  }
0x150: {  	v3 =	vmov s1  }
0x151: {  	v3 =	vand.u32 $0x7B, v3  }
0x152: {  	[tilespmem:s28+$0xFFFFFFD0] =	vst v2;
	v2 =	vbroadcast v3, $0x0  }
0x153: {  	v1 =	vld.idx.msk [tilespmem:v1+s3+$0x0], $0xffff  }
0x154: {  	v2 =	vor.u32 v0, v2  }
0x155: {  	s2 =	simm.s32 $0x4  }
0x156: {  	v3 =	vmov s2  }
0x157: {  	v3 =	vand.u32 $0x7C, v3  }
0x158: {  	[tilespmem:s28+$0xFFFFFFE0] =	vst v1;
	v1 =	vbroadcast v3, $0x0  }
0x159: {  	v2 =	vld.idx.msk [tilespmem:v2+s3+$0x0], $0xffff  }
0x15a: {  	v1 =	vor.u32 v0, v1  }
0x15b: {  	s29 =	simm.s32 $0x5  }
0x15c: {  	v3 =	vmov s29  }
0x15d: {  	v3 =	vand.u32 $0x7D, v3  }
0x15e: {  	[tilespmem:s28+$0xFFFFFFF0] =	vst v2;
	v2 =	vbroadcast v3, $0x0  }
0x15f: {  	v1 =	vld.idx.msk [tilespmem:v1+s3+$0x0], $0xffff  }
0x160: {  	v2 =	vor.u32 v0, v2  }
0x161: {  	s30 =	simm.s32 $0x6  }
0x162: {  	v3 =	vmov s30  }
0x163: {  	v3 =	vand.u32 $0x7E, v3  }
0x164: {  	[tilespmem:s28+$0x0] =	vst v1;
	v1 =	vbroadcast v3, $0x0  }
0x165: {  	v2 =	vld.idx.msk [tilespmem:v2+s3+$0x0], $0xffff  }
0x166: {  	v1 =	vor.u32 v0, v1  }
0x167: {  	s31 =	simm.s32 $0x7  }
0x168: {  	v3 =	vmov s31  }
0x169: {  	v3 =	vand.u32 $0x7F, v3  }
0x16a: {  	v3 =	vbroadcast v3, $0x0;
	[tilespmem:s28+$0x10] =	vst v2  }
0x16b: {  	v1 =	vld.idx.msk [tilespmem:v1+s3+$0x0], $0xffff  }
0x16c: {  	v2 =	vor.u32 v0, v3;
	_ =	sdelay $0x1  }
0x16d: {  	s0 =	simm.s32 $0xF;
	s1 =	simm.s32 $0x17;
	s2 =	simm.s32 $0x8  }
.LBB2_9:
0x16e: {  	p2 =	sne.s32 s1, $0x7F;
	v3 =	vmov s2  }
0x16f: {  	v3 =	vand.u32 $0x78, v3;
	[tilespmem:s28+$0x20] =	vst v1  }
0x170: {  	v1 =	vbroadcast v3, $0x0;
	v2 =	vld.idx.msk [tilespmem:v2+s3+$0x0], $0xffff;
	_ =	sdelay $0x1  }
0x171: {  	v1 =	vor.u32 v0, v1;
	_ =	sdelay $0x1  }
0x172: {  	s2 =	sadd.s32 $0xFFFFFFFA, s0  }
0x173: {  	v3 =	vmov s2  }
0x174: {  	v3 =	vand.u32 $0x79, v3;
	[tilespmem:s28+$0x30] =	vst v2  }
0x175: {  	v2 =	vbroadcast v3, $0x0;
	v1 =	vld.idx.msk [tilespmem:v1+s3+$0x0], $0xffff;
	_ =	sdelay $0x1  }
0x176: {  	v2 =	vor.u32 v0, v2;
	_ =	sdelay $0x1  }
0x177: {  	s2 =	sadd.s32 $0xFFFFFFFB, s0  }
0x178: {  	v3 =	vmov s2;
	s28 =	sadd.s32 $0x80, s28  }
0x179: {  	[tilespmem:s28+$0xFFFFFFC0] =	vst v1;
	v1 =	vand.u32 $0x7A, v3  }
0x17a: {  	v2 =	vld.idx.msk [tilespmem:v2+s3+$0x0], $0xffff;
	v1 =	vbroadcast v1, $0x0;
	_ =	sdelay $0x1  }
0x17b: {  	v1 =	vor.u32 v0, v1;
	_ =	sdelay $0x1  }
0x17c: {  	s2 =	sadd.s32 $0xFFFFFFFC, s0  }
0x17d: {  	v3 =	vmov s2  }
0x17e: {  	[tilespmem:s28+$0xFFFFFFD0] =	vst v2;
	v2 =	vand.u32 $0x7B, v3  }
0x17f: {  	v1 =	vld.idx.msk [tilespmem:v1+s3+$0x0], $0xffff;
	v2 =	vbroadcast v2, $0x0;
	_ =	sdelay $0x1  }
0x180: {  	v2 =	vor.u32 v0, v2;
	_ =	sdelay $0x1  }
0x181: {  	s2 =	sadd.s32 $0xFFFFFFFD, s0  }
0x182: {  	v3 =	vmov s2  }
0x183: {  	[tilespmem:s28+$0xFFFFFFE0] =	vst v1;
	v1 =	vand.u32 $0x7C, v3  }
0x184: {  	v2 =	vld.idx.msk [tilespmem:v2+s3+$0x0], $0xffff;
	v1 =	vbroadcast v1, $0x0;
	_ =	sdelay $0x1  }
0x185: {  	v1 =	vor.u32 v0, v1;
	_ =	sdelay $0x1  }
0x186: {  	s2 =	sadd.s32 $0xFFFFFFFE, s0  }
0x187: {  	v3 =	vmov s2  }
0x188: {  	[tilespmem:s28+$0xFFFFFFF0] =	vst v2;
	v2 =	vand.u32 $0x7D, v3  }
0x189: {  	v1 =	vld.idx.msk [tilespmem:v1+s3+$0x0], $0xffff;
	v2 =	vbroadcast v2, $0x0;
	_ =	sdelay $0x1  }
0x18a: {  	v2 =	vor.u32 v0, v2;
	_ =	sdelay $0x1  }
0x18b: {  	s2 =	sadd.s32 $0xFFFFFFFF, s0  }
0x18c: {  	v3 =	vmov s2  }
0x18d: {  	[tilespmem:s28+$0x0] =	vst v1;
	v1 =	vand.u32 $0x7E, v3  }
0x18e: {  	v2 =	vld.idx.msk [tilespmem:v2+s3+$0x0], $0xffff;
	v1 =	vbroadcast v1, $0x0;
	_ =	sdelay $0x1  }
0x18f: {  	v1 =	vor.u32 v0, v1;
	_ =	sdelay $0x2  }
0x190: {  	v3 =	vmov s0;
	s0 =	smov.u32 s1  }
0x191: {  	[tilespmem:s28+$0x10] =	vst v2;
	v2 =	vand.u32 $0x7F, v3  }
.Ltmp6:
0x192: {  	v1 =	vld.idx.msk [tilespmem:v1+s3+$0x0], $0xffff;
	v2 =	vbroadcast v2, $0x0;
	(pc) =	sbr.rel @p2 .LBB2_9-.Ltmp6, $3  }
0x193: {  	_ = 	snop  }
0x194: {  	v2 =	vor.u32 v0, v2;
	_ =	sdelay $0x1  }
0x195: {  	s1 =	sadd.s32 $0x8, s1;
	s2 =	sadd.s32 $0xFFFFFFF9, s0  }
0x196: {  	_ = 	snop  }
0x197: {  	v3 =	vmov s2  }
0x198: {  	v3 =	vand.u32 $0x78, v3  }
0x199: {  	[tilespmem:s28+$0x20] =	vst v1;
	v1 =	vbroadcast v3, $0x0  }
0x19a: {  	v2 =	vld.idx.msk [tilespmem:v2+s3+$0x0], $0xffff  }
0x19b: {  	v1 =	vor.u32 v0, v1  }
0x19c: {  	s1 =	sadd.s32 $0xFFFFFFFA, s0  }
0x19d: {  	v3 =	vmov s1  }
0x19e: {  	v3 =	vand.u32 $0x79, v3  }
0x19f: {  	[tilespmem:s28+$0x30] =	vst v2;
	v2 =	vbroadcast v3, $0x0  }
0x1a0: {  	v1 =	vld.idx.msk [tilespmem:v1+s3+$0x0], $0xffff  }
0x1a1: {  	v2 =	vor.u32 v0, v2  }
0x1a2: {  	s2 =	sadd.s32 $0xFFFFFFFB, s0  }
0x1a3: {  	v3 =	vmov s2  }
0x1a4: {  	s1 =	sadd.s32 $0x80, s28;
	v3 =	vand.u32 $0x7A, v3  }
0x1a5: {  	[tilespmem:s1+$0xFFFFFFC0] =	vst v1;
	v1 =	vbroadcast v3, $0x0  }
0x1a6: {  	v2 =	vld.idx.msk [tilespmem:v2+s3+$0x0], $0xffff  }
0x1a7: {  	v1 =	vor.u32 v0, v1  }
0x1a8: {  	s28 =	sadd.s32 $0xFFFFFFFC, s0  }
0x1a9: {  	v3 =	vmov s28  }
0x1aa: {  	v3 =	vand.u32 $0x7B, v3  }
0x1ab: {  	[tilespmem:s1+$0xFFFFFFD0] =	vst v2;
	v2 =	vbroadcast v3, $0x0  }
0x1ac: {  	v1 =	vld.idx.msk [tilespmem:v1+s3+$0x0], $0xffff  }
0x1ad: {  	v2 =	vor.u32 v0, v2  }
0x1ae: {  	s29 =	sadd.s32 $0xFFFFFFFD, s0  }
0x1af: {  	v3 =	vmov s29  }
0x1b0: {  	v3 =	vand.u32 $0x7C, v3  }
0x1b1: {  	[tilespmem:s1+$0xFFFFFFE0] =	vst v1;
	v1 =	vbroadcast v3, $0x0  }
0x1b2: {  	v2 =	vld.idx.msk [tilespmem:v2+s3+$0x0], $0xffff  }
0x1b3: {  	v1 =	vor.u32 v0, v1  }
0x1b4: {  	s30 =	sadd.s32 $0xFFFFFFFE, s0  }
0x1b5: {  	v3 =	vmov s30  }
0x1b6: {  	v3 =	vand.u32 $0x7D, v3  }
0x1b7: {  	[tilespmem:s1+$0xFFFFFFF0] =	vst v2;
	v2 =	vbroadcast v3, $0x0  }
0x1b8: {  	v1 =	vld.idx.msk [tilespmem:v1+s3+$0x0], $0xffff  }
0x1b9: {  	v2 =	vor.u32 v0, v2  }
0x1ba: {  	s31 =	sadd.s32 $0xFFFFFFFF, s0  }
0x1bb: {  	v3 =	vmov s31  }
0x1bc: {  	v3 =	vand.u32 $0x7E, v3  }
0x1bd: {  	[tilespmem:s1+$0x0] =	vst v1;
	v1 =	vbroadcast v3, $0x0  }
0x1be: {  	v2 =	vld.idx.msk [tilespmem:v2+s3+$0x0], $0xffff  }
0x1bf: {  	v1 =	vor.u32 v0, v1;
	_ =	sdelay $0x1  }
0x1c0: {  	v3 =	vmov s0  }
0x1c1: {  	v3 =	vand.u32 $0x7F, v3  }
0x1c2: {  	[tilespmem:s1+$0x10] =	vst v2;
	v2 =	vbroadcast v3, $0x0  }
0x1c3: {  	v1 =	vld.idx.msk [tilespmem:v1+s3+$0x0], $0xffff  }
0x1c4: {  	v2 =	vor.u32 v0, v2;
	_ =	sdelay $0x3  }
0x1c5: {  	[tilespmem:s1+$0x20] =	vst v1  }
0x1c6: {  	v1 =	vld.idx.msk [tilespmem:v2+s3+$0x0], $0xffff;
	_ =	sdelay $0x4  }
0x1c7: {  	[tilespmem:s1+$0x30] =	vst v1  }
0x1c8: {  	[hbm4b:s11+s3] =	stream.linear.scatter [tilespmem:s19], [sflag:$0x5], $0x800, $0x38;
	[tilespmem:$0x2800] =	vst v63  }
0x1c9: {  	_ =	swait.ge [sflag:s24], $0x800  }
0x1ca: {  	[sflag:s24] =	ssyncset.done $0x0  }
0x1cb: {  	[sflag:s24] =	ssyncadd.s32 $0xFFFFF800  }
.LBB2_11:
.Ltmp7:
0x1cc: {  	(pc) =	sbr.rel @p1 .LBB2_15-.Ltmp7, $1  }
0x1cd: {  	_ =	sdelay $0x3  }
0x1ce: {  	s0 =	simm.s32 $0x0  }
0x1cf: {  	v1 =	vmov s0  }
0x1d0: {  	v1 =	vand.u32 $0x78, v1  }
0x1d1: {  	v1 =	vbroadcast v1, $0x0;
	_ =	sdelay $0x1  }
0x1d2: {  	s29 =	rddreg [dreg:$0x1];
	s30 =	simm.s32 $0x1;
	v1 =	vor.u32 v0, v1  }
0x1d3: {  	[tilespmem:s25], [sflag:$0x5] =	stream.linear.gather [hbm4b:s29+s3], $0x800, $0x38;
	[tilespmem:$0x2800] =	vst v63  }
0x1d4: {  	v2 =	vmov s30;
	_ =	swait.ge [sflag:s24], $0x800  }
0x1d5: {  	v2 =	vand.u32 $0x79, v2;
	[sflag:s24] =	ssyncset.done $0x0  }
0x1d6: {  	v2 =	vbroadcast v2, $0x0;
	[sflag:s24] =	ssyncadd.s32 $0xFFFFF800  }
0x1d7: {  	v1 =	vld.idx.msk [tilespmem:v1+s25+$0x0], $0xffff  }
0x1d8: {  	v2 =	vor.u32 v0, v2  }
0x1d9: {  	s31 =	simm.s32 $0x2  }
0x1da: {  	v3 =	vmov s31  }
0x1db: {  	s28 =	simm.s32 $0x1840;
	v3 =	vand.u32 $0x7A, v3  }
0x1dc: {  	[tilespmem:s28+$0xFFFFFFC0] =	vst v1;
	v1 =	vbroadcast v3, $0x0  }
0x1dd: {  	v2 =	vld.idx.msk [tilespmem:v2+s25+$0x0], $0xffff  }
0x1de: {  	v1 =	vor.u32 v0, v1  }
0x1df: {  	s1 =	simm.s32 $0x3  }
0x1e0: {  	v3 =	vmov s1  }
0x1e1: {  	v3 =	vand.u32 $0x7B, v3  }
0x1e2: {  	[tilespmem:s28+$0xFFFFFFD0] =	vst v2;
	v2 =	vbroadcast v3, $0x0  }
0x1e3: {  	v1 =	vld.idx.msk [tilespmem:v1+s25+$0x0], $0xffff  }
0x1e4: {  	v2 =	vor.u32 v0, v2  }
0x1e5: {  	s2 =	simm.s32 $0x4  }
0x1e6: {  	v3 =	vmov s2  }
0x1e7: {  	v3 =	vand.u32 $0x7C, v3  }
0x1e8: {  	[tilespmem:s28+$0xFFFFFFE0] =	vst v1;
	v1 =	vbroadcast v3, $0x0  }
0x1e9: {  	v2 =	vld.idx.msk [tilespmem:v2+s25+$0x0], $0xffff  }
0x1ea: {  	v1 =	vor.u32 v0, v1  }
0x1eb: {  	s29 =	simm.s32 $0x5  }
0x1ec: {  	v3 =	vmov s29  }
0x1ed: {  	v3 =	vand.u32 $0x7D, v3  }
0x1ee: {  	[tilespmem:s28+$0xFFFFFFF0] =	vst v2;
	v2 =	vbroadcast v3, $0x0  }
0x1ef: {  	v1 =	vld.idx.msk [tilespmem:v1+s25+$0x0], $0xffff  }
0x1f0: {  	v2 =	vor.u32 v0, v2  }
0x1f1: {  	s30 =	simm.s32 $0x6  }
0x1f2: {  	v3 =	vmov s30  }
0x1f3: {  	v3 =	vand.u32 $0x7E, v3  }
0x1f4: {  	[tilespmem:s28+$0x0] =	vst v1;
	v1 =	vbroadcast v3, $0x0  }
0x1f5: {  	v2 =	vld.idx.msk [tilespmem:v2+s25+$0x0], $0xffff  }
0x1f6: {  	v1 =	vor.u32 v0, v1  }
0x1f7: {  	s31 =	simm.s32 $0x7  }
0x1f8: {  	v3 =	vmov s31  }
0x1f9: {  	v3 =	vand.u32 $0x7F, v3  }
0x1fa: {  	v3 =	vbroadcast v3, $0x0;
	[tilespmem:s28+$0x10] =	vst v2  }
0x1fb: {  	v1 =	vld.idx.msk [tilespmem:v1+s25+$0x0], $0xffff  }
0x1fc: {  	v2 =	vor.u32 v0, v3;
	_ =	sdelay $0x1  }
0x1fd: {  	s0 =	simm.s32 $0xF;
	s1 =	simm.s32 $0x17;
	s2 =	simm.s32 $0x8  }
.LBB2_13:
0x1fe: {  	p2 =	sne.s32 s1, $0x3F;
	v3 =	vmov s2  }
0x1ff: {  	v3 =	vand.u32 $0x78, v3;
	[tilespmem:s28+$0x20] =	vst v1  }
0x200: {  	v1 =	vbroadcast v3, $0x0;
	v2 =	vld.idx.msk [tilespmem:v2+s25+$0x0], $0xffff;
	_ =	sdelay $0x1  }
0x201: {  	v1 =	vor.u32 v0, v1;
	_ =	sdelay $0x1  }
0x202: {  	s2 =	sadd.s32 $0xFFFFFFFA, s0  }
0x203: {  	v3 =	vmov s2  }
0x204: {  	v3 =	vand.u32 $0x79, v3;
	[tilespmem:s28+$0x30] =	vst v2  }
0x205: {  	v2 =	vbroadcast v3, $0x0;
	v1 =	vld.idx.msk [tilespmem:v1+s25+$0x0], $0xffff;
	_ =	sdelay $0x1  }
0x206: {  	v2 =	vor.u32 v0, v2;
	_ =	sdelay $0x1  }
0x207: {  	s2 =	sadd.s32 $0xFFFFFFFB, s0  }
0x208: {  	v3 =	vmov s2;
	s28 =	sadd.s32 $0x80, s28  }
0x209: {  	[tilespmem:s28+$0xFFFFFFC0] =	vst v1;
	v1 =	vand.u32 $0x7A, v3  }
0x20a: {  	v2 =	vld.idx.msk [tilespmem:v2+s25+$0x0], $0xffff;
	v1 =	vbroadcast v1, $0x0;
	_ =	sdelay $0x1  }
0x20b: {  	v1 =	vor.u32 v0, v1;
	_ =	sdelay $0x1  }
0x20c: {  	s2 =	sadd.s32 $0xFFFFFFFC, s0  }
0x20d: {  	v3 =	vmov s2  }
0x20e: {  	[tilespmem:s28+$0xFFFFFFD0] =	vst v2;
	v2 =	vand.u32 $0x7B, v3  }
0x20f: {  	v1 =	vld.idx.msk [tilespmem:v1+s25+$0x0], $0xffff;
	v2 =	vbroadcast v2, $0x0;
	_ =	sdelay $0x1  }
0x210: {  	v2 =	vor.u32 v0, v2;
	_ =	sdelay $0x1  }
0x211: {  	s2 =	sadd.s32 $0xFFFFFFFD, s0  }
0x212: {  	v3 =	vmov s2  }
0x213: {  	[tilespmem:s28+$0xFFFFFFE0] =	vst v1;
	v1 =	vand.u32 $0x7C, v3  }
0x214: {  	v2 =	vld.idx.msk [tilespmem:v2+s25+$0x0], $0xffff;
	v1 =	vbroadcast v1, $0x0;
	_ =	sdelay $0x1  }
0x215: {  	v1 =	vor.u32 v0, v1;
	_ =	sdelay $0x1  }
0x216: {  	s2 =	sadd.s32 $0xFFFFFFFE, s0  }
0x217: {  	v3 =	vmov s2  }
0x218: {  	[tilespmem:s28+$0xFFFFFFF0] =	vst v2;
	v2 =	vand.u32 $0x7D, v3  }
0x219: {  	v1 =	vld.idx.msk [tilespmem:v1+s25+$0x0], $0xffff;
	v2 =	vbroadcast v2, $0x0;
	_ =	sdelay $0x1  }
0x21a: {  	v2 =	vor.u32 v0, v2;
	_ =	sdelay $0x1  }
0x21b: {  	s2 =	sadd.s32 $0xFFFFFFFF, s0  }
0x21c: {  	v3 =	vmov s2  }
0x21d: {  	[tilespmem:s28+$0x0] =	vst v1;
	v1 =	vand.u32 $0x7E, v3  }
0x21e: {  	v2 =	vld.idx.msk [tilespmem:v2+s25+$0x0], $0xffff;
	v1 =	vbroadcast v1, $0x0;
	_ =	sdelay $0x1  }
0x21f: {  	v1 =	vor.u32 v0, v1;
	_ =	sdelay $0x2  }
0x220: {  	v3 =	vmov s0;
	s0 =	smov.u32 s1  }
0x221: {  	[tilespmem:s28+$0x10] =	vst v2;
	v2 =	vand.u32 $0x7F, v3  }
.Ltmp8:
0x222: {  	v1 =	vld.idx.msk [tilespmem:v1+s25+$0x0], $0xffff;
	v2 =	vbroadcast v2, $0x0;
	(pc) =	sbr.rel @p2 .LBB2_13-.Ltmp8, $3  }
0x223: {  	_ = 	snop  }
0x224: {  	v2 =	vor.u32 v0, v2;
	_ =	sdelay $0x1  }
0x225: {  	s1 =	sadd.s32 $0x8, s1;
	s2 =	sadd.s32 $0xFFFFFFF9, s0  }
0x226: {  	_ = 	snop  }
0x227: {  	v3 =	vmov s2  }
0x228: {  	v3 =	vand.u32 $0x78, v3  }
0x229: {  	[tilespmem:s28+$0x20] =	vst v1;
	v1 =	vbroadcast v3, $0x0  }
0x22a: {  	v2 =	vld.idx.msk [tilespmem:v2+s25+$0x0], $0xffff  }
0x22b: {  	v1 =	vor.u32 v0, v1  }
0x22c: {  	s1 =	sadd.s32 $0xFFFFFFFA, s0  }
0x22d: {  	v3 =	vmov s1  }
0x22e: {  	v3 =	vand.u32 $0x79, v3  }
0x22f: {  	[tilespmem:s28+$0x30] =	vst v2;
	v2 =	vbroadcast v3, $0x0  }
0x230: {  	v1 =	vld.idx.msk [tilespmem:v1+s25+$0x0], $0xffff  }
0x231: {  	v2 =	vor.u32 v0, v2  }
0x232: {  	s2 =	sadd.s32 $0xFFFFFFFB, s0  }
0x233: {  	v3 =	vmov s2  }
0x234: {  	s1 =	sadd.s32 $0x80, s28;
	v3 =	vand.u32 $0x7A, v3  }
0x235: {  	[tilespmem:s1+$0xFFFFFFC0] =	vst v1;
	v1 =	vbroadcast v3, $0x0  }
0x236: {  	v2 =	vld.idx.msk [tilespmem:v2+s25+$0x0], $0xffff  }
0x237: {  	v1 =	vor.u32 v0, v1  }
0x238: {  	s28 =	sadd.s32 $0xFFFFFFFC, s0  }
0x239: {  	v3 =	vmov s28  }
0x23a: {  	v3 =	vand.u32 $0x7B, v3  }
0x23b: {  	[tilespmem:s1+$0xFFFFFFD0] =	vst v2;
	v2 =	vbroadcast v3, $0x0  }
0x23c: {  	v1 =	vld.idx.msk [tilespmem:v1+s25+$0x0], $0xffff  }
0x23d: {  	v2 =	vor.u32 v0, v2  }
0x23e: {  	s29 =	sadd.s32 $0xFFFFFFFD, s0  }
0x23f: {  	v3 =	vmov s29  }
0x240: {  	v3 =	vand.u32 $0x7C, v3  }
0x241: {  	[tilespmem:s1+$0xFFFFFFE0] =	vst v1;
	v1 =	vbroadcast v3, $0x0  }
0x242: {  	v2 =	vld.idx.msk [tilespmem:v2+s25+$0x0], $0xffff  }
0x243: {  	v1 =	vor.u32 v0, v1  }
0x244: {  	s30 =	sadd.s32 $0xFFFFFFFE, s0  }
0x245: {  	v3 =	vmov s30  }
0x246: {  	v3 =	vand.u32 $0x7D, v3  }
0x247: {  	[tilespmem:s1+$0xFFFFFFF0] =	vst v2;
	v2 =	vbroadcast v3, $0x0  }
0x248: {  	v1 =	vld.idx.msk [tilespmem:v1+s25+$0x0], $0xffff  }
0x249: {  	v2 =	vor.u32 v0, v2  }
0x24a: {  	s31 =	sadd.s32 $0xFFFFFFFF, s0  }
0x24b: {  	v3 =	vmov s31  }
0x24c: {  	v3 =	vand.u32 $0x7E, v3  }
0x24d: {  	[tilespmem:s1+$0x0] =	vst v1;
	v1 =	vbroadcast v3, $0x0  }
0x24e: {  	v2 =	vld.idx.msk [tilespmem:v2+s25+$0x0], $0xffff  }
0x24f: {  	v1 =	vor.u32 v0, v1;
	_ =	sdelay $0x1  }
0x250: {  	v3 =	vmov s0  }
0x251: {  	v3 =	vand.u32 $0x7F, v3  }
0x252: {  	[tilespmem:s1+$0x10] =	vst v2;
	v2 =	vbroadcast v3, $0x0  }
0x253: {  	v1 =	vld.idx.msk [tilespmem:v1+s25+$0x0], $0xffff  }
0x254: {  	v2 =	vor.u32 v0, v2;
	_ =	sdelay $0x3  }
0x255: {  	[tilespmem:s1+$0x20] =	vst v1  }
0x256: {  	v1 =	vld.idx.msk [tilespmem:v2+s25+$0x0], $0xffff;
	_ =	sdelay $0x4  }
.Ltmp9:
0x257: {  	[tilespmem:s1+$0x30] =	vst v1;
	(pc) =	sbr.rel .LBB2_15-.Ltmp9, $4  }
0x258: {  	[hbm4b:s12+s3] =	stream.linear.scatter [tilespmem:s19], [sflag:$0x5], $0x400, $0x38;
	[tilespmem:$0x2800] =	vst v63  }
0x259: {  	_ =	swait.ge [sflag:s24], $0x400  }
0x25a: {  	[sflag:s24] =	ssyncset.done $0x0  }
0x25b: {  	[sflag:s24] =	ssyncadd.s32 $0xFFFFFC00  }
.LBB2_16:
0x25c: {  	_ =	sfence.sel $0x180000  }
0x25d: {  	[bflag:$0x0] =	sbarrier.arrive $0xFFFF  }
0x25e: {  	_ =	strace $0x90000047  }
0x25f: {  	s0 =	stileid.u32;
	[bflag:$0x2] =	sbarrier.arrive $0xFFFF  }
0x260: {  	p0 =	sne.s32 s0, $0x0;
	s0 =	rddreg [dreg:$0x3]  }
0x261: {  	s0 =	sadd.s32 @!p0 $0x100000, s0  }
0x262: {  	[sflag:s0] =	ssyncadd.tile.s32 @!p0 $0x1;
	_ =	shalt  }
.Lfunc_end2:
_tile_overlayer_lowered:
.L_overlay_start_2:
0x263: {  	(tag) =	ssettag $0x2  }
0x264: {  	s0 =	rddreg [dreg:$0x0];
	s2 =	stileid.u32  }
0x265: {  	s1 =	rddreg [dreg:$0x1];
	p0 =	sne.s32 s2, $0x0  }
0x266: {  	s3 =	rddreg [dreg:$0x2];
	[bflag:$0x3] =	sbarrier.arrive $0xFFFF;
	s2 =	simm.s32 @!p0 $0x1C05  }
0x267: {  	[timem:s3], [sflag:s2] =	dma.local @!p0 [hbm:s0], s1  }
0x268: {  	s0 =	simm.s32 @!p0 $0x5  }
0x269: {  	_ =	swait.ge @!p0 [sflag:s0], s1  }
0x26a: {  	s1 =	ssub.s32 @!p0 $0x0, s1;
	[sflag:s0] =	ssyncset.done @!p0 $0x0  }
0x26b: {  	[sflag:s0] =	ssyncadd.s32 @!p0 s1  }
0x26c: {  	[bflag:$0x3] =	sbarrier.arrive $0xFFFF  }
0x26d: {  	_ =	shalt  }

// kernel: kernel.7.cloned.1.call-start
scs
__scs_entry_jumppad:
0x0: {  	(pc) =	sbr.rel $0x88, $3  }
0x1: {  	(tag) =	ssettag $0x0;
	lr =	simm.s32 $0x1  }
0x2: {  	[smem:$0x3F9F] =	sst lr;
	_ =	strace $0xD0000000  }
0x3: {  	_ = 	snop  }
0x4: {  	_ = 	snop  }
0x5: {  	_ = 	snop  }
0x6: {  	_ = 	snop  }
0x7: {  	_ = 	snop  }
__scs_overlays_trampoline_lowered:
0x8: {  	[smem:$0x3FAE] =	sst s0  }
0x9: {  	[smem:$0x3FAF] =	sst s1  }
0xa: {  	[smem:$0x3FB0] =	sst s2  }
0xb: {  	[smem:$0x3FB1] =	sst s3  }
0xc: {  	[smem:$0x3FB2] =	sst s4  }
0xd: {  	[smem:$0x3FB3] =	sst s5  }
0xe: {  	[smem:$0x3FB4] =	sst s6  }
0xf: {  	[smem:$0x3FB5] =	sst s7  }
0x10: {  	[smem:$0x3FB6] =	sst s8  }
0x11: {  	[smem:$0x3FB7] =	sst s9;
	s0 =	simm.s32 @!p0 $0x0  }
0x12: {  	s1 =	sld [smem:$0x3F9D];
	s0 =	simm.s32 @p0 $0x1  }
0x13: {  	[smem:$0x3FB8] =	sst s0;
	s0 =	simm.s32 @!p1 $0x0  }
0x14: {  	s2 =	sld [smem:$0x3F9C];
	s0 =	simm.s32 @p1 $0x1  }
0x15: {  	[smem:$0x3FB9] =	sst s0;
	s0 =	simm.s32 @!p2 $0x0  }
0x16: {  	s3 =	sld [smem:$0x3FDB];
	s0 =	simm.s32 @p2 $0x1  }
0x17: {  	s4 =	simm.s32 $0x1BF5;
	[smem:$0x3FBB] =	sst s0  }
0x18: {  	s0 =	sld [smem:$0x3F9E];
	_ =	swait.ge [sflag:s4], $0x0  }
0x19: {  	s7 =	sld [smem:$0x3F9F]  }
0x1a: {  	s8 =	sadd.s32 $0xFFFFE003, lr  }
0x1b: {  	s9 =	sadd.s32 $0xFFFFFEF7, lr;
	s5 =	simm.s32 $0xFFFFFFFF;
	p2 =	slt.u32 s8, $0xFFFFF086  }
0x1c: {  	p1 =	slt.u32 s9, $0xF7A;
	s5 =	simm.s32 @!p2 $0x0  }
0x1d: {  	s5 =	simm.s32 @p1 $0x1;
	p0 =	seq.s32 s7, s2  }
0x1e: {  	s7 =	smul.u32 @!p0 $0xF7A, s2;
	p2 =	seq.s32 @!p0 s5, $0x0  }
0x1f: {  	s9 =	smul.u32 $0xF7A, s1;
	s8 =	simm.s32 @!p0 $0x1BF5;
	p2 =	por !p2, p0  }
0x20: {  	[sflag:s8] =	ssyncset.s32 @!p0 $0xFFFFF086;
	s6 =	sadd.s32 @!p0 s3, s7;
	s7 =	simm.s32 @!p0 $0x108  }
0x21: {  	s3 =	sadd.s32 s3, s9;
	s6 =	sadd.s32 @!p0 $0x88, s6;
	s7 =	simm.s32 @p2 $0x1082  }
0x22: {  	[simem:s7], [sflag:s8] =	dma.local @!p0 [hbm:s6], $0xF7A  }
0x23: {  	s9 =	sor.u32 $0xD0000000, s2;
	s6 =	simm.s32 $0x108;
	_ =	swait.ge @!p0 [sflag:s8], $0x0  }
0x24: {  	s3 =	sadd.s32 $0x88, s3;
	s6 =	simm.s32 @!p1 $0x1082;
	[sflag:s4] =	ssyncset.s32 $0xFFFFF086  }
0x25: {  	[simem:s6], [sflag:s4] =	dma.local [hbm:s3], $0xF7A  }
0x26: {  	[smem:$0x3F9F] =	sst s1;
	(tag) =	ssettag s2;
	_ =	strace s9  }
0x27: {  	s1 =	sld [smem:$0x3FAF]  }
0x28: {  	s2 =	sld [smem:$0x3FB0]  }
0x29: {  	s4 =	sld [smem:$0x3FB2]  }
0x2a: {  	p0 =	seq.s32 s5, $0x0;
	s5 =	sld [smem:$0x3FB3]  }
0x2b: {  	s6 =	sld [smem:$0x3FB4]  }
0x2c: {  	s7 =	sld [smem:$0x3FB5]  }
0x2d: {  	s3 =	simm.s32 $0x108;
	s8 =	sld [smem:$0x3FB6]  }
0x2e: {  	s3 =	simm.s32 @!p0 $0x1082;
	s9 =	sld [smem:$0x3FB7]  }
0x2f: {  	lr =	sadd.s32 s0, s3;
	s0 =	sld [smem:$0x3FAE]  }
0x30: {  	s3 =	sld [smem:$0x3FB1]  }
0x31: {  	[smem:$0x3FBA] =	sst s10  }
0x32: {  	s10 =	sld [smem:$0x3FB8];
	_ =	sdelay $0x3  }
0x33: {  	p0 =	seq.s32 s10, $0x1;
	s10 =	sld [smem:$0x3FBA];
	_ =	sdelay $0x3  }
0x34: {  	[smem:$0x3FBA] =	sst s10  }
0x35: {  	s10 =	sld [smem:$0x3FB9];
	_ =	sdelay $0x3  }
0x36: {  	p1 =	seq.s32 s10, $0x1;
	s10 =	sld [smem:$0x3FBA];
	_ =	sdelay $0x3  }
0x37: {  	[smem:$0x3FBA] =	sst s10  }
0x38: {  	s10 =	sld [smem:$0x3FBB]  }
0x39: {  	_ = 	snop;
	(pc) =	sbr.ind lr, $3  }
0x3a: {  	_ = 	snop  }
0x3b: {  	_ = 	snop  }
0x3c: {  	p2 =	seq.s32 s10, $0x1;
	s10 =	sld [smem:$0x3FBA]  }
0x3d: {  	_ =	shalt  }
0x3e: {  	_ =	shalt  }
0x3f: {  	_ =	shalt  }
0x40: {  	_ =	shalt  }
0x41: {  	_ =	shalt  }
0x42: {  	_ =	shalt  }
0x43: {  	_ =	shalt  }
0x44: {  	_ =	shalt  }
0x45: {  	_ =	shalt  }
0x46: {  	_ =	shalt  }
0x47: {  	_ =	shalt  }
0x48: {  	_ =	shalt  }
0x49: {  	_ =	shalt  }
0x4a: {  	_ =	shalt  }
0x4b: {  	_ =	shalt  }
0x4c: {  	_ =	shalt  }
0x4d: {  	_ =	shalt  }
0x4e: {  	_ =	shalt  }
0x4f: {  	_ =	shalt  }
0x50: {  	_ =	shalt  }
0x51: {  	_ =	shalt  }
0x52: {  	_ =	shalt  }
0x53: {  	_ =	shalt  }
0x54: {  	_ =	shalt  }
0x55: {  	_ =	shalt  }
0x56: {  	_ =	shalt  }
0x57: {  	_ =	shalt  }
0x58: {  	_ =	shalt  }
0x59: {  	_ =	shalt  }
0x5a: {  	_ =	shalt  }
0x5b: {  	_ =	shalt  }
0x5c: {  	_ =	shalt  }
0x5d: {  	_ =	shalt  }
0x5e: {  	_ =	shalt  }
0x5f: {  	_ =	shalt  }
0x60: {  	_ =	shalt  }
0x61: {  	_ =	shalt  }
0x62: {  	_ =	shalt  }
0x63: {  	_ =	shalt  }
0x64: {  	_ =	shalt  }
0x65: {  	_ =	shalt  }
0x66: {  	_ =	shalt  }
0x67: {  	_ =	shalt  }
0x68: {  	_ =	shalt  }
0x69: {  	_ =	shalt  }
0x6a: {  	_ =	shalt  }
0x6b: {  	_ =	shalt  }
0x6c: {  	_ =	shalt  }
0x6d: {  	_ =	shalt  }
0x6e: {  	_ =	shalt  }
0x6f: {  	_ =	shalt  }
0x70: {  	_ =	shalt  }
0x71: {  	_ =	shalt  }
0x72: {  	_ =	shalt  }
0x73: {  	_ =	shalt  }
0x74: {  	_ =	shalt  }
0x75: {  	_ =	shalt  }
0x76: {  	_ =	shalt  }
0x77: {  	_ =	shalt  }
0x78: {  	_ =	shalt  }
0x79: {  	_ =	shalt  }
0x7a: {  	_ =	shalt  }
0x7b: {  	_ =	shalt  }
0x7c: {  	_ =	shalt  }
0x7d: {  	_ =	shalt  }
0x7e: {  	_ =	shalt  }
0x7f: {  	_ =	shalt  }
0x80: {  	_ =	shalt  }
0x81: {  	_ =	shalt  }
0x82: {  	_ =	shalt  }
0x83: {  	_ =	shalt  }
0x84: {  	_ =	shalt  }
0x85: {  	_ =	shalt  }
0x86: {  	_ =	shalt  }
0x87: {  	_ =	shalt  }
.Lfunc_end0:
.L_simem_size_0:
called_computation.1_lowered:
.L_overlay_start_0:
0x88: {  	s2 =	sld [smem:$0x3FD9]  }
0x89: {  	s3 =	sld [smem:$0x3FFE];
	_ =	sdelay $0x1  }
0x8a: {  	s1 =	srdreg.scid  }
0x8b: {  	s0 =	sand.u32 $0x1, s1  }
0x8c: {  	s17 =	sshll.u32 s0, $0xA;
	s2 =	sadd.s32 s3, s2  }
0x8d: {  	s2 =	sadd.s32 s2, s17  }
0x8e: {  	[smem:$0x3FC6] =	sst s2  }
0x8f: {  	_ = 	snop  }
0x90: {  	s2 =	sld [smem:$0x3FC9]  }
0x91: {  	s18 =	sld [smem:$0x3FD0];
	(tm) =	ssettm $0x1  }
0x92: {  	s4 =	sld [smem:$0x3FFB];
	_ =	sdelay $0x3  }
0x93: {  	_ =	strace s4  }
0x94: {  	s4 =	sld [smem:$0x3FFC];
	_ =	sdelay $0x3  }
0x95: {  	_ =	strace s4  }
0x96: {  	s4 =	sld [smem:$0x3FFD];
	_ =	sdelay $0x3  }
0x97: {  	_ =	strace s4  }
0x98: {  	_ =	strace $0x8FFFFFFF  }
0x99: {  	s19 =	sld [smem:$0x3FDB];
	_ =	sdelay $0x1  }
0x9a: {  	s5 =	simm.s32 $_scs_section_size  }
0x9b: {  	s6 =	simm.s32 $_size__tile_overlayer_lowered;
	s7 =	simm.s32 $_tile_overlayer_lowered  }
0x9c: {  	s22 =	simm.s32 $0x1BFF;
	s21 =	sshll.u32 s7, $0x1;
	s4 =	sadd.s32 s5, s19  }
0x9d: {  	s8 =	simm.s32 $0x0;
	s20 =	sshll.u32 s6, $0x1;
	s6 =	sadd.s32 s21, s4  }
0x9e: {  	[timem:s8], [sflag:s22] =	dma.local [hbm:s6], s20  }
0x9f: {  	_ =	swait.ge [sflag:s22], s20  }
0xa0: {  	s5 =	ssub.s32 $0x0, s20;
	[sflag:s22] =	ssyncset.done $0x0  }
0xa1: {  	[sflag:s22] =	ssyncadd.s32 s5;
	_ =	sdelay $0x1  }
0xa2: {  	s23 =	simm.s32 $0x1B8B  }
0xa3: {  	_ =	swait.ge [sflag:s23], $0x1  }
0xa4: {  	[sflag:s23] =	ssyncset.done $0x0  }
0xa5: {  	s25 =	simm.s32 $0x1B8E;
	s24 =	sld [smem:$0x3FFE];
	[sflag:s23] =	ssyncadd.s32 $0xFFFFFFFF  }
0xa6: {  	s26 =	simm.s32 $execute0_lowered;
	[smem:$0x3FD2] =	sst s25  }
0xa7: {  	s6 =	sshll.u32 s26, $0x1;
	_ =	strace $0x80000049;
	[dreg:$0x1] =	wrdreg $0xFFFFFFFF  }
0xa8: {  	s28 =	simm.s32 $_size_execute0_lowered;
	s4 =	sadd.s32 s4, s6;
	[dreg:$0x0] =	wrdreg $0x0  }
0xa9: {  	s6 =	sshll.u32 s28, $0x1;
	[dreg:$0x2] =	wrdreg s4  }
0xaa: {  	[dreg:$0x3] =	wrdreg s6  }
0xab: {  	[dreg:$0x4] =	wrdreg $0xC0  }
0xac: {  	_ =	task [dreg:s8], $0x5FFFF  }
0xad: {  	[dreg:$0x1] =	wrdreg $0xFFFFFFFF  }
0xae: {  	[dreg:$0x0] =	wrdreg $0x60  }
0xaf: {  	[dreg:$0x2] =	wrdreg s2  }
0xb0: {  	[dreg:$0x3] =	wrdreg s24  }
0xb1: {  	[dreg:$0x4] =	wrdreg s18  }
0xb2: {  	[dreg:$0x5] =	wrdreg $0x9  }
0xb3: {  	_ =	task.clear_ibuf [dreg:s8], $0x6FFFF;
	_ =	strace $0x90000049  }
0xb4: {  	s29 =	simm.s32 $0x9;
	_ =	strace $0x8000004B  }
0xb5: {  	_ =	swait.ge [sflag:s29], $0x1  }
0xb6: {  	[sflag:s29] =	ssyncadd.s32 $0xFFFFFFFF  }
0xb7: {  	_ =	strace $0x9000004B  }
0xb8: {  	_ =	sfence  }
0xb9: {  	s30 =	sld [smem:$0x0];
	_ =	sdelay $0x2  }
0xba: {  	s31 =	sshll.u32 s1, $0xD;
	s1 =	sshrl.u32 s1, $0x2  }
0xbb: {  	s3 =	sand.u32 $0x4000, s31;
	s1 =	sadd.s32 s1, s30  }
0xbc: {  	s0 =	sor.u32 s3, s0;
	s1 =	sshll.u32 s1, $0x11  }
0xbd: {  	s0 =	sor.u32 s1, s0  }
0xbe: {  	s0 =	sadd.s32 $0x8F2B, s0  }
0xbf: {  	[sflag:s0] =	ssyncadd.remote.s32 $0x1  }
0xc0: {  	_ =	sfence.sel $0xFFFF  }
0xc1: {  	[dreg:$0x0] =	wrdreg $0xFFFFFFFF;
	(pc) =	sbr.abs _section_cstart, $3  }
0xc2: {  	[dreg:$0x1] =	wrdreg $0xFFFFFFFF  }
0xc3: {  	_ =	task.clear_ibuf [dreg:s8], $0x2FFFF;
	_ =	strace $0x9FFFFFFF  }
0xc4: {  	(tm) =	ssettm $0x7FFFFFFF  }
0xc5: {  	_ =	shalt  }
tec
execute0_lowered:
.L_overlay_start_1:
0x0: {  	(tag) =	ssettag $0x1  }
0x1: {  	s5 =	rddreg [dreg:$0x0]  }
0x2: {  	s4 =	rddreg [dreg:$0x1]  }
0x3: {  	s1 =	rddreg [dreg:$0x2]  }
0x4: {  	s0 =	rddreg [dreg:$0x3]  }
0x5: {  	s3 =	simm.s32 $0x0;
	s6 =	srdreg.scid;
	s2 =	stileid.u32  }
0x6: {  	s10 =	simm.s32 $0x3;
	s11 =	simm.s32 $0x200;
	s12 =	simm.s32 $0x280  }
0x7: {  	s13 =	simm.s32 $0x4400;
	s14 =	simm.s32 $0x1;
	s15 =	simm.s32 $0x2  }
0x8: {  	s16 =	simm.s32 $0x10000;
	s17 =	simm.s32 $0x8400;
	s18 =	simm.s32 $0x8800  }
0x9: {  	s19 =	simm.s32 $0x8C00;
	s20 =	simm.s32 $0x9000;
	s21 =	simm.s32 $0x9400  }
0xa: {  	v0 =	vlaneseq.u32;
	s22 =	simm.s32 $0x9800;
	s23 =	simm.s32 $0x9C00;
	s24 =	simm.s32 $0xA000  }
0xb: {  	[smem:$0x7FF] =	sst s3;
	s6 =	sand.u32 $0x1, s6;
	s8 =	sshll.u32 s2, $0xA;
	v0 =	vmul.u32 $0x80, v0  }
0xc: {  	s4 =	sadd.s32 $0x800, s4;
	s7 =	ssub.s32 $0x2, s6;
	s6 =	sshll.u32 s6, $0x9  }
0xd: {  	_ =	strace $0x8000004A;
	s9 =	sshrl.u32 s7, $0x1;
	s6 =	sor.u32 s6, s8;
	v1 =	vor.u32 $0x800, v0  }
0xe: {  	s8 =	simm.s32 $0x80;
	v2 =	vor.u32 $0x1000, v0;
	v3 =	vor.u32 $0x1800, v0;
	v4 =	vor.u32 $0x2000, v0;
	s7 =	ssub.s32 s7, s9;
	s5 =	sadd.s32 s5, s6  }
0xf: {  	v5 =	vor.u32 $0x2800, v0;
	v6 =	vor.u32 $0x3000, v0;
	v7 =	vor.u32 $0x3800, v0;
	s6 =	sshrl.u32 s6, $0x1;
	s9 =	simm.s32 $0x400;
	s7 =	smax.u32 s7, $0x1  }
.LBB2_1:
0x10: {  	s25 =	simm.s32 $0x0  }
.LBB2_2:
0x11: {  	s26 =	sshll.u32 s25, $0xB;
	s28 =	sshll.u32 s25, $0x4  }
0x12: {  	s26 =	sand.u32 $0xC000, s26;
	s28 =	sand.u32 $0x70, s28  }
0x13: {  	s26 =	sor.u32 s28, s26  }
0x14: {  	s28 =	sadd.s32 s26, s5;
	s26 =	simm.s32 $0x0  }
0x15: {  	[tilespmem:s26], [sflag:$0x3] =	stream.strided.gather [hbm4b:s28+s8], $0x200, s9, s8, $0x38;
	[tilespmem:$0xA400] =	vst v63  }
0x16: {  	_ =	swait.ge [sflag:s10], $0x200  }
0x17: {  	[sflag:s10] =	ssyncset.done $0x0  }
0x18: {  	[sflag:s10] =	ssyncadd.s32 $0xFFFFFE00  }
0x19: {  	v8 =	vld [tilespmem:$0x0];
	_ =	sdelay $0x1  }
0x1a: {  	v9 =	vld [tilespmem:$0x10];
	_ =	sdelay $0x1  }
0x1b: {  	v10 =	vld [tilespmem:$0x20]  }
0x1c: {  	v11 =	vshra.s32 v8, $0x3;
	v8 =	vshll.u32 v8, $0x4  }
0x1d: {  	[tilespmem:$0x200] =	vst v11;
	v8 =	vand.u32 $0x70, v8;
	v11 =	vld [tilespmem:$0x30]  }
0x1e: {  	[tilespmem:$0x300] =	vst v8;
	v8 =	vshra.s32 v9, $0x3;
	v9 =	vshll.u32 v9, $0x4  }
0x1f: {  	[tilespmem:$0x210] =	vst v8;
	v8 =	vand.u32 $0x70, v9;
	v9 =	vld [tilespmem:$0x40]  }
0x20: {  	[tilespmem:$0x310] =	vst v8;
	v8 =	vshra.s32 v10, $0x3;
	v10 =	vshll.u32 v10, $0x4  }
0x21: {  	[tilespmem:$0x220] =	vst v8;
	v8 =	vand.u32 $0x70, v10;
	v10 =	vld [tilespmem:$0x50]  }
0x22: {  	[tilespmem:$0x320] =	vst v8;
	v8 =	vshra.s32 v11, $0x3;
	v11 =	vshll.u32 v11, $0x4  }
0x23: {  	[tilespmem:$0x230] =	vst v8;
	v8 =	vand.u32 $0x70, v11;
	v11 =	vld [tilespmem:$0x60]  }
0x24: {  	[tilespmem:$0x330] =	vst v8;
	v8 =	vshra.s32 v9, $0x3;
	v9 =	vshll.u32 v9, $0x4  }
0x25: {  	[tilespmem:$0x240] =	vst v8;
	v8 =	vand.u32 $0x70, v9;
	v9 =	vld [tilespmem:$0x70]  }
0x26: {  	[tilespmem:$0x340] =	vst v8;
	v8 =	vshra.s32 v10, $0x3;
	v10 =	vshll.u32 v10, $0x4  }
0x27: {  	[tilespmem:$0x250] =	vst v8;
	v8 =	vand.u32 $0x70, v10  }
0x28: {  	[tilespmem:$0x350] =	vst v8;
	v8 =	vshra.s32 v11, $0x3;
	v10 =	vshll.u32 v11, $0x4  }
0x29: {  	[tilespmem:$0x260] =	vst v8;
	v8 =	vand.u32 $0x70, v10  }
0x2a: {  	[tilespmem:$0x360] =	vst v8;
	v8 =	vshra.s32 v9, $0x3;
	v9 =	vshll.u32 v9, $0x4  }
0x2b: {  	[tilespmem:$0x270] =	vst v8;
	v8 =	vand.u32 $0x70, v9  }
0x2c: {  	[tilespmem:$0x370] =	vst v8  }
0x2d: {  	[tilespmem:s9], [sflag:$0x1] =	stream.indirect.gather [hbm4b:s4+s8], $0x80, s11, s8, $0xb8;
	[tilespmem:$0xA400] =	vst v63  }
0x2e: {  	v8 =	vld [tilespmem:$0x80];
	_ =	sdelay $0x1  }
0x2f: {  	v9 =	vld [tilespmem:$0x90];
	_ =	sdelay $0x1  }
0x30: {  	v10 =	vld [tilespmem:$0xA0]  }
0x31: {  	v11 =	vshra.s32 v8, $0x3;
	v8 =	vshll.u32 v8, $0x4  }
0x32: {  	[tilespmem:$0x280] =	vst v11;
	v8 =	vand.u32 $0x70, v8;
	v11 =	vld [tilespmem:$0xB0]  }
0x33: {  	[tilespmem:$0x380] =	vst v8;
	v8 =	vshra.s32 v9, $0x3;
	v9 =	vshll.u32 v9, $0x4  }
0x34: {  	[tilespmem:$0x290] =	vst v8;
	v8 =	vand.u32 $0x70, v9;
	v9 =	vld [tilespmem:$0xC0]  }
0x35: {  	[tilespmem:$0x390] =	vst v8;
	v8 =	vshra.s32 v10, $0x3;
	v10 =	vshll.u32 v10, $0x4  }
0x36: {  	[tilespmem:$0x2A0] =	vst v8;
	v8 =	vand.u32 $0x70, v10;
	v10 =	vld [tilespmem:$0xD0]  }
0x37: {  	[tilespmem:$0x3A0] =	vst v8;
	v8 =	vshra.s32 v11, $0x3;
	v11 =	vshll.u32 v11, $0x4  }
0x38: {  	[tilespmem:$0x2B0] =	vst v8;
	v8 =	vand.u32 $0x70, v11;
	v11 =	vld [tilespmem:$0xE0]  }
0x39: {  	[tilespmem:$0x3B0] =	vst v8;
	v8 =	vshra.s32 v9, $0x3;
	v9 =	vshll.u32 v9, $0x4  }
0x3a: {  	[tilespmem:$0x2C0] =	vst v8;
	v8 =	vand.u32 $0x70, v9;
	v9 =	vld [tilespmem:$0xF0]  }
0x3b: {  	[tilespmem:$0x3C0] =	vst v8;
	v8 =	vshra.s32 v10, $0x3;
	v10 =	vshll.u32 v10, $0x4  }
0x3c: {  	[tilespmem:$0x2D0] =	vst v8;
	v8 =	vand.u32 $0x70, v10  }
0x3d: {  	[tilespmem:$0x3D0] =	vst v8;
	v8 =	vshra.s32 v11, $0x3;
	v10 =	vshll.u32 v11, $0x4  }
0x3e: {  	[tilespmem:$0x2E0] =	vst v8;
	v8 =	vand.u32 $0x70, v10  }
0x3f: {  	[tilespmem:$0x3E0] =	vst v8;
	v8 =	vshra.s32 v9, $0x3;
	v9 =	vshll.u32 v9, $0x4  }
0x40: {  	[tilespmem:$0x2F0] =	vst v8;
	v8 =	vand.u32 $0x70, v9  }
0x41: {  	[tilespmem:$0x3F0] =	vst v8  }
0x42: {  	[tilespmem:s13], [sflag:$0x2] =	stream.indirect.gather [hbm4b:s4+s8], $0x80, s12, s8, $0xb8;
	[tilespmem:$0xA400] =	vst v63  }
0x43: {  	_ =	swait.ge [sflag:s14], $0x4000  }
0x44: {  	[sflag:s14] =	ssyncset.done $0x0  }
0x45: {  	[sflag:s14] =	ssyncadd.s32 $0xFFFFC000  }
0x46: {  	v8 =	vld [tilespmem:$0x300];
	_ =	sdelay $0x4  }
0x47: {  	v9 =	vadd.s32 s26, v8  }
0x48: {  	v9 =	vadd.s32 v0, v9;
	_ =	sdelay $0x3  }
0x49: {  	s28 =	simm.s32 $0x1  }
0x4a: {  	v10 =	vadd.s32 s28, v8;
	v9 =	vld.idx.msk [tilespmem:v9+s9+$0x0], $0xffff  }
0x4b: {  	v10 =	vadd.s32 v0, v10;
	_ =	sdelay $0x1  }
0x4c: {  	s29 =	sand.u32 $0x380, s26;
	s28 =	sand.u32 $0x1000, s26  }
0x4d: {  	s28 =	sor.u32 s29, s28  }
0x4e: {  	s29 =	simm.s32 $0x2;
	[tilespmem:s28+$0x8400] =	vst v9  }
0x4f: {  	s28 =	simm.s32 $0x0;
	v9 =	vld.idx.msk [tilespmem:v10+s9+$0x0], $0xffff;
	v10 =	vadd.s32 s29, v8;
	s29 =	simm.s32 $0x3  }
.LBB2_3:
0x50: {  	p0 =	sne.s32 s29, $0xF;
	v10 =	vadd.s32 v0, v10  }
0x51: {  	s26 =	sadd.s32 $0x80, s26;
	s28 =	sadd.s32 $0x200, s28  }
.Ltmp0:
0x52: {  	s30 =	sand.u32 $0x1000, s28;
	s31 =	sand.u32 $0x380, s26;
	(pc) =	sbr.rel @p0 .LBB2_3-.Ltmp0, $4  }
0x53: {  	s30 =	sor.u32 s31, s30  }
0x54: {  	[tilespmem:s30+$0x8400] =	vst v9  }
0x55: {  	v9 =	vld.idx.msk [tilespmem:v10+s9+$0x0], $0xffff  }
0x56: {  	v10 =	vadd.s32 s29, v8;
	s29 =	sadd.s32 $0x1, s29  }
0x57: {  	v8 =	vadd.s32 v0, v10  }
0x58: {  	s26 =	sadd.s32 $0x80, s26;
	s28 =	sadd.s32 $0x200, s28  }
0x59: {  	s29 =	sand.u32 $0x1000, s28;
	s30 =	sand.u32 $0x380, s26  }
0x5a: {  	s29 =	sor.u32 s30, s29  }
0x5b: {  	[tilespmem:s29+$0x8400] =	vst v9  }
0x5c: {  	v8 =	vld.idx.msk [tilespmem:v8+s9+$0x0], $0xffff;
	_ =	sdelay $0x1  }
0x5d: {  	s26 =	sadd.s32 $0x80, s26;
	s28 =	sadd.s32 $0x200, s28  }
0x5e: {  	s28 =	sand.u32 $0x1000, s28;
	s26 =	sand.u32 $0x380, s26  }
0x5f: {  	s26 =	sor.u32 s26, s28  }
0x60: {  	[tilespmem:s26+$0x8400] =	vst v8  }
0x61: {  	v8 =	vld [tilespmem:$0x310];
	_ =	sdelay $0x3  }
0x62: {  	s26 =	simm.s32 $0x0  }
0x63: {  	v9 =	vadd.s32 s26, v8  }
0x64: {  	v9 =	vadd.s32 v1, v9;
	_ =	sdelay $0x3  }
0x65: {  	s28 =	simm.s32 $0x1  }
0x66: {  	v10 =	vadd.s32 s28, v8;
	v9 =	vld.idx.msk [tilespmem:v9+s9+$0x0], $0xffff  }
0x67: {  	v10 =	vadd.s32 v1, v10;
	_ =	sdelay $0x1  }
0x68: {  	s29 =	sand.u32 $0x380, s26;
	s28 =	sand.u32 $0x1000, s26  }
0x69: {  	s28 =	sor.u32 s29, s28  }
0x6a: {  	s29 =	simm.s32 $0x2;
	[tilespmem:s28+$0x8410] =	vst v9  }
0x6b: {  	s28 =	simm.s32 $0x0;
	v9 =	vld.idx.msk [tilespmem:v10+s9+$0x0], $0xffff;
	v10 =	vadd.s32 s29, v8;
	s29 =	simm.s32 $0x3  }
.LBB2_5:
0x6c: {  	p0 =	sne.s32 s29, $0xF;
	v10 =	vadd.s32 v1, v10  }
0x6d: {  	s26 =	sadd.s32 $0x80, s26;
	s28 =	sadd.s32 $0x200, s28  }
.Ltmp1:
0x6e: {  	s30 =	sand.u32 $0x1000, s28;
	s31 =	sand.u32 $0x380, s26;
	(pc) =	sbr.rel @p0 .LBB2_5-.Ltmp1, $4  }
0x6f: {  	s30 =	sor.u32 s31, s30  }
0x70: {  	[tilespmem:s30+$0x8410] =	vst v9  }
0x71: {  	v9 =	vld.idx.msk [tilespmem:v10+s9+$0x0], $0xffff  }
0x72: {  	v10 =	vadd.s32 s29, v8;
	s29 =	sadd.s32 $0x1, s29  }
0x73: {  	v8 =	vadd.s32 v1, v10  }
0x74: {  	s26 =	sadd.s32 $0x80, s26;
	s28 =	sadd.s32 $0x200, s28  }
0x75: {  	s29 =	sand.u32 $0x1000, s28;
	s30 =	sand.u32 $0x380, s26  }
0x76: {  	s29 =	sor.u32 s30, s29  }
0x77: {  	[tilespmem:s29+$0x8410] =	vst v9  }
0x78: {  	v8 =	vld.idx.msk [tilespmem:v8+s9+$0x0], $0xffff;
	_ =	sdelay $0x1  }
0x79: {  	s26 =	sadd.s32 $0x80, s26;
	s28 =	sadd.s32 $0x200, s28  }
0x7a: {  	s28 =	sand.u32 $0x1000, s28;
	s26 =	sand.u32 $0x380, s26  }
0x7b: {  	s26 =	sor.u32 s26, s28  }
0x7c: {  	[tilespmem:s26+$0x8410] =	vst v8  }
0x7d: {  	v8 =	vld [tilespmem:$0x320];
	_ =	sdelay $0x3  }
0x7e: {  	s26 =	simm.s32 $0x0  }
0x7f: {  	v9 =	vadd.s32 s26, v8  }
0x80: {  	v9 =	vadd.s32 v2, v9;
	_ =	sdelay $0x3  }
0x81: {  	s28 =	simm.s32 $0x1  }
0x82: {  	v10 =	vadd.s32 s28, v8;
	v9 =	vld.idx.msk [tilespmem:v9+s9+$0x0], $0xffff  }
0x83: {  	v10 =	vadd.s32 v2, v10;
	_ =	sdelay $0x1  }
0x84: {  	s29 =	sand.u32 $0x380, s26;
	s28 =	sand.u32 $0x1000, s26  }
0x85: {  	s28 =	sor.u32 s29, s28  }
0x86: {  	s29 =	simm.s32 $0x2;
	[tilespmem:s28+$0x8420] =	vst v9  }
0x87: {  	s28 =	simm.s32 $0x0;
	v9 =	vld.idx.msk [tilespmem:v10+s9+$0x0], $0xffff;
	v10 =	vadd.s32 s29, v8;
	s29 =	simm.s32 $0x3  }
.LBB2_7:
0x88: {  	p0 =	sne.s32 s29, $0xF;
	v10 =	vadd.s32 v2, v10  }
0x89: {  	s26 =	sadd.s32 $0x80, s26;
	s28 =	sadd.s32 $0x200, s28  }
.Ltmp2:
0x8a: {  	s30 =	sand.u32 $0x1000, s28;
	s31 =	sand.u32 $0x380, s26;
	(pc) =	sbr.rel @p0 .LBB2_7-.Ltmp2, $4  }
0x8b: {  	s30 =	sor.u32 s31, s30  }
0x8c: {  	[tilespmem:s30+$0x8420] =	vst v9  }
0x8d: {  	v9 =	vld.idx.msk [tilespmem:v10+s9+$0x0], $0xffff  }
0x8e: {  	v10 =	vadd.s32 s29, v8;
	s29 =	sadd.s32 $0x1, s29  }
0x8f: {  	v8 =	vadd.s32 v2, v10  }
0x90: {  	s26 =	sadd.s32 $0x80, s26;
	s28 =	sadd.s32 $0x200, s28  }
0x91: {  	s29 =	sand.u32 $0x1000, s28;
	s30 =	sand.u32 $0x380, s26  }
0x92: {  	s29 =	sor.u32 s30, s29  }
0x93: {  	[tilespmem:s29+$0x8420] =	vst v9  }
0x94: {  	v8 =	vld.idx.msk [tilespmem:v8+s9+$0x0], $0xffff;
	_ =	sdelay $0x1  }
0x95: {  	s26 =	sadd.s32 $0x80, s26;
	s28 =	sadd.s32 $0x200, s28  }
0x96: {  	s28 =	sand.u32 $0x1000, s28;
	s26 =	sand.u32 $0x380, s26  }
0x97: {  	s26 =	sor.u32 s26, s28  }
0x98: {  	[tilespmem:s26+$0x8420] =	vst v8  }
0x99: {  	v8 =	vld [tilespmem:$0x330];
	_ =	sdelay $0x3  }
0x9a: {  	s26 =	simm.s32 $0x0  }
0x9b: {  	v9 =	vadd.s32 s26, v8  }
0x9c: {  	v9 =	vadd.s32 v3, v9;
	_ =	sdelay $0x3  }
0x9d: {  	s28 =	simm.s32 $0x1  }
0x9e: {  	v10 =	vadd.s32 s28, v8;
	v9 =	vld.idx.msk [tilespmem:v9+s9+$0x0], $0xffff  }
0x9f: {  	v10 =	vadd.s32 v3, v10;
	_ =	sdelay $0x1  }
0xa0: {  	s29 =	sand.u32 $0x380, s26;
	s28 =	sand.u32 $0x1000, s26  }
0xa1: {  	s28 =	sor.u32 s29, s28  }
0xa2: {  	s29 =	simm.s32 $0x2;
	[tilespmem:s28+$0x8430] =	vst v9  }
0xa3: {  	s28 =	simm.s32 $0x0;
	v9 =	vld.idx.msk [tilespmem:v10+s9+$0x0], $0xffff;
	v10 =	vadd.s32 s29, v8;
	s29 =	simm.s32 $0x3  }
.LBB2_9:
0xa4: {  	p0 =	sne.s32 s29, $0xF;
	v10 =	vadd.s32 v3, v10  }
0xa5: {  	s26 =	sadd.s32 $0x80, s26;
	s28 =	sadd.s32 $0x200, s28  }
.Ltmp3:
0xa6: {  	s30 =	sand.u32 $0x1000, s28;
	s31 =	sand.u32 $0x380, s26;
	(pc) =	sbr.rel @p0 .LBB2_9-.Ltmp3, $4  }
0xa7: {  	s30 =	sor.u32 s31, s30  }
0xa8: {  	[tilespmem:s30+$0x8430] =	vst v9  }
0xa9: {  	v9 =	vld.idx.msk [tilespmem:v10+s9+$0x0], $0xffff  }
0xaa: {  	v10 =	vadd.s32 s29, v8;
	s29 =	sadd.s32 $0x1, s29  }
0xab: {  	v8 =	vadd.s32 v3, v10  }
0xac: {  	s26 =	sadd.s32 $0x80, s26;
	s28 =	sadd.s32 $0x200, s28  }
0xad: {  	s29 =	sand.u32 $0x1000, s28;
	s30 =	sand.u32 $0x380, s26  }
0xae: {  	s29 =	sor.u32 s30, s29  }
0xaf: {  	[tilespmem:s29+$0x8430] =	vst v9  }
0xb0: {  	v8 =	vld.idx.msk [tilespmem:v8+s9+$0x0], $0xffff;
	_ =	sdelay $0x1  }
0xb1: {  	s26 =	sadd.s32 $0x80, s26;
	s28 =	sadd.s32 $0x200, s28  }
0xb2: {  	s28 =	sand.u32 $0x1000, s28;
	s26 =	sand.u32 $0x380, s26  }
0xb3: {  	s26 =	sor.u32 s26, s28  }
0xb4: {  	[tilespmem:s26+$0x8430] =	vst v8  }
0xb5: {  	v8 =	vld [tilespmem:$0x340];
	_ =	sdelay $0x3  }
0xb6: {  	s26 =	simm.s32 $0x0  }
0xb7: {  	v9 =	vadd.s32 s26, v8  }
0xb8: {  	v9 =	vadd.s32 v4, v9;
	_ =	sdelay $0x3  }
0xb9: {  	s28 =	simm.s32 $0x1  }
0xba: {  	v10 =	vadd.s32 s28, v8;
	v9 =	vld.idx.msk [tilespmem:v9+s9+$0x0], $0xffff  }
0xbb: {  	v10 =	vadd.s32 v4, v10;
	_ =	sdelay $0x1  }
0xbc: {  	s29 =	sand.u32 $0x380, s26;
	s28 =	sand.u32 $0x1000, s26  }
0xbd: {  	s28 =	sor.u32 s29, s28  }
0xbe: {  	s29 =	simm.s32 $0x2;
	[tilespmem:s28+$0x8440] =	vst v9  }
0xbf: {  	s28 =	simm.s32 $0x0;
	v9 =	vld.idx.msk [tilespmem:v10+s9+$0x0], $0xffff;
	v10 =	vadd.s32 s29, v8;
	s29 =	simm.s32 $0x3  }
.LBB2_11:
0xc0: {  	p0 =	sne.s32 s29, $0xF;
	v10 =	vadd.s32 v4, v10  }
0xc1: {  	s26 =	sadd.s32 $0x80, s26;
	s28 =	sadd.s32 $0x200, s28  }
.Ltmp4:
0xc2: {  	s30 =	sand.u32 $0x1000, s28;
	s31 =	sand.u32 $0x380, s26;
	(pc) =	sbr.rel @p0 .LBB2_11-.Ltmp4, $4  }
0xc3: {  	s30 =	sor.u32 s31, s30  }
0xc4: {  	[tilespmem:s30+$0x8440] =	vst v9  }
0xc5: {  	v9 =	vld.idx.msk [tilespmem:v10+s9+$0x0], $0xffff  }
0xc6: {  	v10 =	vadd.s32 s29, v8;
	s29 =	sadd.s32 $0x1, s29  }
0xc7: {  	v8 =	vadd.s32 v4, v10  }
0xc8: {  	s26 =	sadd.s32 $0x80, s26;
	s28 =	sadd.s32 $0x200, s28  }
0xc9: {  	s29 =	sand.u32 $0x1000, s28;
	s30 =	sand.u32 $0x380, s26  }
0xca: {  	s29 =	sor.u32 s30, s29  }
0xcb: {  	[tilespmem:s29+$0x8440] =	vst v9  }
0xcc: {  	v8 =	vld.idx.msk [tilespmem:v8+s9+$0x0], $0xffff;
	_ =	sdelay $0x1  }
0xcd: {  	s26 =	sadd.s32 $0x80, s26;
	s28 =	sadd.s32 $0x200, s28  }
0xce: {  	s28 =	sand.u32 $0x1000, s28;
	s26 =	sand.u32 $0x380, s26  }
0xcf: {  	s26 =	sor.u32 s26, s28  }
0xd0: {  	[tilespmem:s26+$0x8440] =	vst v8  }
0xd1: {  	v8 =	vld [tilespmem:$0x350];
	_ =	sdelay $0x3  }
0xd2: {  	s26 =	simm.s32 $0x0  }
0xd3: {  	v9 =	vadd.s32 s26, v8  }
0xd4: {  	v9 =	vadd.s32 v5, v9;
	_ =	sdelay $0x3  }
0xd5: {  	s28 =	simm.s32 $0x1  }
0xd6: {  	v10 =	vadd.s32 s28, v8;
	v9 =	vld.idx.msk [tilespmem:v9+s9+$0x0], $0xffff  }
0xd7: {  	v10 =	vadd.s32 v5, v10;
	_ =	sdelay $0x1  }
0xd8: {  	s29 =	sand.u32 $0x380, s26;
	s28 =	sand.u32 $0x1000, s26  }
0xd9: {  	s28 =	sor.u32 s29, s28  }
0xda: {  	s29 =	simm.s32 $0x2;
	[tilespmem:s28+$0x8450] =	vst v9  }
0xdb: {  	s28 =	simm.s32 $0x0;
	v9 =	vld.idx.msk [tilespmem:v10+s9+$0x0], $0xffff;
	v10 =	vadd.s32 s29, v8;
	s29 =	simm.s32 $0x3  }
.LBB2_13:
0xdc: {  	p0 =	sne.s32 s29, $0xF;
	v10 =	vadd.s32 v5, v10  }
0xdd: {  	s26 =	sadd.s32 $0x80, s26;
	s28 =	sadd.s32 $0x200, s28  }
.Ltmp5:
0xde: {  	s30 =	sand.u32 $0x1000, s28;
	s31 =	sand.u32 $0x380, s26;
	(pc) =	sbr.rel @p0 .LBB2_13-.Ltmp5, $4  }
0xdf: {  	s30 =	sor.u32 s31, s30  }
0xe0: {  	[tilespmem:s30+$0x8450] =	vst v9  }
0xe1: {  	v9 =	vld.idx.msk [tilespmem:v10+s9+$0x0], $0xffff  }
0xe2: {  	v10 =	vadd.s32 s29, v8;
	s29 =	sadd.s32 $0x1, s29  }
0xe3: {  	v8 =	vadd.s32 v5, v10  }
0xe4: {  	s26 =	sadd.s32 $0x80, s26;
	s28 =	sadd.s32 $0x200, s28  }
0xe5: {  	s29 =	sand.u32 $0x1000, s28;
	s30 =	sand.u32 $0x380, s26  }
0xe6: {  	s29 =	sor.u32 s30, s29  }
0xe7: {  	[tilespmem:s29+$0x8450] =	vst v9  }
0xe8: {  	v8 =	vld.idx.msk [tilespmem:v8+s9+$0x0], $0xffff;
	_ =	sdelay $0x1  }
0xe9: {  	s26 =	sadd.s32 $0x80, s26;
	s28 =	sadd.s32 $0x200, s28  }
0xea: {  	s28 =	sand.u32 $0x1000, s28;
	s26 =	sand.u32 $0x380, s26  }
0xeb: {  	s26 =	sor.u32 s26, s28  }
0xec: {  	[tilespmem:s26+$0x8450] =	vst v8  }
0xed: {  	v8 =	vld [tilespmem:$0x360];
	_ =	sdelay $0x3  }
0xee: {  	s26 =	simm.s32 $0x0  }
0xef: {  	v9 =	vadd.s32 s26, v8  }
0xf0: {  	v9 =	vadd.s32 v6, v9;
	_ =	sdelay $0x3  }
0xf1: {  	s28 =	simm.s32 $0x1  }
0xf2: {  	v10 =	vadd.s32 s28, v8;
	v9 =	vld.idx.msk [tilespmem:v9+s9+$0x0], $0xffff  }
0xf3: {  	v10 =	vadd.s32 v6, v10;
	_ =	sdelay $0x1  }
0xf4: {  	s29 =	sand.u32 $0x380, s26;
	s28 =	sand.u32 $0x1000, s26  }
0xf5: {  	s28 =	sor.u32 s29, s28  }
0xf6: {  	s29 =	simm.s32 $0x2;
	[tilespmem:s28+$0x8460] =	vst v9  }
0xf7: {  	s28 =	simm.s32 $0x0;
	v9 =	vld.idx.msk [tilespmem:v10+s9+$0x0], $0xffff;
	v10 =	vadd.s32 s29, v8;
	s29 =	simm.s32 $0x3  }
.LBB2_15:
0xf8: {  	p0 =	sne.s32 s29, $0xF;
	v10 =	vadd.s32 v6, v10  }
0xf9: {  	s26 =	sadd.s32 $0x80, s26;
	s28 =	sadd.s32 $0x200, s28  }
.Ltmp6:
0xfa: {  	s30 =	sand.u32 $0x1000, s28;
	s31 =	sand.u32 $0x380, s26;
	(pc) =	sbr.rel @p0 .LBB2_15-.Ltmp6, $4  }
0xfb: {  	s30 =	sor.u32 s31, s30  }
0xfc: {  	[tilespmem:s30+$0x8460] =	vst v9  }
0xfd: {  	v9 =	vld.idx.msk [tilespmem:v10+s9+$0x0], $0xffff  }
0xfe: {  	v10 =	vadd.s32 s29, v8;
	s29 =	sadd.s32 $0x1, s29  }
0xff: {  	v8 =	vadd.s32 v6, v10  }
0x100: {  	s26 =	sadd.s32 $0x80, s26;
	s28 =	sadd.s32 $0x200, s28  }
0x101: {  	s29 =	sand.u32 $0x1000, s28;
	s30 =	sand.u32 $0x380, s26  }
0x102: {  	s29 =	sor.u32 s30, s29  }
0x103: {  	[tilespmem:s29+$0x8460] =	vst v9  }
0x104: {  	v8 =	vld.idx.msk [tilespmem:v8+s9+$0x0], $0xffff;
	_ =	sdelay $0x1  }
0x105: {  	s26 =	sadd.s32 $0x80, s26;
	s28 =	sadd.s32 $0x200, s28  }
0x106: {  	s28 =	sand.u32 $0x1000, s28;
	s26 =	sand.u32 $0x380, s26  }
0x107: {  	s26 =	sor.u32 s26, s28  }
0x108: {  	[tilespmem:s26+$0x8460] =	vst v8  }
0x109: {  	v8 =	vld [tilespmem:$0x370];
	_ =	sdelay $0x3  }
0x10a: {  	s26 =	simm.s32 $0x0  }
0x10b: {  	v9 =	vadd.s32 s26, v8  }
0x10c: {  	v9 =	vadd.s32 v7, v9;
	_ =	sdelay $0x3  }
0x10d: {  	s28 =	simm.s32 $0x1  }
0x10e: {  	v10 =	vadd.s32 s28, v8;
	v9 =	vld.idx.msk [tilespmem:v9+s9+$0x0], $0xffff  }
0x10f: {  	v10 =	vadd.s32 v7, v10;
	_ =	sdelay $0x1  }
0x110: {  	s29 =	sand.u32 $0x380, s26;
	s28 =	sand.u32 $0x1000, s26  }
0x111: {  	s28 =	sor.u32 s29, s28  }
0x112: {  	s29 =	simm.s32 $0x2;
	[tilespmem:s28+$0x8470] =	vst v9  }
0x113: {  	s28 =	simm.s32 $0x0;
	v9 =	vld.idx.msk [tilespmem:v10+s9+$0x0], $0xffff;
	v10 =	vadd.s32 s29, v8;
	s29 =	simm.s32 $0x3  }
.LBB2_17:
0x114: {  	p0 =	sne.s32 s29, $0xF;
	v10 =	vadd.s32 v7, v10  }
0x115: {  	s26 =	sadd.s32 $0x80, s26;
	s28 =	sadd.s32 $0x200, s28  }
.Ltmp7:
0x116: {  	s30 =	sand.u32 $0x1000, s28;
	s31 =	sand.u32 $0x380, s26;
	(pc) =	sbr.rel @p0 .LBB2_17-.Ltmp7, $4  }
0x117: {  	s30 =	sor.u32 s31, s30  }
0x118: {  	[tilespmem:s30+$0x8470] =	vst v9  }
0x119: {  	v9 =	vld.idx.msk [tilespmem:v10+s9+$0x0], $0xffff  }
0x11a: {  	v10 =	vadd.s32 s29, v8;
	s29 =	sadd.s32 $0x1, s29  }
0x11b: {  	v8 =	vadd.s32 v7, v10  }
0x11c: {  	s26 =	sadd.s32 $0x80, s26;
	s28 =	sadd.s32 $0x200, s28  }
0x11d: {  	s29 =	sand.u32 $0x1000, s28;
	s30 =	sand.u32 $0x380, s26  }
0x11e: {  	s29 =	sor.u32 s30, s29  }
0x11f: {  	[tilespmem:s29+$0x8470] =	vst v9  }
0x120: {  	v8 =	vld.idx.msk [tilespmem:v8+s9+$0x0], $0xffff;
	_ =	sdelay $0x1  }
0x121: {  	s26 =	sadd.s32 $0x80, s26;
	s28 =	sadd.s32 $0x200, s28  }
0x122: {  	s28 =	sand.u32 $0x1000, s28;
	s26 =	sand.u32 $0x380, s26  }
0x123: {  	s26 =	sor.u32 s26, s28  }
0x124: {  	[tilespmem:s26+$0x8470] =	vst v8  }
0x125: {  	v8 =	vld [tilespmem:$0x100];
	_ =	sdelay $0x1  }
0x126: {  	v9 =	vld [tilespmem:$0x110];
	_ =	sdelay $0x1  }
0x127: {  	v10 =	vld [tilespmem:$0x120]  }
0x128: {  	v11 =	vshra.s32 v8, $0x3;
	v8 =	vshll.u32 v8, $0x4  }
0x129: {  	[tilespmem:$0x200] =	vst v11;
	v8 =	vand.u32 $0x70, v8;
	v11 =	vld [tilespmem:$0x130]  }
0x12a: {  	[tilespmem:$0x300] =	vst v8;
	v8 =	vshra.s32 v9, $0x3;
	v9 =	vshll.u32 v9, $0x4  }
0x12b: {  	[tilespmem:$0x210] =	vst v8;
	v8 =	vand.u32 $0x70, v9;
	v9 =	vld [tilespmem:$0x140]  }
0x12c: {  	[tilespmem:$0x310] =	vst v8;
	v8 =	vshra.s32 v10, $0x3;
	v10 =	vshll.u32 v10, $0x4  }
0x12d: {  	[tilespmem:$0x220] =	vst v8;
	v8 =	vand.u32 $0x70, v10;
	v10 =	vld [tilespmem:$0x150]  }
0x12e: {  	[tilespmem:$0x320] =	vst v8;
	v8 =	vshra.s32 v11, $0x3;
	v11 =	vshll.u32 v11, $0x4  }
0x12f: {  	[tilespmem:$0x230] =	vst v8;
	v8 =	vand.u32 $0x70, v11;
	v11 =	vld [tilespmem:$0x160]  }
0x130: {  	[tilespmem:$0x330] =	vst v8;
	v8 =	vshra.s32 v9, $0x3;
	v9 =	vshll.u32 v9, $0x4  }
0x131: {  	[tilespmem:$0x240] =	vst v8;
	v8 =	vand.u32 $0x70, v9;
	v9 =	vld [tilespmem:$0x170]  }
0x132: {  	[tilespmem:$0x340] =	vst v8;
	v8 =	vshra.s32 v10, $0x3;
	v10 =	vshll.u32 v10, $0x4  }
0x133: {  	[tilespmem:$0x250] =	vst v8;
	v8 =	vand.u32 $0x70, v10  }
0x134: {  	[tilespmem:$0x350] =	vst v8;
	v8 =	vshra.s32 v11, $0x3;
	v10 =	vshll.u32 v11, $0x4  }
0x135: {  	[tilespmem:$0x260] =	vst v8;
	v8 =	vand.u32 $0x70, v10  }
0x136: {  	[tilespmem:$0x360] =	vst v8;
	v8 =	vshra.s32 v9, $0x3;
	v9 =	vshll.u32 v9, $0x4  }
0x137: {  	[tilespmem:$0x270] =	vst v8;
	v8 =	vand.u32 $0x70, v9  }
0x138: {  	[tilespmem:$0x370] =	vst v8  }
0x139: {  	[tilespmem:s9], [sflag:$0x1] =	stream.indirect.gather [hbm4b:s4+s8], $0x80, s11, s8, $0xb8;
	[tilespmem:$0xA400] =	vst v63  }
0x13a: {  	_ =	swait.ge [sflag:s15], $0x4000  }
0x13b: {  	[sflag:s15] =	ssyncset.done $0x0  }
0x13c: {  	[sflag:s15] =	ssyncadd.s32 $0xFFFFC000  }
0x13d: {  	v8 =	vld [tilespmem:$0x380];
	_ =	sdelay $0x3  }
0x13e: {  	s26 =	simm.s32 $0x0  }
0x13f: {  	v9 =	vadd.s32 s26, v8  }
0x140: {  	v9 =	vadd.s32 v0, v9;
	_ =	sdelay $0x3  }
0x141: {  	s28 =	simm.s32 $0x1  }
0x142: {  	v10 =	vadd.s32 s28, v8;
	v9 =	vld.idx.msk [tilespmem:v9+s13+$0x0], $0xffff  }
0x143: {  	v10 =	vadd.s32 v0, v10;
	_ =	sdelay $0x1  }
0x144: {  	s29 =	sand.u32 $0x380, s26;
	s28 =	sand.u32 $0x1000, s26  }
0x145: {  	s28 =	sor.u32 s29, s28  }
0x146: {  	s29 =	simm.s32 $0x2;
	[tilespmem:s28+$0x8800] =	vst v9  }
0x147: {  	s28 =	simm.s32 $0x0;
	v9 =	vld.idx.msk [tilespmem:v10+s13+$0x0], $0xffff;
	v10 =	vadd.s32 s29, v8;
	s29 =	simm.s32 $0x3  }
.LBB2_19:
0x148: {  	p0 =	sne.s32 s29, $0xF;
	v10 =	vadd.s32 v0, v10  }
0x149: {  	s26 =	sadd.s32 $0x80, s26;
	s28 =	sadd.s32 $0x200, s28  }
.Ltmp8:
0x14a: {  	s30 =	sand.u32 $0x1000, s28;
	s31 =	sand.u32 $0x380, s26;
	(pc) =	sbr.rel @p0 .LBB2_19-.Ltmp8, $4  }
0x14b: {  	s30 =	sor.u32 s31, s30  }
0x14c: {  	[tilespmem:s30+$0x8800] =	vst v9  }
0x14d: {  	v9 =	vld.idx.msk [tilespmem:v10+s13+$0x0], $0xffff  }
0x14e: {  	v10 =	vadd.s32 s29, v8;
	s29 =	sadd.s32 $0x1, s29  }
0x14f: {  	v8 =	vadd.s32 v0, v10  }
0x150: {  	s26 =	sadd.s32 $0x80, s26;
	s28 =	sadd.s32 $0x200, s28  }
0x151: {  	s29 =	sand.u32 $0x1000, s28;
	s30 =	sand.u32 $0x380, s26  }
0x152: {  	s29 =	sor.u32 s30, s29  }
0x153: {  	[tilespmem:s29+$0x8800] =	vst v9  }
0x154: {  	v8 =	vld.idx.msk [tilespmem:v8+s13+$0x0], $0xffff;
	_ =	sdelay $0x1  }
0x155: {  	s26 =	sadd.s32 $0x80, s26;
	s28 =	sadd.s32 $0x200, s28  }
0x156: {  	s28 =	sand.u32 $0x1000, s28;
	s26 =	sand.u32 $0x380, s26  }
0x157: {  	s26 =	sor.u32 s26, s28  }
0x158: {  	[tilespmem:s26+$0x8800] =	vst v8  }
0x159: {  	v8 =	vld [tilespmem:$0x390];
	_ =	sdelay $0x3  }
0x15a: {  	s26 =	simm.s32 $0x0  }
0x15b: {  	v9 =	vadd.s32 s26, v8  }
0x15c: {  	v9 =	vadd.s32 v1, v9;
	_ =	sdelay $0x3  }
0x15d: {  	s28 =	simm.s32 $0x1  }
0x15e: {  	v10 =	vadd.s32 s28, v8;
	v9 =	vld.idx.msk [tilespmem:v9+s13+$0x0], $0xffff  }
0x15f: {  	v10 =	vadd.s32 v1, v10;
	_ =	sdelay $0x1  }
0x160: {  	s29 =	sand.u32 $0x380, s26;
	s28 =	sand.u32 $0x1000, s26  }
0x161: {  	s28 =	sor.u32 s29, s28  }
0x162: {  	s29 =	simm.s32 $0x2;
	[tilespmem:s28+$0x8810] =	vst v9  }
0x163: {  	s28 =	simm.s32 $0x0;
	v9 =	vld.idx.msk [tilespmem:v10+s13+$0x0], $0xffff;
	v10 =	vadd.s32 s29, v8;
	s29 =	simm.s32 $0x3  }
.LBB2_21:
0x164: {  	p0 =	sne.s32 s29, $0xF;
	v10 =	vadd.s32 v1, v10  }
0x165: {  	s26 =	sadd.s32 $0x80, s26;
	s28 =	sadd.s32 $0x200, s28  }
.Ltmp9:
0x166: {  	s30 =	sand.u32 $0x1000, s28;
	s31 =	sand.u32 $0x380, s26;
	(pc) =	sbr.rel @p0 .LBB2_21-.Ltmp9, $4  }
0x167: {  	s30 =	sor.u32 s31, s30  }
0x168: {  	[tilespmem:s30+$0x8810] =	vst v9  }
0x169: {  	v9 =	vld.idx.msk [tilespmem:v10+s13+$0x0], $0xffff  }
0x16a: {  	v10 =	vadd.s32 s29, v8;
	s29 =	sadd.s32 $0x1, s29  }
0x16b: {  	v8 =	vadd.s32 v1, v10  }
0x16c: {  	s26 =	sadd.s32 $0x80, s26;
	s28 =	sadd.s32 $0x200, s28  }
0x16d: {  	s29 =	sand.u32 $0x1000, s28;
	s30 =	sand.u32 $0x380, s26  }
0x16e: {  	s29 =	sor.u32 s30, s29  }
0x16f: {  	[tilespmem:s29+$0x8810] =	vst v9  }
0x170: {  	v8 =	vld.idx.msk [tilespmem:v8+s13+$0x0], $0xffff;
	_ =	sdelay $0x1  }
0x171: {  	s26 =	sadd.s32 $0x80, s26;
	s28 =	sadd.s32 $0x200, s28  }
0x172: {  	s28 =	sand.u32 $0x1000, s28;
	s26 =	sand.u32 $0x380, s26  }
0x173: {  	s26 =	sor.u32 s26, s28  }
0x174: {  	[tilespmem:s26+$0x8810] =	vst v8  }
0x175: {  	v8 =	vld [tilespmem:$0x3A0];
	_ =	sdelay $0x3  }
0x176: {  	s26 =	simm.s32 $0x0  }
0x177: {  	v9 =	vadd.s32 s26, v8  }
0x178: {  	v9 =	vadd.s32 v2, v9;
	_ =	sdelay $0x3  }
0x179: {  	s28 =	simm.s32 $0x1  }
0x17a: {  	v10 =	vadd.s32 s28, v8;
	v9 =	vld.idx.msk [tilespmem:v9+s13+$0x0], $0xffff  }
0x17b: {  	v10 =	vadd.s32 v2, v10;
	_ =	sdelay $0x1  }
0x17c: {  	s29 =	sand.u32 $0x380, s26;
	s28 =	sand.u32 $0x1000, s26  }
0x17d: {  	s28 =	sor.u32 s29, s28  }
0x17e: {  	s29 =	simm.s32 $0x2;
	[tilespmem:s28+$0x8820] =	vst v9  }
0x17f: {  	s28 =	simm.s32 $0x0;
	v9 =	vld.idx.msk [tilespmem:v10+s13+$0x0], $0xffff;
	v10 =	vadd.s32 s29, v8;
	s29 =	simm.s32 $0x3  }
.LBB2_23:
0x180: {  	p0 =	sne.s32 s29, $0xF;
	v10 =	vadd.s32 v2, v10  }
0x181: {  	s26 =	sadd.s32 $0x80, s26;
	s28 =	sadd.s32 $0x200, s28  }
.Ltmp10:
0x182: {  	s30 =	sand.u32 $0x1000, s28;
	s31 =	sand.u32 $0x380, s26;
	(pc) =	sbr.rel @p0 .LBB2_23-.Ltmp10, $4  }
0x183: {  	s30 =	sor.u32 s31, s30  }
0x184: {  	[tilespmem:s30+$0x8820] =	vst v9  }
0x185: {  	v9 =	vld.idx.msk [tilespmem:v10+s13+$0x0], $0xffff  }
0x186: {  	v10 =	vadd.s32 s29, v8;
	s29 =	sadd.s32 $0x1, s29  }
0x187: {  	v8 =	vadd.s32 v2, v10  }
0x188: {  	s26 =	sadd.s32 $0x80, s26;
	s28 =	sadd.s32 $0x200, s28  }
0x189: {  	s29 =	sand.u32 $0x1000, s28;
	s30 =	sand.u32 $0x380, s26  }
0x18a: {  	s29 =	sor.u32 s30, s29  }
0x18b: {  	[tilespmem:s29+$0x8820] =	vst v9  }
0x18c: {  	v8 =	vld.idx.msk [tilespmem:v8+s13+$0x0], $0xffff;
	_ =	sdelay $0x1  }
0x18d: {  	s26 =	sadd.s32 $0x80, s26;
	s28 =	sadd.s32 $0x200, s28  }
0x18e: {  	s28 =	sand.u32 $0x1000, s28;
	s26 =	sand.u32 $0x380, s26  }
0x18f: {  	s26 =	sor.u32 s26, s28  }
0x190: {  	[tilespmem:s26+$0x8820] =	vst v8  }
0x191: {  	v8 =	vld [tilespmem:$0x3B0];
	_ =	sdelay $0x3  }
0x192: {  	s26 =	simm.s32 $0x0  }
0x193: {  	v9 =	vadd.s32 s26, v8  }
0x194: {  	v9 =	vadd.s32 v3, v9;
	_ =	sdelay $0x3  }
0x195: {  	s28 =	simm.s32 $0x1  }
0x196: {  	v10 =	vadd.s32 s28, v8;
	v9 =	vld.idx.msk [tilespmem:v9+s13+$0x0], $0xffff  }
0x197: {  	v10 =	vadd.s32 v3, v10;
	_ =	sdelay $0x1  }
0x198: {  	s29 =	sand.u32 $0x380, s26;
	s28 =	sand.u32 $0x1000, s26  }
0x199: {  	s28 =	sor.u32 s29, s28  }
0x19a: {  	s29 =	simm.s32 $0x2;
	[tilespmem:s28+$0x8830] =	vst v9  }
0x19b: {  	s28 =	simm.s32 $0x0;
	v9 =	vld.idx.msk [tilespmem:v10+s13+$0x0], $0xffff;
	v10 =	vadd.s32 s29, v8;
	s29 =	simm.s32 $0x3  }
.LBB2_25:
0x19c: {  	p0 =	sne.s32 s29, $0xF;
	v10 =	vadd.s32 v3, v10  }
0x19d: {  	s26 =	sadd.s32 $0x80, s26;
	s28 =	sadd.s32 $0x200, s28  }
.Ltmp11:
0x19e: {  	s30 =	sand.u32 $0x1000, s28;
	s31 =	sand.u32 $0x380, s26;
	(pc) =	sbr.rel @p0 .LBB2_25-.Ltmp11, $4  }
0x19f: {  	s30 =	sor.u32 s31, s30  }
0x1a0: {  	[tilespmem:s30+$0x8830] =	vst v9  }
0x1a1: {  	v9 =	vld.idx.msk [tilespmem:v10+s13+$0x0], $0xffff  }
0x1a2: {  	v10 =	vadd.s32 s29, v8;
	s29 =	sadd.s32 $0x1, s29  }
0x1a3: {  	v8 =	vadd.s32 v3, v10  }
0x1a4: {  	s26 =	sadd.s32 $0x80, s26;
	s28 =	sadd.s32 $0x200, s28  }
0x1a5: {  	s29 =	sand.u32 $0x1000, s28;
	s30 =	sand.u32 $0x380, s26  }
0x1a6: {  	s29 =	sor.u32 s30, s29  }
0x1a7: {  	[tilespmem:s29+$0x8830] =	vst v9  }
0x1a8: {  	v8 =	vld.idx.msk [tilespmem:v8+s13+$0x0], $0xffff;
	_ =	sdelay $0x1  }
0x1a9: {  	s26 =	sadd.s32 $0x80, s26;
	s28 =	sadd.s32 $0x200, s28  }
0x1aa: {  	s28 =	sand.u32 $0x1000, s28;
	s26 =	sand.u32 $0x380, s26  }
0x1ab: {  	s26 =	sor.u32 s26, s28  }
0x1ac: {  	[tilespmem:s26+$0x8830] =	vst v8  }
0x1ad: {  	v8 =	vld [tilespmem:$0x3C0];
	_ =	sdelay $0x3  }
0x1ae: {  	s26 =	simm.s32 $0x0  }
0x1af: {  	v9 =	vadd.s32 s26, v8  }
0x1b0: {  	v9 =	vadd.s32 v4, v9;
	_ =	sdelay $0x3  }
0x1b1: {  	s28 =	simm.s32 $0x1  }
0x1b2: {  	v10 =	vadd.s32 s28, v8;
	v9 =	vld.idx.msk [tilespmem:v9+s13+$0x0], $0xffff  }
0x1b3: {  	v10 =	vadd.s32 v4, v10;
	_ =	sdelay $0x1  }
0x1b4: {  	s29 =	sand.u32 $0x380, s26;
	s28 =	sand.u32 $0x1000, s26  }
0x1b5: {  	s28 =	sor.u32 s29, s28  }
0x1b6: {  	s29 =	simm.s32 $0x2;
	[tilespmem:s28+$0x8840] =	vst v9  }
0x1b7: {  	s28 =	simm.s32 $0x0;
	v9 =	vld.idx.msk [tilespmem:v10+s13+$0x0], $0xffff;
	v10 =	vadd.s32 s29, v8;
	s29 =	simm.s32 $0x3  }
.LBB2_27:
0x1b8: {  	p0 =	sne.s32 s29, $0xF;
	v10 =	vadd.s32 v4, v10  }
0x1b9: {  	s26 =	sadd.s32 $0x80, s26;
	s28 =	sadd.s32 $0x200, s28  }
.Ltmp12:
0x1ba: {  	s30 =	sand.u32 $0x1000, s28;
	s31 =	sand.u32 $0x380, s26;
	(pc) =	sbr.rel @p0 .LBB2_27-.Ltmp12, $4  }
0x1bb: {  	s30 =	sor.u32 s31, s30  }
0x1bc: {  	[tilespmem:s30+$0x8840] =	vst v9  }
0x1bd: {  	v9 =	vld.idx.msk [tilespmem:v10+s13+$0x0], $0xffff  }
0x1be: {  	v10 =	vadd.s32 s29, v8;
	s29 =	sadd.s32 $0x1, s29  }
0x1bf: {  	v8 =	vadd.s32 v4, v10  }
0x1c0: {  	s26 =	sadd.s32 $0x80, s26;
	s28 =	sadd.s32 $0x200, s28  }
0x1c1: {  	s29 =	sand.u32 $0x1000, s28;
	s30 =	sand.u32 $0x380, s26  }
0x1c2: {  	s29 =	sor.u32 s30, s29  }
0x1c3: {  	[tilespmem:s29+$0x8840] =	vst v9  }
0x1c4: {  	v8 =	vld.idx.msk [tilespmem:v8+s13+$0x0], $0xffff;
	_ =	sdelay $0x1  }
0x1c5: {  	s26 =	sadd.s32 $0x80, s26;
	s28 =	sadd.s32 $0x200, s28  }
0x1c6: {  	s28 =	sand.u32 $0x1000, s28;
	s26 =	sand.u32 $0x380, s26  }
0x1c7: {  	s26 =	sor.u32 s26, s28  }
0x1c8: {  	[tilespmem:s26+$0x8840] =	vst v8  }
0x1c9: {  	v8 =	vld [tilespmem:$0x3D0];
	_ =	sdelay $0x3  }
0x1ca: {  	s26 =	simm.s32 $0x0  }
0x1cb: {  	v9 =	vadd.s32 s26, v8  }
0x1cc: {  	v9 =	vadd.s32 v5, v9;
	_ =	sdelay $0x3  }
0x1cd: {  	s28 =	simm.s32 $0x1  }
0x1ce: {  	v10 =	vadd.s32 s28, v8;
	v9 =	vld.idx.msk [tilespmem:v9+s13+$0x0], $0xffff  }
0x1cf: {  	v10 =	vadd.s32 v5, v10;
	_ =	sdelay $0x1  }
0x1d0: {  	s29 =	sand.u32 $0x380, s26;
	s28 =	sand.u32 $0x1000, s26  }
0x1d1: {  	s28 =	sor.u32 s29, s28  }
0x1d2: {  	s29 =	simm.s32 $0x2;
	[tilespmem:s28+$0x8850] =	vst v9  }
0x1d3: {  	s28 =	simm.s32 $0x0;
	v9 =	vld.idx.msk [tilespmem:v10+s13+$0x0], $0xffff;
	v10 =	vadd.s32 s29, v8;
	s29 =	simm.s32 $0x3  }
.LBB2_29:
0x1d4: {  	p0 =	sne.s32 s29, $0xF;
	v10 =	vadd.s32 v5, v10  }
0x1d5: {  	s26 =	sadd.s32 $0x80, s26;
	s28 =	sadd.s32 $0x200, s28  }
.Ltmp13:
0x1d6: {  	s30 =	sand.u32 $0x1000, s28;
	s31 =	sand.u32 $0x380, s26;
	(pc) =	sbr.rel @p0 .LBB2_29-.Ltmp13, $4  }
0x1d7: {  	s30 =	sor.u32 s31, s30  }
0x1d8: {  	[tilespmem:s30+$0x8850] =	vst v9  }
0x1d9: {  	v9 =	vld.idx.msk [tilespmem:v10+s13+$0x0], $0xffff  }
0x1da: {  	v10 =	vadd.s32 s29, v8;
	s29 =	sadd.s32 $0x1, s29  }
0x1db: {  	v8 =	vadd.s32 v5, v10  }
0x1dc: {  	s26 =	sadd.s32 $0x80, s26;
	s28 =	sadd.s32 $0x200, s28  }
0x1dd: {  	s29 =	sand.u32 $0x1000, s28;
	s30 =	sand.u32 $0x380, s26  }
0x1de: {  	s29 =	sor.u32 s30, s29  }
0x1df: {  	[tilespmem:s29+$0x8850] =	vst v9  }
0x1e0: {  	v8 =	vld.idx.msk [tilespmem:v8+s13+$0x0], $0xffff;
	_ =	sdelay $0x1  }
0x1e1: {  	s26 =	sadd.s32 $0x80, s26;
	s28 =	sadd.s32 $0x200, s28  }
0x1e2: {  	s28 =	sand.u32 $0x1000, s28;
	s26 =	sand.u32 $0x380, s26  }
0x1e3: {  	s26 =	sor.u32 s26, s28  }
0x1e4: {  	[tilespmem:s26+$0x8850] =	vst v8  }
0x1e5: {  	v8 =	vld [tilespmem:$0x3E0];
	_ =	sdelay $0x3  }
0x1e6: {  	s26 =	simm.s32 $0x0  }
0x1e7: {  	v9 =	vadd.s32 s26, v8  }
0x1e8: {  	v9 =	vadd.s32 v6, v9;
	_ =	sdelay $0x3  }
0x1e9: {  	s28 =	simm.s32 $0x1  }
0x1ea: {  	v10 =	vadd.s32 s28, v8;
	v9 =	vld.idx.msk [tilespmem:v9+s13+$0x0], $0xffff  }
0x1eb: {  	v10 =	vadd.s32 v6, v10;
	_ =	sdelay $0x1  }
0x1ec: {  	s29 =	sand.u32 $0x380, s26;
	s28 =	sand.u32 $0x1000, s26  }
0x1ed: {  	s28 =	sor.u32 s29, s28  }
0x1ee: {  	s29 =	simm.s32 $0x2;
	[tilespmem:s28+$0x8860] =	vst v9  }
0x1ef: {  	s28 =	simm.s32 $0x0;
	v9 =	vld.idx.msk [tilespmem:v10+s13+$0x0], $0xffff;
	v10 =	vadd.s32 s29, v8;
	s29 =	simm.s32 $0x3  }
.LBB2_31:
0x1f0: {  	p0 =	sne.s32 s29, $0xF;
	v10 =	vadd.s32 v6, v10  }
0x1f1: {  	s26 =	sadd.s32 $0x80, s26;
	s28 =	sadd.s32 $0x200, s28  }
.Ltmp14:
0x1f2: {  	s30 =	sand.u32 $0x1000, s28;
	s31 =	sand.u32 $0x380, s26;
	(pc) =	sbr.rel @p0 .LBB2_31-.Ltmp14, $4  }
0x1f3: {  	s30 =	sor.u32 s31, s30  }
0x1f4: {  	[tilespmem:s30+$0x8860] =	vst v9  }
0x1f5: {  	v9 =	vld.idx.msk [tilespmem:v10+s13+$0x0], $0xffff  }
0x1f6: {  	v10 =	vadd.s32 s29, v8;
	s29 =	sadd.s32 $0x1, s29  }
0x1f7: {  	v8 =	vadd.s32 v6, v10  }
0x1f8: {  	s26 =	sadd.s32 $0x80, s26;
	s28 =	sadd.s32 $0x200, s28  }
0x1f9: {  	s29 =	sand.u32 $0x1000, s28;
	s30 =	sand.u32 $0x380, s26  }
0x1fa: {  	s29 =	sor.u32 s30, s29  }
0x1fb: {  	[tilespmem:s29+$0x8860] =	vst v9  }
0x1fc: {  	v8 =	vld.idx.msk [tilespmem:v8+s13+$0x0], $0xffff;
	_ =	sdelay $0x1  }
0x1fd: {  	s26 =	sadd.s32 $0x80, s26;
	s28 =	sadd.s32 $0x200, s28  }
0x1fe: {  	s28 =	sand.u32 $0x1000, s28;
	s26 =	sand.u32 $0x380, s26  }
0x1ff: {  	s26 =	sor.u32 s26, s28  }
0x200: {  	[tilespmem:s26+$0x8860] =	vst v8  }
0x201: {  	v8 =	vld [tilespmem:$0x3F0];
	_ =	sdelay $0x3  }
0x202: {  	s26 =	simm.s32 $0x0  }
0x203: {  	v9 =	vadd.s32 s26, v8  }
0x204: {  	v9 =	vadd.s32 v7, v9;
	_ =	sdelay $0x3  }
0x205: {  	s28 =	simm.s32 $0x1  }
0x206: {  	v10 =	vadd.s32 s28, v8;
	v9 =	vld.idx.msk [tilespmem:v9+s13+$0x0], $0xffff  }
0x207: {  	v10 =	vadd.s32 v7, v10;
	_ =	sdelay $0x1  }
0x208: {  	s29 =	sand.u32 $0x380, s26;
	s28 =	sand.u32 $0x1000, s26  }
0x209: {  	s28 =	sor.u32 s29, s28  }
0x20a: {  	s29 =	simm.s32 $0x2;
	[tilespmem:s28+$0x8870] =	vst v9  }
0x20b: {  	s28 =	simm.s32 $0x0;
	v9 =	vld.idx.msk [tilespmem:v10+s13+$0x0], $0xffff;
	v10 =	vadd.s32 s29, v8;
	s29 =	simm.s32 $0x3  }
.LBB2_33:
0x20c: {  	p0 =	sne.s32 s29, $0xF;
	v10 =	vadd.s32 v7, v10  }
0x20d: {  	s26 =	sadd.s32 $0x80, s26;
	s28 =	sadd.s32 $0x200, s28  }
.Ltmp15:
0x20e: {  	s30 =	sand.u32 $0x1000, s28;
	s31 =	sand.u32 $0x380, s26;
	(pc) =	sbr.rel @p0 .LBB2_33-.Ltmp15, $4  }
0x20f: {  	s30 =	sor.u32 s31, s30  }
0x210: {  	[tilespmem:s30+$0x8870] =	vst v9  }
0x211: {  	v9 =	vld.idx.msk [tilespmem:v10+s13+$0x0], $0xffff  }
0x212: {  	v10 =	vadd.s32 s29, v8;
	s29 =	sadd.s32 $0x1, s29  }
0x213: {  	v8 =	vadd.s32 v7, v10  }
0x214: {  	s26 =	sadd.s32 $0x80, s26;
	s28 =	sadd.s32 $0x200, s28  }
0x215: {  	s29 =	sand.u32 $0x1000, s28;
	s30 =	sand.u32 $0x380, s26  }
0x216: {  	s29 =	sor.u32 s30, s29  }
0x217: {  	[tilespmem:s29+$0x8870] =	vst v9  }
0x218: {  	v8 =	vld.idx.msk [tilespmem:v8+s13+$0x0], $0xffff;
	_ =	sdelay $0x1  }
0x219: {  	s26 =	sadd.s32 $0x80, s26;
	s28 =	sadd.s32 $0x200, s28  }
0x21a: {  	s28 =	sand.u32 $0x1000, s28;
	s26 =	sand.u32 $0x380, s26  }
0x21b: {  	s26 =	sor.u32 s26, s28  }
0x21c: {  	[tilespmem:s26+$0x8870] =	vst v8  }
0x21d: {  	v8 =	vld [tilespmem:$0x180];
	_ =	sdelay $0x1  }
0x21e: {  	v9 =	vld [tilespmem:$0x190];
	_ =	sdelay $0x1  }
0x21f: {  	v10 =	vld [tilespmem:$0x1A0]  }
0x220: {  	v11 =	vshra.s32 v8, $0x3;
	v8 =	vshll.u32 v8, $0x4  }
0x221: {  	[tilespmem:$0x280] =	vst v11;
	v8 =	vand.u32 $0x70, v8;
	v11 =	vld [tilespmem:$0x1B0]  }
0x222: {  	[tilespmem:$0x380] =	vst v8;
	v8 =	vshra.s32 v9, $0x3;
	v9 =	vshll.u32 v9, $0x4  }
0x223: {  	[tilespmem:$0x290] =	vst v8;
	v8 =	vand.u32 $0x70, v9;
	v9 =	vld [tilespmem:$0x1C0]  }
0x224: {  	[tilespmem:$0x390] =	vst v8;
	v8 =	vshra.s32 v10, $0x3;
	v10 =	vshll.u32 v10, $0x4  }
0x225: {  	[tilespmem:$0x2A0] =	vst v8;
	v8 =	vand.u32 $0x70, v10;
	v10 =	vld [tilespmem:$0x1D0]  }
0x226: {  	[tilespmem:$0x3A0] =	vst v8;
	v8 =	vshra.s32 v11, $0x3;
	v11 =	vshll.u32 v11, $0x4  }
0x227: {  	[tilespmem:$0x2B0] =	vst v8;
	v8 =	vand.u32 $0x70, v11;
	v11 =	vld [tilespmem:$0x1E0]  }
0x228: {  	[tilespmem:$0x3B0] =	vst v8;
	v8 =	vshra.s32 v9, $0x3;
	v9 =	vshll.u32 v9, $0x4  }
0x229: {  	[tilespmem:$0x2C0] =	vst v8;
	v8 =	vand.u32 $0x70, v9;
	v9 =	vld [tilespmem:$0x1F0]  }
0x22a: {  	[tilespmem:$0x3C0] =	vst v8;
	v8 =	vshra.s32 v10, $0x3;
	v10 =	vshll.u32 v10, $0x4  }
0x22b: {  	[tilespmem:$0x2D0] =	vst v8;
	v8 =	vand.u32 $0x70, v10  }
0x22c: {  	[tilespmem:$0x3D0] =	vst v8;
	v8 =	vshra.s32 v11, $0x3;
	v10 =	vshll.u32 v11, $0x4  }
0x22d: {  	[tilespmem:$0x2E0] =	vst v8;
	v8 =	vand.u32 $0x70, v10  }
0x22e: {  	[tilespmem:$0x3E0] =	vst v8;
	v8 =	vshra.s32 v9, $0x3;
	v9 =	vshll.u32 v9, $0x4  }
0x22f: {  	[tilespmem:$0x2F0] =	vst v8;
	v8 =	vand.u32 $0x70, v9  }
0x230: {  	[tilespmem:$0x3F0] =	vst v8  }
0x231: {  	[tilespmem:s13], [sflag:$0x2] =	stream.indirect.gather [hbm4b:s4+s8], $0x80, s12, s8, $0xb8;
	[tilespmem:$0xA400] =	vst v63  }
0x232: {  	_ =	swait.ge [sflag:s14], $0x4000  }
0x233: {  	[sflag:s14] =	ssyncset.done $0x0  }
0x234: {  	[sflag:s14] =	ssyncadd.s32 $0xFFFFC000  }
0x235: {  	v8 =	vld [tilespmem:$0x300];
	_ =	sdelay $0x3  }
0x236: {  	s26 =	simm.s32 $0x0  }
0x237: {  	v9 =	vadd.s32 s26, v8  }
0x238: {  	v9 =	vadd.s32 v0, v9;
	_ =	sdelay $0x3  }
0x239: {  	s28 =	simm.s32 $0x1  }
0x23a: {  	v10 =	vadd.s32 s28, v8;
	v9 =	vld.idx.msk [tilespmem:v9+s9+$0x0], $0xffff  }
0x23b: {  	v10 =	vadd.s32 v0, v10;
	_ =	sdelay $0x1  }
0x23c: {  	s29 =	sand.u32 $0x380, s26;
	s28 =	sand.u32 $0x1000, s26  }
0x23d: {  	s28 =	sor.u32 s29, s28  }
0x23e: {  	s29 =	simm.s32 $0x2;
	[tilespmem:s28+$0x8C00] =	vst v9  }
0x23f: {  	s28 =	simm.s32 $0x0;
	v9 =	vld.idx.msk [tilespmem:v10+s9+$0x0], $0xffff;
	v10 =	vadd.s32 s29, v8;
	s29 =	simm.s32 $0x3  }
.LBB2_35:
0x240: {  	p0 =	sne.s32 s29, $0xF;
	v10 =	vadd.s32 v0, v10  }
0x241: {  	s26 =	sadd.s32 $0x80, s26;
	s28 =	sadd.s32 $0x200, s28  }
.Ltmp16:
0x242: {  	s30 =	sand.u32 $0x1000, s28;
	s31 =	sand.u32 $0x380, s26;
	(pc) =	sbr.rel @p0 .LBB2_35-.Ltmp16, $4  }
0x243: {  	s30 =	sor.u32 s31, s30  }
0x244: {  	[tilespmem:s30+$0x8C00] =	vst v9  }
0x245: {  	v9 =	vld.idx.msk [tilespmem:v10+s9+$0x0], $0xffff  }
0x246: {  	v10 =	vadd.s32 s29, v8;
	s29 =	sadd.s32 $0x1, s29  }
0x247: {  	v8 =	vadd.s32 v0, v10  }
0x248: {  	s26 =	sadd.s32 $0x80, s26;
	s28 =	sadd.s32 $0x200, s28  }
0x249: {  	s29 =	sand.u32 $0x1000, s28;
	s30 =	sand.u32 $0x380, s26  }
0x24a: {  	s29 =	sor.u32 s30, s29  }
0x24b: {  	[tilespmem:s29+$0x8C00] =	vst v9  }
0x24c: {  	v8 =	vld.idx.msk [tilespmem:v8+s9+$0x0], $0xffff;
	_ =	sdelay $0x1  }
0x24d: {  	s26 =	sadd.s32 $0x80, s26;
	s28 =	sadd.s32 $0x200, s28  }
0x24e: {  	s28 =	sand.u32 $0x1000, s28;
	s26 =	sand.u32 $0x380, s26  }
0x24f: {  	s26 =	sor.u32 s26, s28  }
0x250: {  	[tilespmem:s26+$0x8C00] =	vst v8  }
0x251: {  	v8 =	vld [tilespmem:$0x310];
	_ =	sdelay $0x3  }
0x252: {  	s26 =	simm.s32 $0x0  }
0x253: {  	v9 =	vadd.s32 s26, v8  }
0x254: {  	v9 =	vadd.s32 v1, v9;
	_ =	sdelay $0x3  }
0x255: {  	s28 =	simm.s32 $0x1  }
0x256: {  	v10 =	vadd.s32 s28, v8;
	v9 =	vld.idx.msk [tilespmem:v9+s9+$0x0], $0xffff  }
0x257: {  	v10 =	vadd.s32 v1, v10;
	_ =	sdelay $0x1  }
0x258: {  	s29 =	sand.u32 $0x380, s26;
	s28 =	sand.u32 $0x1000, s26  }
0x259: {  	s28 =	sor.u32 s29, s28  }
0x25a: {  	s29 =	simm.s32 $0x2;
	[tilespmem:s28+$0x8C10] =	vst v9  }
0x25b: {  	s28 =	simm.s32 $0x0;
	v9 =	vld.idx.msk [tilespmem:v10+s9+$0x0], $0xffff;
	v10 =	vadd.s32 s29, v8;
	s29 =	simm.s32 $0x3  }
.LBB2_37:
0x25c: {  	p0 =	sne.s32 s29, $0xF;
	v10 =	vadd.s32 v1, v10  }
0x25d: {  	s26 =	sadd.s32 $0x80, s26;
	s28 =	sadd.s32 $0x200, s28  }
.Ltmp17:
0x25e: {  	s30 =	sand.u32 $0x1000, s28;
	s31 =	sand.u32 $0x380, s26;
	(pc) =	sbr.rel @p0 .LBB2_37-.Ltmp17, $4  }
0x25f: {  	s30 =	sor.u32 s31, s30  }
0x260: {  	[tilespmem:s30+$0x8C10] =	vst v9  }
0x261: {  	v9 =	vld.idx.msk [tilespmem:v10+s9+$0x0], $0xffff  }
0x262: {  	v10 =	vadd.s32 s29, v8;
	s29 =	sadd.s32 $0x1, s29  }
0x263: {  	v8 =	vadd.s32 v1, v10  }
0x264: {  	s26 =	sadd.s32 $0x80, s26;
	s28 =	sadd.s32 $0x200, s28  }
0x265: {  	s29 =	sand.u32 $0x1000, s28;
	s30 =	sand.u32 $0x380, s26  }
0x266: {  	s29 =	sor.u32 s30, s29  }
0x267: {  	[tilespmem:s29+$0x8C10] =	vst v9  }
0x268: {  	v8 =	vld.idx.msk [tilespmem:v8+s9+$0x0], $0xffff;
	_ =	sdelay $0x1  }
0x269: {  	s26 =	sadd.s32 $0x80, s26;
	s28 =	sadd.s32 $0x200, s28  }
0x26a: {  	s28 =	sand.u32 $0x1000, s28;
	s26 =	sand.u32 $0x380, s26  }
0x26b: {  	s26 =	sor.u32 s26, s28  }
0x26c: {  	[tilespmem:s26+$0x8C10] =	vst v8  }
0x26d: {  	v8 =	vld [tilespmem:$0x320];
	_ =	sdelay $0x3  }
0x26e: {  	s26 =	simm.s32 $0x0  }
0x26f: {  	v9 =	vadd.s32 s26, v8  }
0x270: {  	v9 =	vadd.s32 v2, v9;
	_ =	sdelay $0x3  }
0x271: {  	s28 =	simm.s32 $0x1  }
0x272: {  	v10 =	vadd.s32 s28, v8;
	v9 =	vld.idx.msk [tilespmem:v9+s9+$0x0], $0xffff  }
0x273: {  	v10 =	vadd.s32 v2, v10;
	_ =	sdelay $0x1  }
0x274: {  	s29 =	sand.u32 $0x380, s26;
	s28 =	sand.u32 $0x1000, s26  }
0x275: {  	s28 =	sor.u32 s29, s28  }
0x276: {  	s29 =	simm.s32 $0x2;
	[tilespmem:s28+$0x8C20] =	vst v9  }
0x277: {  	s28 =	simm.s32 $0x0;
	v9 =	vld.idx.msk [tilespmem:v10+s9+$0x0], $0xffff;
	v10 =	vadd.s32 s29, v8;
	s29 =	simm.s32 $0x3  }
.LBB2_39:
0x278: {  	p0 =	sne.s32 s29, $0xF;
	v10 =	vadd.s32 v2, v10  }
0x279: {  	s26 =	sadd.s32 $0x80, s26;
	s28 =	sadd.s32 $0x200, s28  }
.Ltmp18:
0x27a: {  	s30 =	sand.u32 $0x1000, s28;
	s31 =	sand.u32 $0x380, s26;
	(pc) =	sbr.rel @p0 .LBB2_39-.Ltmp18, $4  }
0x27b: {  	s30 =	sor.u32 s31, s30  }
0x27c: {  	[tilespmem:s30+$0x8C20] =	vst v9  }
0x27d: {  	v9 =	vld.idx.msk [tilespmem:v10+s9+$0x0], $0xffff  }
0x27e: {  	v10 =	vadd.s32 s29, v8;
	s29 =	sadd.s32 $0x1, s29  }
0x27f: {  	v8 =	vadd.s32 v2, v10  }
0x280: {  	s26 =	sadd.s32 $0x80, s26;
	s28 =	sadd.s32 $0x200, s28  }
0x281: {  	s29 =	sand.u32 $0x1000, s28;
	s30 =	sand.u32 $0x380, s26  }
0x282: {  	s29 =	sor.u32 s30, s29  }
0x283: {  	[tilespmem:s29+$0x8C20] =	vst v9  }
0x284: {  	v8 =	vld.idx.msk [tilespmem:v8+s9+$0x0], $0xffff;
	_ =	sdelay $0x1  }
0x285: {  	s26 =	sadd.s32 $0x80, s26;
	s28 =	sadd.s32 $0x200, s28  }
0x286: {  	s28 =	sand.u32 $0x1000, s28;
	s26 =	sand.u32 $0x380, s26  }
0x287: {  	s26 =	sor.u32 s26, s28  }
0x288: {  	[tilespmem:s26+$0x8C20] =	vst v8  }
0x289: {  	v8 =	vld [tilespmem:$0x330];
	_ =	sdelay $0x3  }
0x28a: {  	s26 =	simm.s32 $0x0  }
0x28b: {  	v9 =	vadd.s32 s26, v8  }
0x28c: {  	v9 =	vadd.s32 v3, v9;
	_ =	sdelay $0x3  }
0x28d: {  	s28 =	simm.s32 $0x1  }
0x28e: {  	v10 =	vadd.s32 s28, v8;
	v9 =	vld.idx.msk [tilespmem:v9+s9+$0x0], $0xffff  }
0x28f: {  	v10 =	vadd.s32 v3, v10;
	_ =	sdelay $0x1  }
0x290: {  	s29 =	sand.u32 $0x380, s26;
	s28 =	sand.u32 $0x1000, s26  }
0x291: {  	s28 =	sor.u32 s29, s28  }
0x292: {  	s29 =	simm.s32 $0x2;
	[tilespmem:s28+$0x8C30] =	vst v9  }
0x293: {  	s28 =	simm.s32 $0x0;
	v9 =	vld.idx.msk [tilespmem:v10+s9+$0x0], $0xffff;
	v10 =	vadd.s32 s29, v8;
	s29 =	simm.s32 $0x3  }
.LBB2_41:
0x294: {  	p0 =	sne.s32 s29, $0xF;
	v10 =	vadd.s32 v3, v10  }
0x295: {  	s26 =	sadd.s32 $0x80, s26;
	s28 =	sadd.s32 $0x200, s28  }
.Ltmp19:
0x296: {  	s30 =	sand.u32 $0x1000, s28;
	s31 =	sand.u32 $0x380, s26;
	(pc) =	sbr.rel @p0 .LBB2_41-.Ltmp19, $4  }
0x297: {  	s30 =	sor.u32 s31, s30  }
0x298: {  	[tilespmem:s30+$0x8C30] =	vst v9  }
0x299: {  	v9 =	vld.idx.msk [tilespmem:v10+s9+$0x0], $0xffff  }
0x29a: {  	v10 =	vadd.s32 s29, v8;
	s29 =	sadd.s32 $0x1, s29  }
0x29b: {  	v8 =	vadd.s32 v3, v10  }
0x29c: {  	s26 =	sadd.s32 $0x80, s26;
	s28 =	sadd.s32 $0x200, s28  }
0x29d: {  	s29 =	sand.u32 $0x1000, s28;
	s30 =	sand.u32 $0x380, s26  }
0x29e: {  	s29 =	sor.u32 s30, s29  }
0x29f: {  	[tilespmem:s29+$0x8C30] =	vst v9  }
0x2a0: {  	v8 =	vld.idx.msk [tilespmem:v8+s9+$0x0], $0xffff;
	_ =	sdelay $0x1  }
0x2a1: {  	s26 =	sadd.s32 $0x80, s26;
	s28 =	sadd.s32 $0x200, s28  }
0x2a2: {  	s28 =	sand.u32 $0x1000, s28;
	s26 =	sand.u32 $0x380, s26  }
0x2a3: {  	s26 =	sor.u32 s26, s28  }
0x2a4: {  	[tilespmem:s26+$0x8C30] =	vst v8  }
0x2a5: {  	v8 =	vld [tilespmem:$0x340];
	_ =	sdelay $0x3  }
0x2a6: {  	s26 =	simm.s32 $0x0  }
0x2a7: {  	v9 =	vadd.s32 s26, v8  }
0x2a8: {  	v9 =	vadd.s32 v4, v9;
	_ =	sdelay $0x3  }
0x2a9: {  	s28 =	simm.s32 $0x1  }
0x2aa: {  	v10 =	vadd.s32 s28, v8;
	v9 =	vld.idx.msk [tilespmem:v9+s9+$0x0], $0xffff  }
0x2ab: {  	v10 =	vadd.s32 v4, v10;
	_ =	sdelay $0x1  }
0x2ac: {  	s29 =	sand.u32 $0x380, s26;
	s28 =	sand.u32 $0x1000, s26  }
0x2ad: {  	s28 =	sor.u32 s29, s28  }
0x2ae: {  	s29 =	simm.s32 $0x2;
	[tilespmem:s28+$0x8C40] =	vst v9  }
0x2af: {  	s28 =	simm.s32 $0x0;
	v9 =	vld.idx.msk [tilespmem:v10+s9+$0x0], $0xffff;
	v10 =	vadd.s32 s29, v8;
	s29 =	simm.s32 $0x3  }
.LBB2_43:
0x2b0: {  	p0 =	sne.s32 s29, $0xF;
	v10 =	vadd.s32 v4, v10  }
0x2b1: {  	s26 =	sadd.s32 $0x80, s26;
	s28 =	sadd.s32 $0x200, s28  }
.Ltmp20:
0x2b2: {  	s30 =	sand.u32 $0x1000, s28;
	s31 =	sand.u32 $0x380, s26;
	(pc) =	sbr.rel @p0 .LBB2_43-.Ltmp20, $4  }
0x2b3: {  	s30 =	sor.u32 s31, s30  }
0x2b4: {  	[tilespmem:s30+$0x8C40] =	vst v9  }
0x2b5: {  	v9 =	vld.idx.msk [tilespmem:v10+s9+$0x0], $0xffff  }
0x2b6: {  	v10 =	vadd.s32 s29, v8;
	s29 =	sadd.s32 $0x1, s29  }
0x2b7: {  	v8 =	vadd.s32 v4, v10  }
0x2b8: {  	s26 =	sadd.s32 $0x80, s26;
	s28 =	sadd.s32 $0x200, s28  }
0x2b9: {  	s29 =	sand.u32 $0x1000, s28;
	s30 =	sand.u32 $0x380, s26  }
0x2ba: {  	s29 =	sor.u32 s30, s29  }
0x2bb: {  	[tilespmem:s29+$0x8C40] =	vst v9  }
0x2bc: {  	v8 =	vld.idx.msk [tilespmem:v8+s9+$0x0], $0xffff;
	_ =	sdelay $0x1  }
0x2bd: {  	s26 =	sadd.s32 $0x80, s26;
	s28 =	sadd.s32 $0x200, s28  }
0x2be: {  	s28 =	sand.u32 $0x1000, s28;
	s26 =	sand.u32 $0x380, s26  }
0x2bf: {  	s26 =	sor.u32 s26, s28  }
0x2c0: {  	[tilespmem:s26+$0x8C40] =	vst v8  }
0x2c1: {  	v8 =	vld [tilespmem:$0x350];
	_ =	sdelay $0x3  }
0x2c2: {  	s26 =	simm.s32 $0x0  }
0x2c3: {  	v9 =	vadd.s32 s26, v8  }
0x2c4: {  	v9 =	vadd.s32 v5, v9;
	_ =	sdelay $0x3  }
0x2c5: {  	s28 =	simm.s32 $0x1  }
0x2c6: {  	v10 =	vadd.s32 s28, v8;
	v9 =	vld.idx.msk [tilespmem:v9+s9+$0x0], $0xffff  }
0x2c7: {  	v10 =	vadd.s32 v5, v10;
	_ =	sdelay $0x1  }
0x2c8: {  	s29 =	sand.u32 $0x380, s26;
	s28 =	sand.u32 $0x1000, s26  }
0x2c9: {  	s28 =	sor.u32 s29, s28  }
0x2ca: {  	s29 =	simm.s32 $0x2;
	[tilespmem:s28+$0x8C50] =	vst v9  }
0x2cb: {  	s28 =	simm.s32 $0x0;
	v9 =	vld.idx.msk [tilespmem:v10+s9+$0x0], $0xffff;
	v10 =	vadd.s32 s29, v8;
	s29 =	simm.s32 $0x3  }
.LBB2_45:
0x2cc: {  	p0 =	sne.s32 s29, $0xF;
	v10 =	vadd.s32 v5, v10  }
0x2cd: {  	s26 =	sadd.s32 $0x80, s26;
	s28 =	sadd.s32 $0x200, s28  }
.Ltmp21:
0x2ce: {  	s30 =	sand.u32 $0x1000, s28;
	s31 =	sand.u32 $0x380, s26;
	(pc) =	sbr.rel @p0 .LBB2_45-.Ltmp21, $4  }
0x2cf: {  	s30 =	sor.u32 s31, s30  }
0x2d0: {  	[tilespmem:s30+$0x8C50] =	vst v9  }
0x2d1: {  	v9 =	vld.idx.msk [tilespmem:v10+s9+$0x0], $0xffff  }
0x2d2: {  	v10 =	vadd.s32 s29, v8;
	s29 =	sadd.s32 $0x1, s29  }
0x2d3: {  	v8 =	vadd.s32 v5, v10  }
0x2d4: {  	s26 =	sadd.s32 $0x80, s26;
	s28 =	sadd.s32 $0x200, s28  }
0x2d5: {  	s29 =	sand.u32 $0x1000, s28;
	s30 =	sand.u32 $0x380, s26  }
0x2d6: {  	s29 =	sor.u32 s30, s29  }
0x2d7: {  	[tilespmem:s29+$0x8C50] =	vst v9  }
0x2d8: {  	v8 =	vld.idx.msk [tilespmem:v8+s9+$0x0], $0xffff;
	_ =	sdelay $0x1  }
0x2d9: {  	s26 =	sadd.s32 $0x80, s26;
	s28 =	sadd.s32 $0x200, s28  }
0x2da: {  	s28 =	sand.u32 $0x1000, s28;
	s26 =	sand.u32 $0x380, s26  }
0x2db: {  	s26 =	sor.u32 s26, s28  }
0x2dc: {  	[tilespmem:s26+$0x8C50] =	vst v8  }
0x2dd: {  	v8 =	vld [tilespmem:$0x360];
	_ =	sdelay $0x3  }
0x2de: {  	s26 =	simm.s32 $0x0  }
0x2df: {  	v9 =	vadd.s32 s26, v8  }
0x2e0: {  	v9 =	vadd.s32 v6, v9;
	_ =	sdelay $0x3  }
0x2e1: {  	s28 =	simm.s32 $0x1  }
0x2e2: {  	v10 =	vadd.s32 s28, v8;
	v9 =	vld.idx.msk [tilespmem:v9+s9+$0x0], $0xffff  }
0x2e3: {  	v10 =	vadd.s32 v6, v10;
	_ =	sdelay $0x1  }
0x2e4: {  	s29 =	sand.u32 $0x380, s26;
	s28 =	sand.u32 $0x1000, s26  }
0x2e5: {  	s28 =	sor.u32 s29, s28  }
0x2e6: {  	s29 =	simm.s32 $0x2;
	[tilespmem:s28+$0x8C60] =	vst v9  }
0x2e7: {  	s28 =	simm.s32 $0x0;
	v9 =	vld.idx.msk [tilespmem:v10+s9+$0x0], $0xffff;
	v10 =	vadd.s32 s29, v8;
	s29 =	simm.s32 $0x3  }
.LBB2_47:
0x2e8: {  	p0 =	sne.s32 s29, $0xF;
	v10 =	vadd.s32 v6, v10  }
0x2e9: {  	s26 =	sadd.s32 $0x80, s26;
	s28 =	sadd.s32 $0x200, s28  }
.Ltmp22:
0x2ea: {  	s30 =	sand.u32 $0x1000, s28;
	s31 =	sand.u32 $0x380, s26;
	(pc) =	sbr.rel @p0 .LBB2_47-.Ltmp22, $4  }
0x2eb: {  	s30 =	sor.u32 s31, s30  }
0x2ec: {  	[tilespmem:s30+$0x8C60] =	vst v9  }
0x2ed: {  	v9 =	vld.idx.msk [tilespmem:v10+s9+$0x0], $0xffff  }
0x2ee: {  	v10 =	vadd.s32 s29, v8;
	s29 =	sadd.s32 $0x1, s29  }
0x2ef: {  	v8 =	vadd.s32 v6, v10  }
0x2f0: {  	s26 =	sadd.s32 $0x80, s26;
	s28 =	sadd.s32 $0x200, s28  }
0x2f1: {  	s29 =	sand.u32 $0x1000, s28;
	s30 =	sand.u32 $0x380, s26  }
0x2f2: {  	s29 =	sor.u32 s30, s29  }
0x2f3: {  	[tilespmem:s29+$0x8C60] =	vst v9  }
0x2f4: {  	v8 =	vld.idx.msk [tilespmem:v8+s9+$0x0], $0xffff;
	_ =	sdelay $0x1  }
0x2f5: {  	s26 =	sadd.s32 $0x80, s26;
	s28 =	sadd.s32 $0x200, s28  }
0x2f6: {  	s28 =	sand.u32 $0x1000, s28;
	s26 =	sand.u32 $0x380, s26  }
0x2f7: {  	s26 =	sor.u32 s26, s28  }
0x2f8: {  	[tilespmem:s26+$0x8C60] =	vst v8  }
0x2f9: {  	v8 =	vld [tilespmem:$0x370];
	_ =	sdelay $0x3  }
0x2fa: {  	s26 =	simm.s32 $0x0  }
0x2fb: {  	v9 =	vadd.s32 s26, v8  }
0x2fc: {  	v9 =	vadd.s32 v7, v9;
	_ =	sdelay $0x3  }
0x2fd: {  	s28 =	simm.s32 $0x1  }
0x2fe: {  	v10 =	vadd.s32 s28, v8;
	v9 =	vld.idx.msk [tilespmem:v9+s9+$0x0], $0xffff  }
0x2ff: {  	v10 =	vadd.s32 v7, v10;
	_ =	sdelay $0x1  }
0x300: {  	s29 =	sand.u32 $0x380, s26;
	s28 =	sand.u32 $0x1000, s26  }
0x301: {  	s28 =	sor.u32 s29, s28  }
0x302: {  	s29 =	simm.s32 $0x2;
	[tilespmem:s28+$0x8C70] =	vst v9  }
0x303: {  	s28 =	simm.s32 $0x0;
	v9 =	vld.idx.msk [tilespmem:v10+s9+$0x0], $0xffff;
	v10 =	vadd.s32 s29, v8;
	s29 =	simm.s32 $0x3  }
.LBB2_49:
0x304: {  	p0 =	sne.s32 s29, $0xF;
	v10 =	vadd.s32 v7, v10  }
0x305: {  	s26 =	sadd.s32 $0x80, s26;
	s28 =	sadd.s32 $0x200, s28  }
.Ltmp23:
0x306: {  	s30 =	sand.u32 $0x1000, s28;
	s31 =	sand.u32 $0x380, s26;
	(pc) =	sbr.rel @p0 .LBB2_49-.Ltmp23, $4  }
0x307: {  	s30 =	sor.u32 s31, s30  }
0x308: {  	[tilespmem:s30+$0x8C70] =	vst v9  }
0x309: {  	v9 =	vld.idx.msk [tilespmem:v10+s9+$0x0], $0xffff  }
0x30a: {  	v10 =	vadd.s32 s29, v8;
	s29 =	sadd.s32 $0x1, s29  }
0x30b: {  	v8 =	vadd.s32 v7, v10  }
0x30c: {  	s26 =	sadd.s32 $0x80, s26;
	s28 =	sadd.s32 $0x200, s28  }
0x30d: {  	s29 =	sand.u32 $0x1000, s28;
	s30 =	sand.u32 $0x380, s26  }
0x30e: {  	s29 =	sor.u32 s30, s29  }
0x30f: {  	[tilespmem:s29+$0x8C70] =	vst v9  }
0x310: {  	v8 =	vld.idx.msk [tilespmem:v8+s9+$0x0], $0xffff;
	_ =	sdelay $0x1  }
0x311: {  	s26 =	sadd.s32 $0x80, s26;
	s28 =	sadd.s32 $0x200, s28  }
0x312: {  	s28 =	sand.u32 $0x1000, s28;
	s26 =	sand.u32 $0x380, s26  }
0x313: {  	s26 =	sor.u32 s26, s28  }
0x314: {  	[tilespmem:s26+$0x8C70] =	vst v8  }
0x315: {  	_ =	swait.ge [sflag:s15], $0x4000  }
0x316: {  	[sflag:s15] =	ssyncset.done $0x0  }
0x317: {  	[sflag:s15] =	ssyncadd.s32 $0xFFFFC000  }
0x318: {  	v8 =	vld [tilespmem:$0x380];
	_ =	sdelay $0x3  }
0x319: {  	s26 =	simm.s32 $0x0  }
0x31a: {  	v9 =	vadd.s32 s26, v8  }
0x31b: {  	v9 =	vadd.s32 v0, v9;
	_ =	sdelay $0x3  }
0x31c: {  	s28 =	simm.s32 $0x1  }
0x31d: {  	v10 =	vadd.s32 s28, v8;
	v9 =	vld.idx.msk [tilespmem:v9+s13+$0x0], $0xffff  }
0x31e: {  	v10 =	vadd.s32 v0, v10;
	_ =	sdelay $0x1  }
0x31f: {  	s29 =	sand.u32 $0x380, s26;
	s28 =	sand.u32 $0x1000, s26  }
0x320: {  	s28 =	sor.u32 s29, s28  }
0x321: {  	s29 =	simm.s32 $0x2;
	[tilespmem:s28+$0x9000] =	vst v9  }
0x322: {  	s28 =	simm.s32 $0x0;
	v9 =	vld.idx.msk [tilespmem:v10+s13+$0x0], $0xffff;
	v10 =	vadd.s32 s29, v8;
	s29 =	simm.s32 $0x3  }
.LBB2_51:
0x323: {  	p0 =	sne.s32 s29, $0xF;
	v10 =	vadd.s32 v0, v10  }
0x324: {  	s26 =	sadd.s32 $0x80, s26;
	s28 =	sadd.s32 $0x200, s28  }
.Ltmp24:
0x325: {  	s30 =	sand.u32 $0x1000, s28;
	s31 =	sand.u32 $0x380, s26;
	(pc) =	sbr.rel @p0 .LBB2_51-.Ltmp24, $4  }
0x326: {  	s30 =	sor.u32 s31, s30  }
0x327: {  	[tilespmem:s30+$0x9000] =	vst v9  }
0x328: {  	v9 =	vld.idx.msk [tilespmem:v10+s13+$0x0], $0xffff  }
0x329: {  	v10 =	vadd.s32 s29, v8;
	s29 =	sadd.s32 $0x1, s29  }
0x32a: {  	v8 =	vadd.s32 v0, v10  }
0x32b: {  	s26 =	sadd.s32 $0x80, s26;
	s28 =	sadd.s32 $0x200, s28  }
0x32c: {  	s29 =	sand.u32 $0x1000, s28;
	s30 =	sand.u32 $0x380, s26  }
0x32d: {  	s29 =	sor.u32 s30, s29  }
0x32e: {  	[tilespmem:s29+$0x9000] =	vst v9  }
0x32f: {  	v8 =	vld.idx.msk [tilespmem:v8+s13+$0x0], $0xffff;
	_ =	sdelay $0x1  }
0x330: {  	s26 =	sadd.s32 $0x80, s26;
	s28 =	sadd.s32 $0x200, s28  }
0x331: {  	s28 =	sand.u32 $0x1000, s28;
	s26 =	sand.u32 $0x380, s26  }
0x332: {  	s26 =	sor.u32 s26, s28  }
0x333: {  	[tilespmem:s26+$0x9000] =	vst v8  }
0x334: {  	v8 =	vld [tilespmem:$0x390];
	_ =	sdelay $0x3  }
0x335: {  	s26 =	simm.s32 $0x0  }
0x336: {  	v9 =	vadd.s32 s26, v8  }
0x337: {  	v9 =	vadd.s32 v1, v9;
	_ =	sdelay $0x3  }
0x338: {  	s28 =	simm.s32 $0x1  }
0x339: {  	v10 =	vadd.s32 s28, v8;
	v9 =	vld.idx.msk [tilespmem:v9+s13+$0x0], $0xffff  }
0x33a: {  	v10 =	vadd.s32 v1, v10;
	_ =	sdelay $0x1  }
0x33b: {  	s29 =	sand.u32 $0x380, s26;
	s28 =	sand.u32 $0x1000, s26  }
0x33c: {  	s28 =	sor.u32 s29, s28  }
0x33d: {  	s29 =	simm.s32 $0x2;
	[tilespmem:s28+$0x9010] =	vst v9  }
0x33e: {  	s28 =	simm.s32 $0x0;
	v9 =	vld.idx.msk [tilespmem:v10+s13+$0x0], $0xffff;
	v10 =	vadd.s32 s29, v8;
	s29 =	simm.s32 $0x3  }
.LBB2_53:
0x33f: {  	p0 =	sne.s32 s29, $0xF;
	v10 =	vadd.s32 v1, v10  }
0x340: {  	s26 =	sadd.s32 $0x80, s26;
	s28 =	sadd.s32 $0x200, s28  }
.Ltmp25:
0x341: {  	s30 =	sand.u32 $0x1000, s28;
	s31 =	sand.u32 $0x380, s26;
	(pc) =	sbr.rel @p0 .LBB2_53-.Ltmp25, $4  }
0x342: {  	s30 =	sor.u32 s31, s30  }
0x343: {  	[tilespmem:s30+$0x9010] =	vst v9  }
0x344: {  	v9 =	vld.idx.msk [tilespmem:v10+s13+$0x0], $0xffff  }
0x345: {  	v10 =	vadd.s32 s29, v8;
	s29 =	sadd.s32 $0x1, s29  }
0x346: {  	v8 =	vadd.s32 v1, v10  }
0x347: {  	s26 =	sadd.s32 $0x80, s26;
	s28 =	sadd.s32 $0x200, s28  }
0x348: {  	s29 =	sand.u32 $0x1000, s28;
	s30 =	sand.u32 $0x380, s26  }
0x349: {  	s29 =	sor.u32 s30, s29  }
0x34a: {  	[tilespmem:s29+$0x9010] =	vst v9  }
0x34b: {  	v8 =	vld.idx.msk [tilespmem:v8+s13+$0x0], $0xffff;
	_ =	sdelay $0x1  }
0x34c: {  	s26 =	sadd.s32 $0x80, s26;
	s28 =	sadd.s32 $0x200, s28  }
0x34d: {  	s28 =	sand.u32 $0x1000, s28;
	s26 =	sand.u32 $0x380, s26  }
0x34e: {  	s26 =	sor.u32 s26, s28  }
0x34f: {  	[tilespmem:s26+$0x9010] =	vst v8  }
0x350: {  	v8 =	vld [tilespmem:$0x3A0];
	_ =	sdelay $0x3  }
0x351: {  	s26 =	simm.s32 $0x0  }
0x352: {  	v9 =	vadd.s32 s26, v8  }
0x353: {  	v9 =	vadd.s32 v2, v9;
	_ =	sdelay $0x3  }
0x354: {  	s28 =	simm.s32 $0x1  }
0x355: {  	v10 =	vadd.s32 s28, v8;
	v9 =	vld.idx.msk [tilespmem:v9+s13+$0x0], $0xffff  }
0x356: {  	v10 =	vadd.s32 v2, v10;
	_ =	sdelay $0x1  }
0x357: {  	s29 =	sand.u32 $0x380, s26;
	s28 =	sand.u32 $0x1000, s26  }
0x358: {  	s28 =	sor.u32 s29, s28  }
0x359: {  	s29 =	simm.s32 $0x2;
	[tilespmem:s28+$0x9020] =	vst v9  }
0x35a: {  	s28 =	simm.s32 $0x0;
	v9 =	vld.idx.msk [tilespmem:v10+s13+$0x0], $0xffff;
	v10 =	vadd.s32 s29, v8;
	s29 =	simm.s32 $0x3  }
.LBB2_55:
0x35b: {  	p0 =	sne.s32 s29, $0xF;
	v10 =	vadd.s32 v2, v10  }
0x35c: {  	s26 =	sadd.s32 $0x80, s26;
	s28 =	sadd.s32 $0x200, s28  }
.Ltmp26:
0x35d: {  	s30 =	sand.u32 $0x1000, s28;
	s31 =	sand.u32 $0x380, s26;
	(pc) =	sbr.rel @p0 .LBB2_55-.Ltmp26, $4  }
0x35e: {  	s30 =	sor.u32 s31, s30  }
0x35f: {  	[tilespmem:s30+$0x9020] =	vst v9  }
0x360: {  	v9 =	vld.idx.msk [tilespmem:v10+s13+$0x0], $0xffff  }
0x361: {  	v10 =	vadd.s32 s29, v8;
	s29 =	sadd.s32 $0x1, s29  }
0x362: {  	v8 =	vadd.s32 v2, v10  }
0x363: {  	s26 =	sadd.s32 $0x80, s26;
	s28 =	sadd.s32 $0x200, s28  }
0x364: {  	s29 =	sand.u32 $0x1000, s28;
	s30 =	sand.u32 $0x380, s26  }
0x365: {  	s29 =	sor.u32 s30, s29  }
0x366: {  	[tilespmem:s29+$0x9020] =	vst v9  }
0x367: {  	v8 =	vld.idx.msk [tilespmem:v8+s13+$0x0], $0xffff;
	_ =	sdelay $0x1  }
0x368: {  	s26 =	sadd.s32 $0x80, s26;
	s28 =	sadd.s32 $0x200, s28  }
0x369: {  	s28 =	sand.u32 $0x1000, s28;
	s26 =	sand.u32 $0x380, s26  }
0x36a: {  	s26 =	sor.u32 s26, s28  }
0x36b: {  	[tilespmem:s26+$0x9020] =	vst v8  }
0x36c: {  	v8 =	vld [tilespmem:$0x3B0];
	_ =	sdelay $0x3  }
0x36d: {  	s26 =	simm.s32 $0x0  }
0x36e: {  	v9 =	vadd.s32 s26, v8  }
0x36f: {  	v9 =	vadd.s32 v3, v9;
	_ =	sdelay $0x3  }
0x370: {  	s28 =	simm.s32 $0x1  }
0x371: {  	v10 =	vadd.s32 s28, v8;
	v9 =	vld.idx.msk [tilespmem:v9+s13+$0x0], $0xffff  }
0x372: {  	v10 =	vadd.s32 v3, v10;
	_ =	sdelay $0x1  }
0x373: {  	s29 =	sand.u32 $0x380, s26;
	s28 =	sand.u32 $0x1000, s26  }
0x374: {  	s28 =	sor.u32 s29, s28  }
0x375: {  	s29 =	simm.s32 $0x2;
	[tilespmem:s28+$0x9030] =	vst v9  }
0x376: {  	s28 =	simm.s32 $0x0;
	v9 =	vld.idx.msk [tilespmem:v10+s13+$0x0], $0xffff;
	v10 =	vadd.s32 s29, v8;
	s29 =	simm.s32 $0x3  }
.LBB2_57:
0x377: {  	p0 =	sne.s32 s29, $0xF;
	v10 =	vadd.s32 v3, v10  }
0x378: {  	s26 =	sadd.s32 $0x80, s26;
	s28 =	sadd.s32 $0x200, s28  }
.Ltmp27:
0x379: {  	s30 =	sand.u32 $0x1000, s28;
	s31 =	sand.u32 $0x380, s26;
	(pc) =	sbr.rel @p0 .LBB2_57-.Ltmp27, $4  }
0x37a: {  	s30 =	sor.u32 s31, s30  }
0x37b: {  	[tilespmem:s30+$0x9030] =	vst v9  }
0x37c: {  	v9 =	vld.idx.msk [tilespmem:v10+s13+$0x0], $0xffff  }
0x37d: {  	v10 =	vadd.s32 s29, v8;
	s29 =	sadd.s32 $0x1, s29  }
0x37e: {  	v8 =	vadd.s32 v3, v10  }
0x37f: {  	s26 =	sadd.s32 $0x80, s26;
	s28 =	sadd.s32 $0x200, s28  }
0x380: {  	s29 =	sand.u32 $0x1000, s28;
	s30 =	sand.u32 $0x380, s26  }
0x381: {  	s29 =	sor.u32 s30, s29  }
0x382: {  	[tilespmem:s29+$0x9030] =	vst v9  }
0x383: {  	v8 =	vld.idx.msk [tilespmem:v8+s13+$0x0], $0xffff;
	_ =	sdelay $0x1  }
0x384: {  	s26 =	sadd.s32 $0x80, s26;
	s28 =	sadd.s32 $0x200, s28  }
0x385: {  	s28 =	sand.u32 $0x1000, s28;
	s26 =	sand.u32 $0x380, s26  }
0x386: {  	s26 =	sor.u32 s26, s28  }
0x387: {  	[tilespmem:s26+$0x9030] =	vst v8  }
0x388: {  	v8 =	vld [tilespmem:$0x3C0];
	_ =	sdelay $0x3  }
0x389: {  	s26 =	simm.s32 $0x0  }
0x38a: {  	v9 =	vadd.s32 s26, v8  }
0x38b: {  	v9 =	vadd.s32 v4, v9;
	_ =	sdelay $0x3  }
0x38c: {  	s28 =	simm.s32 $0x1  }
0x38d: {  	v10 =	vadd.s32 s28, v8;
	v9 =	vld.idx.msk [tilespmem:v9+s13+$0x0], $0xffff  }
0x38e: {  	v10 =	vadd.s32 v4, v10;
	_ =	sdelay $0x1  }
0x38f: {  	s29 =	sand.u32 $0x380, s26;
	s28 =	sand.u32 $0x1000, s26  }
0x390: {  	s28 =	sor.u32 s29, s28  }
0x391: {  	s29 =	simm.s32 $0x2;
	[tilespmem:s28+$0x9040] =	vst v9  }
0x392: {  	s28 =	simm.s32 $0x0;
	v9 =	vld.idx.msk [tilespmem:v10+s13+$0x0], $0xffff;
	v10 =	vadd.s32 s29, v8;
	s29 =	simm.s32 $0x3  }
.LBB2_59:
0x393: {  	p0 =	sne.s32 s29, $0xF;
	v10 =	vadd.s32 v4, v10  }
0x394: {  	s26 =	sadd.s32 $0x80, s26;
	s28 =	sadd.s32 $0x200, s28  }
.Ltmp28:
0x395: {  	s30 =	sand.u32 $0x1000, s28;
	s31 =	sand.u32 $0x380, s26;
	(pc) =	sbr.rel @p0 .LBB2_59-.Ltmp28, $4  }
0x396: {  	s30 =	sor.u32 s31, s30  }
0x397: {  	[tilespmem:s30+$0x9040] =	vst v9  }
0x398: {  	v9 =	vld.idx.msk [tilespmem:v10+s13+$0x0], $0xffff  }
0x399: {  	v10 =	vadd.s32 s29, v8;
	s29 =	sadd.s32 $0x1, s29  }
0x39a: {  	v8 =	vadd.s32 v4, v10  }
0x39b: {  	s26 =	sadd.s32 $0x80, s26;
	s28 =	sadd.s32 $0x200, s28  }
0x39c: {  	s29 =	sand.u32 $0x1000, s28;
	s30 =	sand.u32 $0x380, s26  }
0x39d: {  	s29 =	sor.u32 s30, s29  }
0x39e: {  	[tilespmem:s29+$0x9040] =	vst v9  }
0x39f: {  	v8 =	vld.idx.msk [tilespmem:v8+s13+$0x0], $0xffff;
	_ =	sdelay $0x1  }
0x3a0: {  	s26 =	sadd.s32 $0x80, s26;
	s28 =	sadd.s32 $0x200, s28  }
0x3a1: {  	s28 =	sand.u32 $0x1000, s28;
	s26 =	sand.u32 $0x380, s26  }
0x3a2: {  	s26 =	sor.u32 s26, s28  }
0x3a3: {  	[tilespmem:s26+$0x9040] =	vst v8  }
0x3a4: {  	v8 =	vld [tilespmem:$0x3D0];
	_ =	sdelay $0x3  }
0x3a5: {  	s26 =	simm.s32 $0x0  }
0x3a6: {  	v9 =	vadd.s32 s26, v8  }
0x3a7: {  	v9 =	vadd.s32 v5, v9;
	_ =	sdelay $0x3  }
0x3a8: {  	s28 =	simm.s32 $0x1  }
0x3a9: {  	v10 =	vadd.s32 s28, v8;
	v9 =	vld.idx.msk [tilespmem:v9+s13+$0x0], $0xffff  }
0x3aa: {  	v10 =	vadd.s32 v5, v10;
	_ =	sdelay $0x1  }
0x3ab: {  	s29 =	sand.u32 $0x380, s26;
	s28 =	sand.u32 $0x1000, s26  }
0x3ac: {  	s28 =	sor.u32 s29, s28  }
0x3ad: {  	s29 =	simm.s32 $0x2;
	[tilespmem:s28+$0x9050] =	vst v9  }
0x3ae: {  	s28 =	simm.s32 $0x0;
	v9 =	vld.idx.msk [tilespmem:v10+s13+$0x0], $0xffff;
	v10 =	vadd.s32 s29, v8;
	s29 =	simm.s32 $0x3  }
.LBB2_61:
0x3af: {  	p0 =	sne.s32 s29, $0xF;
	v10 =	vadd.s32 v5, v10  }
0x3b0: {  	s26 =	sadd.s32 $0x80, s26;
	s28 =	sadd.s32 $0x200, s28  }
.Ltmp29:
0x3b1: {  	s30 =	sand.u32 $0x1000, s28;
	s31 =	sand.u32 $0x380, s26;
	(pc) =	sbr.rel @p0 .LBB2_61-.Ltmp29, $4  }
0x3b2: {  	s30 =	sor.u32 s31, s30  }
0x3b3: {  	[tilespmem:s30+$0x9050] =	vst v9  }
0x3b4: {  	v9 =	vld.idx.msk [tilespmem:v10+s13+$0x0], $0xffff  }
0x3b5: {  	v10 =	vadd.s32 s29, v8;
	s29 =	sadd.s32 $0x1, s29  }
0x3b6: {  	v8 =	vadd.s32 v5, v10  }
0x3b7: {  	s26 =	sadd.s32 $0x80, s26;
	s28 =	sadd.s32 $0x200, s28  }
0x3b8: {  	s29 =	sand.u32 $0x1000, s28;
	s30 =	sand.u32 $0x380, s26  }
0x3b9: {  	s29 =	sor.u32 s30, s29  }
0x3ba: {  	[tilespmem:s29+$0x9050] =	vst v9  }
0x3bb: {  	v8 =	vld.idx.msk [tilespmem:v8+s13+$0x0], $0xffff;
	_ =	sdelay $0x1  }
0x3bc: {  	s26 =	sadd.s32 $0x80, s26;
	s28 =	sadd.s32 $0x200, s28  }
0x3bd: {  	s28 =	sand.u32 $0x1000, s28;
	s26 =	sand.u32 $0x380, s26  }
0x3be: {  	s26 =	sor.u32 s26, s28  }
0x3bf: {  	[tilespmem:s26+$0x9050] =	vst v8  }
0x3c0: {  	v8 =	vld [tilespmem:$0x3E0];
	_ =	sdelay $0x3  }
0x3c1: {  	s26 =	simm.s32 $0x0  }
0x3c2: {  	v9 =	vadd.s32 s26, v8  }
0x3c3: {  	v9 =	vadd.s32 v6, v9;
	_ =	sdelay $0x3  }
0x3c4: {  	s28 =	simm.s32 $0x1  }
0x3c5: {  	v10 =	vadd.s32 s28, v8;
	v9 =	vld.idx.msk [tilespmem:v9+s13+$0x0], $0xffff  }
0x3c6: {  	v10 =	vadd.s32 v6, v10;
	_ =	sdelay $0x1  }
0x3c7: {  	s29 =	sand.u32 $0x380, s26;
	s28 =	sand.u32 $0x1000, s26  }
0x3c8: {  	s28 =	sor.u32 s29, s28  }
0x3c9: {  	s29 =	simm.s32 $0x2;
	[tilespmem:s28+$0x9060] =	vst v9  }
0x3ca: {  	s28 =	simm.s32 $0x0;
	v9 =	vld.idx.msk [tilespmem:v10+s13+$0x0], $0xffff;
	v10 =	vadd.s32 s29, v8;
	s29 =	simm.s32 $0x3  }
.LBB2_63:
0x3cb: {  	p0 =	sne.s32 s29, $0xF;
	v10 =	vadd.s32 v6, v10  }
0x3cc: {  	s26 =	sadd.s32 $0x80, s26;
	s28 =	sadd.s32 $0x200, s28  }
.Ltmp30:
0x3cd: {  	s30 =	sand.u32 $0x1000, s28;
	s31 =	sand.u32 $0x380, s26;
	(pc) =	sbr.rel @p0 .LBB2_63-.Ltmp30, $4  }
0x3ce: {  	s30 =	sor.u32 s31, s30  }
0x3cf: {  	[tilespmem:s30+$0x9060] =	vst v9  }
0x3d0: {  	v9 =	vld.idx.msk [tilespmem:v10+s13+$0x0], $0xffff  }
0x3d1: {  	v10 =	vadd.s32 s29, v8;
	s29 =	sadd.s32 $0x1, s29  }
0x3d2: {  	v8 =	vadd.s32 v6, v10  }
0x3d3: {  	s26 =	sadd.s32 $0x80, s26;
	s28 =	sadd.s32 $0x200, s28  }
0x3d4: {  	s29 =	sand.u32 $0x1000, s28;
	s30 =	sand.u32 $0x380, s26  }
0x3d5: {  	s29 =	sor.u32 s30, s29  }
0x3d6: {  	[tilespmem:s29+$0x9060] =	vst v9  }
0x3d7: {  	v8 =	vld.idx.msk [tilespmem:v8+s13+$0x0], $0xffff;
	_ =	sdelay $0x1  }
0x3d8: {  	s26 =	sadd.s32 $0x80, s26;
	s28 =	sadd.s32 $0x200, s28  }
0x3d9: {  	s28 =	sand.u32 $0x1000, s28;
	s26 =	sand.u32 $0x380, s26  }
0x3da: {  	s26 =	sor.u32 s26, s28  }
0x3db: {  	[tilespmem:s26+$0x9060] =	vst v8  }
0x3dc: {  	v8 =	vld [tilespmem:$0x3F0];
	_ =	sdelay $0x3  }
0x3dd: {  	s26 =	simm.s32 $0x0  }
0x3de: {  	v9 =	vadd.s32 s26, v8  }
0x3df: {  	v9 =	vadd.s32 v7, v9;
	_ =	sdelay $0x3  }
0x3e0: {  	s28 =	simm.s32 $0x1  }
0x3e1: {  	v10 =	vadd.s32 s28, v8;
	v9 =	vld.idx.msk [tilespmem:v9+s13+$0x0], $0xffff  }
0x3e2: {  	v10 =	vadd.s32 v7, v10;
	_ =	sdelay $0x1  }
0x3e3: {  	s29 =	sand.u32 $0x380, s26;
	s28 =	sand.u32 $0x1000, s26  }
0x3e4: {  	s28 =	sor.u32 s29, s28  }
0x3e5: {  	s29 =	simm.s32 $0x2;
	[tilespmem:s28+$0x9070] =	vst v9  }
0x3e6: {  	s28 =	simm.s32 $0x0;
	v9 =	vld.idx.msk [tilespmem:v10+s13+$0x0], $0xffff;
	v10 =	vadd.s32 s29, v8;
	s29 =	simm.s32 $0x3  }
.LBB2_65:
0x3e7: {  	p0 =	sne.s32 s29, $0xF;
	v10 =	vadd.s32 v7, v10  }
0x3e8: {  	s26 =	sadd.s32 $0x80, s26;
	s28 =	sadd.s32 $0x200, s28  }
.Ltmp31:
0x3e9: {  	s30 =	sand.u32 $0x1000, s28;
	s31 =	sand.u32 $0x380, s26;
	(pc) =	sbr.rel @p0 .LBB2_65-.Ltmp31, $4  }
0x3ea: {  	s30 =	sor.u32 s31, s30  }
0x3eb: {  	[tilespmem:s30+$0x9070] =	vst v9  }
0x3ec: {  	v9 =	vld.idx.msk [tilespmem:v10+s13+$0x0], $0xffff  }
0x3ed: {  	v10 =	vadd.s32 s29, v8;
	s29 =	sadd.s32 $0x1, s29  }
0x3ee: {  	v8 =	vadd.s32 v7, v10  }
0x3ef: {  	s26 =	sadd.s32 $0x80, s26;
	s28 =	sadd.s32 $0x200, s28  }
0x3f0: {  	s29 =	sand.u32 $0x1000, s28;
	s30 =	sand.u32 $0x380, s26  }
0x3f1: {  	s29 =	sor.u32 s30, s29  }
0x3f2: {  	[tilespmem:s29+$0x9070] =	vst v9  }
0x3f3: {  	v8 =	vld.idx.msk [tilespmem:v8+s13+$0x0], $0xffff;
	_ =	sdelay $0x1  }
0x3f4: {  	s26 =	sadd.s32 $0x80, s26;
	s28 =	sadd.s32 $0x200, s28  }
0x3f5: {  	s31 =	sshll.u32 s25, $0xF;
	s28 =	sand.u32 $0x1000, s28;
	s26 =	sand.u32 $0x380, s26  }
0x3f6: {  	s26 =	sor.u32 s26, s28;
	s29 =	sadd.s32 s1, s31  }
0x3f7: {  	[tilespmem:s26+$0x9070] =	vst v8;
	s26 =	sadd.s32 s6, s29  }
0x3f8: {  	[hbm4b:s26+s11] =	stream.strided.scatter [tilespmem:s17], [sflag:$0x3], $0x400, s16, s11, $0x38;
	[tilespmem:$0xA400] =	vst v63  }
0x3f9: {  	s28 =	sadd.s32 $0x40, s26  }
0x3fa: {  	[hbm4b:s28+s11] =	stream.strided.scatter [tilespmem:s18], [sflag:$0x3], $0x400, s16, s11, $0x38;
	[tilespmem:$0xA400] =	vst v63  }
0x3fb: {  	s30 =	sadd.s32 $0x80, s26  }
0x3fc: {  	[hbm4b:s30+s11] =	stream.strided.scatter [tilespmem:s19], [sflag:$0x3], $0x400, s16, s11, $0x38;
	[tilespmem:$0xA400] =	vst v63  }
0x3fd: {  	s31 =	sadd.s32 $0xC0, s26  }
0x3fe: {  	[hbm4b:s31+s11] =	stream.strided.scatter [tilespmem:s20], [sflag:$0x3], $0x400, s16, s11, $0x38;
	[tilespmem:$0xA400] =	vst v63  }
0x3ff: {  	s29 =	sadd.s32 $0x4000, s26  }
0x400: {  	[hbm4b:s29+s11] =	stream.strided.scatter [tilespmem:s21], [sflag:$0x3], $0x400, s16, s11, $0x38;
	[tilespmem:$0xA400] =	vst v63  }
0x401: {  	s25 =	sadd.s32 $0x1, s25;
	s30 =	sadd.s32 $0x4040, s26  }
0x402: {  	[hbm4b:s30+s11] =	stream.strided.scatter [tilespmem:s22], [sflag:$0x3], $0x400, s16, s11, $0x38;
	[tilespmem:$0xA400] =	vst v63  }
0x403: {  	p0 =	sne.s32 s25, $0x14;
	s31 =	sadd.s32 $0x4080, s26  }
0x404: {  	[hbm4b:s31+s11] =	stream.strided.scatter [tilespmem:s23], [sflag:$0x3], $0x400, s16, s11, $0x38;
	[tilespmem:$0xA400] =	vst v63  }
.Ltmp32:
0x405: {  	s26 =	sadd.s32 $0x40C0, s26;
	(pc) =	sbr.rel @p0 .LBB2_2-.Ltmp32, $4  }
0x406: {  	[hbm4b:s26+s11] =	stream.strided.scatter [tilespmem:s24], [sflag:$0x3], $0x400, s16, s11, $0x38;
	[tilespmem:$0xA400] =	vst v63  }
0x407: {  	_ =	swait.ge [sflag:s10], $0x2000  }
0x408: {  	[sflag:s10] =	ssyncset.done $0x0  }
0x409: {  	[sflag:s10] =	ssyncadd.s32 $0xFFFFE000  }
0x40a: {  	s3 =	sadd.s32 $0x1, s3  }
0x40b: {  	p0 =	sne.s32 s3, s7  }
.Ltmp33:
0x40c: {  	_ = 	snop;
	(pc) =	sbr.rel @p0 .LBB2_1-.Ltmp33, $1  }
0x40d: {  	_ =	sdelay $0x3  }
0x40e: {  	_ =	sfence.sel $0x180000  }
0x40f: {  	[bflag:$0x0] =	sbarrier.arrive $0xFFFF  }
0x410: {  	p0 =	sne.s32 s2, $0x0;
	_ =	strace $0x9000004A  }
0x411: {  	s0 =	sadd.s32 @!p0 $0x100000, s0;
	[bflag:$0x2] =	sbarrier.arrive $0xFFFF  }
0x412: {  	[sflag:s0] =	ssyncadd.tile.s32 @!p0 $0x1;
	_ =	shalt  }
.Lfunc_end2:
_tile_overlayer_lowered:
.L_overlay_start_2:
0x413: {  	(tag) =	ssettag $0x2  }
0x414: {  	s0 =	rddreg [dreg:$0x0];
	s2 =	stileid.u32  }
0x415: {  	s1 =	rddreg [dreg:$0x1];
	p0 =	sne.s32 s2, $0x0  }
0x416: {  	s3 =	rddreg [dreg:$0x2];
	[bflag:$0x3] =	sbarrier.arrive $0xFFFF;
	s2 =	simm.s32 @!p0 $0x1C03  }
0x417: {  	[timem:s3], [sflag:s2] =	dma.local @!p0 [hbm:s0], s1  }
0x418: {  	s0 =	simm.s32 @!p0 $0x3  }
0x419: {  	_ =	swait.ge @!p0 [sflag:s0], s1  }
0x41a: {  	s1 =	ssub.s32 @!p0 $0x0, s1;
	[sflag:s0] =	ssyncset.done @!p0 $0x0  }
0x41b: {  	[sflag:s0] =	ssyncadd.s32 @!p0 s1  }
0x41c: {  	[bflag:$0x3] =	sbarrier.arrive $0xFFFF  }
0x41d: {  	_ =	shalt  }

</sc_bundles>
